<compile_context>
chip_gen: v7x
topology: tpu7x:2x2x1
jax: 0.10.2.dev20260603
libtpu: 0.0.44.dev20260713+nightly
codegen_flags: <defaults>
</compile_context>

<pallas_src>
import functools

import jax
import jax.numpy as jnp
from jax import lax
from jax.experimental import pallas as pl
from jax.experimental.pallas import tpu as pltpu
from jax.experimental.pallas import tpu_sc as plsc

N_ROWS = 32768
N_COLS = 128
K = 64
NC = 2
NS = 16
CPS = N_COLS // NC
RPW = N_ROWS // NS
WROWS = 256
NWIN = RPW // WROWS
G = CPS // 16
NBINS = 256
CAP = 128

_MESH = plsc.VectorSubcoreMesh(core_axis_name="c", subcore_axis_name="s")


def _bitcast(x, dtype):
    return lax.bitcast_convert_type(x, dtype)


def _sortable(x):
    u = _bitcast(x, jnp.int32)
    k = u ^ ((u >> 31) | jnp.int32(-(2**31)))
    return _bitcast(k, jnp.uint32)


def _sort16d(v):
    return plsc.sort_key_val(v, v, descending=True)[0]


def _rev(v):
    return lax.rev(v, (0,))


def _merge2(a, b):
    rb = _rev(b)
    return _sort16d(jnp.maximum(a, rb)), _sort16d(jnp.minimum(a, rb))


def _merge32_full(a, b):
    c0 = jnp.maximum(a[0], _rev(b[1]))
    c1 = jnp.maximum(a[1], _rev(b[0]))
    c2 = jnp.minimum(a[0], _rev(b[1]))
    c3 = jnp.minimum(a[1], _rev(b[0]))
    d0, d1 = jnp.maximum(c0, c1), jnp.minimum(c0, c1)
    d2, d3 = jnp.maximum(c2, c3), jnp.minimum(c2, c3)
    return [_sort16d(d0), _sort16d(d1), _sort16d(d2), _sort16d(d3)]


def _merge64_top(a, b):
    c = [jnp.maximum(a[i], _rev(b[3 - i])) for i in range(4)]
    d0, d2 = jnp.maximum(c[0], c[2]), jnp.minimum(c[0], c[2])
    d1, d3 = jnp.maximum(c[1], c[3]), jnp.minimum(c[1], c[3])
    e0, e1 = jnp.maximum(d0, d1), jnp.minimum(d0, d1)
    e2, e3 = jnp.maximum(d2, d3), jnp.minimum(d2, d3)
    return [_sort16d(e0), _sort16d(e1), _sort16d(e2), _sort16d(e3)]


def _collect_body(inp, parts, win, histl, cand, pack):
    c_id = lax.axis_index("c")
    s_id = lax.axis_index("s")
    col0 = c_id * CPS
    coff = c_id * CPS
    row0 = s_id * RPW
    i16 = lax.iota(jnp.int32, 16)
    zeros_i = jnp.zeros((16,), jnp.int32)
    ones_i = jnp.ones((16,), jnp.int32)
    cvec = [i16 + 16 * g for g in range(G)]

    def _zrow(r, _):
        for g in range(G):
            histl[r, pl.ds(16 * g, 16)] = zeros_i
        return 0

    def _scan(carry, t):
        b = NBINS - 1 - t
        accs, bstars, aboves = carry
        naccs, nbstars, naboves = [], [], []
        for g in range(G):
            h = histl[b, pl.ds(16 * g, 16)]
            nacc = accs[g] + h
            crossed = (accs[g] < K) & (nacc >= K)
            nbstars.append(jnp.where(crossed, b, bstars[g]))
            naboves.append(jnp.where(crossed, accs[g], aboves[g]))
            naccs.append(nacc)
        return naccs, nbstars, naboves

    lax.fori_loop(0, NBINS, _zrow, 0)

    def _win1(w, _):
        pltpu.sync_copy(inp.at[pl.ds(row0 + w * WROWS, WROWS)], win)

        def _row(r, _):
            for g in range(G):
                key = _sortable(win[r, pl.ds(coff + 16 * g, 16)])
                b = _bitcast(key >> jnp.uint32(24), jnp.int32)
                plsc.addupdate_scatter(histl, [b, cvec[g]], ones_i)
            return 0

        lax.fori_loop(0, WROWS, _row, 0)
        return 0

    lax.fori_loop(0, NWIN, _win1, 0)

    init = ([zeros_i] * G, [zeros_i] * G, [zeros_i] * G)
    accs, bstars, aboves = lax.fori_loop(
        0, NBINS, lambda t, c: _scan(c, t), init)

    lax.fori_loop(0, NBINS, _zrow, 0)

    def _win2(w, _):
        pltpu.sync_copy(inp.at[pl.ds(row0 + w * WROWS, WROWS)], win)

        def _row(r, _):
            for g in range(G):
                key = _sortable(win[r, pl.ds(coff + 16 * g, 16)])
                b8 = _bitcast(key >> jnp.uint32(24), jnp.int32)
                b2 = _bitcast(
                    (key >> jnp.uint32(16)) & jnp.uint32(0xFF), jnp.int32)
                m = b8 == bstars[g]
                plsc.addupdate_scatter(histl, [b2, cvec[g]], ones_i, mask=m)
            return 0

        lax.fori_loop(0, WROWS, _row, 0)
        return 0

    lax.fori_loop(0, NWIN, _win2, 0)

    init2 = (aboves, [zeros_i] * G, [zeros_i] * G)
    _, b2stars, _ = lax.fori_loop(0, NBINS, lambda t, c: _scan(c, t), init2)
    ths = [
        _bitcast(((bstars[g] << 8) | b2stars[g]) << 16, jnp.uint32)
        for g in range(G)
    ]

    ninf = jnp.full((16,), -jnp.inf, jnp.float32)

    def _crow(r, _):
        for j in range(CAP // 16):
            cand[r, pl.ds(16 * j, 16)] = ninf
        return 0

    lax.fori_loop(0, CPS, _crow, 0)

    def _win3(w, cnts):
        pltpu.sync_copy(inp.at[pl.ds(row0 + w * WROWS, WROWS)], win)

        def _row(r, cnts):
            new = []
            for g in range(G):
                x = win[r, pl.ds(coff + 16 * g, 16)]
                key = _sortable(x)
                m = (key >= ths[g]) & (cnts[g] < CAP)
                plsc.store_scatter(cand, [cvec[g], cnts[g]], x, mask=m)
                new.append(cnts[g] + jnp.where(m, ones_i, zeros_i))
            return new

        return lax.fori_loop(0, WROWS, _row, cnts)

    lax.fori_loop(0, NWIN, _win3, [zeros_i] * G)

    def _sortcol(ci, _):
        v = [_sort16d(cand[ci, pl.ds(16 * j, 16)]) for j in range(8)]
        s1 = _merge32_full(_merge2(v[0], v[1]), _merge2(v[2], v[3]))
        s2 = _merge32_full(_merge2(v[4], v[5]), _merge2(v[6], v[7]))
        top = _merge64_top(s1, s2)
        for j in range(4):
            pack[ci, pl.ds(16 * j, 16)] = top[j]
        return 0

    lax.fori_loop(0, CPS, _sortcol, 0)
    pltpu.sync_copy(pack, parts.at[s_id, pl.ds(col0, CPS)])


def _merge_body(parts, out, outcm, mlists):
    c_id = lax.axis_index("c")
    s_id = lax.axis_index("s")
    col0 = c_id * CPS

    for w in range(NS):
        pltpu.sync_copy(parts.at[w, pl.ds(col0 + 4 * s_id, 4)], mlists.at[w])

    def _mergecol(ci, _):
        lists = [[mlists[w, ci, pl.ds(16 * j, 16)] for j in range(4)]
                 for w in range(NS)]
        while len(lists) > 1:
            lists = [_merge64_top(lists[2 * i], lists[2 * i + 1])
                     for i in range(len(lists) // 2)]
        for j in range(4):
            outcm[ci, pl.ds(16 * j, 16)] = lists[0][j]
        return 0

    lax.fori_loop(0, 4, _mergecol, 0)
    pltpu.sync_copy(outcm, out.at[pl.ds(col0 + 4 * s_id, 4)])


@functools.partial(jax.jit, static_argnames=())
def _topk_sc(inp):
    collect = pl.kernel(
        _collect_body,
        out_type=jax.ShapeDtypeStruct((NS, N_COLS, K), jnp.float32),
        mesh=_MESH,
        compiler_params=pltpu.CompilerParams(needs_layout_passes=False),
        scratch_types=[
            pltpu.VMEM((WROWS, N_COLS), jnp.float32),
            pltpu.VMEM((NBINS, CPS), jnp.int32),
            pltpu.VMEM((CPS, CAP), jnp.float32),
            pltpu.VMEM((CPS, K), jnp.float32),
        ],
    )
    merge = pl.kernel(
        _merge_body,
        out_type=jax.ShapeDtypeStruct((N_COLS, K), jnp.float32),
        mesh=_MESH,
        compiler_params=pltpu.CompilerParams(needs_layout_passes=False),
        scratch_types=[
            pltpu.VMEM((4, K), jnp.float32),
            pltpu.VMEM((NS, 4, K), jnp.float32),
        ],
    )
    return merge(collect(inp)).T


def kernel(inp):
    return _topk_sc(inp)

# --- scband reference (transcript-rebuilt; emitter-appended) ---
"""Pipeline reference for scband-top-kpool-87316685127784 (READ-ONLY COPY).

The authoritative reference and input builder live on the scoring server;
editing this copy changes nothing except your own understanding.
"""

import jax, jax.numpy as jnp
import numpy as np

K = 64

def setup_inputs(seed: int = 0) -> dict:
    key = jax.random.key(seed)
    inp = jax.random.normal(key, (32768, 128), dtype=jnp.float32)
    return {"inp": inp}

def reference(inp):
    # torch.topk(inp, k=K, dim=0) -> values only. lax.top_k works on last dim,
    # so transpose, take top-k, transpose back.
    vals, _ = jax.lax.top_k(inp.T, K)
    return vals.T

if __name__ == "__main__":
    import jax
    _d = setup_inputs()
    print(jax.jit(kernel)(*tuple(_d.values())))

</pallas_src>

<mosaic_0001>
#map = affine_map<(d0, d1) -> (0, 0, 0)>
#map1 = affine_map<(d0, d1) -> (0, 0)>
module attributes {stable_mosaic.version = 14 : i64} {
  func.func @_merge_body(%arg0: i32, %arg1: i32, %arg2: memref<16x128x64xf32, #tpu.memory_space<hbm>>, %arg3: memref<128x64xf32, #tpu.memory_space<hbm>>, %arg4: memref<4x64xf32, #tpu.memory_space<vmem>>, %arg5: memref<16x4x64xf32, #tpu.memory_space<vmem>>) attributes {dimension_semantics = [#tpu.dimension_semantics<core_parallel>, #tpu.dimension_semantics<subcore_parallel>], iteration_bounds = array<i64: 2, 16>, scalar_prefetch = 0 : i64, scratch_operands = 2 : i64, tpu.core_type = #tpu.core_type<sc_vector_subcore>, window_params = [{transform_indices = #map}, {transform_indices = #map1}]} {
    %mul3A = arith.constant 64 : i32
    %mul3A_0 = arith.muli %arg0, %mul3A : i32
    %mul3A_1 = arith.constant 4 : i32
    %mul3A_2 = arith.muli %mul3A_1, %arg1 : i32
    %add3A = arith.addi %mul3A_0, %mul3A_2 : i32
    %run_scoped3A = arith.constant 0 : i32
    %run_scoped3A_3 = arith.constant 0 : i32
    "tpu.region"() ({
      %run_scoped3A_88 = tpu.sem_alloc : memref<!tpu.dma_semaphore, #tpu.memory_space<semaphore_mem>>
      %dma_start3A = arith.constant 0 : i32
      %dma_start3A_89 = arith.constant 0 : i32
      %dma_start3A_90 = tpu.memref_slice %arg5[%run_scoped3A_3, %dma_start3A, %dma_start3A_89] : memref<16x4x64xf32, #tpu.memory_space<vmem>> -> memref<1x4x64xf32, #tpu.memory_space<vmem>>
      %dma_start3A_91 = tpu.memref_squeeze %dma_start3A_90 : memref<1x4x64xf32, #tpu.memory_space<vmem>> -> memref<4x64xf32, #tpu.memory_space<vmem>>
      %dma_start3A_92 = arith.constant 0 : i32
      %dma_start3A_93 = tpu.memref_slice %arg2[%run_scoped3A, %add3A, %dma_start3A_92] : memref<16x128x64xf32, #tpu.memory_space<hbm>> -> memref<1x4x64xf32, #tpu.memory_space<hbm>>
      %dma_start3A_94 = tpu.memref_squeeze %dma_start3A_93 : memref<1x4x64xf32, #tpu.memory_space<hbm>> -> memref<4x64xf32, #tpu.memory_space<hbm>>
      %dma_start3A_95 = arith.constant 0 : i32
      %dma_start3A_96 = arith.constant 0 : i32
      %dma_start3A_97 = tpu.memref_slice %arg5[%run_scoped3A_3, %dma_start3A_95, %dma_start3A_96] : memref<16x4x64xf32, #tpu.memory_space<vmem>> -> memref<1x4x64xf32, #tpu.memory_space<vmem>>
      %dma_start3A_98 = tpu.memref_squeeze %dma_start3A_97 : memref<1x4x64xf32, #tpu.memory_space<vmem>> -> memref<4x64xf32, #tpu.memory_space<vmem>>
      %dma_start3A_99 = arith.constant 0 : i32
      %dma_start3A_100 = tpu.memref_slice %arg2[%run_scoped3A, %add3A, %dma_start3A_99] : memref<16x128x64xf32, #tpu.memory_space<hbm>> -> memref<1x4x64xf32, #tpu.memory_space<hbm>>
      %dma_start3A_101 = tpu.memref_squeeze %dma_start3A_100 : memref<1x4x64xf32, #tpu.memory_space<hbm>> -> memref<4x64xf32, #tpu.memory_space<hbm>>
      tpu.enqueue_dma source(%dma_start3A_101 : memref<4x64xf32, #tpu.memory_space<hbm>>) target(%dma_start3A_98 : memref<4x64xf32, #tpu.memory_space<vmem>>) target_semaphore(%run_scoped3A_88 : memref<!tpu.dma_semaphore, #tpu.memory_space<semaphore_mem>>)
      %dma_wait3A = arith.constant 0 : i32
      %dma_wait3A_102 = arith.constant 0 : i32
      %dma_wait3A_103 = tpu.memref_slice %arg5[%run_scoped3A_3, %dma_wait3A, %dma_wait3A_102] : memref<16x4x64xf32, #tpu.memory_space<vmem>> -> memref<1x4x64xf32, #tpu.memory_space<vmem>>
      %dma_wait3A_104 = tpu.memref_squeeze %dma_wait3A_103 : memref<1x4x64xf32, #tpu.memory_space<vmem>> -> memref<4x64xf32, #tpu.memory_space<vmem>>
      %dma_wait3A_105 = arith.constant 0 : i32
      %dma_wait3A_106 = tpu.memref_slice %arg2[%run_scoped3A, %add3A, %dma_wait3A_105] : memref<16x128x64xf32, #tpu.memory_space<hbm>> -> memref<1x4x64xf32, #tpu.memory_space<hbm>>
      %dma_wait3A_107 = tpu.memref_squeeze %dma_wait3A_106 : memref<1x4x64xf32, #tpu.memory_space<hbm>> -> memref<4x64xf32, #tpu.memory_space<hbm>>
      %dma_wait3A_108 = arith.constant 0 : i32
      %dma_wait3A_109 = arith.constant 0 : i32
      %dma_wait3A_110 = tpu.memref_slice %arg5[%run_scoped3A_3, %dma_wait3A_108, %dma_wait3A_109] : memref<16x4x64xf32, #tpu.memory_space<vmem>> -> memref<1x4x64xf32, #tpu.memory_space<vmem>>
      %dma_wait3A_111 = tpu.memref_squeeze %dma_wait3A_110 : memref<1x4x64xf32, #tpu.memory_space<vmem>> -> memref<4x64xf32, #tpu.memory_space<vmem>>
      %dma_wait3A_112 = arith.constant 0 : i32
      %dma_wait3A_113 = tpu.memref_slice %arg2[%run_scoped3A, %add3A, %dma_wait3A_112] : memref<16x128x64xf32, #tpu.memory_space<hbm>> -> memref<1x4x64xf32, #tpu.memory_space<hbm>>
      %dma_wait3A_114 = tpu.memref_squeeze %dma_wait3A_113 : memref<1x4x64xf32, #tpu.memory_space<hbm>> -> memref<4x64xf32, #tpu.memory_space<hbm>>
      tpu.wait_dma2 semaphore(%run_scoped3A_88 : memref<!tpu.dma_semaphore, #tpu.memory_space<semaphore_mem>>) src(%dma_wait3A_114 : memref<4x64xf32, #tpu.memory_space<hbm>>) dst(%dma_wait3A_111 : memref<4x64xf32, #tpu.memory_space<vmem>>)
      tpu.yield
    }) : () -> ()
    %mul3A_4 = arith.constant 4 : i32
    %mul3A_5 = arith.muli %mul3A_4, %arg1 : i32
    %add3A_6 = arith.addi %mul3A_0, %mul3A_5 : i32
    %run_scoped3A_7 = arith.constant 1 : i32
    %run_scoped3A_8 = arith.constant 1 : i32
    "tpu.region"() ({
      %run_scoped3A_88 = tpu.sem_alloc : memref<!tpu.dma_semaphore, #tpu.memory_space<semaphore_mem>>
      %dma_start3A = arith.constant 0 : i32
      %dma_start3A_89 = arith.constant 0 : i32
      %dma_start3A_90 = tpu.memref_slice %arg5[%run_scoped3A_8, %dma_start3A, %dma_start3A_89] : memref<16x4x64xf32, #tpu.memory_space<vmem>> -> memref<1x4x64xf32, #tpu.memory_space<vmem>>
      %dma_start3A_91 = tpu.memref_squeeze %dma_start3A_90 : memref<1x4x64xf32, #tpu.memory_space<vmem>> -> memref<4x64xf32, #tpu.memory_space<vmem>>
      %dma_start3A_92 = arith.constant 0 : i32
      %dma_start3A_93 = tpu.memref_slice %arg2[%run_scoped3A_7, %add3A_6, %dma_start3A_92] : memref<16x128x64xf32, #tpu.memory_space<hbm>> -> memref<1x4x64xf32, #tpu.memory_space<hbm>>
      %dma_start3A_94 = tpu.memref_squeeze %dma_start3A_93 : memref<1x4x64xf32, #tpu.memory_space<hbm>> -> memref<4x64xf32, #tpu.memory_space<hbm>>
      %dma_start3A_95 = arith.constant 0 : i32
      %dma_start3A_96 = arith.constant 0 : i32
      %dma_start3A_97 = tpu.memref_slice %arg5[%run_scoped3A_8, %dma_start3A_95, %dma_start3A_96] : memref<16x4x64xf32, #tpu.memory_space<vmem>> -> memref<1x4x64xf32, #tpu.memory_space<vmem>>
      %dma_start3A_98 = tpu.memref_squeeze %dma_start3A_97 : memref<1x4x64xf32, #tpu.memory_space<vmem>> -> memref<4x64xf32, #tpu.memory_space<vmem>>
      %dma_start3A_99 = arith.constant 0 : i32
      %dma_start3A_100 = tpu.memref_slice %arg2[%run_scoped3A_7, %add3A_6, %dma_start3A_99] : memref<16x128x64xf32, #tpu.memory_space<hbm>> -> memref<1x4x64xf32, #tpu.memory_space<hbm>>
      %dma_start3A_101 = tpu.memref_squeeze %dma_start3A_100 : memref<1x4x64xf32, #tpu.memory_space<hbm>> -> memref<4x64xf32, #tpu.memory_space<hbm>>
      tpu.enqueue_dma source(%dma_start3A_101 : memref<4x64xf32, #tpu.memory_space<hbm>>) target(%dma_start3A_98 : memref<4x64xf32, #tpu.memory_space<vmem>>) target_semaphore(%run_scoped3A_88 : memref<!tpu.dma_semaphore, #tpu.memory_space<semaphore_mem>>)
      %dma_wait3A = arith.constant 0 : i32
      %dma_wait3A_102 = arith.constant 0 : i32
      %dma_wait3A_103 = tpu.memref_slice %arg5[%run_scoped3A_8, %dma_wait3A, %dma_wait3A_102] : memref<16x4x64xf32, #tpu.memory_space<vmem>> -> memref<1x4x64xf32, #tpu.memory_space<vmem>>
      %dma_wait3A_104 = tpu.memref_squeeze %dma_wait3A_103 : memref<1x4x64xf32, #tpu.memory_space<vmem>> -> memref<4x64xf32, #tpu.memory_space<vmem>>
      %dma_wait3A_105 = arith.constant 0 : i32
      %dma_wait3A_106 = tpu.memref_slice %arg2[%run_scoped3A_7, %add3A_6, %dma_wait3A_105] : memref<16x128x64xf32, #tpu.memory_space<hbm>> -> memref<1x4x64xf32, #tpu.memory_space<hbm>>
      %dma_wait3A_107 = tpu.memref_squeeze %dma_wait3A_106 : memref<1x4x64xf32, #tpu.memory_space<hbm>> -> memref<4x64xf32, #tpu.memory_space<hbm>>
      %dma_wait3A_108 = arith.constant 0 : i32
      %dma_wait3A_109 = arith.constant 0 : i32
      %dma_wait3A_110 = tpu.memref_slice %arg5[%run_scoped3A_8, %dma_wait3A_108, %dma_wait3A_109] : memref<16x4x64xf32, #tpu.memory_space<vmem>> -> memref<1x4x64xf32, #tpu.memory_space<vmem>>
      %dma_wait3A_111 = tpu.memref_squeeze %dma_wait3A_110 : memref<1x4x64xf32, #tpu.memory_space<vmem>> -> memref<4x64xf32, #tpu.memory_space<vmem>>
      %dma_wait3A_112 = arith.constant 0 : i32
      %dma_wait3A_113 = tpu.memref_slice %arg2[%run_scoped3A_7, %add3A_6, %dma_wait3A_112] : memref<16x128x64xf32, #tpu.memory_space<hbm>> -> memref<1x4x64xf32, #tpu.memory_space<hbm>>
      %dma_wait3A_114 = tpu.memref_squeeze %dma_wait3A_113 : memref<1x4x64xf32, #tpu.memory_space<hbm>> -> memref<4x64xf32, #tpu.memory_space<hbm>>
      tpu.wait_dma2 semaphore(%run_scoped3A_88 : memref<!tpu.dma_semaphore, #tpu.memory_space<semaphore_mem>>) src(%dma_wait3A_114 : memref<4x64xf32, #tpu.memory_space<hbm>>) dst(%dma_wait3A_111 : memref<4x64xf32, #tpu.memory_space<vmem>>)
      tpu.yield
    }) : () -> ()
    %mul3A_9 = arith.constant 4 : i32
    %mul3A_10 = arith.muli %mul3A_9, %arg1 : i32
    %add3A_11 = arith.addi %mul3A_0, %mul3A_10 : i32
    %run_scoped3A_12 = arith.constant 2 : i32
    %run_scoped3A_13 = arith.constant 2 : i32
    "tpu.region"() ({
      %run_scoped3A_88 = tpu.sem_alloc : memref<!tpu.dma_semaphore, #tpu.memory_space<semaphore_mem>>
      %dma_start3A = arith.constant 0 : i32
      %dma_start3A_89 = arith.constant 0 : i32
      %dma_start3A_90 = tpu.memref_slice %arg5[%run_scoped3A_13, %dma_start3A, %dma_start3A_89] : memref<16x4x64xf32, #tpu.memory_space<vmem>> -> memref<1x4x64xf32, #tpu.memory_space<vmem>>
      %dma_start3A_91 = tpu.memref_squeeze %dma_start3A_90 : memref<1x4x64xf32, #tpu.memory_space<vmem>> -> memref<4x64xf32, #tpu.memory_space<vmem>>
      %dma_start3A_92 = arith.constant 0 : i32
      %dma_start3A_93 = tpu.memref_slice %arg2[%run_scoped3A_12, %add3A_11, %dma_start3A_92] : memref<16x128x64xf32, #tpu.memory_space<hbm>> -> memref<1x4x64xf32, #tpu.memory_space<hbm>>
      %dma_start3A_94 = tpu.memref_squeeze %dma_start3A_93 : memref<1x4x64xf32, #tpu.memory_space<hbm>> -> memref<4x64xf32, #tpu.memory_space<hbm>>
      %dma_start3A_95 = arith.constant 0 : i32
      %dma_start3A_96 = arith.constant 0 : i32
      %dma_start3A_97 = tpu.memref_slice %arg5[%run_scoped3A_13, %dma_start3A_95, %dma_start3A_96] : memref<16x4x64xf32, #tpu.memory_space<vmem>> -> memref<1x4x64xf32, #tpu.memory_space<vmem>>
      %dma_start3A_98 = tpu.memref_squeeze %dma_start3A_97 : memref<1x4x64xf32, #tpu.memory_space<vmem>> -> memref<4x64xf32, #tpu.memory_space<vmem>>
      %dma_start3A_99 = arith.constant 0 : i32
      %dma_start3A_100 = tpu.memref_slice %arg2[%run_scoped3A_12, %add3A_11, %dma_start3A_99] : memref<16x128x64xf32, #tpu.memory_space<hbm>> -> memref<1x4x64xf32, #tpu.memory_space<hbm>>
      %dma_start3A_101 = tpu.memref_squeeze %dma_start3A_100 : memref<1x4x64xf32, #tpu.memory_space<hbm>> -> memref<4x64xf32, #tpu.memory_space<hbm>>
      tpu.enqueue_dma source(%dma_start3A_101 : memref<4x64xf32, #tpu.memory_space<hbm>>) target(%dma_start3A_98 : memref<4x64xf32, #tpu.memory_space<vmem>>) target_semaphore(%run_scoped3A_88 : memref<!tpu.dma_semaphore, #tpu.memory_space<semaphore_mem>>)
      %dma_wait3A = arith.constant 0 : i32
      %dma_wait3A_102 = arith.constant 0 : i32
      %dma_wait3A_103 = tpu.memref_slice %arg5[%run_scoped3A_13, %dma_wait3A, %dma_wait3A_102] : memref<16x4x64xf32, #tpu.memory_space<vmem>> -> memref<1x4x64xf32, #tpu.memory_space<vmem>>
      %dma_wait3A_104 = tpu.memref_squeeze %dma_wait3A_103 : memref<1x4x64xf32, #tpu.memory_space<vmem>> -> memref<4x64xf32, #tpu.memory_space<vmem>>
      %dma_wait3A_105 = arith.constant 0 : i32
      %dma_wait3A_106 = tpu.memref_slice %arg2[%run_scoped3A_12, %add3A_11, %dma_wait3A_105] : memref<16x128x64xf32, #tpu.memory_space<hbm>> -> memref<1x4x64xf32, #tpu.memory_space<hbm>>
      %dma_wait3A_107 = tpu.memref_squeeze %dma_wait3A_106 : memref<1x4x64xf32, #tpu.memory_space<hbm>> -> memref<4x64xf32, #tpu.memory_space<hbm>>
      %dma_wait3A_108 = arith.constant 0 : i32
      %dma_wait3A_109 = arith.constant 0 : i32
      %dma_wait3A_110 = tpu.memref_slice %arg5[%run_scoped3A_13, %dma_wait3A_108, %dma_wait3A_109] : memref<16x4x64xf32, #tpu.memory_space<vmem>> -> memref<1x4x64xf32, #tpu.memory_space<vmem>>
      %dma_wait3A_111 = tpu.memref_squeeze %dma_wait3A_110 : memref<1x4x64xf32, #tpu.memory_space<vmem>> -> memref<4x64xf32, #tpu.memory_space<vmem>>
      %dma_wait3A_112 = arith.constant 0 : i32
      %dma_wait3A_113 = tpu.memref_slice %arg2[%run_scoped3A_12, %add3A_11, %dma_wait3A_112] : memref<16x128x64xf32, #tpu.memory_space<hbm>> -> memref<1x4x64xf32, #tpu.memory_space<hbm>>
      %dma_wait3A_114 = tpu.memref_squeeze %dma_wait3A_113 : memref<1x4x64xf32, #tpu.memory_space<hbm>> -> memref<4x64xf32, #tpu.memory_space<hbm>>
      tpu.wait_dma2 semaphore(%run_scoped3A_88 : memref<!tpu.dma_semaphore, #tpu.memory_space<semaphore_mem>>) src(%dma_wait3A_114 : memref<4x64xf32, #tpu.memory_space<hbm>>) dst(%dma_wait3A_111 : memref<4x64xf32, #tpu.memory_space<vmem>>)
      tpu.yield
    }) : () -> ()
    %mul3A_14 = arith.constant 4 : i32
    %mul3A_15 = arith.muli %mul3A_14, %arg1 : i32
    %add3A_16 = arith.addi %mul3A_0, %mul3A_15 : i32
    %run_scoped3A_17 = arith.constant 3 : i32
    %run_scoped3A_18 = arith.constant 3 : i32
    "tpu.region"() ({
      %run_scoped3A_88 = tpu.sem_alloc : memref<!tpu.dma_semaphore, #tpu.memory_space<semaphore_mem>>
      %dma_start3A = arith.constant 0 : i32
      %dma_start3A_89 = arith.constant 0 : i32
      %dma_start3A_90 = tpu.memref_slice %arg5[%run_scoped3A_18, %dma_start3A, %dma_start3A_89] : memref<16x4x64xf32, #tpu.memory_space<vmem>> -> memref<1x4x64xf32, #tpu.memory_space<vmem>>
      %dma_start3A_91 = tpu.memref_squeeze %dma_start3A_90 : memref<1x4x64xf32, #tpu.memory_space<vmem>> -> memref<4x64xf32, #tpu.memory_space<vmem>>
      %dma_start3A_92 = arith.constant 0 : i32
      %dma_start3A_93 = tpu.memref_slice %arg2[%run_scoped3A_17, %add3A_16, %dma_start3A_92] : memref<16x128x64xf32, #tpu.memory_space<hbm>> -> memref<1x4x64xf32, #tpu.memory_space<hbm>>
      %dma_start3A_94 = tpu.memref_squeeze %dma_start3A_93 : memref<1x4x64xf32, #tpu.memory_space<hbm>> -> memref<4x64xf32, #tpu.memory_space<hbm>>
      %dma_start3A_95 = arith.constant 0 : i32
      %dma_start3A_96 = arith.constant 0 : i32
      %dma_start3A_97 = tpu.memref_slice %arg5[%run_scoped3A_18, %dma_start3A_95, %dma_start3A_96] : memref<16x4x64xf32, #tpu.memory_space<vmem>> -> memref<1x4x64xf32, #tpu.memory_space<vmem>>
      %dma_start3A_98 = tpu.memref_squeeze %dma_start3A_97 : memref<1x4x64xf32, #tpu.memory_space<vmem>> -> memref<4x64xf32, #tpu.memory_space<vmem>>
      %dma_start3A_99 = arith.constant 0 : i32
      %dma_start3A_100 = tpu.memref_slice %arg2[%run_scoped3A_17, %add3A_16, %dma_start3A_99] : memref<16x128x64xf32, #tpu.memory_space<hbm>> -> memref<1x4x64xf32, #tpu.memory_space<hbm>>
      %dma_start3A_101 = tpu.memref_squeeze %dma_start3A_100 : memref<1x4x64xf32, #tpu.memory_space<hbm>> -> memref<4x64xf32, #tpu.memory_space<hbm>>
      tpu.enqueue_dma source(%dma_start3A_101 : memref<4x64xf32, #tpu.memory_space<hbm>>) target(%dma_start3A_98 : memref<4x64xf32, #tpu.memory_space<vmem>>) target_semaphore(%run_scoped3A_88 : memref<!tpu.dma_semaphore, #tpu.memory_space<semaphore_mem>>)
      %dma_wait3A = arith.constant 0 : i32
      %dma_wait3A_102 = arith.constant 0 : i32
      %dma_wait3A_103 = tpu.memref_slice %arg5[%run_scoped3A_18, %dma_wait3A, %dma_wait3A_102] : memref<16x4x64xf32, #tpu.memory_space<vmem>> -> memref<1x4x64xf32, #tpu.memory_space<vmem>>
      %dma_wait3A_104 = tpu.memref_squeeze %dma_wait3A_103 : memref<1x4x64xf32, #tpu.memory_space<vmem>> -> memref<4x64xf32, #tpu.memory_space<vmem>>
      %dma_wait3A_105 = arith.constant 0 : i32
      %dma_wait3A_106 = tpu.memref_slice %arg2[%run_scoped3A_17, %add3A_16, %dma_wait3A_105] : memref<16x128x64xf32, #tpu.memory_space<hbm>> -> memref<1x4x64xf32, #tpu.memory_space<hbm>>
      %dma_wait3A_107 = tpu.memref_squeeze %dma_wait3A_106 : memref<1x4x64xf32, #tpu.memory_space<hbm>> -> memref<4x64xf32, #tpu.memory_space<hbm>>
      %dma_wait3A_108 = arith.constant 0 : i32
      %dma_wait3A_109 = arith.constant 0 : i32
      %dma_wait3A_110 = tpu.memref_slice %arg5[%run_scoped3A_18, %dma_wait3A_108, %dma_wait3A_109] : memref<16x4x64xf32, #tpu.memory_space<vmem>> -> memref<1x4x64xf32, #tpu.memory_space<vmem>>
      %dma_wait3A_111 = tpu.memref_squeeze %dma_wait3A_110 : memref<1x4x64xf32, #tpu.memory_space<vmem>> -> memref<4x64xf32, #tpu.memory_space<vmem>>
      %dma_wait3A_112 = arith.constant 0 : i32
      %dma_wait3A_113 = tpu.memref_slice %arg2[%run_scoped3A_17, %add3A_16, %dma_wait3A_112] : memref<16x128x64xf32, #tpu.memory_space<hbm>> -> memref<1x4x64xf32, #tpu.memory_space<hbm>>
      %dma_wait3A_114 = tpu.memref_squeeze %dma_wait3A_113 : memref<1x4x64xf32, #tpu.memory_space<hbm>> -> memref<4x64xf32, #tpu.memory_space<hbm>>
      tpu.wait_dma2 semaphore(%run_scoped3A_88 : memref<!tpu.dma_semaphore, #tpu.memory_space<semaphore_mem>>) src(%dma_wait3A_114 : memref<4x64xf32, #tpu.memory_space<hbm>>) dst(%dma_wait3A_111 : memref<4x64xf32, #tpu.memory_space<vmem>>)
      tpu.yield
    }) : () -> ()
    %mul3A_19 = arith.constant 4 : i32
    %mul3A_20 = arith.muli %mul3A_19, %arg1 : i32
    %add3A_21 = arith.addi %mul3A_0, %mul3A_20 : i32
    %run_scoped3A_22 = arith.constant 4 : i32
    %run_scoped3A_23 = arith.constant 4 : i32
    "tpu.region"() ({
      %run_scoped3A_88 = tpu.sem_alloc : memref<!tpu.dma_semaphore, #tpu.memory_space<semaphore_mem>>
      %dma_start3A = arith.constant 0 : i32
      %dma_start3A_89 = arith.constant 0 : i32
      %dma_start3A_90 = tpu.memref_slice %arg5[%run_scoped3A_23, %dma_start3A, %dma_start3A_89] : memref<16x4x64xf32, #tpu.memory_space<vmem>> -> memref<1x4x64xf32, #tpu.memory_space<vmem>>
      %dma_start3A_91 = tpu.memref_squeeze %dma_start3A_90 : memref<1x4x64xf32, #tpu.memory_space<vmem>> -> memref<4x64xf32, #tpu.memory_space<vmem>>
      %dma_start3A_92 = arith.constant 0 : i32
      %dma_start3A_93 = tpu.memref_slice %arg2[%run_scoped3A_22, %add3A_21, %dma_start3A_92] : memref<16x128x64xf32, #tpu.memory_space<hbm>> -> memref<1x4x64xf32, #tpu.memory_space<hbm>>
      %dma_start3A_94 = tpu.memref_squeeze %dma_start3A_93 : memref<1x4x64xf32, #tpu.memory_space<hbm>> -> memref<4x64xf32, #tpu.memory_space<hbm>>
      %dma_start3A_95 = arith.constant 0 : i32
      %dma_start3A_96 = arith.constant 0 : i32
      %dma_start3A_97 = tpu.memref_slice %arg5[%run_scoped3A_23, %dma_start3A_95, %dma_start3A_96] : memref<16x4x64xf32, #tpu.memory_space<vmem>> -> memref<1x4x64xf32, #tpu.memory_space<vmem>>
      %dma_start3A_98 = tpu.memref_squeeze %dma_start3A_97 : memref<1x4x64xf32, #tpu.memory_space<vmem>> -> memref<4x64xf32, #tpu.memory_space<vmem>>
      %dma_start3A_99 = arith.constant 0 : i32
      %dma_start3A_100 = tpu.memref_slice %arg2[%run_scoped3A_22, %add3A_21, %dma_start3A_99] : memref<16x128x64xf32, #tpu.memory_space<hbm>> -> memref<1x4x64xf32, #tpu.memory_space<hbm>>
      %dma_start3A_101 = tpu.memref_squeeze %dma_start3A_100 : memref<1x4x64xf32, #tpu.memory_space<hbm>> -> memref<4x64xf32, #tpu.memory_space<hbm>>
      tpu.enqueue_dma source(%dma_start3A_101 : memref<4x64xf32, #tpu.memory_space<hbm>>) target(%dma_start3A_98 : memref<4x64xf32, #tpu.memory_space<vmem>>) target_semaphore(%run_scoped3A_88 : memref<!tpu.dma_semaphore, #tpu.memory_space<semaphore_mem>>)
      %dma_wait3A = arith.constant 0 : i32
      %dma_wait3A_102 = arith.constant 0 : i32
      %dma_wait3A_103 = tpu.memref_slice %arg5[%run_scoped3A_23, %dma_wait3A, %dma_wait3A_102] : memref<16x4x64xf32, #tpu.memory_space<vmem>> -> memref<1x4x64xf32, #tpu.memory_space<vmem>>
      %dma_wait3A_104 = tpu.memref_squeeze %dma_wait3A_103 : memref<1x4x64xf32, #tpu.memory_space<vmem>> -> memref<4x64xf32, #tpu.memory_space<vmem>>
      %dma_wait3A_105 = arith.constant 0 : i32
      %dma_wait3A_106 = tpu.memref_slice %arg2[%run_scoped3A_22, %add3A_21, %dma_wait3A_105] : memref<16x128x64xf32, #tpu.memory_space<hbm>> -> memref<1x4x64xf32, #tpu.memory_space<hbm>>
      %dma_wait3A_107 = tpu.memref_squeeze %dma_wait3A_106 : memref<1x4x64xf32, #tpu.memory_space<hbm>> -> memref<4x64xf32, #tpu.memory_space<hbm>>
      %dma_wait3A_108 = arith.constant 0 : i32
      %dma_wait3A_109 = arith.constant 0 : i32
      %dma_wait3A_110 = tpu.memref_slice %arg5[%run_scoped3A_23, %dma_wait3A_108, %dma_wait3A_109] : memref<16x4x64xf32, #tpu.memory_space<vmem>> -> memref<1x4x64xf32, #tpu.memory_space<vmem>>
      %dma_wait3A_111 = tpu.memref_squeeze %dma_wait3A_110 : memref<1x4x64xf32, #tpu.memory_space<vmem>> -> memref<4x64xf32, #tpu.memory_space<vmem>>
      %dma_wait3A_112 = arith.constant 0 : i32
      %dma_wait3A_113 = tpu.memref_slice %arg2[%run_scoped3A_22, %add3A_21, %dma_wait3A_112] : memref<16x128x64xf32, #tpu.memory_space<hbm>> -> memref<1x4x64xf32, #tpu.memory_space<hbm>>
      %dma_wait3A_114 = tpu.memref_squeeze %dma_wait3A_113 : memref<1x4x64xf32, #tpu.memory_space<hbm>> -> memref<4x64xf32, #tpu.memory_space<hbm>>
      tpu.wait_dma2 semaphore(%run_scoped3A_88 : memref<!tpu.dma_semaphore, #tpu.memory_space<semaphore_mem>>) src(%dma_wait3A_114 : memref<4x64xf32, #tpu.memory_space<hbm>>) dst(%dma_wait3A_111 : memref<4x64xf32, #tpu.memory_space<vmem>>)
      tpu.yield
    }) : () -> ()
    %mul3A_24 = arith.constant 4 : i32
    %mul3A_25 = arith.muli %mul3A_24, %arg1 : i32
    %add3A_26 = arith.addi %mul3A_0, %mul3A_25 : i32
    %run_scoped3A_27 = arith.constant 5 : i32
    %run_scoped3A_28 = arith.constant 5 : i32
    "tpu.region"() ({
      %run_scoped3A_88 = tpu.sem_alloc : memref<!tpu.dma_semaphore, #tpu.memory_space<semaphore_mem>>
      %dma_start3A = arith.constant 0 : i32
      %dma_start3A_89 = arith.constant 0 : i32
      %dma_start3A_90 = tpu.memref_slice %arg5[%run_scoped3A_28, %dma_start3A, %dma_start3A_89] : memref<16x4x64xf32, #tpu.memory_space<vmem>> -> memref<1x4x64xf32, #tpu.memory_space<vmem>>
      %dma_start3A_91 = tpu.memref_squeeze %dma_start3A_90 : memref<1x4x64xf32, #tpu.memory_space<vmem>> -> memref<4x64xf32, #tpu.memory_space<vmem>>
      %dma_start3A_92 = arith.constant 0 : i32
      %dma_start3A_93 = tpu.memref_slice %arg2[%run_scoped3A_27, %add3A_26, %dma_start3A_92] : memref<16x128x64xf32, #tpu.memory_space<hbm>> -> memref<1x4x64xf32, #tpu.memory_space<hbm>>
      %dma_start3A_94 = tpu.memref_squeeze %dma_start3A_93 : memref<1x4x64xf32, #tpu.memory_space<hbm>> -> memref<4x64xf32, #tpu.memory_space<hbm>>
      %dma_start3A_95 = arith.constant 0 : i32
      %dma_start3A_96 = arith.constant 0 : i32
      %dma_start3A_97 = tpu.memref_slice %arg5[%run_scoped3A_28, %dma_start3A_95, %dma_start3A_96] : memref<16x4x64xf32, #tpu.memory_space<vmem>> -> memref<1x4x64xf32, #tpu.memory_space<vmem>>
      %dma_start3A_98 = tpu.memref_squeeze %dma_start3A_97 : memref<1x4x64xf32, #tpu.memory_space<vmem>> -> memref<4x64xf32, #tpu.memory_space<vmem>>
      %dma_start3A_99 = arith.constant 0 : i32
      %dma_start3A_100 = tpu.memref_slice %arg2[%run_scoped3A_27, %add3A_26, %dma_start3A_99] : memref<16x128x64xf32, #tpu.memory_space<hbm>> -> memref<1x4x64xf32, #tpu.memory_space<hbm>>
      %dma_start3A_101 = tpu.memref_squeeze %dma_start3A_100 : memref<1x4x64xf32, #tpu.memory_space<hbm>> -> memref<4x64xf32, #tpu.memory_space<hbm>>
      tpu.enqueue_dma source(%dma_start3A_101 : memref<4x64xf32, #tpu.memory_space<hbm>>) target(%dma_start3A_98 : memref<4x64xf32, #tpu.memory_space<vmem>>) target_semaphore(%run_scoped3A_88 : memref<!tpu.dma_semaphore, #tpu.memory_space<semaphore_mem>>)
      %dma_wait3A = arith.constant 0 : i32
      %dma_wait3A_102 = arith.constant 0 : i32
      %dma_wait3A_103 = tpu.memref_slice %arg5[%run_scoped3A_28, %dma_wait3A, %dma_wait3A_102] : memref<16x4x64xf32, #tpu.memory_space<vmem>> -> memref<1x4x64xf32, #tpu.memory_space<vmem>>
      %dma_wait3A_104 = tpu.memref_squeeze %dma_wait3A_103 : memref<1x4x64xf32, #tpu.memory_space<vmem>> -> memref<4x64xf32, #tpu.memory_space<vmem>>
      %dma_wait3A_105 = arith.constant 0 : i32
      %dma_wait3A_106 = tpu.memref_slice %arg2[%run_scoped3A_27, %add3A_26, %dma_wait3A_105] : memref<16x128x64xf32, #tpu.memory_space<hbm>> -> memref<1x4x64xf32, #tpu.memory_space<hbm>>
      %dma_wait3A_107 = tpu.memref_squeeze %dma_wait3A_106 : memref<1x4x64xf32, #tpu.memory_space<hbm>> -> memref<4x64xf32, #tpu.memory_space<hbm>>
      %dma_wait3A_108 = arith.constant 0 : i32
      %dma_wait3A_109 = arith.constant 0 : i32
      %dma_wait3A_110 = tpu.memref_slice %arg5[%run_scoped3A_28, %dma_wait3A_108, %dma_wait3A_109] : memref<16x4x64xf32, #tpu.memory_space<vmem>> -> memref<1x4x64xf32, #tpu.memory_space<vmem>>
      %dma_wait3A_111 = tpu.memref_squeeze %dma_wait3A_110 : memref<1x4x64xf32, #tpu.memory_space<vmem>> -> memref<4x64xf32, #tpu.memory_space<vmem>>
      %dma_wait3A_112 = arith.constant 0 : i32
      %dma_wait3A_113 = tpu.memref_slice %arg2[%run_scoped3A_27, %add3A_26, %dma_wait3A_112] : memref<16x128x64xf32, #tpu.memory_space<hbm>> -> memref<1x4x64xf32, #tpu.memory_space<hbm>>
      %dma_wait3A_114 = tpu.memref_squeeze %dma_wait3A_113 : memref<1x4x64xf32, #tpu.memory_space<hbm>> -> memref<4x64xf32, #tpu.memory_space<hbm>>
      tpu.wait_dma2 semaphore(%run_scoped3A_88 : memref<!tpu.dma_semaphore, #tpu.memory_space<semaphore_mem>>) src(%dma_wait3A_114 : memref<4x64xf32, #tpu.memory_space<hbm>>) dst(%dma_wait3A_111 : memref<4x64xf32, #tpu.memory_space<vmem>>)
      tpu.yield
    }) : () -> ()
    %mul3A_29 = arith.constant 4 : i32
    %mul3A_30 = arith.muli %mul3A_29, %arg1 : i32
    %add3A_31 = arith.addi %mul3A_0, %mul3A_30 : i32
    %run_scoped3A_32 = arith.constant 6 : i32
    %run_scoped3A_33 = arith.constant 6 : i32
    "tpu.region"() ({
      %run_scoped3A_88 = tpu.sem_alloc : memref<!tpu.dma_semaphore, #tpu.memory_space<semaphore_mem>>
      %dma_start3A = arith.constant 0 : i32
      %dma_start3A_89 = arith.constant 0 : i32
      %dma_start3A_90 = tpu.memref_slice %arg5[%run_scoped3A_33, %dma_start3A, %dma_start3A_89] : memref<16x4x64xf32, #tpu.memory_space<vmem>> -> memref<1x4x64xf32, #tpu.memory_space<vmem>>
      %dma_start3A_91 = tpu.memref_squeeze %dma_start3A_90 : memref<1x4x64xf32, #tpu.memory_space<vmem>> -> memref<4x64xf32, #tpu.memory_space<vmem>>
      %dma_start3A_92 = arith.constant 0 : i32
      %dma_start3A_93 = tpu.memref_slice %arg2[%run_scoped3A_32, %add3A_31, %dma_start3A_92] : memref<16x128x64xf32, #tpu.memory_space<hbm>> -> memref<1x4x64xf32, #tpu.memory_space<hbm>>
      %dma_start3A_94 = tpu.memref_squeeze %dma_start3A_93 : memref<1x4x64xf32, #tpu.memory_space<hbm>> -> memref<4x64xf32, #tpu.memory_space<hbm>>
      %dma_start3A_95 = arith.constant 0 : i32
      %dma_start3A_96 = arith.constant 0 : i32
      %dma_start3A_97 = tpu.memref_slice %arg5[%run_scoped3A_33, %dma_start3A_95, %dma_start3A_96] : memref<16x4x64xf32, #tpu.memory_space<vmem>> -> memref<1x4x64xf32, #tpu.memory_space<vmem>>
      %dma_start3A_98 = tpu.memref_squeeze %dma_start3A_97 : memref<1x4x64xf32, #tpu.memory_space<vmem>> -> memref<4x64xf32, #tpu.memory_space<vmem>>
      %dma_start3A_99 = arith.constant 0 : i32
      %dma_start3A_100 = tpu.memref_slice %arg2[%run_scoped3A_32, %add3A_31, %dma_start3A_99] : memref<16x128x64xf32, #tpu.memory_space<hbm>> -> memref<1x4x64xf32, #tpu.memory_space<hbm>>
      %dma_start3A_101 = tpu.memref_squeeze %dma_start3A_100 : memref<1x4x64xf32, #tpu.memory_space<hbm>> -> memref<4x64xf32, #tpu.memory_space<hbm>>
      tpu.enqueue_dma source(%dma_start3A_101 : memref<4x64xf32, #tpu.memory_space<hbm>>) target(%dma_start3A_98 : memref<4x64xf32, #tpu.memory_space<vmem>>) target_semaphore(%run_scoped3A_88 : memref<!tpu.dma_semaphore, #tpu.memory_space<semaphore_mem>>)
      %dma_wait3A = arith.constant 0 : i32
      %dma_wait3A_102 = arith.constant 0 : i32
      %dma_wait3A_103 = tpu.memref_slice %arg5[%run_scoped3A_33, %dma_wait3A, %dma_wait3A_102] : memref<16x4x64xf32, #tpu.memory_space<vmem>> -> memref<1x4x64xf32, #tpu.memory_space<vmem>>
      %dma_wait3A_104 = tpu.memref_squeeze %dma_wait3A_103 : memref<1x4x64xf32, #tpu.memory_space<vmem>> -> memref<4x64xf32, #tpu.memory_space<vmem>>
      %dma_wait3A_105 = arith.constant 0 : i32
      %dma_wait3A_106 = tpu.memref_slice %arg2[%run_scoped3A_32, %add3A_31, %dma_wait3A_105] : memref<16x128x64xf32, #tpu.memory_space<hbm>> -> memref<1x4x64xf32, #tpu.memory_space<hbm>>
      %dma_wait3A_107 = tpu.memref_squeeze %dma_wait3A_106 : memref<1x4x64xf32, #tpu.memory_space<hbm>> -> memref<4x64xf32, #tpu.memory_space<hbm>>
      %dma_wait3A_108 = arith.constant 0 : i32
      %dma_wait3A_109 = arith.constant 0 : i32
      %dma_wait3A_110 = tpu.memref_slice %arg5[%run_scoped3A_33, %dma_wait3A_108, %dma_wait3A_109] : memref<16x4x64xf32, #tpu.memory_space<vmem>> -> memref<1x4x64xf32, #tpu.memory_space<vmem>>
      %dma_wait3A_111 = tpu.memref_squeeze %dma_wait3A_110 : memref<1x4x64xf32, #tpu.memory_space<vmem>> -> memref<4x64xf32, #tpu.memory_space<vmem>>
      %dma_wait3A_112 = arith.constant 0 : i32
      %dma_wait3A_113 = tpu.memref_slice %arg2[%run_scoped3A_32, %add3A_31, %dma_wait3A_112] : memref<16x128x64xf32, #tpu.memory_space<hbm>> -> memref<1x4x64xf32, #tpu.memory_space<hbm>>
      %dma_wait3A_114 = tpu.memref_squeeze %dma_wait3A_113 : memref<1x4x64xf32, #tpu.memory_space<hbm>> -> memref<4x64xf32, #tpu.memory_space<hbm>>
      tpu.wait_dma2 semaphore(%run_scoped3A_88 : memref<!tpu.dma_semaphore, #tpu.memory_space<semaphore_mem>>) src(%dma_wait3A_114 : memref<4x64xf32, #tpu.memory_space<hbm>>) dst(%dma_wait3A_111 : memref<4x64xf32, #tpu.memory_space<vmem>>)
      tpu.yield
    }) : () -> ()
    %mul3A_34 = arith.constant 4 : i32
    %mul3A_35 = arith.muli %mul3A_34, %arg1 : i32
    %add3A_36 = arith.addi %mul3A_0, %mul3A_35 : i32
    %run_scoped3A_37 = arith.constant 7 : i32
    %run_scoped3A_38 = arith.constant 7 : i32
    "tpu.region"() ({
      %run_scoped3A_88 = tpu.sem_alloc : memref<!tpu.dma_semaphore, #tpu.memory_space<semaphore_mem>>
      %dma_start3A = arith.constant 0 : i32
      %dma_start3A_89 = arith.constant 0 : i32
      %dma_start3A_90 = tpu.memref_slice %arg5[%run_scoped3A_38, %dma_start3A, %dma_start3A_89] : memref<16x4x64xf32, #tpu.memory_space<vmem>> -> memref<1x4x64xf32, #tpu.memory_space<vmem>>
      %dma_start3A_91 = tpu.memref_squeeze %dma_start3A_90 : memref<1x4x64xf32, #tpu.memory_space<vmem>> -> memref<4x64xf32, #tpu.memory_space<vmem>>
      %dma_start3A_92 = arith.constant 0 : i32
      %dma_start3A_93 = tpu.memref_slice %arg2[%run_scoped3A_37, %add3A_36, %dma_start3A_92] : memref<16x128x64xf32, #tpu.memory_space<hbm>> -> memref<1x4x64xf32, #tpu.memory_space<hbm>>
      %dma_start3A_94 = tpu.memref_squeeze %dma_start3A_93 : memref<1x4x64xf32, #tpu.memory_space<hbm>> -> memref<4x64xf32, #tpu.memory_space<hbm>>
      %dma_start3A_95 = arith.constant 0 : i32
      %dma_start3A_96 = arith.constant 0 : i32
      %dma_start3A_97 = tpu.memref_slice %arg5[%run_scoped3A_38, %dma_start3A_95, %dma_start3A_96] : memref<16x4x64xf32, #tpu.memory_space<vmem>> -> memref<1x4x64xf32, #tpu.memory_space<vmem>>
      %dma_start3A_98 = tpu.memref_squeeze %dma_start3A_97 : memref<1x4x64xf32, #tpu.memory_space<vmem>> -> memref<4x64xf32, #tpu.memory_space<vmem>>
      %dma_start3A_99 = arith.constant 0 : i32
      %dma_start3A_100 = tpu.memref_slice %arg2[%run_scoped3A_37, %add3A_36, %dma_start3A_99] : memref<16x128x64xf32, #tpu.memory_space<hbm>> -> memref<1x4x64xf32, #tpu.memory_space<hbm>>
      %dma_start3A_101 = tpu.memref_squeeze %dma_start3A_100 : memref<1x4x64xf32, #tpu.memory_space<hbm>> -> memref<4x64xf32, #tpu.memory_space<hbm>>
      tpu.enqueue_dma source(%dma_start3A_101 : memref<4x64xf32, #tpu.memory_space<hbm>>) target(%dma_start3A_98 : memref<4x64xf32, #tpu.memory_space<vmem>>) target_semaphore(%run_scoped3A_88 : memref<!tpu.dma_semaphore, #tpu.memory_space<semaphore_mem>>)
      %dma_wait3A = arith.constant 0 : i32
      %dma_wait3A_102 = arith.constant 0 : i32
      %dma_wait3A_103 = tpu.memref_slice %arg5[%run_scoped3A_38, %dma_wait3A, %dma_wait3A_102] : memref<16x4x64xf32, #tpu.memory_space<vmem>> -> memref<1x4x64xf32, #tpu.memory_space<vmem>>
      %dma_wait3A_104 = tpu.memref_squeeze %dma_wait3A_103 : memref<1x4x64xf32, #tpu.memory_space<vmem>> -> memref<4x64xf32, #tpu.memory_space<vmem>>
      %dma_wait3A_105 = arith.constant 0 : i32
      %dma_wait3A_106 = tpu.memref_slice %arg2[%run_scoped3A_37, %add3A_36, %dma_wait3A_105] : memref<16x128x64xf32, #tpu.memory_space<hbm>> -> memref<1x4x64xf32, #tpu.memory_space<hbm>>
      %dma_wait3A_107 = tpu.memref_squeeze %dma_wait3A_106 : memref<1x4x64xf32, #tpu.memory_space<hbm>> -> memref<4x64xf32, #tpu.memory_space<hbm>>
      %dma_wait3A_108 = arith.constant 0 : i32
      %dma_wait3A_109 = arith.constant 0 : i32
      %dma_wait3A_110 = tpu.memref_slice %arg5[%run_scoped3A_38, %dma_wait3A_108, %dma_wait3A_109] : memref<16x4x64xf32, #tpu.memory_space<vmem>> -> memref<1x4x64xf32, #tpu.memory_space<vmem>>
      %dma_wait3A_111 = tpu.memref_squeeze %dma_wait3A_110 : memref<1x4x64xf32, #tpu.memory_space<vmem>> -> memref<4x64xf32, #tpu.memory_space<vmem>>
      %dma_wait3A_112 = arith.constant 0 : i32
      %dma_wait3A_113 = tpu.memref_slice %arg2[%run_scoped3A_37, %add3A_36, %dma_wait3A_112] : memref<16x128x64xf32, #tpu.memory_space<hbm>> -> memref<1x4x64xf32, #tpu.memory_space<hbm>>
      %dma_wait3A_114 = tpu.memref_squeeze %dma_wait3A_113 : memref<1x4x64xf32, #tpu.memory_space<hbm>> -> memref<4x64xf32, #tpu.memory_space<hbm>>
      tpu.wait_dma2 semaphore(%run_scoped3A_88 : memref<!tpu.dma_semaphore, #tpu.memory_space<semaphore_mem>>) src(%dma_wait3A_114 : memref<4x64xf32, #tpu.memory_space<hbm>>) dst(%dma_wait3A_111 : memref<4x64xf32, #tpu.memory_space<vmem>>)
      tpu.yield
    }) : () -> ()
    %mul3A_39 = arith.constant 4 : i32
    %mul3A_40 = arith.muli %mul3A_39, %arg1 : i32
    %add3A_41 = arith.addi %mul3A_0, %mul3A_40 : i32
    %run_scoped3A_42 = arith.constant 8 : i32
    %run_scoped3A_43 = arith.constant 8 : i32
    "tpu.region"() ({
      %run_scoped3A_88 = tpu.sem_alloc : memref<!tpu.dma_semaphore, #tpu.memory_space<semaphore_mem>>
      %dma_start3A = arith.constant 0 : i32
      %dma_start3A_89 = arith.constant 0 : i32
      %dma_start3A_90 = tpu.memref_slice %arg5[%run_scoped3A_43, %dma_start3A, %dma_start3A_89] : memref<16x4x64xf32, #tpu.memory_space<vmem>> -> memref<1x4x64xf32, #tpu.memory_space<vmem>>
      %dma_start3A_91 = tpu.memref_squeeze %dma_start3A_90 : memref<1x4x64xf32, #tpu.memory_space<vmem>> -> memref<4x64xf32, #tpu.memory_space<vmem>>
      %dma_start3A_92 = arith.constant 0 : i32
      %dma_start3A_93 = tpu.memref_slice %arg2[%run_scoped3A_42, %add3A_41, %dma_start3A_92] : memref<16x128x64xf32, #tpu.memory_space<hbm>> -> memref<1x4x64xf32, #tpu.memory_space<hbm>>
      %dma_start3A_94 = tpu.memref_squeeze %dma_start3A_93 : memref<1x4x64xf32, #tpu.memory_space<hbm>> -> memref<4x64xf32, #tpu.memory_space<hbm>>
      %dma_start3A_95 = arith.constant 0 : i32
      %dma_start3A_96 = arith.constant 0 : i32
      %dma_start3A_97 = tpu.memref_slice %arg5[%run_scoped3A_43, %dma_start3A_95, %dma_start3A_96] : memref<16x4x64xf32, #tpu.memory_space<vmem>> -> memref<1x4x64xf32, #tpu.memory_space<vmem>>
      %dma_start3A_98 = tpu.memref_squeeze %dma_start3A_97 : memref<1x4x64xf32, #tpu.memory_space<vmem>> -> memref<4x64xf32, #tpu.memory_space<vmem>>
      %dma_start3A_99 = arith.constant 0 : i32
      %dma_start3A_100 = tpu.memref_slice %arg2[%run_scoped3A_42, %add3A_41, %dma_start3A_99] : memref<16x128x64xf32, #tpu.memory_space<hbm>> -> memref<1x4x64xf32, #tpu.memory_space<hbm>>
      %dma_start3A_101 = tpu.memref_squeeze %dma_start3A_100 : memref<1x4x64xf32, #tpu.memory_space<hbm>> -> memref<4x64xf32, #tpu.memory_space<hbm>>
      tpu.enqueue_dma source(%dma_start3A_101 : memref<4x64xf32, #tpu.memory_space<hbm>>) target(%dma_start3A_98 : memref<4x64xf32, #tpu.memory_space<vmem>>) target_semaphore(%run_scoped3A_88 : memref<!tpu.dma_semaphore, #tpu.memory_space<semaphore_mem>>)
      %dma_wait3A = arith.constant 0 : i32
      %dma_wait3A_102 = arith.constant 0 : i32
      %dma_wait3A_103 = tpu.memref_slice %arg5[%run_scoped3A_43, %dma_wait3A, %dma_wait3A_102] : memref<16x4x64xf32, #tpu.memory_space<vmem>> -> memref<1x4x64xf32, #tpu.memory_space<vmem>>
      %dma_wait3A_104 = tpu.memref_squeeze %dma_wait3A_103 : memref<1x4x64xf32, #tpu.memory_space<vmem>> -> memref<4x64xf32, #tpu.memory_space<vmem>>
      %dma_wait3A_105 = arith.constant 0 : i32
      %dma_wait3A_106 = tpu.memref_slice %arg2[%run_scoped3A_42, %add3A_41, %dma_wait3A_105] : memref<16x128x64xf32, #tpu.memory_space<hbm>> -> memref<1x4x64xf32, #tpu.memory_space<hbm>>
      %dma_wait3A_107 = tpu.memref_squeeze %dma_wait3A_106 : memref<1x4x64xf32, #tpu.memory_space<hbm>> -> memref<4x64xf32, #tpu.memory_space<hbm>>
      %dma_wait3A_108 = arith.constant 0 : i32
      %dma_wait3A_109 = arith.constant 0 : i32
      %dma_wait3A_110 = tpu.memref_slice %arg5[%run_scoped3A_43, %dma_wait3A_108, %dma_wait3A_109] : memref<16x4x64xf32, #tpu.memory_space<vmem>> -> memref<1x4x64xf32, #tpu.memory_space<vmem>>
      %dma_wait3A_111 = tpu.memref_squeeze %dma_wait3A_110 : memref<1x4x64xf32, #tpu.memory_space<vmem>> -> memref<4x64xf32, #tpu.memory_space<vmem>>
      %dma_wait3A_112 = arith.constant 0 : i32
      %dma_wait3A_113 = tpu.memref_slice %arg2[%run_scoped3A_42, %add3A_41, %dma_wait3A_112] : memref<16x128x64xf32, #tpu.memory_space<hbm>> -> memref<1x4x64xf32, #tpu.memory_space<hbm>>
      %dma_wait3A_114 = tpu.memref_squeeze %dma_wait3A_113 : memref<1x4x64xf32, #tpu.memory_space<hbm>> -> memref<4x64xf32, #tpu.memory_space<hbm>>
      tpu.wait_dma2 semaphore(%run_scoped3A_88 : memref<!tpu.dma_semaphore, #tpu.memory_space<semaphore_mem>>) src(%dma_wait3A_114 : memref<4x64xf32, #tpu.memory_space<hbm>>) dst(%dma_wait3A_111 : memref<4x64xf32, #tpu.memory_space<vmem>>)
      tpu.yield
    }) : () -> ()
    %mul3A_44 = arith.constant 4 : i32
    %mul3A_45 = arith.muli %mul3A_44, %arg1 : i32
    %add3A_46 = arith.addi %mul3A_0, %mul3A_45 : i32
    %run_scoped3A_47 = arith.constant 9 : i32
    %run_scoped3A_48 = arith.constant 9 : i32
    "tpu.region"() ({
      %run_scoped3A_88 = tpu.sem_alloc : memref<!tpu.dma_semaphore, #tpu.memory_space<semaphore_mem>>
      %dma_start3A = arith.constant 0 : i32
      %dma_start3A_89 = arith.constant 0 : i32
      %dma_start3A_90 = tpu.memref_slice %arg5[%run_scoped3A_48, %dma_start3A, %dma_start3A_89] : memref<16x4x64xf32, #tpu.memory_space<vmem>> -> memref<1x4x64xf32, #tpu.memory_space<vmem>>
      %dma_start3A_91 = tpu.memref_squeeze %dma_start3A_90 : memref<1x4x64xf32, #tpu.memory_space<vmem>> -> memref<4x64xf32, #tpu.memory_space<vmem>>
      %dma_start3A_92 = arith.constant 0 : i32
      %dma_start3A_93 = tpu.memref_slice %arg2[%run_scoped3A_47, %add3A_46, %dma_start3A_92] : memref<16x128x64xf32, #tpu.memory_space<hbm>> -> memref<1x4x64xf32, #tpu.memory_space<hbm>>
      %dma_start3A_94 = tpu.memref_squeeze %dma_start3A_93 : memref<1x4x64xf32, #tpu.memory_space<hbm>> -> memref<4x64xf32, #tpu.memory_space<hbm>>
      %dma_start3A_95 = arith.constant 0 : i32
      %dma_start3A_96 = arith.constant 0 : i32
      %dma_start3A_97 = tpu.memref_slice %arg5[%run_scoped3A_48, %dma_start3A_95, %dma_start3A_96] : memref<16x4x64xf32, #tpu.memory_space<vmem>> -> memref<1x4x64xf32, #tpu.memory_space<vmem>>
      %dma_start3A_98 = tpu.memref_squeeze %dma_start3A_97 : memref<1x4x64xf32, #tpu.memory_space<vmem>> -> memref<4x64xf32, #tpu.memory_space<vmem>>
      %dma_start3A_99 = arith.constant 0 : i32
      %dma_start3A_100 = tpu.memref_slice %arg2[%run_scoped3A_47, %add3A_46, %dma_start3A_99] : memref<16x128x64xf32, #tpu.memory_space<hbm>> -> memref<1x4x64xf32, #tpu.memory_space<hbm>>
      %dma_start3A_101 = tpu.memref_squeeze %dma_start3A_100 : memref<1x4x64xf32, #tpu.memory_space<hbm>> -> memref<4x64xf32, #tpu.memory_space<hbm>>
      tpu.enqueue_dma source(%dma_start3A_101 : memref<4x64xf32, #tpu.memory_space<hbm>>) target(%dma_start3A_98 : memref<4x64xf32, #tpu.memory_space<vmem>>) target_semaphore(%run_scoped3A_88 : memref<!tpu.dma_semaphore, #tpu.memory_space<semaphore_mem>>)
      %dma_wait3A = arith.constant 0 : i32
      %dma_wait3A_102 = arith.constant 0 : i32
      %dma_wait3A_103 = tpu.memref_slice %arg5[%run_scoped3A_48, %dma_wait3A, %dma_wait3A_102] : memref<16x4x64xf32, #tpu.memory_space<vmem>> -> memref<1x4x64xf32, #tpu.memory_space<vmem>>
      %dma_wait3A_104 = tpu.memref_squeeze %dma_wait3A_103 : memref<1x4x64xf32, #tpu.memory_space<vmem>> -> memref<4x64xf32, #tpu.memory_space<vmem>>
      %dma_wait3A_105 = arith.constant 0 : i32
      %dma_wait3A_106 = tpu.memref_slice %arg2[%run_scoped3A_47, %add3A_46, %dma_wait3A_105] : memref<16x128x64xf32, #tpu.memory_space<hbm>> -> memref<1x4x64xf32, #tpu.memory_space<hbm>>
      %dma_wait3A_107 = tpu.memref_squeeze %dma_wait3A_106 : memref<1x4x64xf32, #tpu.memory_space<hbm>> -> memref<4x64xf32, #tpu.memory_space<hbm>>
      %dma_wait3A_108 = arith.constant 0 : i32
      %dma_wait3A_109 = arith.constant 0 : i32
      %dma_wait3A_110 = tpu.memref_slice %arg5[%run_scoped3A_48, %dma_wait3A_108, %dma_wait3A_109] : memref<16x4x64xf32, #tpu.memory_space<vmem>> -> memref<1x4x64xf32, #tpu.memory_space<vmem>>
      %dma_wait3A_111 = tpu.memref_squeeze %dma_wait3A_110 : memref<1x4x64xf32, #tpu.memory_space<vmem>> -> memref<4x64xf32, #tpu.memory_space<vmem>>
      %dma_wait3A_112 = arith.constant 0 : i32
      %dma_wait3A_113 = tpu.memref_slice %arg2[%run_scoped3A_47, %add3A_46, %dma_wait3A_112] : memref<16x128x64xf32, #tpu.memory_space<hbm>> -> memref<1x4x64xf32, #tpu.memory_space<hbm>>
      %dma_wait3A_114 = tpu.memref_squeeze %dma_wait3A_113 : memref<1x4x64xf32, #tpu.memory_space<hbm>> -> memref<4x64xf32, #tpu.memory_space<hbm>>
      tpu.wait_dma2 semaphore(%run_scoped3A_88 : memref<!tpu.dma_semaphore, #tpu.memory_space<semaphore_mem>>) src(%dma_wait3A_114 : memref<4x64xf32, #tpu.memory_space<hbm>>) dst(%dma_wait3A_111 : memref<4x64xf32, #tpu.memory_space<vmem>>)
      tpu.yield
    }) : () -> ()
    %mul3A_49 = arith.constant 4 : i32
    %mul3A_50 = arith.muli %mul3A_49, %arg1 : i32
    %add3A_51 = arith.addi %mul3A_0, %mul3A_50 : i32
    %run_scoped3A_52 = arith.constant 10 : i32
    %run_scoped3A_53 = arith.constant 10 : i32
    "tpu.region"() ({
      %run_scoped3A_88 = tpu.sem_alloc : memref<!tpu.dma_semaphore, #tpu.memory_space<semaphore_mem>>
      %dma_start3A = arith.constant 0 : i32
      %dma_start3A_89 = arith.constant 0 : i32
      %dma_start3A_90 = tpu.memref_slice %arg5[%run_scoped3A_53, %dma_start3A, %dma_start3A_89] : memref<16x4x64xf32, #tpu.memory_space<vmem>> -> memref<1x4x64xf32, #tpu.memory_space<vmem>>
      %dma_start3A_91 = tpu.memref_squeeze %dma_start3A_90 : memref<1x4x64xf32, #tpu.memory_space<vmem>> -> memref<4x64xf32, #tpu.memory_space<vmem>>
      %dma_start3A_92 = arith.constant 0 : i32
      %dma_start3A_93 = tpu.memref_slice %arg2[%run_scoped3A_52, %add3A_51, %dma_start3A_92] : memref<16x128x64xf32, #tpu.memory_space<hbm>> -> memref<1x4x64xf32, #tpu.memory_space<hbm>>
      %dma_start3A_94 = tpu.memref_squeeze %dma_start3A_93 : memref<1x4x64xf32, #tpu.memory_space<hbm>> -> memref<4x64xf32, #tpu.memory_space<hbm>>
      %dma_start3A_95 = arith.constant 0 : i32
      %dma_start3A_96 = arith.constant 0 : i32
      %dma_start3A_97 = tpu.memref_slice %arg5[%run_scoped3A_53, %dma_start3A_95, %dma_start3A_96] : memref<16x4x64xf32, #tpu.memory_space<vmem>> -> memref<1x4x64xf32, #tpu.memory_space<vmem>>
      %dma_start3A_98 = tpu.memref_squeeze %dma_start3A_97 : memref<1x4x64xf32, #tpu.memory_space<vmem>> -> memref<4x64xf32, #tpu.memory_space<vmem>>
      %dma_start3A_99 = arith.constant 0 : i32
      %dma_start3A_100 = tpu.memref_slice %arg2[%run_scoped3A_52, %add3A_51, %dma_start3A_99] : memref<16x128x64xf32, #tpu.memory_space<hbm>> -> memref<1x4x64xf32, #tpu.memory_space<hbm>>
      %dma_start3A_101 = tpu.memref_squeeze %dma_start3A_100 : memref<1x4x64xf32, #tpu.memory_space<hbm>> -> memref<4x64xf32, #tpu.memory_space<hbm>>
      tpu.enqueue_dma source(%dma_start3A_101 : memref<4x64xf32, #tpu.memory_space<hbm>>) target(%dma_start3A_98 : memref<4x64xf32, #tpu.memory_space<vmem>>) target_semaphore(%run_scoped3A_88 : memref<!tpu.dma_semaphore, #tpu.memory_space<semaphore_mem>>)
      %dma_wait3A = arith.constant 0 : i32
      %dma_wait3A_102 = arith.constant 0 : i32
      %dma_wait3A_103 = tpu.memref_slice %arg5[%run_scoped3A_53, %dma_wait3A, %dma_wait3A_102] : memref<16x4x64xf32, #tpu.memory_space<vmem>> -> memref<1x4x64xf32, #tpu.memory_space<vmem>>
      %dma_wait3A_104 = tpu.memref_squeeze %dma_wait3A_103 : memref<1x4x64xf32, #tpu.memory_space<vmem>> -> memref<4x64xf32, #tpu.memory_space<vmem>>
      %dma_wait3A_105 = arith.constant 0 : i32
      %dma_wait3A_106 = tpu.memref_slice %arg2[%run_scoped3A_52, %add3A_51, %dma_wait3A_105] : memref<16x128x64xf32, #tpu.memory_space<hbm>> -> memref<1x4x64xf32, #tpu.memory_space<hbm>>
      %dma_wait3A_107 = tpu.memref_squeeze %dma_wait3A_106 : memref<1x4x64xf32, #tpu.memory_space<hbm>> -> memref<4x64xf32, #tpu.memory_space<hbm>>
      %dma_wait3A_108 = arith.constant 0 : i32
      %dma_wait3A_109 = arith.constant 0 : i32
      %dma_wait3A_110 = tpu.memref_slice %arg5[%run_scoped3A_53, %dma_wait3A_108, %dma_wait3A_109] : memref<16x4x64xf32, #tpu.memory_space<vmem>> -> memref<1x4x64xf32, #tpu.memory_space<vmem>>
      %dma_wait3A_111 = tpu.memref_squeeze %dma_wait3A_110 : memref<1x4x64xf32, #tpu.memory_space<vmem>> -> memref<4x64xf32, #tpu.memory_space<vmem>>
      %dma_wait3A_112 = arith.constant 0 : i32
      %dma_wait3A_113 = tpu.memref_slice %arg2[%run_scoped3A_52, %add3A_51, %dma_wait3A_112] : memref<16x128x64xf32, #tpu.memory_space<hbm>> -> memref<1x4x64xf32, #tpu.memory_space<hbm>>
      %dma_wait3A_114 = tpu.memref_squeeze %dma_wait3A_113 : memref<1x4x64xf32, #tpu.memory_space<hbm>> -> memref<4x64xf32, #tpu.memory_space<hbm>>
      tpu.wait_dma2 semaphore(%run_scoped3A_88 : memref<!tpu.dma_semaphore, #tpu.memory_space<semaphore_mem>>) src(%dma_wait3A_114 : memref<4x64xf32, #tpu.memory_space<hbm>>) dst(%dma_wait3A_111 : memref<4x64xf32, #tpu.memory_space<vmem>>)
      tpu.yield
    }) : () -> ()
    %mul3A_54 = arith.constant 4 : i32
    %mul3A_55 = arith.muli %mul3A_54, %arg1 : i32
    %add3A_56 = arith.addi %mul3A_0, %mul3A_55 : i32
    %run_scoped3A_57 = arith.constant 11 : i32
    %run_scoped3A_58 = arith.constant 11 : i32
    "tpu.region"() ({
      %run_scoped3A_88 = tpu.sem_alloc : memref<!tpu.dma_semaphore, #tpu.memory_space<semaphore_mem>>
      %dma_start3A = arith.constant 0 : i32
      %dma_start3A_89 = arith.constant 0 : i32
      %dma_start3A_90 = tpu.memref_slice %arg5[%run_scoped3A_58, %dma_start3A, %dma_start3A_89] : memref<16x4x64xf32, #tpu.memory_space<vmem>> -> memref<1x4x64xf32, #tpu.memory_space<vmem>>
      %dma_start3A_91 = tpu.memref_squeeze %dma_start3A_90 : memref<1x4x64xf32, #tpu.memory_space<vmem>> -> memref<4x64xf32, #tpu.memory_space<vmem>>
      %dma_start3A_92 = arith.constant 0 : i32
      %dma_start3A_93 = tpu.memref_slice %arg2[%run_scoped3A_57, %add3A_56, %dma_start3A_92] : memref<16x128x64xf32, #tpu.memory_space<hbm>> -> memref<1x4x64xf32, #tpu.memory_space<hbm>>
      %dma_start3A_94 = tpu.memref_squeeze %dma_start3A_93 : memref<1x4x64xf32, #tpu.memory_space<hbm>> -> memref<4x64xf32, #tpu.memory_space<hbm>>
      %dma_start3A_95 = arith.constant 0 : i32
      %dma_start3A_96 = arith.constant 0 : i32
      %dma_start3A_97 = tpu.memref_slice %arg5[%run_scoped3A_58, %dma_start3A_95, %dma_start3A_96] : memref<16x4x64xf32, #tpu.memory_space<vmem>> -> memref<1x4x64xf32, #tpu.memory_space<vmem>>
      %dma_start3A_98 = tpu.memref_squeeze %dma_start3A_97 : memref<1x4x64xf32, #tpu.memory_space<vmem>> -> memref<4x64xf32, #tpu.memory_space<vmem>>
      %dma_start3A_99 = arith.constant 0 : i32
      %dma_start3A_100 = tpu.memref_slice %arg2[%run_scoped3A_57, %add3A_56, %dma_start3A_99] : memref<16x128x64xf32, #tpu.memory_space<hbm>> -> memref<1x4x64xf32, #tpu.memory_space<hbm>>
      %dma_start3A_101 = tpu.memref_squeeze %dma_start3A_100 : memref<1x4x64xf32, #tpu.memory_space<hbm>> -> memref<4x64xf32, #tpu.memory_space<hbm>>
      tpu.enqueue_dma source(%dma_start3A_101 : memref<4x64xf32, #tpu.memory_space<hbm>>) target(%dma_start3A_98 : memref<4x64xf32, #tpu.memory_space<vmem>>) target_semaphore(%run_scoped3A_88 : memref<!tpu.dma_semaphore, #tpu.memory_space<semaphore_mem>>)
      %dma_wait3A = arith.constant 0 : i32
      %dma_wait3A_102 = arith.constant 0 : i32
      %dma_wait3A_103 = tpu.memref_slice %arg5[%run_scoped3A_58, %dma_wait3A, %dma_wait3A_102] : memref<16x4x64xf32, #tpu.memory_space<vmem>> -> memref<1x4x64xf32, #tpu.memory_space<vmem>>
      %dma_wait3A_104 = tpu.memref_squeeze %dma_wait3A_103 : memref<1x4x64xf32, #tpu.memory_space<vmem>> -> memref<4x64xf32, #tpu.memory_space<vmem>>
      %dma_wait3A_105 = arith.constant 0 : i32
      %dma_wait3A_106 = tpu.memref_slice %arg2[%run_scoped3A_57, %add3A_56, %dma_wait3A_105] : memref<16x128x64xf32, #tpu.memory_space<hbm>> -> memref<1x4x64xf32, #tpu.memory_space<hbm>>
      %dma_wait3A_107 = tpu.memref_squeeze %dma_wait3A_106 : memref<1x4x64xf32, #tpu.memory_space<hbm>> -> memref<4x64xf32, #tpu.memory_space<hbm>>
      %dma_wait3A_108 = arith.constant 0 : i32
      %dma_wait3A_109 = arith.constant 0 : i32
      %dma_wait3A_110 = tpu.memref_slice %arg5[%run_scoped3A_58, %dma_wait3A_108, %dma_wait3A_109] : memref<16x4x64xf32, #tpu.memory_space<vmem>> -> memref<1x4x64xf32, #tpu.memory_space<vmem>>
      %dma_wait3A_111 = tpu.memref_squeeze %dma_wait3A_110 : memref<1x4x64xf32, #tpu.memory_space<vmem>> -> memref<4x64xf32, #tpu.memory_space<vmem>>
      %dma_wait3A_112 = arith.constant 0 : i32
      %dma_wait3A_113 = tpu.memref_slice %arg2[%run_scoped3A_57, %add3A_56, %dma_wait3A_112] : memref<16x128x64xf32, #tpu.memory_space<hbm>> -> memref<1x4x64xf32, #tpu.memory_space<hbm>>
      %dma_wait3A_114 = tpu.memref_squeeze %dma_wait3A_113 : memref<1x4x64xf32, #tpu.memory_space<hbm>> -> memref<4x64xf32, #tpu.memory_space<hbm>>
      tpu.wait_dma2 semaphore(%run_scoped3A_88 : memref<!tpu.dma_semaphore, #tpu.memory_space<semaphore_mem>>) src(%dma_wait3A_114 : memref<4x64xf32, #tpu.memory_space<hbm>>) dst(%dma_wait3A_111 : memref<4x64xf32, #tpu.memory_space<vmem>>)
      tpu.yield
    }) : () -> ()
    %mul3A_59 = arith.constant 4 : i32
    %mul3A_60 = arith.muli %mul3A_59, %arg1 : i32
    %add3A_61 = arith.addi %mul3A_0, %mul3A_60 : i32
    %run_scoped3A_62 = arith.constant 12 : i32
    %run_scoped3A_63 = arith.constant 12 : i32
    "tpu.region"() ({
      %run_scoped3A_88 = tpu.sem_alloc : memref<!tpu.dma_semaphore, #tpu.memory_space<semaphore_mem>>
      %dma_start3A = arith.constant 0 : i32
      %dma_start3A_89 = arith.constant 0 : i32
      %dma_start3A_90 = tpu.memref_slice %arg5[%run_scoped3A_63, %dma_start3A, %dma_start3A_89] : memref<16x4x64xf32, #tpu.memory_space<vmem>> -> memref<1x4x64xf32, #tpu.memory_space<vmem>>
      %dma_start3A_91 = tpu.memref_squeeze %dma_start3A_90 : memref<1x4x64xf32, #tpu.memory_space<vmem>> -> memref<4x64xf32, #tpu.memory_space<vmem>>
      %dma_start3A_92 = arith.constant 0 : i32
      %dma_start3A_93 = tpu.memref_slice %arg2[%run_scoped3A_62, %add3A_61, %dma_start3A_92] : memref<16x128x64xf32, #tpu.memory_space<hbm>> -> memref<1x4x64xf32, #tpu.memory_space<hbm>>
      %dma_start3A_94 = tpu.memref_squeeze %dma_start3A_93 : memref<1x4x64xf32, #tpu.memory_space<hbm>> -> memref<4x64xf32, #tpu.memory_space<hbm>>
      %dma_start3A_95 = arith.constant 0 : i32
      %dma_start3A_96 = arith.constant 0 : i32
      %dma_start3A_97 = tpu.memref_slice %arg5[%run_scoped3A_63, %dma_start3A_95, %dma_start3A_96] : memref<16x4x64xf32, #tpu.memory_space<vmem>> -> memref<1x4x64xf32, #tpu.memory_space<vmem>>
      %dma_start3A_98 = tpu.memref_squeeze %dma_start3A_97 : memref<1x4x64xf32, #tpu.memory_space<vmem>> -> memref<4x64xf32, #tpu.memory_space<vmem>>
      %dma_start3A_99 = arith.constant 0 : i32
      %dma_start3A_100 = tpu.memref_slice %arg2[%run_scoped3A_62, %add3A_61, %dma_start3A_99] : memref<16x128x64xf32, #tpu.memory_space<hbm>> -> memref<1x4x64xf32, #tpu.memory_space<hbm>>
      %dma_start3A_101 = tpu.memref_squeeze %dma_start3A_100 : memref<1x4x64xf32, #tpu.memory_space<hbm>> -> memref<4x64xf32, #tpu.memory_space<hbm>>
      tpu.enqueue_dma source(%dma_start3A_101 : memref<4x64xf32, #tpu.memory_space<hbm>>) target(%dma_start3A_98 : memref<4x64xf32, #tpu.memory_space<vmem>>) target_semaphore(%run_scoped3A_88 : memref<!tpu.dma_semaphore, #tpu.memory_space<semaphore_mem>>)
      %dma_wait3A = arith.constant 0 : i32
      %dma_wait3A_102 = arith.constant 0 : i32
      %dma_wait3A_103 = tpu.memref_slice %arg5[%run_scoped3A_63, %dma_wait3A, %dma_wait3A_102] : memref<16x4x64xf32, #tpu.memory_space<vmem>> -> memref<1x4x64xf32, #tpu.memory_space<vmem>>
      %dma_wait3A_104 = tpu.memref_squeeze %dma_wait3A_103 : memref<1x4x64xf32, #tpu.memory_space<vmem>> -> memref<4x64xf32, #tpu.memory_space<vmem>>
      %dma_wait3A_105 = arith.constant 0 : i32
      %dma_wait3A_106 = tpu.memref_slice %arg2[%run_scoped3A_62, %add3A_61, %dma_wait3A_105] : memref<16x128x64xf32, #tpu.memory_space<hbm>> -> memref<1x4x64xf32, #tpu.memory_space<hbm>>
      %dma_wait3A_107 = tpu.memref_squeeze %dma_wait3A_106 : memref<1x4x64xf32, #tpu.memory_space<hbm>> -> memref<4x64xf32, #tpu.memory_space<hbm>>
      %dma_wait3A_108 = arith.constant 0 : i32
      %dma_wait3A_109 = arith.constant 0 : i32
      %dma_wait3A_110 = tpu.memref_slice %arg5[%run_scoped3A_63, %dma_wait3A_108, %dma_wait3A_109] : memref<16x4x64xf32, #tpu.memory_space<vmem>> -> memref<1x4x64xf32, #tpu.memory_space<vmem>>
      %dma_wait3A_111 = tpu.memref_squeeze %dma_wait3A_110 : memref<1x4x64xf32, #tpu.memory_space<vmem>> -> memref<4x64xf32, #tpu.memory_space<vmem>>
      %dma_wait3A_112 = arith.constant 0 : i32
      %dma_wait3A_113 = tpu.memref_slice %arg2[%run_scoped3A_62, %add3A_61, %dma_wait3A_112] : memref<16x128x64xf32, #tpu.memory_space<hbm>> -> memref<1x4x64xf32, #tpu.memory_space<hbm>>
      %dma_wait3A_114 = tpu.memref_squeeze %dma_wait3A_113 : memref<1x4x64xf32, #tpu.memory_space<hbm>> -> memref<4x64xf32, #tpu.memory_space<hbm>>
      tpu.wait_dma2 semaphore(%run_scoped3A_88 : memref<!tpu.dma_semaphore, #tpu.memory_space<semaphore_mem>>) src(%dma_wait3A_114 : memref<4x64xf32, #tpu.memory_space<hbm>>) dst(%dma_wait3A_111 : memref<4x64xf32, #tpu.memory_space<vmem>>)
      tpu.yield
    }) : () -> ()
    %mul3A_64 = arith.constant 4 : i32
    %mul3A_65 = arith.muli %mul3A_64, %arg1 : i32
    %add3A_66 = arith.addi %mul3A_0, %mul3A_65 : i32
    %run_scoped3A_67 = arith.constant 13 : i32
    %run_scoped3A_68 = arith.constant 13 : i32
    "tpu.region"() ({
      %run_scoped3A_88 = tpu.sem_alloc : memref<!tpu.dma_semaphore, #tpu.memory_space<semaphore_mem>>
      %dma_start3A = arith.constant 0 : i32
      %dma_start3A_89 = arith.constant 0 : i32
      %dma_start3A_90 = tpu.memref_slice %arg5[%run_scoped3A_68, %dma_start3A, %dma_start3A_89] : memref<16x4x64xf32, #tpu.memory_space<vmem>> -> memref<1x4x64xf32, #tpu.memory_space<vmem>>
      %dma_start3A_91 = tpu.memref_squeeze %dma_start3A_90 : memref<1x4x64xf32, #tpu.memory_space<vmem>> -> memref<4x64xf32, #tpu.memory_space<vmem>>
      %dma_start3A_92 = arith.constant 0 : i32
      %dma_start3A_93 = tpu.memref_slice %arg2[%run_scoped3A_67, %add3A_66, %dma_start3A_92] : memref<16x128x64xf32, #tpu.memory_space<hbm>> -> memref<1x4x64xf32, #tpu.memory_space<hbm>>
      %dma_start3A_94 = tpu.memref_squeeze %dma_start3A_93 : memref<1x4x64xf32, #tpu.memory_space<hbm>> -> memref<4x64xf32, #tpu.memory_space<hbm>>
      %dma_start3A_95 = arith.constant 0 : i32
      %dma_start3A_96 = arith.constant 0 : i32
      %dma_start3A_97 = tpu.memref_slice %arg5[%run_scoped3A_68, %dma_start3A_95, %dma_start3A_96] : memref<16x4x64xf32, #tpu.memory_space<vmem>> -> memref<1x4x64xf32, #tpu.memory_space<vmem>>
      %dma_start3A_98 = tpu.memref_squeeze %dma_start3A_97 : memref<1x4x64xf32, #tpu.memory_space<vmem>> -> memref<4x64xf32, #tpu.memory_space<vmem>>
      %dma_start3A_99 = arith.constant 0 : i32
      %dma_start3A_100 = tpu.memref_slice %arg2[%run_scoped3A_67, %add3A_66, %dma_start3A_99] : memref<16x128x64xf32, #tpu.memory_space<hbm>> -> memref<1x4x64xf32, #tpu.memory_space<hbm>>
      %dma_start3A_101 = tpu.memref_squeeze %dma_start3A_100 : memref<1x4x64xf32, #tpu.memory_space<hbm>> -> memref<4x64xf32, #tpu.memory_space<hbm>>
      tpu.enqueue_dma source(%dma_start3A_101 : memref<4x64xf32, #tpu.memory_space<hbm>>) target(%dma_start3A_98 : memref<4x64xf32, #tpu.memory_space<vmem>>) target_semaphore(%run_scoped3A_88 : memref<!tpu.dma_semaphore, #tpu.memory_space<semaphore_mem>>)
      %dma_wait3A = arith.constant 0 : i32
      %dma_wait3A_102 = arith.constant 0 : i32
      %dma_wait3A_103 = tpu.memref_slice %arg5[%run_scoped3A_68, %dma_wait3A, %dma_wait3A_102] : memref<16x4x64xf32, #tpu.memory_space<vmem>> -> memref<1x4x64xf32, #tpu.memory_space<vmem>>
      %dma_wait3A_104 = tpu.memref_squeeze %dma_wait3A_103 : memref<1x4x64xf32, #tpu.memory_space<vmem>> -> memref<4x64xf32, #tpu.memory_space<vmem>>
      %dma_wait3A_105 = arith.constant 0 : i32
      %dma_wait3A_106 = tpu.memref_slice %arg2[%run_scoped3A_67, %add3A_66, %dma_wait3A_105] : memref<16x128x64xf32, #tpu.memory_space<hbm>> -> memref<1x4x64xf32, #tpu.memory_space<hbm>>
      %dma_wait3A_107 = tpu.memref_squeeze %dma_wait3A_106 : memref<1x4x64xf32, #tpu.memory_space<hbm>> -> memref<4x64xf32, #tpu.memory_space<hbm>>
      %dma_wait3A_108 = arith.constant 0 : i32
      %dma_wait3A_109 = arith.constant 0 : i32
      %dma_wait3A_110 = tpu.memref_slice %arg5[%run_scoped3A_68, %dma_wait3A_108, %dma_wait3A_109] : memref<16x4x64xf32, #tpu.memory_space<vmem>> -> memref<1x4x64xf32, #tpu.memory_space<vmem>>
      %dma_wait3A_111 = tpu.memref_squeeze %dma_wait3A_110 : memref<1x4x64xf32, #tpu.memory_space<vmem>> -> memref<4x64xf32, #tpu.memory_space<vmem>>
      %dma_wait3A_112 = arith.constant 0 : i32
      %dma_wait3A_113 = tpu.memref_slice %arg2[%run_scoped3A_67, %add3A_66, %dma_wait3A_112] : memref<16x128x64xf32, #tpu.memory_space<hbm>> -> memref<1x4x64xf32, #tpu.memory_space<hbm>>
      %dma_wait3A_114 = tpu.memref_squeeze %dma_wait3A_113 : memref<1x4x64xf32, #tpu.memory_space<hbm>> -> memref<4x64xf32, #tpu.memory_space<hbm>>
      tpu.wait_dma2 semaphore(%run_scoped3A_88 : memref<!tpu.dma_semaphore, #tpu.memory_space<semaphore_mem>>) src(%dma_wait3A_114 : memref<4x64xf32, #tpu.memory_space<hbm>>) dst(%dma_wait3A_111 : memref<4x64xf32, #tpu.memory_space<vmem>>)
      tpu.yield
    }) : () -> ()
    %mul3A_69 = arith.constant 4 : i32
    %mul3A_70 = arith.muli %mul3A_69, %arg1 : i32
    %add3A_71 = arith.addi %mul3A_0, %mul3A_70 : i32
    %run_scoped3A_72 = arith.constant 14 : i32
    %run_scoped3A_73 = arith.constant 14 : i32
    "tpu.region"() ({
      %run_scoped3A_88 = tpu.sem_alloc : memref<!tpu.dma_semaphore, #tpu.memory_space<semaphore_mem>>
      %dma_start3A = arith.constant 0 : i32
      %dma_start3A_89 = arith.constant 0 : i32
      %dma_start3A_90 = tpu.memref_slice %arg5[%run_scoped3A_73, %dma_start3A, %dma_start3A_89] : memref<16x4x64xf32, #tpu.memory_space<vmem>> -> memref<1x4x64xf32, #tpu.memory_space<vmem>>
      %dma_start3A_91 = tpu.memref_squeeze %dma_start3A_90 : memref<1x4x64xf32, #tpu.memory_space<vmem>> -> memref<4x64xf32, #tpu.memory_space<vmem>>
      %dma_start3A_92 = arith.constant 0 : i32
      %dma_start3A_93 = tpu.memref_slice %arg2[%run_scoped3A_72, %add3A_71, %dma_start3A_92] : memref<16x128x64xf32, #tpu.memory_space<hbm>> -> memref<1x4x64xf32, #tpu.memory_space<hbm>>
      %dma_start3A_94 = tpu.memref_squeeze %dma_start3A_93 : memref<1x4x64xf32, #tpu.memory_space<hbm>> -> memref<4x64xf32, #tpu.memory_space<hbm>>
      %dma_start3A_95 = arith.constant 0 : i32
      %dma_start3A_96 = arith.constant 0 : i32
      %dma_start3A_97 = tpu.memref_slice %arg5[%run_scoped3A_73, %dma_start3A_95, %dma_start3A_96] : memref<16x4x64xf32, #tpu.memory_space<vmem>> -> memref<1x4x64xf32, #tpu.memory_space<vmem>>
      %dma_start3A_98 = tpu.memref_squeeze %dma_start3A_97 : memref<1x4x64xf32, #tpu.memory_space<vmem>> -> memref<4x64xf32, #tpu.memory_space<vmem>>
      %dma_start3A_99 = arith.constant 0 : i32
      %dma_start3A_100 = tpu.memref_slice %arg2[%run_scoped3A_72, %add3A_71, %dma_start3A_99] : memref<16x128x64xf32, #tpu.memory_space<hbm>> -> memref<1x4x64xf32, #tpu.memory_space<hbm>>
      %dma_start3A_101 = tpu.memref_squeeze %dma_start3A_100 : memref<1x4x64xf32, #tpu.memory_space<hbm>> -> memref<4x64xf32, #tpu.memory_space<hbm>>
      tpu.enqueue_dma source(%dma_start3A_101 : memref<4x64xf32, #tpu.memory_space<hbm>>) target(%dma_start3A_98 : memref<4x64xf32, #tpu.memory_space<vmem>>) target_semaphore(%run_scoped3A_88 : memref<!tpu.dma_semaphore, #tpu.memory_space<semaphore_mem>>)
      %dma_wait3A = arith.constant 0 : i32
      %dma_wait3A_102 = arith.constant 0 : i32
      %dma_wait3A_103 = tpu.memref_slice %arg5[%run_scoped3A_73, %dma_wait3A, %dma_wait3A_102] : memref<16x4x64xf32, #tpu.memory_space<vmem>> -> memref<1x4x64xf32, #tpu.memory_space<vmem>>
      %dma_wait3A_104 = tpu.memref_squeeze %dma_wait3A_103 : memref<1x4x64xf32, #tpu.memory_space<vmem>> -> memref<4x64xf32, #tpu.memory_space<vmem>>
      %dma_wait3A_105 = arith.constant 0 : i32
      %dma_wait3A_106 = tpu.memref_slice %arg2[%run_scoped3A_72, %add3A_71, %dma_wait3A_105] : memref<16x128x64xf32, #tpu.memory_space<hbm>> -> memref<1x4x64xf32, #tpu.memory_space<hbm>>
      %dma_wait3A_107 = tpu.memref_squeeze %dma_wait3A_106 : memref<1x4x64xf32, #tpu.memory_space<hbm>> -> memref<4x64xf32, #tpu.memory_space<hbm>>
      %dma_wait3A_108 = arith.constant 0 : i32
      %dma_wait3A_109 = arith.constant 0 : i32
      %dma_wait3A_110 = tpu.memref_slice %arg5[%run_scoped3A_73, %dma_wait3A_108, %dma_wait3A_109] : memref<16x4x64xf32, #tpu.memory_space<vmem>> -> memref<1x4x64xf32, #tpu.memory_space<vmem>>
      %dma_wait3A_111 = tpu.memref_squeeze %dma_wait3A_110 : memref<1x4x64xf32, #tpu.memory_space<vmem>> -> memref<4x64xf32, #tpu.memory_space<vmem>>
      %dma_wait3A_112 = arith.constant 0 : i32
      %dma_wait3A_113 = tpu.memref_slice %arg2[%run_scoped3A_72, %add3A_71, %dma_wait3A_112] : memref<16x128x64xf32, #tpu.memory_space<hbm>> -> memref<1x4x64xf32, #tpu.memory_space<hbm>>
      %dma_wait3A_114 = tpu.memref_squeeze %dma_wait3A_113 : memref<1x4x64xf32, #tpu.memory_space<hbm>> -> memref<4x64xf32, #tpu.memory_space<hbm>>
      tpu.wait_dma2 semaphore(%run_scoped3A_88 : memref<!tpu.dma_semaphore, #tpu.memory_space<semaphore_mem>>) src(%dma_wait3A_114 : memref<4x64xf32, #tpu.memory_space<hbm>>) dst(%dma_wait3A_111 : memref<4x64xf32, #tpu.memory_space<vmem>>)
      tpu.yield
    }) : () -> ()
    %mul3A_74 = arith.constant 4 : i32
    %mul3A_75 = arith.muli %mul3A_74, %arg1 : i32
    %add3A_76 = arith.addi %mul3A_0, %mul3A_75 : i32
    %run_scoped3A_77 = arith.constant 15 : i32
    %run_scoped3A_78 = arith.constant 15 : i32
    "tpu.region"() ({
      %run_scoped3A_88 = tpu.sem_alloc : memref<!tpu.dma_semaphore, #tpu.memory_space<semaphore_mem>>
      %dma_start3A = arith.constant 0 : i32
      %dma_start3A_89 = arith.constant 0 : i32
      %dma_start3A_90 = tpu.memref_slice %arg5[%run_scoped3A_78, %dma_start3A, %dma_start3A_89] : memref<16x4x64xf32, #tpu.memory_space<vmem>> -> memref<1x4x64xf32, #tpu.memory_space<vmem>>
      %dma_start3A_91 = tpu.memref_squeeze %dma_start3A_90 : memref<1x4x64xf32, #tpu.memory_space<vmem>> -> memref<4x64xf32, #tpu.memory_space<vmem>>
      %dma_start3A_92 = arith.constant 0 : i32
      %dma_start3A_93 = tpu.memref_slice %arg2[%run_scoped3A_77, %add3A_76, %dma_start3A_92] : memref<16x128x64xf32, #tpu.memory_space<hbm>> -> memref<1x4x64xf32, #tpu.memory_space<hbm>>
      %dma_start3A_94 = tpu.memref_squeeze %dma_start3A_93 : memref<1x4x64xf32, #tpu.memory_space<hbm>> -> memref<4x64xf32, #tpu.memory_space<hbm>>
      %dma_start3A_95 = arith.constant 0 : i32
      %dma_start3A_96 = arith.constant 0 : i32
      %dma_start3A_97 = tpu.memref_slice %arg5[%run_scoped3A_78, %dma_start3A_95, %dma_start3A_96] : memref<16x4x64xf32, #tpu.memory_space<vmem>> -> memref<1x4x64xf32, #tpu.memory_space<vmem>>
      %dma_start3A_98 = tpu.memref_squeeze %dma_start3A_97 : memref<1x4x64xf32, #tpu.memory_space<vmem>> -> memref<4x64xf32, #tpu.memory_space<vmem>>
      %dma_start3A_99 = arith.constant 0 : i32
      %dma_start3A_100 = tpu.memref_slice %arg2[%run_scoped3A_77, %add3A_76, %dma_start3A_99] : memref<16x128x64xf32, #tpu.memory_space<hbm>> -> memref<1x4x64xf32, #tpu.memory_space<hbm>>
      %dma_start3A_101 = tpu.memref_squeeze %dma_start3A_100 : memref<1x4x64xf32, #tpu.memory_space<hbm>> -> memref<4x64xf32, #tpu.memory_space<hbm>>
      tpu.enqueue_dma source(%dma_start3A_101 : memref<4x64xf32, #tpu.memory_space<hbm>>) target(%dma_start3A_98 : memref<4x64xf32, #tpu.memory_space<vmem>>) target_semaphore(%run_scoped3A_88 : memref<!tpu.dma_semaphore, #tpu.memory_space<semaphore_mem>>)
      %dma_wait3A = arith.constant 0 : i32
      %dma_wait3A_102 = arith.constant 0 : i32
      %dma_wait3A_103 = tpu.memref_slice %arg5[%run_scoped3A_78, %dma_wait3A, %dma_wait3A_102] : memref<16x4x64xf32, #tpu.memory_space<vmem>> -> memref<1x4x64xf32, #tpu.memory_space<vmem>>
      %dma_wait3A_104 = tpu.memref_squeeze %dma_wait3A_103 : memref<1x4x64xf32, #tpu.memory_space<vmem>> -> memref<4x64xf32, #tpu.memory_space<vmem>>
      %dma_wait3A_105 = arith.constant 0 : i32
      %dma_wait3A_106 = tpu.memref_slice %arg2[%run_scoped3A_77, %add3A_76, %dma_wait3A_105] : memref<16x128x64xf32, #tpu.memory_space<hbm>> -> memref<1x4x64xf32, #tpu.memory_space<hbm>>
      %dma_wait3A_107 = tpu.memref_squeeze %dma_wait3A_106 : memref<1x4x64xf32, #tpu.memory_space<hbm>> -> memref<4x64xf32, #tpu.memory_space<hbm>>
      %dma_wait3A_108 = arith.constant 0 : i32
      %dma_wait3A_109 = arith.constant 0 : i32
      %dma_wait3A_110 = tpu.memref_slice %arg5[%run_scoped3A_78, %dma_wait3A_108, %dma_wait3A_109] : memref<16x4x64xf32, #tpu.memory_space<vmem>> -> memref<1x4x64xf32, #tpu.memory_space<vmem>>
      %dma_wait3A_111 = tpu.memref_squeeze %dma_wait3A_110 : memref<1x4x64xf32, #tpu.memory_space<vmem>> -> memref<4x64xf32, #tpu.memory_space<vmem>>
      %dma_wait3A_112 = arith.constant 0 : i32
      %dma_wait3A_113 = tpu.memref_slice %arg2[%run_scoped3A_77, %add3A_76, %dma_wait3A_112] : memref<16x128x64xf32, #tpu.memory_space<hbm>> -> memref<1x4x64xf32, #tpu.memory_space<hbm>>
      %dma_wait3A_114 = tpu.memref_squeeze %dma_wait3A_113 : memref<1x4x64xf32, #tpu.memory_space<hbm>> -> memref<4x64xf32, #tpu.memory_space<hbm>>
      tpu.wait_dma2 semaphore(%run_scoped3A_88 : memref<!tpu.dma_semaphore, #tpu.memory_space<semaphore_mem>>) src(%dma_wait3A_114 : memref<4x64xf32, #tpu.memory_space<hbm>>) dst(%dma_wait3A_111 : memref<4x64xf32, #tpu.memory_space<vmem>>)
      tpu.yield
    }) : () -> ()
    %scan3A = arith.constant 0 : i32
    %scan3A_79 = arith.constant 0 : i32
    %scan3A_80 = arith.constant 4 : i32
    %scan3A_81 = arith.addi %scan3A_79, %scan3A_80 : i32
    %scan3A_82 = arith.constant 1 : i32
    %scan3A_83 = scf.for %scan3A_88 = %scan3A_79 to %scan3A_81 step %scan3A_82 iter_args(%scan3A_89 = %scan3A) -> (i32)  : i32 {
      %get3A = arith.constant 0 : i32
      %get3A_90 = arith.index_cast %get3A : i32 to index
      %get3A_91 = arith.index_cast %scan3A_88 : i32 to index
      %get3A_92 = arith.constant 0 : index
      %get3A_93 = tpu.vector_load %arg5[%get3A_90, %get3A_91, %get3A_92] {strides = array<i32>} : memref<16x4x64xf32, #tpu.memory_space<vmem>>, vector<16xf32>,
      %get3A_94 = arith.constant 0 : i32
      %get3A_95 = arith.index_cast %get3A_94 : i32 to index
      %get3A_96 = arith.index_cast %scan3A_88 : i32 to index
      %get3A_97 = arith.constant 16 : index
      %get3A_98 = tpu.vector_load %arg5[%get3A_95, %get3A_96, %get3A_97] {strides = array<i32>} : memref<16x4x64xf32, #tpu.memory_space<vmem>>, vector<16xf32>,
      %get3A_99 = arith.constant 0 : i32
      %get3A_100 = arith.index_cast %get3A_99 : i32 to index
      %get3A_101 = arith.index_cast %scan3A_88 : i32 to index
      %get3A_102 = arith.constant 32 : index
      %get3A_103 = tpu.vector_load %arg5[%get3A_100, %get3A_101, %get3A_102] {strides = array<i32>} : memref<16x4x64xf32, #tpu.memory_space<vmem>>, vector<16xf32>,
      %get3A_104 = arith.constant 0 : i32
      %get3A_105 = arith.index_cast %get3A_104 : i32 to index
      %get3A_106 = arith.index_cast %scan3A_88 : i32 to index
      %get3A_107 = arith.constant 48 : index
      %get3A_108 = tpu.vector_load %arg5[%get3A_105, %get3A_106, %get3A_107] {strides = array<i32>} : memref<16x4x64xf32, #tpu.memory_space<vmem>>, vector<16xf32>,
      %get3A_109 = arith.constant 1 : i32
      %get3A_110 = arith.index_cast %get3A_109 : i32 to index
      %get3A_111 = arith.index_cast %scan3A_88 : i32 to index
      %get3A_112 = arith.constant 0 : index
      %get3A_113 = tpu.vector_load %arg5[%get3A_110, %get3A_111, %get3A_112] {strides = array<i32>} : memref<16x4x64xf32, #tpu.memory_space<vmem>>, vector<16xf32>,
      %get3A_114 = arith.constant 1 : i32
      %get3A_115 = arith.index_cast %get3A_114 : i32 to index
      %get3A_116 = arith.index_cast %scan3A_88 : i32 to index
      %get3A_117 = arith.constant 16 : index
      %get3A_118 = tpu.vector_load %arg5[%get3A_115, %get3A_116, %get3A_117] {strides = array<i32>} : memref<16x4x64xf32, #tpu.memory_space<vmem>>, vector<16xf32>,
      %get3A_119 = arith.constant 1 : i32
      %get3A_120 = arith.index_cast %get3A_119 : i32 to index
      %get3A_121 = arith.index_cast %scan3A_88 : i32 to index
      %get3A_122 = arith.constant 32 : index
      %get3A_123 = tpu.vector_load %arg5[%get3A_120, %get3A_121, %get3A_122] {strides = array<i32>} : memref<16x4x64xf32, #tpu.memory_space<vmem>>, vector<16xf32>,
      %get3A_124 = arith.constant 1 : i32
      %get3A_125 = arith.index_cast %get3A_124 : i32 to index
      %get3A_126 = arith.index_cast %scan3A_88 : i32 to index
      %get3A_127 = arith.constant 48 : index
      %get3A_128 = tpu.vector_load %arg5[%get3A_125, %get3A_126, %get3A_127] {strides = array<i32>} : memref<16x4x64xf32, #tpu.memory_space<vmem>>, vector<16xf32>,
      %get3A_129 = arith.constant 2 : i32
      %get3A_130 = arith.index_cast %get3A_129 : i32 to index
      %get3A_131 = arith.index_cast %scan3A_88 : i32 to index
      %get3A_132 = arith.constant 0 : index
      %get3A_133 = tpu.vector_load %arg5[%get3A_130, %get3A_131, %get3A_132] {strides = array<i32>} : memref<16x4x64xf32, #tpu.memory_space<vmem>>, vector<16xf32>,
      %get3A_134 = arith.constant 2 : i32
      %get3A_135 = arith.index_cast %get3A_134 : i32 to index
      %get3A_136 = arith.index_cast %scan3A_88 : i32 to index
      %get3A_137 = arith.constant 16 : index
      %get3A_138 = tpu.vector_load %arg5[%get3A_135, %get3A_136, %get3A_137] {strides = array<i32>} : memref<16x4x64xf32, #tpu.memory_space<vmem>>, vector<16xf32>,
      %get3A_139 = arith.constant 2 : i32
      %get3A_140 = arith.index_cast %get3A_139 : i32 to index
      %get3A_141 = arith.index_cast %scan3A_88 : i32 to index
      %get3A_142 = arith.constant 32 : index
      %get3A_143 = tpu.vector_load %arg5[%get3A_140, %get3A_141, %get3A_142] {strides = array<i32>} : memref<16x4x64xf32, #tpu.memory_space<vmem>>, vector<16xf32>,
      %get3A_144 = arith.constant 2 : i32
      %get3A_145 = arith.index_cast %get3A_144 : i32 to index
      %get3A_146 = arith.index_cast %scan3A_88 : i32 to index
      %get3A_147 = arith.constant 48 : index
      %get3A_148 = tpu.vector_load %arg5[%get3A_145, %get3A_146, %get3A_147] {strides = array<i32>} : memref<16x4x64xf32, #tpu.memory_space<vmem>>, vector<16xf32>,
      %get3A_149 = arith.constant 3 : i32
      %get3A_150 = arith.index_cast %get3A_149 : i32 to index
      %get3A_151 = arith.index_cast %scan3A_88 : i32 to index
      %get3A_152 = arith.constant 0 : index
      %get3A_153 = tpu.vector_load %arg5[%get3A_150, %get3A_151, %get3A_152] {strides = array<i32>} : memref<16x4x64xf32, #tpu.memory_space<vmem>>, vector<16xf32>,
      %get3A_154 = arith.constant 3 : i32
      %get3A_155 = arith.index_cast %get3A_154 : i32 to index
      %get3A_156 = arith.index_cast %scan3A_88 : i32 to index
      %get3A_157 = arith.constant 16 : index
      %get3A_158 = tpu.vector_load %arg5[%get3A_155, %get3A_156, %get3A_157] {strides = array<i32>} : memref<16x4x64xf32, #tpu.memory_space<vmem>>, vector<16xf32>,
      %get3A_159 = arith.constant 3 : i32
      %get3A_160 = arith.index_cast %get3A_159 : i32 to index
      %get3A_161 = arith.index_cast %scan3A_88 : i32 to index
      %get3A_162 = arith.constant 32 : index
      %get3A_163 = tpu.vector_load %arg5[%get3A_160, %get3A_161, %get3A_162] {strides = array<i32>} : memref<16x4x64xf32, #tpu.memory_space<vmem>>, vector<16xf32>,
      %get3A_164 = arith.constant 3 : i32
      %get3A_165 = arith.index_cast %get3A_164 : i32 to index
      %get3A_166 = arith.index_cast %scan3A_88 : i32 to index
      %get3A_167 = arith.constant 48 : index
      %get3A_168 = tpu.vector_load %arg5[%get3A_165, %get3A_166, %get3A_167] {strides = array<i32>} : memref<16x4x64xf32, #tpu.memory_space<vmem>>, vector<16xf32>,
      %get3A_169 = arith.constant 4 : i32
      %get3A_170 = arith.index_cast %get3A_169 : i32 to index
      %get3A_171 = arith.index_cast %scan3A_88 : i32 to index
      %get3A_172 = arith.constant 0 : index
      %get3A_173 = tpu.vector_load %arg5[%get3A_170, %get3A_171, %get3A_172] {strides = array<i32>} : memref<16x4x64xf32, #tpu.memory_space<vmem>>, vector<16xf32>,
      %get3A_174 = arith.constant 4 : i32
      %get3A_175 = arith.index_cast %get3A_174 : i32 to index
      %get3A_176 = arith.index_cast %scan3A_88 : i32 to index
      %get3A_177 = arith.constant 16 : index
      %get3A_178 = tpu.vector_load %arg5[%get3A_175, %get3A_176, %get3A_177] {strides = array<i32>} : memref<16x4x64xf32, #tpu.memory_space<vmem>>, vector<16xf32>,
      %get3A_179 = arith.constant 4 : i32
      %get3A_180 = arith.index_cast %get3A_179 : i32 to index
      %get3A_181 = arith.index_cast %scan3A_88 : i32 to index
      %get3A_182 = arith.constant 32 : index
      %get3A_183 = tpu.vector_load %arg5[%get3A_180, %get3A_181, %get3A_182] {strides = array<i32>} : memref<16x4x64xf32, #tpu.memory_space<vmem>>, vector<16xf32>,
      %get3A_184 = arith.constant 4 : i32
      %get3A_185 = arith.index_cast %get3A_184 : i32 to index
      %get3A_186 = arith.index_cast %scan3A_88 : i32 to index
      %get3A_187 = arith.constant 48 : index
      %get3A_188 = tpu.vector_load %arg5[%get3A_185, %get3A_186, %get3A_187] {strides = array<i32>} : memref<16x4x64xf32, #tpu.memory_space<vmem>>, vector<16xf32>,
      %get3A_189 = arith.constant 5 : i32
      %get3A_190 = arith.index_cast %get3A_189 : i32 to index
      %get3A_191 = arith.index_cast %scan3A_88 : i32 to index
      %get3A_192 = arith.constant 0 : index
      %get3A_193 = tpu.vector_load %arg5[%get3A_190, %get3A_191, %get3A_192] {strides = array<i32>} : memref<16x4x64xf32, #tpu.memory_space<vmem>>, vector<16xf32>,
      %get3A_194 = arith.constant 5 : i32
      %get3A_195 = arith.index_cast %get3A_194 : i32 to index
      %get3A_196 = arith.index_cast %scan3A_88 : i32 to index
      %get3A_197 = arith.constant 16 : index
      %get3A_198 = tpu.vector_load %arg5[%get3A_195, %get3A_196, %get3A_197] {strides = array<i32>} : memref<16x4x64xf32, #tpu.memory_space<vmem>>, vector<16xf32>,
      %get3A_199 = arith.constant 5 : i32
      %get3A_200 = arith.index_cast %get3A_199 : i32 to index
      %get3A_201 = arith.index_cast %scan3A_88 : i32 to index
      %get3A_202 = arith.constant 32 : index
      %get3A_203 = tpu.vector_load %arg5[%get3A_200, %get3A_201, %get3A_202] {strides = array<i32>} : memref<16x4x64xf32, #tpu.memory_space<vmem>>, vector<16xf32>,
      %get3A_204 = arith.constant 5 : i32
      %get3A_205 = arith.index_cast %get3A_204 : i32 to index
      %get3A_206 = arith.index_cast %scan3A_88 : i32 to index
      %get3A_207 = arith.constant 48 : index
      %get3A_208 = tpu.vector_load %arg5[%get3A_205, %get3A_206, %get3A_207] {strides = array<i32>} : memref<16x4x64xf32, #tpu.memory_space<vmem>>, vector<16xf32>,
      %get3A_209 = arith.constant 6 : i32
      %get3A_210 = arith.index_cast %get3A_209 : i32 to index
      %get3A_211 = arith.index_cast %scan3A_88 : i32 to index
      %get3A_212 = arith.constant 0 : index
      %get3A_213 = tpu.vector_load %arg5[%get3A_210, %get3A_211, %get3A_212] {strides = array<i32>} : memref<16x4x64xf32, #tpu.memory_space<vmem>>, vector<16xf32>,
      %get3A_214 = arith.constant 6 : i32
      %get3A_215 = arith.index_cast %get3A_214 : i32 to index
      %get3A_216 = arith.index_cast %scan3A_88 : i32 to index
      %get3A_217 = arith.constant 16 : index
      %get3A_218 = tpu.vector_load %arg5[%get3A_215, %get3A_216, %get3A_217] {strides = array<i32>} : memref<16x4x64xf32, #tpu.memory_space<vmem>>, vector<16xf32>,
      %get3A_219 = arith.constant 6 : i32
      %get3A_220 = arith.index_cast %get3A_219 : i32 to index
      %get3A_221 = arith.index_cast %scan3A_88 : i32 to index
      %get3A_222 = arith.constant 32 : index
      %get3A_223 = tpu.vector_load %arg5[%get3A_220, %get3A_221, %get3A_222] {strides = array<i32>} : memref<16x4x64xf32, #tpu.memory_space<vmem>>, vector<16xf32>,
      %get3A_224 = arith.constant 6 : i32
      %get3A_225 = arith.index_cast %get3A_224 : i32 to index
      %get3A_226 = arith.index_cast %scan3A_88 : i32 to index
      %get3A_227 = arith.constant 48 : index
      %get3A_228 = tpu.vector_load %arg5[%get3A_225, %get3A_226, %get3A_227] {strides = array<i32>} : memref<16x4x64xf32, #tpu.memory_space<vmem>>, vector<16xf32>,
      %get3A_229 = arith.constant 7 : i32
      %get3A_230 = arith.index_cast %get3A_229 : i32 to index
      %get3A_231 = arith.index_cast %scan3A_88 : i32 to index
      %get3A_232 = arith.constant 0 : index
      %get3A_233 = tpu.vector_load %arg5[%get3A_230, %get3A_231, %get3A_232] {strides = array<i32>} : memref<16x4x64xf32, #tpu.memory_space<vmem>>, vector<16xf32>,
      %get3A_234 = arith.constant 7 : i32
      %get3A_235 = arith.index_cast %get3A_234 : i32 to index
      %get3A_236 = arith.index_cast %scan3A_88 : i32 to index
      %get3A_237 = arith.constant 16 : index
      %get3A_238 = tpu.vector_load %arg5[%get3A_235, %get3A_236, %get3A_237] {strides = array<i32>} : memref<16x4x64xf32, #tpu.memory_space<vmem>>, vector<16xf32>,
      %get3A_239 = arith.constant 7 : i32
      %get3A_240 = arith.index_cast %get3A_239 : i32 to index
      %get3A_241 = arith.index_cast %scan3A_88 : i32 to index
      %get3A_242 = arith.constant 32 : index
      %get3A_243 = tpu.vector_load %arg5[%get3A_240, %get3A_241, %get3A_242] {strides = array<i32>} : memref<16x4x64xf32, #tpu.memory_space<vmem>>, vector<16xf32>,
      %get3A_244 = arith.constant 7 : i32
      %get3A_245 = arith.index_cast %get3A_244 : i32 to index
      %get3A_246 = arith.index_cast %scan3A_88 : i32 to index
      %get3A_247 = arith.constant 48 : index
      %get3A_248 = tpu.vector_load %arg5[%get3A_245, %get3A_246, %get3A_247] {strides = array<i32>} : memref<16x4x64xf32, #tpu.memory_space<vmem>>, vector<16xf32>,
      %get3A_249 = arith.constant 8 : i32
      %get3A_250 = arith.index_cast %get3A_249 : i32 to index
      %get3A_251 = arith.index_cast %scan3A_88 : i32 to index
      %get3A_252 = arith.constant 0 : index
      %get3A_253 = tpu.vector_load %arg5[%get3A_250, %get3A_251, %get3A_252] {strides = array<i32>} : memref<16x4x64xf32, #tpu.memory_space<vmem>>, vector<16xf32>,
      %get3A_254 = arith.constant 8 : i32
      %get3A_255 = arith.index_cast %get3A_254 : i32 to index
      %get3A_256 = arith.index_cast %scan3A_88 : i32 to index
      %get3A_257 = arith.constant 16 : index
      %get3A_258 = tpu.vector_load %arg5[%get3A_255, %get3A_256, %get3A_257] {strides = array<i32>} : memref<16x4x64xf32, #tpu.memory_space<vmem>>, vector<16xf32>,
      %get3A_259 = arith.constant 8 : i32
      %get3A_260 = arith.index_cast %get3A_259 : i32 to index
      %get3A_261 = arith.index_cast %scan3A_88 : i32 to index
      %get3A_262 = arith.constant 32 : index
      %get3A_263 = tpu.vector_load %arg5[%get3A_260, %get3A_261, %get3A_262] {strides = array<i32>} : memref<16x4x64xf32, #tpu.memory_space<vmem>>, vector<16xf32>,
      %get3A_264 = arith.constant 8 : i32
      %get3A_265 = arith.index_cast %get3A_264 : i32 to index
      %get3A_266 = arith.index_cast %scan3A_88 : i32 to index
      %get3A_267 = arith.constant 48 : index
      %get3A_268 = tpu.vector_load %arg5[%get3A_265, %get3A_266, %get3A_267] {strides = array<i32>} : memref<16x4x64xf32, #tpu.memory_space<vmem>>, vector<16xf32>,
      %get3A_269 = arith.constant 9 : i32
      %get3A_270 = arith.index_cast %get3A_269 : i32 to index
      %get3A_271 = arith.index_cast %scan3A_88 : i32 to index
      %get3A_272 = arith.constant 0 : index
      %get3A_273 = tpu.vector_load %arg5[%get3A_270, %get3A_271, %get3A_272] {strides = array<i32>} : memref<16x4x64xf32, #tpu.memory_space<vmem>>, vector<16xf32>,
      %get3A_274 = arith.constant 9 : i32
      %get3A_275 = arith.index_cast %get3A_274 : i32 to index
      %get3A_276 = arith.index_cast %scan3A_88 : i32 to index
      %get3A_277 = arith.constant 16 : index
      %get3A_278 = tpu.vector_load %arg5[%get3A_275, %get3A_276, %get3A_277] {strides = array<i32>} : memref<16x4x64xf32, #tpu.memory_space<vmem>>, vector<16xf32>,
      %get3A_279 = arith.constant 9 : i32
      %get3A_280 = arith.index_cast %get3A_279 : i32 to index
      %get3A_281 = arith.index_cast %scan3A_88 : i32 to index
      %get3A_282 = arith.constant 32 : index
      %get3A_283 = tpu.vector_load %arg5[%get3A_280, %get3A_281, %get3A_282] {strides = array<i32>} : memref<16x4x64xf32, #tpu.memory_space<vmem>>, vector<16xf32>,
      %get3A_284 = arith.constant 9 : i32
      %get3A_285 = arith.index_cast %get3A_284 : i32 to index
      %get3A_286 = arith.index_cast %scan3A_88 : i32 to index
      %get3A_287 = arith.constant 48 : index
      %get3A_288 = tpu.vector_load %arg5[%get3A_285, %get3A_286, %get3A_287] {strides = array<i32>} : memref<16x4x64xf32, #tpu.memory_space<vmem>>, vector<16xf32>,
      %get3A_289 = arith.constant 10 : i32
      %get3A_290 = arith.index_cast %get3A_289 : i32 to index
      %get3A_291 = arith.index_cast %scan3A_88 : i32 to index
      %get3A_292 = arith.constant 0 : index
      %get3A_293 = tpu.vector_load %arg5[%get3A_290, %get3A_291, %get3A_292] {strides = array<i32>} : memref<16x4x64xf32, #tpu.memory_space<vmem>>, vector<16xf32>,
      %get3A_294 = arith.constant 10 : i32
      %get3A_295 = arith.index_cast %get3A_294 : i32 to index
      %get3A_296 = arith.index_cast %scan3A_88 : i32 to index
      %get3A_297 = arith.constant 16 : index
      %get3A_298 = tpu.vector_load %arg5[%get3A_295, %get3A_296, %get3A_297] {strides = array<i32>} : memref<16x4x64xf32, #tpu.memory_space<vmem>>, vector<16xf32>,
      %get3A_299 = arith.constant 10 : i32
      %get3A_300 = arith.index_cast %get3A_299 : i32 to index
      %get3A_301 = arith.index_cast %scan3A_88 : i32 to index
      %get3A_302 = arith.constant 32 : index
      %get3A_303 = tpu.vector_load %arg5[%get3A_300, %get3A_301, %get3A_302] {strides = array<i32>} : memref<16x4x64xf32, #tpu.memory_space<vmem>>, vector<16xf32>,
      %get3A_304 = arith.constant 10 : i32
      %get3A_305 = arith.index_cast %get3A_304 : i32 to index
      %get3A_306 = arith.index_cast %scan3A_88 : i32 to index
      %get3A_307 = arith.constant 48 : index
      %get3A_308 = tpu.vector_load %arg5[%get3A_305, %get3A_306, %get3A_307] {strides = array<i32>} : memref<16x4x64xf32, #tpu.memory_space<vmem>>, vector<16xf32>,
      %get3A_309 = arith.constant 11 : i32
      %get3A_310 = arith.index_cast %get3A_309 : i32 to index
      %get3A_311 = arith.index_cast %scan3A_88 : i32 to index
      %get3A_312 = arith.constant 0 : index
      %get3A_313 = tpu.vector_load %arg5[%get3A_310, %get3A_311, %get3A_312] {strides = array<i32>} : memref<16x4x64xf32, #tpu.memory_space<vmem>>, vector<16xf32>,
      %get3A_314 = arith.constant 11 : i32
      %get3A_315 = arith.index_cast %get3A_314 : i32 to index
      %get3A_316 = arith.index_cast %scan3A_88 : i32 to index
      %get3A_317 = arith.constant 16 : index
      %get3A_318 = tpu.vector_load %arg5[%get3A_315, %get3A_316, %get3A_317] {strides = array<i32>} : memref<16x4x64xf32, #tpu.memory_space<vmem>>, vector<16xf32>,
      %get3A_319 = arith.constant 11 : i32
      %get3A_320 = arith.index_cast %get3A_319 : i32 to index
      %get3A_321 = arith.index_cast %scan3A_88 : i32 to index
      %get3A_322 = arith.constant 32 : index
      %get3A_323 = tpu.vector_load %arg5[%get3A_320, %get3A_321, %get3A_322] {strides = array<i32>} : memref<16x4x64xf32, #tpu.memory_space<vmem>>, vector<16xf32>,
      %get3A_324 = arith.constant 11 : i32
      %get3A_325 = arith.index_cast %get3A_324 : i32 to index
      %get3A_326 = arith.index_cast %scan3A_88 : i32 to index
      %get3A_327 = arith.constant 48 : index
      %get3A_328 = tpu.vector_load %arg5[%get3A_325, %get3A_326, %get3A_327] {strides = array<i32>} : memref<16x4x64xf32, #tpu.memory_space<vmem>>, vector<16xf32>,
      %get3A_329 = arith.constant 12 : i32
      %get3A_330 = arith.index_cast %get3A_329 : i32 to index
      %get3A_331 = arith.index_cast %scan3A_88 : i32 to index
      %get3A_332 = arith.constant 0 : index
      %get3A_333 = tpu.vector_load %arg5[%get3A_330, %get3A_331, %get3A_332] {strides = array<i32>} : memref<16x4x64xf32, #tpu.memory_space<vmem>>, vector<16xf32>,
      %get3A_334 = arith.constant 12 : i32
      %get3A_335 = arith.index_cast %get3A_334 : i32 to index
      %get3A_336 = arith.index_cast %scan3A_88 : i32 to index
      %get3A_337 = arith.constant 16 : index
      %get3A_338 = tpu.vector_load %arg5[%get3A_335, %get3A_336, %get3A_337] {strides = array<i32>} : memref<16x4x64xf32, #tpu.memory_space<vmem>>, vector<16xf32>,
      %get3A_339 = arith.constant 12 : i32
      %get3A_340 = arith.index_cast %get3A_339 : i32 to index
      %get3A_341 = arith.index_cast %scan3A_88 : i32 to index
      %get3A_342 = arith.constant 32 : index
      %get3A_343 = tpu.vector_load %arg5[%get3A_340, %get3A_341, %get3A_342] {strides = array<i32>} : memref<16x4x64xf32, #tpu.memory_space<vmem>>, vector<16xf32>,
      %get3A_344 = arith.constant 12 : i32
      %get3A_345 = arith.index_cast %get3A_344 : i32 to index
      %get3A_346 = arith.index_cast %scan3A_88 : i32 to index
      %get3A_347 = arith.constant 48 : index
      %get3A_348 = tpu.vector_load %arg5[%get3A_345, %get3A_346, %get3A_347] {strides = array<i32>} : memref<16x4x64xf32, #tpu.memory_space<vmem>>, vector<16xf32>,
      %get3A_349 = arith.constant 13 : i32
      %get3A_350 = arith.index_cast %get3A_349 : i32 to index
      %get3A_351 = arith.index_cast %scan3A_88 : i32 to index
      %get3A_352 = arith.constant 0 : index
      %get3A_353 = tpu.vector_load %arg5[%get3A_350, %get3A_351, %get3A_352] {strides = array<i32>} : memref<16x4x64xf32, #tpu.memory_space<vmem>>, vector<16xf32>,
      %get3A_354 = arith.constant 13 : i32
      %get3A_355 = arith.index_cast %get3A_354 : i32 to index
      %get3A_356 = arith.index_cast %scan3A_88 : i32 to index
      %get3A_357 = arith.constant 16 : index
      %get3A_358 = tpu.vector_load %arg5[%get3A_355, %get3A_356, %get3A_357] {strides = array<i32>} : memref<16x4x64xf32, #tpu.memory_space<vmem>>, vector<16xf32>,
      %get3A_359 = arith.constant 13 : i32
      %get3A_360 = arith.index_cast %get3A_359 : i32 to index
      %get3A_361 = arith.index_cast %scan3A_88 : i32 to index
      %get3A_362 = arith.constant 32 : index
      %get3A_363 = tpu.vector_load %arg5[%get3A_360, %get3A_361, %get3A_362] {strides = array<i32>} : memref<16x4x64xf32, #tpu.memory_space<vmem>>, vector<16xf32>,
      %get3A_364 = arith.constant 13 : i32
      %get3A_365 = arith.index_cast %get3A_364 : i32 to index
      %get3A_366 = arith.index_cast %scan3A_88 : i32 to index
      %get3A_367 = arith.constant 48 : index
      %get3A_368 = tpu.vector_load %arg5[%get3A_365, %get3A_366, %get3A_367] {strides = array<i32>} : memref<16x4x64xf32, #tpu.memory_space<vmem>>, vector<16xf32>,
      %get3A_369 = arith.constant 14 : i32
      %get3A_370 = arith.index_cast %get3A_369 : i32 to index
      %get3A_371 = arith.index_cast %scan3A_88 : i32 to index
      %get3A_372 = arith.constant 0 : index
      %get3A_373 = tpu.vector_load %arg5[%get3A_370, %get3A_371, %get3A_372] {strides = array<i32>} : memref<16x4x64xf32, #tpu.memory_space<vmem>>, vector<16xf32>,
      %get3A_374 = arith.constant 14 : i32
      %get3A_375 = arith.index_cast %get3A_374 : i32 to index
      %get3A_376 = arith.index_cast %scan3A_88 : i32 to index
      %get3A_377 = arith.constant 16 : index
      %get3A_378 = tpu.vector_load %arg5[%get3A_375, %get3A_376, %get3A_377] {strides = array<i32>} : memref<16x4x64xf32, #tpu.memory_space<vmem>>, vector<16xf32>,
      %get3A_379 = arith.constant 14 : i32
      %get3A_380 = arith.index_cast %get3A_379 : i32 to index
      %get3A_381 = arith.index_cast %scan3A_88 : i32 to index
      %get3A_382 = arith.constant 32 : index
      %get3A_383 = tpu.vector_load %arg5[%get3A_380, %get3A_381, %get3A_382] {strides = array<i32>} : memref<16x4x64xf32, #tpu.memory_space<vmem>>, vector<16xf32>,
      %get3A_384 = arith.constant 14 : i32
      %get3A_385 = arith.index_cast %get3A_384 : i32 to index
      %get3A_386 = arith.index_cast %scan3A_88 : i32 to index
      %get3A_387 = arith.constant 48 : index
      %get3A_388 = tpu.vector_load %arg5[%get3A_385, %get3A_386, %get3A_387] {strides = array<i32>} : memref<16x4x64xf32, #tpu.memory_space<vmem>>, vector<16xf32>,
      %get3A_389 = arith.constant 15 : i32
      %get3A_390 = arith.index_cast %get3A_389 : i32 to index
      %get3A_391 = arith.index_cast %scan3A_88 : i32 to index
      %get3A_392 = arith.constant 0 : index
      %get3A_393 = tpu.vector_load %arg5[%get3A_390, %get3A_391, %get3A_392] {strides = array<i32>} : memref<16x4x64xf32, #tpu.memory_space<vmem>>, vector<16xf32>,
      %get3A_394 = arith.constant 15 : i32
      %get3A_395 = arith.index_cast %get3A_394 : i32 to index
      %get3A_396 = arith.index_cast %scan3A_88 : i32 to index
      %get3A_397 = arith.constant 16 : index
      %get3A_398 = tpu.vector_load %arg5[%get3A_395, %get3A_396, %get3A_397] {strides = array<i32>} : memref<16x4x64xf32, #tpu.memory_space<vmem>>, vector<16xf32>,
      %get3A_399 = arith.constant 15 : i32
      %get3A_400 = arith.index_cast %get3A_399 : i32 to index
      %get3A_401 = arith.index_cast %scan3A_88 : i32 to index
      %get3A_402 = arith.constant 32 : index
      %get3A_403 = tpu.vector_load %arg5[%get3A_400, %get3A_401, %get3A_402] {strides = array<i32>} : memref<16x4x64xf32, #tpu.memory_space<vmem>>, vector<16xf32>,
      %get3A_404 = arith.constant 15 : i32
      %get3A_405 = arith.index_cast %get3A_404 : i32 to index
      %get3A_406 = arith.index_cast %scan3A_88 : i32 to index
      %get3A_407 = arith.constant 48 : index
      %get3A_408 = tpu.vector_load %arg5[%get3A_405, %get3A_406, %get3A_407] {strides = array<i32>} : memref<16x4x64xf32, #tpu.memory_space<vmem>>, vector<16xf32>,
      %rev3A = arith.constant 15 : i32
      %rev3A_409 = vector.broadcast %rev3A : i32 to vector<16xi32>
      %rev3A_410 = tpu.iota {dimensions = array<i32: 0>} : vector<16xi32>
      %rev3A_411 = arith.subi %rev3A_409, %rev3A_410 : vector<16xi32>
      %rev3A_412 = tpu.dynamic_gather %get3A_128[%rev3A_411] in [0] : vector<16xf32>, vector<16xi32> -> vector<16xf32>
      %max3A = arith.maximumf %get3A_93, %rev3A_412 : vector<16xf32>
      %rev3A_413 = arith.constant 15 : i32
      %rev3A_414 = vector.broadcast %rev3A_413 : i32 to vector<16xi32>
      %rev3A_415 = tpu.iota {dimensions = array<i32: 0>} : vector<16xi32>
      %rev3A_416 = arith.subi %rev3A_414, %rev3A_415 : vector<16xi32>
      %rev3A_417 = tpu.dynamic_gather %get3A_123[%rev3A_416] in [0] : vector<16xf32>, vector<16xi32> -> vector<16xf32>
      %max3A_418 = arith.maximumf %get3A_98, %rev3A_417 : vector<16xf32>
      %rev3A_419 = arith.constant 15 : i32
      %rev3A_420 = vector.broadcast %rev3A_419 : i32 to vector<16xi32>
      %rev3A_421 = tpu.iota {dimensions = array<i32: 0>} : vector<16xi32>
      %rev3A_422 = arith.subi %rev3A_420, %rev3A_421 : vector<16xi32>
      %rev3A_423 = tpu.dynamic_gather %get3A_118[%rev3A_422] in [0] : vector<16xf32>, vector<16xi32> -> vector<16xf32>
      %max3A_424 = arith.maximumf %get3A_103, %rev3A_423 : vector<16xf32>
      %rev3A_425 = arith.constant 15 : i32
      %rev3A_426 = vector.broadcast %rev3A_425 : i32 to vector<16xi32>
      %rev3A_427 = tpu.iota {dimensions = array<i32: 0>} : vector<16xi32>
      %rev3A_428 = arith.subi %rev3A_426, %rev3A_427 : vector<16xi32>
      %rev3A_429 = tpu.dynamic_gather %get3A_113[%rev3A_428] in [0] : vector<16xf32>, vector<16xi32> -> vector<16xf32>
      %max3A_430 = arith.maximumf %get3A_108, %rev3A_429 : vector<16xf32>
      %max3A_431 = arith.maximumf %max3A, %max3A_424 : vector<16xf32>
      %min3A = arith.minimumf %max3A, %max3A_424 : vector<16xf32>
      %max3A_432 = arith.maximumf %max3A_418, %max3A_430 : vector<16xf32>
      %min3A_433 = arith.minimumf %max3A_418, %max3A_430 : vector<16xf32>
      %max3A_434 = arith.maximumf %max3A_431, %max3A_432 : vector<16xf32>
      %min3A_435 = arith.minimumf %max3A_431, %max3A_432 : vector<16xf32>
      %max3A_436 = arith.maximumf %min3A, %min3A_433 : vector<16xf32>
      %min3A_437 = arith.minimumf %min3A, %min3A_433 : vector<16xf32>
      %masked_sort3A = arith.constant dense<true> : vector<16xi1>
      %masked_sort3A_438, %masked_sort3A_439, %masked_sort3A_440 = tpu.sort %max3A_434, %max3A_434 masked %masked_sort3A {descending = true} : (vector<16xf32>, vector<16xf32>, vector<16xi1>) -> (vector<16xi1>, vector<16xf32>, vector<16xf32>)
      %masked_sort3A_441 = arith.constant dense<true> : vector<16xi1>
      %masked_sort3A_442, %masked_sort3A_443, %masked_sort3A_444 = tpu.sort %min3A_435, %min3A_435 masked %masked_sort3A_441 {descending = true} : (vector<16xf32>, vector<16xf32>, vector<16xi1>) -> (vector<16xi1>, vector<16xf32>, vector<16xf32>)
      %masked_sort3A_445 = arith.constant dense<true> : vector<16xi1>
      %masked_sort3A_446, %masked_sort3A_447, %masked_sort3A_448 = tpu.sort %max3A_436, %max3A_436 masked %masked_sort3A_445 {descending = true} : (vector<16xf32>, vector<16xf32>, vector<16xi1>) -> (vector<16xi1>, vector<16xf32>, vector<16xf32>)
      %masked_sort3A_449 = arith.constant dense<true> : vector<16xi1>
      %masked_sort3A_450, %masked_sort3A_451, %masked_sort3A_452 = tpu.sort %min3A_437, %min3A_437 masked %masked_sort3A_449 {descending = true} : (vector<16xf32>, vector<16xf32>, vector<16xi1>) -> (vector<16xi1>, vector<16xf32>, vector<16xf32>)
      %rev3A_453 = arith.constant 15 : i32
      %rev3A_454 = vector.broadcast %rev3A_453 : i32 to vector<16xi32>
      %rev3A_455 = tpu.iota {dimensions = array<i32: 0>} : vector<16xi32>
      %rev3A_456 = arith.subi %rev3A_454, %rev3A_455 : vector<16xi32>
      %rev3A_457 = tpu.dynamic_gather %get3A_168[%rev3A_456] in [0] : vector<16xf32>, vector<16xi32> -> vector<16xf32>
      %max3A_458 = arith.maximumf %get3A_133, %rev3A_457 : vector<16xf32>
      %rev3A_459 = arith.constant 15 : i32
      %rev3A_460 = vector.broadcast %rev3A_459 : i32 to vector<16xi32>
      %rev3A_461 = tpu.iota {dimensions = array<i32: 0>} : vector<16xi32>
      %rev3A_462 = arith.subi %rev3A_460, %rev3A_461 : vector<16xi32>
      %rev3A_463 = tpu.dynamic_gather %get3A_163[%rev3A_462] in [0] : vector<16xf32>, vector<16xi32> -> vector<16xf32>
      %max3A_464 = arith.maximumf %get3A_138, %rev3A_463 : vector<16xf32>
      %rev3A_465 = arith.constant 15 : i32
      %rev3A_466 = vector.broadcast %rev3A_465 : i32 to vector<16xi32>
      %rev3A_467 = tpu.iota {dimensions = array<i32: 0>} : vector<16xi32>
      %rev3A_468 = arith.subi %rev3A_466, %rev3A_467 : vector<16xi32>
      %rev3A_469 = tpu.dynamic_gather %get3A_158[%rev3A_468] in [0] : vector<16xf32>, vector<16xi32> -> vector<16xf32>
      %max3A_470 = arith.maximumf %get3A_143, %rev3A_469 : vector<16xf32>
      %rev3A_471 = arith.constant 15 : i32
      %rev3A_472 = vector.broadcast %rev3A_471 : i32 to vector<16xi32>
      %rev3A_473 = tpu.iota {dimensions = array<i32: 0>} : vector<16xi32>
      %rev3A_474 = arith.subi %rev3A_472, %rev3A_473 : vector<16xi32>
      %rev3A_475 = tpu.dynamic_gather %get3A_153[%rev3A_474] in [0] : vector<16xf32>, vector<16xi32> -> vector<16xf32>
      %max3A_476 = arith.maximumf %get3A_148, %rev3A_475 : vector<16xf32>
      %max3A_477 = arith.maximumf %max3A_458, %max3A_470 : vector<16xf32>
      %min3A_478 = arith.minimumf %max3A_458, %max3A_470 : vector<16xf32>
      %max3A_479 = arith.maximumf %max3A_464, %max3A_476 : vector<16xf32>
      %min3A_480 = arith.minimumf %max3A_464, %max3A_476 : vector<16xf32>
      %max3A_481 = arith.maximumf %max3A_477, %max3A_479 : vector<16xf32>
      %min3A_482 = arith.minimumf %max3A_477, %max3A_479 : vector<16xf32>
      %max3A_483 = arith.maximumf %min3A_478, %min3A_480 : vector<16xf32>
      %min3A_484 = arith.minimumf %min3A_478, %min3A_480 : vector<16xf32>
      %masked_sort3A_485 = arith.constant dense<true> : vector<16xi1>
      %masked_sort3A_486, %masked_sort3A_487, %masked_sort3A_488 = tpu.sort %max3A_481, %max3A_481 masked %masked_sort3A_485 {descending = true} : (vector<16xf32>, vector<16xf32>, vector<16xi1>) -> (vector<16xi1>, vector<16xf32>, vector<16xf32>)
      %masked_sort3A_489 = arith.constant dense<true> : vector<16xi1>
      %masked_sort3A_490, %masked_sort3A_491, %masked_sort3A_492 = tpu.sort %min3A_482, %min3A_482 masked %masked_sort3A_489 {descending = true} : (vector<16xf32>, vector<16xf32>, vector<16xi1>) -> (vector<16xi1>, vector<16xf32>, vector<16xf32>)
      %masked_sort3A_493 = arith.constant dense<true> : vector<16xi1>
      %masked_sort3A_494, %masked_sort3A_495, %masked_sort3A_496 = tpu.sort %max3A_483, %max3A_483 masked %masked_sort3A_493 {descending = true} : (vector<16xf32>, vector<16xf32>, vector<16xi1>) -> (vector<16xi1>, vector<16xf32>, vector<16xf32>)
      %masked_sort3A_497 = arith.constant dense<true> : vector<16xi1>
      %masked_sort3A_498, %masked_sort3A_499, %masked_sort3A_500 = tpu.sort %min3A_484, %min3A_484 masked %masked_sort3A_497 {descending = true} : (vector<16xf32>, vector<16xf32>, vector<16xi1>) -> (vector<16xi1>, vector<16xf32>, vector<16xf32>)
      %rev3A_501 = arith.constant 15 : i32
      %rev3A_502 = vector.broadcast %rev3A_501 : i32 to vector<16xi32>
      %rev3A_503 = tpu.iota {dimensions = array<i32: 0>} : vector<16xi32>
      %rev3A_504 = arith.subi %rev3A_502, %rev3A_503 : vector<16xi32>
      %rev3A_505 = tpu.dynamic_gather %get3A_208[%rev3A_504] in [0] : vector<16xf32>, vector<16xi32> -> vector<16xf32>
      %max3A_506 = arith.maximumf %get3A_173, %rev3A_505 : vector<16xf32>
      %rev3A_507 = arith.constant 15 : i32
      %rev3A_508 = vector.broadcast %rev3A_507 : i32 to vector<16xi32>
      %rev3A_509 = tpu.iota {dimensions = array<i32: 0>} : vector<16xi32>
      %rev3A_510 = arith.subi %rev3A_508, %rev3A_509 : vector<16xi32>
      %rev3A_511 = tpu.dynamic_gather %get3A_203[%rev3A_510] in [0] : vector<16xf32>, vector<16xi32> -> vector<16xf32>
      %max3A_512 = arith.maximumf %get3A_178, %rev3A_511 : vector<16xf32>
      %rev3A_513 = arith.constant 15 : i32
      %rev3A_514 = vector.broadcast %rev3A_513 : i32 to vector<16xi32>
      %rev3A_515 = tpu.iota {dimensions = array<i32: 0>} : vector<16xi32>
      %rev3A_516 = arith.subi %rev3A_514, %rev3A_515 : vector<16xi32>
      %rev3A_517 = tpu.dynamic_gather %get3A_198[%rev3A_516] in [0] : vector<16xf32>, vector<16xi32> -> vector<16xf32>
      %max3A_518 = arith.maximumf %get3A_183, %rev3A_517 : vector<16xf32>
      %rev3A_519 = arith.constant 15 : i32
      %rev3A_520 = vector.broadcast %rev3A_519 : i32 to vector<16xi32>
      %rev3A_521 = tpu.iota {dimensions = array<i32: 0>} : vector<16xi32>
      %rev3A_522 = arith.subi %rev3A_520, %rev3A_521 : vector<16xi32>
      %rev3A_523 = tpu.dynamic_gather %get3A_193[%rev3A_522] in [0] : vector<16xf32>, vector<16xi32> -> vector<16xf32>
      %max3A_524 = arith.maximumf %get3A_188, %rev3A_523 : vector<16xf32>
      %max3A_525 = arith.maximumf %max3A_506, %max3A_518 : vector<16xf32>
      %min3A_526 = arith.minimumf %max3A_506, %max3A_518 : vector<16xf32>
      %max3A_527 = arith.maximumf %max3A_512, %max3A_524 : vector<16xf32>
      %min3A_528 = arith.minimumf %max3A_512, %max3A_524 : vector<16xf32>
      %max3A_529 = arith.maximumf %max3A_525, %max3A_527 : vector<16xf32>
      %min3A_530 = arith.minimumf %max3A_525, %max3A_527 : vector<16xf32>
      %max3A_531 = arith.maximumf %min3A_526, %min3A_528 : vector<16xf32>
      %min3A_532 = arith.minimumf %min3A_526, %min3A_528 : vector<16xf32>
      %masked_sort3A_533 = arith.constant dense<true> : vector<16xi1>
      %masked_sort3A_534, %masked_sort3A_535, %masked_sort3A_536 = tpu.sort %max3A_529, %max3A_529 masked %masked_sort3A_533 {descending = true} : (vector<16xf32>, vector<16xf32>, vector<16xi1>) -> (vector<16xi1>, vector<16xf32>, vector<16xf32>)
      %masked_sort3A_537 = arith.constant dense<true> : vector<16xi1>
      %masked_sort3A_538, %masked_sort3A_539, %masked_sort3A_540 = tpu.sort %min3A_530, %min3A_530 masked %masked_sort3A_537 {descending = true} : (vector<16xf32>, vector<16xf32>, vector<16xi1>) -> (vector<16xi1>, vector<16xf32>, vector<16xf32>)
      %masked_sort3A_541 = arith.constant dense<true> : vector<16xi1>
      %masked_sort3A_542, %masked_sort3A_543, %masked_sort3A_544 = tpu.sort %max3A_531, %max3A_531 masked %masked_sort3A_541 {descending = true} : (vector<16xf32>, vector<16xf32>, vector<16xi1>) -> (vector<16xi1>, vector<16xf32>, vector<16xf32>)
      %masked_sort3A_545 = arith.constant dense<true> : vector<16xi1>
      %masked_sort3A_546, %masked_sort3A_547, %masked_sort3A_548 = tpu.sort %min3A_532, %min3A_532 masked %masked_sort3A_545 {descending = true} : (vector<16xf32>, vector<16xf32>, vector<16xi1>) -> (vector<16xi1>, vector<16xf32>, vector<16xf32>)
      %rev3A_549 = arith.constant 15 : i32
      %rev3A_550 = vector.broadcast %rev3A_549 : i32 to vector<16xi32>
      %rev3A_551 = tpu.iota {dimensions = array<i32: 0>} : vector<16xi32>
      %rev3A_552 = arith.subi %rev3A_550, %rev3A_551 : vector<16xi32>
      %rev3A_553 = tpu.dynamic_gather %get3A_248[%rev3A_552] in [0] : vector<16xf32>, vector<16xi32> -> vector<16xf32>
      %max3A_554 = arith.maximumf %get3A_213, %rev3A_553 : vector<16xf32>
      %rev3A_555 = arith.constant 15 : i32
      %rev3A_556 = vector.broadcast %rev3A_555 : i32 to vector<16xi32>
      %rev3A_557 = tpu.iota {dimensions = array<i32: 0>} : vector<16xi32>
      %rev3A_558 = arith.subi %rev3A_556, %rev3A_557 : vector<16xi32>
      %rev3A_559 = tpu.dynamic_gather %get3A_243[%rev3A_558] in [0] : vector<16xf32>, vector<16xi32> -> vector<16xf32>
      %max3A_560 = arith.maximumf %get3A_218, %rev3A_559 : vector<16xf32>
      %rev3A_561 = arith.constant 15 : i32
      %rev3A_562 = vector.broadcast %rev3A_561 : i32 to vector<16xi32>
      %rev3A_563 = tpu.iota {dimensions = array<i32: 0>} : vector<16xi32>
      %rev3A_564 = arith.subi %rev3A_562, %rev3A_563 : vector<16xi32>
      %rev3A_565 = tpu.dynamic_gather %get3A_238[%rev3A_564] in [0] : vector<16xf32>, vector<16xi32> -> vector<16xf32>
      %max3A_566 = arith.maximumf %get3A_223, %rev3A_565 : vector<16xf32>
      %rev3A_567 = arith.constant 15 : i32
      %rev3A_568 = vector.broadcast %rev3A_567 : i32 to vector<16xi32>
      %rev3A_569 = tpu.iota {dimensions = array<i32: 0>} : vector<16xi32>
      %rev3A_570 = arith.subi %rev3A_568, %rev3A_569 : vector<16xi32>
      %rev3A_571 = tpu.dynamic_gather %get3A_233[%rev3A_570] in [0] : vector<16xf32>, vector<16xi32> -> vector<16xf32>
      %max3A_572 = arith.maximumf %get3A_228, %rev3A_571 : vector<16xf32>
      %max3A_573 = arith.maximumf %max3A_554, %max3A_566 : vector<16xf32>
      %min3A_574 = arith.minimumf %max3A_554, %max3A_566 : vector<16xf32>
      %max3A_575 = arith.maximumf %max3A_560, %max3A_572 : vector<16xf32>
      %min3A_576 = arith.minimumf %max3A_560, %max3A_572 : vector<16xf32>
      %max3A_577 = arith.maximumf %max3A_573, %max3A_575 : vector<16xf32>
      %min3A_578 = arith.minimumf %max3A_573, %max3A_575 : vector<16xf32>
      %max3A_579 = arith.maximumf %min3A_574, %min3A_576 : vector<16xf32>
      %min3A_580 = arith.minimumf %min3A_574, %min3A_576 : vector<16xf32>
      %masked_sort3A_581 = arith.constant dense<true> : vector<16xi1>
      %masked_sort3A_582, %masked_sort3A_583, %masked_sort3A_584 = tpu.sort %max3A_577, %max3A_577 masked %masked_sort3A_581 {descending = true} : (vector<16xf32>, vector<16xf32>, vector<16xi1>) -> (vector<16xi1>, vector<16xf32>, vector<16xf32>)
      %masked_sort3A_585 = arith.constant dense<true> : vector<16xi1>
      %masked_sort3A_586, %masked_sort3A_587, %masked_sort3A_588 = tpu.sort %min3A_578, %min3A_578 masked %masked_sort3A_585 {descending = true} : (vector<16xf32>, vector<16xf32>, vector<16xi1>) -> (vector<16xi1>, vector<16xf32>, vector<16xf32>)
      %masked_sort3A_589 = arith.constant dense<true> : vector<16xi1>
      %masked_sort3A_590, %masked_sort3A_591, %masked_sort3A_592 = tpu.sort %max3A_579, %max3A_579 masked %masked_sort3A_589 {descending = true} : (vector<16xf32>, vector<16xf32>, vector<16xi1>) -> (vector<16xi1>, vector<16xf32>, vector<16xf32>)
      %masked_sort3A_593 = arith.constant dense<true> : vector<16xi1>
      %masked_sort3A_594, %masked_sort3A_595, %masked_sort3A_596 = tpu.sort %min3A_580, %min3A_580 masked %masked_sort3A_593 {descending = true} : (vector<16xf32>, vector<16xf32>, vector<16xi1>) -> (vector<16xi1>, vector<16xf32>, vector<16xf32>)
      %rev3A_597 = arith.constant 15 : i32
      %rev3A_598 = vector.broadcast %rev3A_597 : i32 to vector<16xi32>
      %rev3A_599 = tpu.iota {dimensions = array<i32: 0>} : vector<16xi32>
      %rev3A_600 = arith.subi %rev3A_598, %rev3A_599 : vector<16xi32>
      %rev3A_601 = tpu.dynamic_gather %get3A_288[%rev3A_600] in [0] : vector<16xf32>, vector<16xi32> -> vector<16xf32>
      %max3A_602 = arith.maximumf %get3A_253, %rev3A_601 : vector<16xf32>
      %rev3A_603 = arith.constant 15 : i32
      %rev3A_604 = vector.broadcast %rev3A_603 : i32 to vector<16xi32>
      %rev3A_605 = tpu.iota {dimensions = array<i32: 0>} : vector<16xi32>
      %rev3A_606 = arith.subi %rev3A_604, %rev3A_605 : vector<16xi32>
      %rev3A_607 = tpu.dynamic_gather %get3A_283[%rev3A_606] in [0] : vector<16xf32>, vector<16xi32> -> vector<16xf32>
      %max3A_608 = arith.maximumf %get3A_258, %rev3A_607 : vector<16xf32>
      %rev3A_609 = arith.constant 15 : i32
      %rev3A_610 = vector.broadcast %rev3A_609 : i32 to vector<16xi32>
      %rev3A_611 = tpu.iota {dimensions = array<i32: 0>} : vector<16xi32>
      %rev3A_612 = arith.subi %rev3A_610, %rev3A_611 : vector<16xi32>
      %rev3A_613 = tpu.dynamic_gather %get3A_278[%rev3A_612] in [0] : vector<16xf32>, vector<16xi32> -> vector<16xf32>
      %max3A_614 = arith.maximumf %get3A_263, %rev3A_613 : vector<16xf32>
      %rev3A_615 = arith.constant 15 : i32
      %rev3A_616 = vector.broadcast %rev3A_615 : i32 to vector<16xi32>
      %rev3A_617 = tpu.iota {dimensions = array<i32: 0>} : vector<16xi32>
      %rev3A_618 = arith.subi %rev3A_616, %rev3A_617 : vector<16xi32>
      %rev3A_619 = tpu.dynamic_gather %get3A_273[%rev3A_618] in [0] : vector<16xf32>, vector<16xi32> -> vector<16xf32>
      %max3A_620 = arith.maximumf %get3A_268, %rev3A_619 : vector<16xf32>
      %max3A_621 = arith.maximumf %max3A_602, %max3A_614 : vector<16xf32>
      %min3A_622 = arith.minimumf %max3A_602, %max3A_614 : vector<16xf32>
      %max3A_623 = arith.maximumf %max3A_608, %max3A_620 : vector<16xf32>
      %min3A_624 = arith.minimumf %max3A_608, %max3A_620 : vector<16xf32>
      %max3A_625 = arith.maximumf %max3A_621, %max3A_623 : vector<16xf32>
      %min3A_626 = arith.minimumf %max3A_621, %max3A_623 : vector<16xf32>
      %max3A_627 = arith.maximumf %min3A_622, %min3A_624 : vector<16xf32>
      %min3A_628 = arith.minimumf %min3A_622, %min3A_624 : vector<16xf32>
      %masked_sort3A_629 = arith.constant dense<true> : vector<16xi1>
      %masked_sort3A_630, %masked_sort3A_631, %masked_sort3A_632 = tpu.sort %max3A_625, %max3A_625 masked %masked_sort3A_629 {descending = true} : (vector<16xf32>, vector<16xf32>, vector<16xi1>) -> (vector<16xi1>, vector<16xf32>, vector<16xf32>)
      %masked_sort3A_633 = arith.constant dense<true> : vector<16xi1>
      %masked_sort3A_634, %masked_sort3A_635, %masked_sort3A_636 = tpu.sort %min3A_626, %min3A_626 masked %masked_sort3A_633 {descending = true} : (vector<16xf32>, vector<16xf32>, vector<16xi1>) -> (vector<16xi1>, vector<16xf32>, vector<16xf32>)
      %masked_sort3A_637 = arith.constant dense<true> : vector<16xi1>
      %masked_sort3A_638, %masked_sort3A_639, %masked_sort3A_640 = tpu.sort %max3A_627, %max3A_627 masked %masked_sort3A_637 {descending = true} : (vector<16xf32>, vector<16xf32>, vector<16xi1>) -> (vector<16xi1>, vector<16xf32>, vector<16xf32>)
      %masked_sort3A_641 = arith.constant dense<true> : vector<16xi1>
      %masked_sort3A_642, %masked_sort3A_643, %masked_sort3A_644 = tpu.sort %min3A_628, %min3A_628 masked %masked_sort3A_641 {descending = true} : (vector<16xf32>, vector<16xf32>, vector<16xi1>) -> (vector<16xi1>, vector<16xf32>, vector<16xf32>)
      %rev3A_645 = arith.constant 15 : i32
      %rev3A_646 = vector.broadcast %rev3A_645 : i32 to vector<16xi32>
      %rev3A_647 = tpu.iota {dimensions = array<i32: 0>} : vector<16xi32>
      %rev3A_648 = arith.subi %rev3A_646, %rev3A_647 : vector<16xi32>
      %rev3A_649 = tpu.dynamic_gather %get3A_328[%rev3A_648] in [0] : vector<16xf32>, vector<16xi32> -> vector<16xf32>
      %max3A_650 = arith.maximumf %get3A_293, %rev3A_649 : vector<16xf32>
      %rev3A_651 = arith.constant 15 : i32
      %rev3A_652 = vector.broadcast %rev3A_651 : i32 to vector<16xi32>
      %rev3A_653 = tpu.iota {dimensions = array<i32: 0>} : vector<16xi32>
      %rev3A_654 = arith.subi %rev3A_652, %rev3A_653 : vector<16xi32>
      %rev3A_655 = tpu.dynamic_gather %get3A_323[%rev3A_654] in [0] : vector<16xf32>, vector<16xi32> -> vector<16xf32>
      %max3A_656 = arith.maximumf %get3A_298, %rev3A_655 : vector<16xf32>
      %rev3A_657 = arith.constant 15 : i32
      %rev3A_658 = vector.broadcast %rev3A_657 : i32 to vector<16xi32>
      %rev3A_659 = tpu.iota {dimensions = array<i32: 0>} : vector<16xi32>
      %rev3A_660 = arith.subi %rev3A_658, %rev3A_659 : vector<16xi32>
      %rev3A_661 = tpu.dynamic_gather %get3A_318[%rev3A_660] in [0] : vector<16xf32>, vector<16xi32> -> vector<16xf32>
      %max3A_662 = arith.maximumf %get3A_303, %rev3A_661 : vector<16xf32>
      %rev3A_663 = arith.constant 15 : i32
      %rev3A_664 = vector.broadcast %rev3A_663 : i32 to vector<16xi32>
      %rev3A_665 = tpu.iota {dimensions = array<i32: 0>} : vector<16xi32>
      %rev3A_666 = arith.subi %rev3A_664, %rev3A_665 : vector<16xi32>
      %rev3A_667 = tpu.dynamic_gather %get3A_313[%rev3A_666] in [0] : vector<16xf32>, vector<16xi32> -> vector<16xf32>
      %max3A_668 = arith.maximumf %get3A_308, %rev3A_667 : vector<16xf32>
      %max3A_669 = arith.maximumf %max3A_650, %max3A_662 : vector<16xf32>
      %min3A_670 = arith.minimumf %max3A_650, %max3A_662 : vector<16xf32>
      %max3A_671 = arith.maximumf %max3A_656, %max3A_668 : vector<16xf32>
      %min3A_672 = arith.minimumf %max3A_656, %max3A_668 : vector<16xf32>
      %max3A_673 = arith.maximumf %max3A_669, %max3A_671 : vector<16xf32>
      %min3A_674 = arith.minimumf %max3A_669, %max3A_671 : vector<16xf32>
      %max3A_675 = arith.maximumf %min3A_670, %min3A_672 : vector<16xf32>
      %min3A_676 = arith.minimumf %min3A_670, %min3A_672 : vector<16xf32>
      %masked_sort3A_677 = arith.constant dense<true> : vector<16xi1>
      %masked_sort3A_678, %masked_sort3A_679, %masked_sort3A_680 = tpu.sort %max3A_673, %max3A_673 masked %masked_sort3A_677 {descending = true} : (vector<16xf32>, vector<16xf32>, vector<16xi1>) -> (vector<16xi1>, vector<16xf32>, vector<16xf32>)
      %masked_sort3A_681 = arith.constant dense<true> : vector<16xi1>
      %masked_sort3A_682, %masked_sort3A_683, %masked_sort3A_684 = tpu.sort %min3A_674, %min3A_674 masked %masked_sort3A_681 {descending = true} : (vector<16xf32>, vector<16xf32>, vector<16xi1>) -> (vector<16xi1>, vector<16xf32>, vector<16xf32>)
      %masked_sort3A_685 = arith.constant dense<true> : vector<16xi1>
      %masked_sort3A_686, %masked_sort3A_687, %masked_sort3A_688 = tpu.sort %max3A_675, %max3A_675 masked %masked_sort3A_685 {descending = true} : (vector<16xf32>, vector<16xf32>, vector<16xi1>) -> (vector<16xi1>, vector<16xf32>, vector<16xf32>)
      %masked_sort3A_689 = arith.constant dense<true> : vector<16xi1>
      %masked_sort3A_690, %masked_sort3A_691, %masked_sort3A_692 = tpu.sort %min3A_676, %min3A_676 masked %masked_sort3A_689 {descending = true} : (vector<16xf32>, vector<16xf32>, vector<16xi1>) -> (vector<16xi1>, vector<16xf32>, vector<16xf32>)
      %rev3A_693 = arith.constant 15 : i32
      %rev3A_694 = vector.broadcast %rev3A_693 : i32 to vector<16xi32>
      %rev3A_695 = tpu.iota {dimensions = array<i32: 0>} : vector<16xi32>
      %rev3A_696 = arith.subi %rev3A_694, %rev3A_695 : vector<16xi32>
      %rev3A_697 = tpu.dynamic_gather %get3A_368[%rev3A_696] in [0] : vector<16xf32>, vector<16xi32> -> vector<16xf32>
      %max3A_698 = arith.maximumf %get3A_333, %rev3A_697 : vector<16xf32>
      %rev3A_699 = arith.constant 15 : i32
      %rev3A_700 = vector.broadcast %rev3A_699 : i32 to vector<16xi32>
      %rev3A_701 = tpu.iota {dimensions = array<i32: 0>} : vector<16xi32>
      %rev3A_702 = arith.subi %rev3A_700, %rev3A_701 : vector<16xi32>
      %rev3A_703 = tpu.dynamic_gather %get3A_363[%rev3A_702] in [0] : vector<16xf32>, vector<16xi32> -> vector<16xf32>
      %max3A_704 = arith.maximumf %get3A_338, %rev3A_703 : vector<16xf32>
      %rev3A_705 = arith.constant 15 : i32
      %rev3A_706 = vector.broadcast %rev3A_705 : i32 to vector<16xi32>
      %rev3A_707 = tpu.iota {dimensions = array<i32: 0>} : vector<16xi32>
      %rev3A_708 = arith.subi %rev3A_706, %rev3A_707 : vector<16xi32>
      %rev3A_709 = tpu.dynamic_gather %get3A_358[%rev3A_708] in [0] : vector<16xf32>, vector<16xi32> -> vector<16xf32>
      %max3A_710 = arith.maximumf %get3A_343, %rev3A_709 : vector<16xf32>
      %rev3A_711 = arith.constant 15 : i32
      %rev3A_712 = vector.broadcast %rev3A_711 : i32 to vector<16xi32>
      %rev3A_713 = tpu.iota {dimensions = array<i32: 0>} : vector<16xi32>
      %rev3A_714 = arith.subi %rev3A_712, %rev3A_713 : vector<16xi32>
      %rev3A_715 = tpu.dynamic_gather %get3A_353[%rev3A_714] in [0] : vector<16xf32>, vector<16xi32> -> vector<16xf32>
      %max3A_716 = arith.maximumf %get3A_348, %rev3A_715 : vector<16xf32>
      %max3A_717 = arith.maximumf %max3A_698, %max3A_710 : vector<16xf32>
      %min3A_718 = arith.minimumf %max3A_698, %max3A_710 : vector<16xf32>
      %max3A_719 = arith.maximumf %max3A_704, %max3A_716 : vector<16xf32>
      %min3A_720 = arith.minimumf %max3A_704, %max3A_716 : vector<16xf32>
      %max3A_721 = arith.maximumf %max3A_717, %max3A_719 : vector<16xf32>
      %min3A_722 = arith.minimumf %max3A_717, %max3A_719 : vector<16xf32>
      %max3A_723 = arith.maximumf %min3A_718, %min3A_720 : vector<16xf32>
      %min3A_724 = arith.minimumf %min3A_718, %min3A_720 : vector<16xf32>
      %masked_sort3A_725 = arith.constant dense<true> : vector<16xi1>
      %masked_sort3A_726, %masked_sort3A_727, %masked_sort3A_728 = tpu.sort %max3A_721, %max3A_721 masked %masked_sort3A_725 {descending = true} : (vector<16xf32>, vector<16xf32>, vector<16xi1>) -> (vector<16xi1>, vector<16xf32>, vector<16xf32>)
      %masked_sort3A_729 = arith.constant dense<true> : vector<16xi1>
      %masked_sort3A_730, %masked_sort3A_731, %masked_sort3A_732 = tpu.sort %min3A_722, %min3A_722 masked %masked_sort3A_729 {descending = true} : (vector<16xf32>, vector<16xf32>, vector<16xi1>) -> (vector<16xi1>, vector<16xf32>, vector<16xf32>)
      %masked_sort3A_733 = arith.constant dense<true> : vector<16xi1>
      %masked_sort3A_734, %masked_sort3A_735, %masked_sort3A_736 = tpu.sort %max3A_723, %max3A_723 masked %masked_sort3A_733 {descending = true} : (vector<16xf32>, vector<16xf32>, vector<16xi1>) -> (vector<16xi1>, vector<16xf32>, vector<16xf32>)
      %masked_sort3A_737 = arith.constant dense<true> : vector<16xi1>
      %masked_sort3A_738, %masked_sort3A_739, %masked_sort3A_740 = tpu.sort %min3A_724, %min3A_724 masked %masked_sort3A_737 {descending = true} : (vector<16xf32>, vector<16xf32>, vector<16xi1>) -> (vector<16xi1>, vector<16xf32>, vector<16xf32>)
      %rev3A_741 = arith.constant 15 : i32
      %rev3A_742 = vector.broadcast %rev3A_741 : i32 to vector<16xi32>
      %rev3A_743 = tpu.iota {dimensions = array<i32: 0>} : vector<16xi32>
      %rev3A_744 = arith.subi %rev3A_742, %rev3A_743 : vector<16xi32>
      %rev3A_745 = tpu.dynamic_gather %get3A_408[%rev3A_744] in [0] : vector<16xf32>, vector<16xi32> -> vector<16xf32>
      %max3A_746 = arith.maximumf %get3A_373, %rev3A_745 : vector<16xf32>
      %rev3A_747 = arith.constant 15 : i32
      %rev3A_748 = vector.broadcast %rev3A_747 : i32 to vector<16xi32>
      %rev3A_749 = tpu.iota {dimensions = array<i32: 0>} : vector<16xi32>
      %rev3A_750 = arith.subi %rev3A_748, %rev3A_749 : vector<16xi32>
      %rev3A_751 = tpu.dynamic_gather %get3A_403[%rev3A_750] in [0] : vector<16xf32>, vector<16xi32> -> vector<16xf32>
      %max3A_752 = arith.maximumf %get3A_378, %rev3A_751 : vector<16xf32>
      %rev3A_753 = arith.constant 15 : i32
      %rev3A_754 = vector.broadcast %rev3A_753 : i32 to vector<16xi32>
      %rev3A_755 = tpu.iota {dimensions = array<i32: 0>} : vector<16xi32>
      %rev3A_756 = arith.subi %rev3A_754, %rev3A_755 : vector<16xi32>
      %rev3A_757 = tpu.dynamic_gather %get3A_398[%rev3A_756] in [0] : vector<16xf32>, vector<16xi32> -> vector<16xf32>
      %max3A_758 = arith.maximumf %get3A_383, %rev3A_757 : vector<16xf32>
      %rev3A_759 = arith.constant 15 : i32
      %rev3A_760 = vector.broadcast %rev3A_759 : i32 to vector<16xi32>
      %rev3A_761 = tpu.iota {dimensions = array<i32: 0>} : vector<16xi32>
      %rev3A_762 = arith.subi %rev3A_760, %rev3A_761 : vector<16xi32>
      %rev3A_763 = tpu.dynamic_gather %get3A_393[%rev3A_762] in [0] : vector<16xf32>, vector<16xi32> -> vector<16xf32>
      %max3A_764 = arith.maximumf %get3A_388, %rev3A_763 : vector<16xf32>
      %max3A_765 = arith.maximumf %max3A_746, %max3A_758 : vector<16xf32>
      %min3A_766 = arith.minimumf %max3A_746, %max3A_758 : vector<16xf32>
      %max3A_767 = arith.maximumf %max3A_752, %max3A_764 : vector<16xf32>
      %min3A_768 = arith.minimumf %max3A_752, %max3A_764 : vector<16xf32>
      %max3A_769 = arith.maximumf %max3A_765, %max3A_767 : vector<16xf32>
      %min3A_770 = arith.minimumf %max3A_765, %max3A_767 : vector<16xf32>
      %max3A_771 = arith.maximumf %min3A_766, %min3A_768 : vector<16xf32>
      %min3A_772 = arith.minimumf %min3A_766, %min3A_768 : vector<16xf32>
      %masked_sort3A_773 = arith.constant dense<true> : vector<16xi1>
      %masked_sort3A_774, %masked_sort3A_775, %masked_sort3A_776 = tpu.sort %max3A_769, %max3A_769 masked %masked_sort3A_773 {descending = true} : (vector<16xf32>, vector<16xf32>, vector<16xi1>) -> (vector<16xi1>, vector<16xf32>, vector<16xf32>)
      %masked_sort3A_777 = arith.constant dense<true> : vector<16xi1>
      %masked_sort3A_778, %masked_sort3A_779, %masked_sort3A_780 = tpu.sort %min3A_770, %min3A_770 masked %masked_sort3A_777 {descending = true} : (vector<16xf32>, vector<16xf32>, vector<16xi1>) -> (vector<16xi1>, vector<16xf32>, vector<16xf32>)
      %masked_sort3A_781 = arith.constant dense<true> : vector<16xi1>
      %masked_sort3A_782, %masked_sort3A_783, %masked_sort3A_784 = tpu.sort %max3A_771, %max3A_771 masked %masked_sort3A_781 {descending = true} : (vector<16xf32>, vector<16xf32>, vector<16xi1>) -> (vector<16xi1>, vector<16xf32>, vector<16xf32>)
      %masked_sort3A_785 = arith.constant dense<true> : vector<16xi1>
      %masked_sort3A_786, %masked_sort3A_787, %masked_sort3A_788 = tpu.sort %min3A_772, %min3A_772 masked %masked_sort3A_785 {descending = true} : (vector<16xf32>, vector<16xf32>, vector<16xi1>) -> (vector<16xi1>, vector<16xf32>, vector<16xf32>)
      %rev3A_789 = arith.constant 15 : i32
      %rev3A_790 = vector.broadcast %rev3A_789 : i32 to vector<16xi32>
      %rev3A_791 = tpu.iota {dimensions = array<i32: 0>} : vector<16xi32>
      %rev3A_792 = arith.subi %rev3A_790, %rev3A_791 : vector<16xi32>
      %rev3A_793 = tpu.dynamic_gather %masked_sort3A_499[%rev3A_792] in [0] : vector<16xf32>, vector<16xi32> -> vector<16xf32>
      %max3A_794 = arith.maximumf %masked_sort3A_439, %rev3A_793 : vector<16xf32>
      %rev3A_795 = arith.constant 15 : i32
      %rev3A_796 = vector.broadcast %rev3A_795 : i32 to vector<16xi32>
      %rev3A_797 = tpu.iota {dimensions = array<i32: 0>} : vector<16xi32>
      %rev3A_798 = arith.subi %rev3A_796, %rev3A_797 : vector<16xi32>
      %rev3A_799 = tpu.dynamic_gather %masked_sort3A_495[%rev3A_798] in [0] : vector<16xf32>, vector<16xi32> -> vector<16xf32>
      %max3A_800 = arith.maximumf %masked_sort3A_443, %rev3A_799 : vector<16xf32>
      %rev3A_801 = arith.constant 15 : i32
      %rev3A_802 = vector.broadcast %rev3A_801 : i32 to vector<16xi32>
      %rev3A_803 = tpu.iota {dimensions = array<i32: 0>} : vector<16xi32>
      %rev3A_804 = arith.subi %rev3A_802, %rev3A_803 : vector<16xi32>
      %rev3A_805 = tpu.dynamic_gather %masked_sort3A_491[%rev3A_804] in [0] : vector<16xf32>, vector<16xi32> -> vector<16xf32>
      %max3A_806 = arith.maximumf %masked_sort3A_447, %rev3A_805 : vector<16xf32>
      %rev3A_807 = arith.constant 15 : i32
      %rev3A_808 = vector.broadcast %rev3A_807 : i32 to vector<16xi32>
      %rev3A_809 = tpu.iota {dimensions = array<i32: 0>} : vector<16xi32>
      %rev3A_810 = arith.subi %rev3A_808, %rev3A_809 : vector<16xi32>
      %rev3A_811 = tpu.dynamic_gather %masked_sort3A_487[%rev3A_810] in [0] : vector<16xf32>, vector<16xi32> -> vector<16xf32>
      %max3A_812 = arith.maximumf %masked_sort3A_451, %rev3A_811 : vector<16xf32>
      %max3A_813 = arith.maximumf %max3A_794, %max3A_806 : vector<16xf32>
      %min3A_814 = arith.minimumf %max3A_794, %max3A_806 : vector<16xf32>
      %max3A_815 = arith.maximumf %max3A_800, %max3A_812 : vector<16xf32>
      %min3A_816 = arith.minimumf %max3A_800, %max3A_812 : vector<16xf32>
      %max3A_817 = arith.maximumf %max3A_813, %max3A_815 : vector<16xf32>
      %min3A_818 = arith.minimumf %max3A_813, %max3A_815 : vector<16xf32>
      %max3A_819 = arith.maximumf %min3A_814, %min3A_816 : vector<16xf32>
      %min3A_820 = arith.minimumf %min3A_814, %min3A_816 : vector<16xf32>
      %masked_sort3A_821 = arith.constant dense<true> : vector<16xi1>
      %masked_sort3A_822, %masked_sort3A_823, %masked_sort3A_824 = tpu.sort %max3A_817, %max3A_817 masked %masked_sort3A_821 {descending = true} : (vector<16xf32>, vector<16xf32>, vector<16xi1>) -> (vector<16xi1>, vector<16xf32>, vector<16xf32>)
      %masked_sort3A_825 = arith.constant dense<true> : vector<16xi1>
      %masked_sort3A_826, %masked_sort3A_827, %masked_sort3A_828 = tpu.sort %min3A_818, %min3A_818 masked %masked_sort3A_825 {descending = true} : (vector<16xf32>, vector<16xf32>, vector<16xi1>) -> (vector<16xi1>, vector<16xf32>, vector<16xf32>)
      %masked_sort3A_829 = arith.constant dense<true> : vector<16xi1>
      %masked_sort3A_830, %masked_sort3A_831, %masked_sort3A_832 = tpu.sort %max3A_819, %max3A_819 masked %masked_sort3A_829 {descending = true} : (vector<16xf32>, vector<16xf32>, vector<16xi1>) -> (vector<16xi1>, vector<16xf32>, vector<16xf32>)
      %masked_sort3A_833 = arith.constant dense<true> : vector<16xi1>
      %masked_sort3A_834, %masked_sort3A_835, %masked_sort3A_836 = tpu.sort %min3A_820, %min3A_820 masked %masked_sort3A_833 {descending = true} : (vector<16xf32>, vector<16xf32>, vector<16xi1>) -> (vector<16xi1>, vector<16xf32>, vector<16xf32>)
      %rev3A_837 = arith.constant 15 : i32
      %rev3A_838 = vector.broadcast %rev3A_837 : i32 to vector<16xi32>
      %rev3A_839 = tpu.iota {dimensions = array<i32: 0>} : vector<16xi32>
      %rev3A_840 = arith.subi %rev3A_838, %rev3A_839 : vector<16xi32>
      %rev3A_841 = tpu.dynamic_gather %masked_sort3A_595[%rev3A_840] in [0] : vector<16xf32>, vector<16xi32> -> vector<16xf32>
      %max3A_842 = arith.maximumf %masked_sort3A_535, %rev3A_841 : vector<16xf32>
      %rev3A_843 = arith.constant 15 : i32
      %rev3A_844 = vector.broadcast %rev3A_843 : i32 to vector<16xi32>
      %rev3A_845 = tpu.iota {dimensions = array<i32: 0>} : vector<16xi32>
      %rev3A_846 = arith.subi %rev3A_844, %rev3A_845 : vector<16xi32>
      %rev3A_847 = tpu.dynamic_gather %masked_sort3A_591[%rev3A_846] in [0] : vector<16xf32>, vector<16xi32> -> vector<16xf32>
      %max3A_848 = arith.maximumf %masked_sort3A_539, %rev3A_847 : vector<16xf32>
      %rev3A_849 = arith.constant 15 : i32
      %rev3A_850 = vector.broadcast %rev3A_849 : i32 to vector<16xi32>
      %rev3A_851 = tpu.iota {dimensions = array<i32: 0>} : vector<16xi32>
      %rev3A_852 = arith.subi %rev3A_850, %rev3A_851 : vector<16xi32>
      %rev3A_853 = tpu.dynamic_gather %masked_sort3A_587[%rev3A_852] in [0] : vector<16xf32>, vector<16xi32> -> vector<16xf32>
      %max3A_854 = arith.maximumf %masked_sort3A_543, %rev3A_853 : vector<16xf32>
      %rev3A_855 = arith.constant 15 : i32
      %rev3A_856 = vector.broadcast %rev3A_855 : i32 to vector<16xi32>
      %rev3A_857 = tpu.iota {dimensions = array<i32: 0>} : vector<16xi32>
      %rev3A_858 = arith.subi %rev3A_856, %rev3A_857 : vector<16xi32>
      %rev3A_859 = tpu.dynamic_gather %masked_sort3A_583[%rev3A_858] in [0] : vector<16xf32>, vector<16xi32> -> vector<16xf32>
      %max3A_860 = arith.maximumf %masked_sort3A_547, %rev3A_859 : vector<16xf32>
      %max3A_861 = arith.maximumf %max3A_842, %max3A_854 : vector<16xf32>
      %min3A_862 = arith.minimumf %max3A_842, %max3A_854 : vector<16xf32>
      %max3A_863 = arith.maximumf %max3A_848, %max3A_860 : vector<16xf32>
      %min3A_864 = arith.minimumf %max3A_848, %max3A_860 : vector<16xf32>
      %max3A_865 = arith.maximumf %max3A_861, %max3A_863 : vector<16xf32>
      %min3A_866 = arith.minimumf %max3A_861, %max3A_863 : vector<16xf32>
      %max3A_867 = arith.maximumf %min3A_862, %min3A_864 : vector<16xf32>
      %min3A_868 = arith.minimumf %min3A_862, %min3A_864 : vector<16xf32>
      %masked_sort3A_869 = arith.constant dense<true> : vector<16xi1>
      %masked_sort3A_870, %masked_sort3A_871, %masked_sort3A_872 = tpu.sort %max3A_865, %max3A_865 masked %masked_sort3A_869 {descending = true} : (vector<16xf32>, vector<16xf32>, vector<16xi1>) -> (vector<16xi1>, vector<16xf32>, vector<16xf32>)
      %masked_sort3A_873 = arith.constant dense<true> : vector<16xi1>
      %masked_sort3A_874, %masked_sort3A_875, %masked_sort3A_876 = tpu.sort %min3A_866, %min3A_866 masked %masked_sort3A_873 {descending = true} : (vector<16xf32>, vector<16xf32>, vector<16xi1>) -> (vector<16xi1>, vector<16xf32>, vector<16xf32>)
      %masked_sort3A_877 = arith.constant dense<true> : vector<16xi1>
      %masked_sort3A_878, %masked_sort3A_879, %masked_sort3A_880 = tpu.sort %max3A_867, %max3A_867 masked %masked_sort3A_877 {descending = true} : (vector<16xf32>, vector<16xf32>, vector<16xi1>) -> (vector<16xi1>, vector<16xf32>, vector<16xf32>)
      %masked_sort3A_881 = arith.constant dense<true> : vector<16xi1>
      %masked_sort3A_882, %masked_sort3A_883, %masked_sort3A_884 = tpu.sort %min3A_868, %min3A_868 masked %masked_sort3A_881 {descending = true} : (vector<16xf32>, vector<16xf32>, vector<16xi1>) -> (vector<16xi1>, vector<16xf32>, vector<16xf32>)
      %rev3A_885 = arith.constant 15 : i32
      %rev3A_886 = vector.broadcast %rev3A_885 : i32 to vector<16xi32>
      %rev3A_887 = tpu.iota {dimensions = array<i32: 0>} : vector<16xi32>
      %rev3A_888 = arith.subi %rev3A_886, %rev3A_887 : vector<16xi32>
      %rev3A_889 = tpu.dynamic_gather %masked_sort3A_691[%rev3A_888] in [0] : vector<16xf32>, vector<16xi32> -> vector<16xf32>
      %max3A_890 = arith.maximumf %masked_sort3A_631, %rev3A_889 : vector<16xf32>
      %rev3A_891 = arith.constant 15 : i32
      %rev3A_892 = vector.broadcast %rev3A_891 : i32 to vector<16xi32>
      %rev3A_893 = tpu.iota {dimensions = array<i32: 0>} : vector<16xi32>
      %rev3A_894 = arith.subi %rev3A_892, %rev3A_893 : vector<16xi32>
      %rev3A_895 = tpu.dynamic_gather %masked_sort3A_687[%rev3A_894] in [0] : vector<16xf32>, vector<16xi32> -> vector<16xf32>
      %max3A_896 = arith.maximumf %masked_sort3A_635, %rev3A_895 : vector<16xf32>
      %rev3A_897 = arith.constant 15 : i32
      %rev3A_898 = vector.broadcast %rev3A_897 : i32 to vector<16xi32>
      %rev3A_899 = tpu.iota {dimensions = array<i32: 0>} : vector<16xi32>
      %rev3A_900 = arith.subi %rev3A_898, %rev3A_899 : vector<16xi32>
      %rev3A_901 = tpu.dynamic_gather %masked_sort3A_683[%rev3A_900] in [0] : vector<16xf32>, vector<16xi32> -> vector<16xf32>
      %max3A_902 = arith.maximumf %masked_sort3A_639, %rev3A_901 : vector<16xf32>
      %rev3A_903 = arith.constant 15 : i32
      %rev3A_904 = vector.broadcast %rev3A_903 : i32 to vector<16xi32>
      %rev3A_905 = tpu.iota {dimensions = array<i32: 0>} : vector<16xi32>
      %rev3A_906 = arith.subi %rev3A_904, %rev3A_905 : vector<16xi32>
      %rev3A_907 = tpu.dynamic_gather %masked_sort3A_679[%rev3A_906] in [0] : vector<16xf32>, vector<16xi32> -> vector<16xf32>
      %max3A_908 = arith.maximumf %masked_sort3A_643, %rev3A_907 : vector<16xf32>
      %max3A_909 = arith.maximumf %max3A_890, %max3A_902 : vector<16xf32>
      %min3A_910 = arith.minimumf %max3A_890, %max3A_902 : vector<16xf32>
      %max3A_911 = arith.maximumf %max3A_896, %max3A_908 : vector<16xf32>
      %min3A_912 = arith.minimumf %max3A_896, %max3A_908 : vector<16xf32>
      %max3A_913 = arith.maximumf %max3A_909, %max3A_911 : vector<16xf32>
      %min3A_914 = arith.minimumf %max3A_909, %max3A_911 : vector<16xf32>
      %max3A_915 = arith.maximumf %min3A_910, %min3A_912 : vector<16xf32>
      %min3A_916 = arith.minimumf %min3A_910, %min3A_912 : vector<16xf32>
      %masked_sort3A_917 = arith.constant dense<true> : vector<16xi1>
      %masked_sort3A_918, %masked_sort3A_919, %masked_sort3A_920 = tpu.sort %max3A_913, %max3A_913 masked %masked_sort3A_917 {descending = true} : (vector<16xf32>, vector<16xf32>, vector<16xi1>) -> (vector<16xi1>, vector<16xf32>, vector<16xf32>)
      %masked_sort3A_921 = arith.constant dense<true> : vector<16xi1>
      %masked_sort3A_922, %masked_sort3A_923, %masked_sort3A_924 = tpu.sort %min3A_914, %min3A_914 masked %masked_sort3A_921 {descending = true} : (vector<16xf32>, vector<16xf32>, vector<16xi1>) -> (vector<16xi1>, vector<16xf32>, vector<16xf32>)
      %masked_sort3A_925 = arith.constant dense<true> : vector<16xi1>
      %masked_sort3A_926, %masked_sort3A_927, %masked_sort3A_928 = tpu.sort %max3A_915, %max3A_915 masked %masked_sort3A_925 {descending = true} : (vector<16xf32>, vector<16xf32>, vector<16xi1>) -> (vector<16xi1>, vector<16xf32>, vector<16xf32>)
      %masked_sort3A_929 = arith.constant dense<true> : vector<16xi1>
      %masked_sort3A_930, %masked_sort3A_931, %masked_sort3A_932 = tpu.sort %min3A_916, %min3A_916 masked %masked_sort3A_929 {descending = true} : (vector<16xf32>, vector<16xf32>, vector<16xi1>) -> (vector<16xi1>, vector<16xf32>, vector<16xf32>)
      %rev3A_933 = arith.constant 15 : i32
      %rev3A_934 = vector.broadcast %rev3A_933 : i32 to vector<16xi32>
      %rev3A_935 = tpu.iota {dimensions = array<i32: 0>} : vector<16xi32>
      %rev3A_936 = arith.subi %rev3A_934, %rev3A_935 : vector<16xi32>
      %rev3A_937 = tpu.dynamic_gather %masked_sort3A_787[%rev3A_936] in [0] : vector<16xf32>, vector<16xi32> -> vector<16xf32>
      %max3A_938 = arith.maximumf %masked_sort3A_727, %rev3A_937 : vector<16xf32>
      %rev3A_939 = arith.constant 15 : i32
      %rev3A_940 = vector.broadcast %rev3A_939 : i32 to vector<16xi32>
      %rev3A_941 = tpu.iota {dimensions = array<i32: 0>} : vector<16xi32>
      %rev3A_942 = arith.subi %rev3A_940, %rev3A_941 : vector<16xi32>
      %rev3A_943 = tpu.dynamic_gather %masked_sort3A_783[%rev3A_942] in [0] : vector<16xf32>, vector<16xi32> -> vector<16xf32>
      %max3A_944 = arith.maximumf %masked_sort3A_731, %rev3A_943 : vector<16xf32>
      %rev3A_945 = arith.constant 15 : i32
      %rev3A_946 = vector.broadcast %rev3A_945 : i32 to vector<16xi32>
      %rev3A_947 = tpu.iota {dimensions = array<i32: 0>} : vector<16xi32>
      %rev3A_948 = arith.subi %rev3A_946, %rev3A_947 : vector<16xi32>
      %rev3A_949 = tpu.dynamic_gather %masked_sort3A_779[%rev3A_948] in [0] : vector<16xf32>, vector<16xi32> -> vector<16xf32>
      %max3A_950 = arith.maximumf %masked_sort3A_735, %rev3A_949 : vector<16xf32>
      %rev3A_951 = arith.constant 15 : i32
      %rev3A_952 = vector.broadcast %rev3A_951 : i32 to vector<16xi32>
      %rev3A_953 = tpu.iota {dimensions = array<i32: 0>} : vector<16xi32>
      %rev3A_954 = arith.subi %rev3A_952, %rev3A_953 : vector<16xi32>
      %rev3A_955 = tpu.dynamic_gather %masked_sort3A_775[%rev3A_954] in [0] : vector<16xf32>, vector<16xi32> -> vector<16xf32>
      %max3A_956 = arith.maximumf %masked_sort3A_739, %rev3A_955 : vector<16xf32>
      %max3A_957 = arith.maximumf %max3A_938, %max3A_950 : vector<16xf32>
      %min3A_958 = arith.minimumf %max3A_938, %max3A_950 : vector<16xf32>
      %max3A_959 = arith.maximumf %max3A_944, %max3A_956 : vector<16xf32>
      %min3A_960 = arith.minimumf %max3A_944, %max3A_956 : vector<16xf32>
      %max3A_961 = arith.maximumf %max3A_957, %max3A_959 : vector<16xf32>
      %min3A_962 = arith.minimumf %max3A_957, %max3A_959 : vector<16xf32>
      %max3A_963 = arith.maximumf %min3A_958, %min3A_960 : vector<16xf32>
      %min3A_964 = arith.minimumf %min3A_958, %min3A_960 : vector<16xf32>
      %masked_sort3A_965 = arith.constant dense<true> : vector<16xi1>
      %masked_sort3A_966, %masked_sort3A_967, %masked_sort3A_968 = tpu.sort %max3A_961, %max3A_961 masked %masked_sort3A_965 {descending = true} : (vector<16xf32>, vector<16xf32>, vector<16xi1>) -> (vector<16xi1>, vector<16xf32>, vector<16xf32>)
      %masked_sort3A_969 = arith.constant dense<true> : vector<16xi1>
      %masked_sort3A_970, %masked_sort3A_971, %masked_sort3A_972 = tpu.sort %min3A_962, %min3A_962 masked %masked_sort3A_969 {descending = true} : (vector<16xf32>, vector<16xf32>, vector<16xi1>) -> (vector<16xi1>, vector<16xf32>, vector<16xf32>)
      %masked_sort3A_973 = arith.constant dense<true> : vector<16xi1>
      %masked_sort3A_974, %masked_sort3A_975, %masked_sort3A_976 = tpu.sort %max3A_963, %max3A_963 masked %masked_sort3A_973 {descending = true} : (vector<16xf32>, vector<16xf32>, vector<16xi1>) -> (vector<16xi1>, vector<16xf32>, vector<16xf32>)
      %masked_sort3A_977 = arith.constant dense<true> : vector<16xi1>
      %masked_sort3A_978, %masked_sort3A_979, %masked_sort3A_980 = tpu.sort %min3A_964, %min3A_964 masked %masked_sort3A_977 {descending = true} : (vector<16xf32>, vector<16xf32>, vector<16xi1>) -> (vector<16xi1>, vector<16xf32>, vector<16xf32>)
      %rev3A_981 = arith.constant 15 : i32
      %rev3A_982 = vector.broadcast %rev3A_981 : i32 to vector<16xi32>
      %rev3A_983 = tpu.iota {dimensions = array<i32: 0>} : vector<16xi32>
      %rev3A_984 = arith.subi %rev3A_982, %rev3A_983 : vector<16xi32>
      %rev3A_985 = tpu.dynamic_gather %masked_sort3A_883[%rev3A_984] in [0] : vector<16xf32>, vector<16xi32> -> vector<16xf32>
      %max3A_986 = arith.maximumf %masked_sort3A_823, %rev3A_985 : vector<16xf32>
      %rev3A_987 = arith.constant 15 : i32
      %rev3A_988 = vector.broadcast %rev3A_987 : i32 to vector<16xi32>
      %rev3A_989 = tpu.iota {dimensions = array<i32: 0>} : vector<16xi32>
      %rev3A_990 = arith.subi %rev3A_988, %rev3A_989 : vector<16xi32>
      %rev3A_991 = tpu.dynamic_gather %masked_sort3A_879[%rev3A_990] in [0] : vector<16xf32>, vector<16xi32> -> vector<16xf32>
      %max3A_992 = arith.maximumf %masked_sort3A_827, %rev3A_991 : vector<16xf32>
      %rev3A_993 = arith.constant 15 : i32
      %rev3A_994 = vector.broadcast %rev3A_993 : i32 to vector<16xi32>
      %rev3A_995 = tpu.iota {dimensions = array<i32: 0>} : vector<16xi32>
      %rev3A_996 = arith.subi %rev3A_994, %rev3A_995 : vector<16xi32>
      %rev3A_997 = tpu.dynamic_gather %masked_sort3A_875[%rev3A_996] in [0] : vector<16xf32>, vector<16xi32> -> vector<16xf32>
      %max3A_998 = arith.maximumf %masked_sort3A_831, %rev3A_997 : vector<16xf32>
      %rev3A_999 = arith.constant 15 : i32
      %rev3A_1000 = vector.broadcast %rev3A_999 : i32 to vector<16xi32>
      %rev3A_1001 = tpu.iota {dimensions = array<i32: 0>} : vector<16xi32>
      %rev3A_1002 = arith.subi %rev3A_1000, %rev3A_1001 : vector<16xi32>
      %rev3A_1003 = tpu.dynamic_gather %masked_sort3A_871[%rev3A_1002] in [0] : vector<16xf32>, vector<16xi32> -> vector<16xf32>
      %max3A_1004 = arith.maximumf %masked_sort3A_835, %rev3A_1003 : vector<16xf32>
      %max3A_1005 = arith.maximumf %max3A_986, %max3A_998 : vector<16xf32>
      %min3A_1006 = arith.minimumf %max3A_986, %max3A_998 : vector<16xf32>
      %max3A_1007 = arith.maximumf %max3A_992, %max3A_1004 : vector<16xf32>
      %min3A_1008 = arith.minimumf %max3A_992, %max3A_1004 : vector<16xf32>
      %max3A_1009 = arith.maximumf %max3A_1005, %max3A_1007 : vector<16xf32>
      %min3A_1010 = arith.minimumf %max3A_1005, %max3A_1007 : vector<16xf32>
      %max3A_1011 = arith.maximumf %min3A_1006, %min3A_1008 : vector<16xf32>
      %min3A_1012 = arith.minimumf %min3A_1006, %min3A_1008 : vector<16xf32>
      %masked_sort3A_1013 = arith.constant dense<true> : vector<16xi1>
      %masked_sort3A_1014, %masked_sort3A_1015, %masked_sort3A_1016 = tpu.sort %max3A_1009, %max3A_1009 masked %masked_sort3A_1013 {descending = true} : (vector<16xf32>, vector<16xf32>, vector<16xi1>) -> (vector<16xi1>, vector<16xf32>, vector<16xf32>)
      %masked_sort3A_1017 = arith.constant dense<true> : vector<16xi1>
      %masked_sort3A_1018, %masked_sort3A_1019, %masked_sort3A_1020 = tpu.sort %min3A_1010, %min3A_1010 masked %masked_sort3A_1017 {descending = true} : (vector<16xf32>, vector<16xf32>, vector<16xi1>) -> (vector<16xi1>, vector<16xf32>, vector<16xf32>)
      %masked_sort3A_1021 = arith.constant dense<true> : vector<16xi1>
      %masked_sort3A_1022, %masked_sort3A_1023, %masked_sort3A_1024 = tpu.sort %max3A_1011, %max3A_1011 masked %masked_sort3A_1021 {descending = true} : (vector<16xf32>, vector<16xf32>, vector<16xi1>) -> (vector<16xi1>, vector<16xf32>, vector<16xf32>)
      %masked_sort3A_1025 = arith.constant dense<true> : vector<16xi1>
      %masked_sort3A_1026, %masked_sort3A_1027, %masked_sort3A_1028 = tpu.sort %min3A_1012, %min3A_1012 masked %masked_sort3A_1025 {descending = true} : (vector<16xf32>, vector<16xf32>, vector<16xi1>) -> (vector<16xi1>, vector<16xf32>, vector<16xf32>)
      %rev3A_1029 = arith.constant 15 : i32
      %rev3A_1030 = vector.broadcast %rev3A_1029 : i32 to vector<16xi32>
      %rev3A_1031 = tpu.iota {dimensions = array<i32: 0>} : vector<16xi32>
      %rev3A_1032 = arith.subi %rev3A_1030, %rev3A_1031 : vector<16xi32>
      %rev3A_1033 = tpu.dynamic_gather %masked_sort3A_979[%rev3A_1032] in [0] : vector<16xf32>, vector<16xi32> -> vector<16xf32>
      %max3A_1034 = arith.maximumf %masked_sort3A_919, %rev3A_1033 : vector<16xf32>
      %rev3A_1035 = arith.constant 15 : i32
      %rev3A_1036 = vector.broadcast %rev3A_1035 : i32 to vector<16xi32>
      %rev3A_1037 = tpu.iota {dimensions = array<i32: 0>} : vector<16xi32>
      %rev3A_1038 = arith.subi %rev3A_1036, %rev3A_1037 : vector<16xi32>
      %rev3A_1039 = tpu.dynamic_gather %masked_sort3A_975[%rev3A_1038] in [0] : vector<16xf32>, vector<16xi32> -> vector<16xf32>
      %max3A_1040 = arith.maximumf %masked_sort3A_923, %rev3A_1039 : vector<16xf32>
      %rev3A_1041 = arith.constant 15 : i32
      %rev3A_1042 = vector.broadcast %rev3A_1041 : i32 to vector<16xi32>
      %rev3A_1043 = tpu.iota {dimensions = array<i32: 0>} : vector<16xi32>
      %rev3A_1044 = arith.subi %rev3A_1042, %rev3A_1043 : vector<16xi32>
      %rev3A_1045 = tpu.dynamic_gather %masked_sort3A_971[%rev3A_1044] in [0] : vector<16xf32>, vector<16xi32> -> vector<16xf32>
      %max3A_1046 = arith.maximumf %masked_sort3A_927, %rev3A_1045 : vector<16xf32>
      %rev3A_1047 = arith.constant 15 : i32
      %rev3A_1048 = vector.broadcast %rev3A_1047 : i32 to vector<16xi32>
      %rev3A_1049 = tpu.iota {dimensions = array<i32: 0>} : vector<16xi32>
      %rev3A_1050 = arith.subi %rev3A_1048, %rev3A_1049 : vector<16xi32>
      %rev3A_1051 = tpu.dynamic_gather %masked_sort3A_967[%rev3A_1050] in [0] : vector<16xf32>, vector<16xi32> -> vector<16xf32>
      %max3A_1052 = arith.maximumf %masked_sort3A_931, %rev3A_1051 : vector<16xf32>
      %max3A_1053 = arith.maximumf %max3A_1034, %max3A_1046 : vector<16xf32>
      %min3A_1054 = arith.minimumf %max3A_1034, %max3A_1046 : vector<16xf32>
      %max3A_1055 = arith.maximumf %max3A_1040, %max3A_1052 : vector<16xf32>
      %min3A_1056 = arith.minimumf %max3A_1040, %max3A_1052 : vector<16xf32>
      %max3A_1057 = arith.maximumf %max3A_1053, %max3A_1055 : vector<16xf32>
      %min3A_1058 = arith.minimumf %max3A_1053, %max3A_1055 : vector<16xf32>
      %max3A_1059 = arith.maximumf %min3A_1054, %min3A_1056 : vector<16xf32>
      %min3A_1060 = arith.minimumf %min3A_1054, %min3A_1056 : vector<16xf32>
      %masked_sort3A_1061 = arith.constant dense<true> : vector<16xi1>
      %masked_sort3A_1062, %masked_sort3A_1063, %masked_sort3A_1064 = tpu.sort %max3A_1057, %max3A_1057 masked %masked_sort3A_1061 {descending = true} : (vector<16xf32>, vector<16xf32>, vector<16xi1>) -> (vector<16xi1>, vector<16xf32>, vector<16xf32>)
      %masked_sort3A_1065 = arith.constant dense<true> : vector<16xi1>
      %masked_sort3A_1066, %masked_sort3A_1067, %masked_sort3A_1068 = tpu.sort %min3A_1058, %min3A_1058 masked %masked_sort3A_1065 {descending = true} : (vector<16xf32>, vector<16xf32>, vector<16xi1>) -> (vector<16xi1>, vector<16xf32>, vector<16xf32>)
      %masked_sort3A_1069 = arith.constant dense<true> : vector<16xi1>
      %masked_sort3A_1070, %masked_sort3A_1071, %masked_sort3A_1072 = tpu.sort %max3A_1059, %max3A_1059 masked %masked_sort3A_1069 {descending = true} : (vector<16xf32>, vector<16xf32>, vector<16xi1>) -> (vector<16xi1>, vector<16xf32>, vector<16xf32>)
      %masked_sort3A_1073 = arith.constant dense<true> : vector<16xi1>
      %masked_sort3A_1074, %masked_sort3A_1075, %masked_sort3A_1076 = tpu.sort %min3A_1060, %min3A_1060 masked %masked_sort3A_1073 {descending = true} : (vector<16xf32>, vector<16xf32>, vector<16xi1>) -> (vector<16xi1>, vector<16xf32>, vector<16xf32>)
      %rev3A_1077 = arith.constant 15 : i32
      %rev3A_1078 = vector.broadcast %rev3A_1077 : i32 to vector<16xi32>
      %rev3A_1079 = tpu.iota {dimensions = array<i32: 0>} : vector<16xi32>
      %rev3A_1080 = arith.subi %rev3A_1078, %rev3A_1079 : vector<16xi32>
      %rev3A_1081 = tpu.dynamic_gather %masked_sort3A_1075[%rev3A_1080] in [0] : vector<16xf32>, vector<16xi32> -> vector<16xf32>
      %max3A_1082 = arith.maximumf %masked_sort3A_1015, %rev3A_1081 : vector<16xf32>
      %rev3A_1083 = arith.constant 15 : i32
      %rev3A_1084 = vector.broadcast %rev3A_1083 : i32 to vector<16xi32>
      %rev3A_1085 = tpu.iota {dimensions = array<i32: 0>} : vector<16xi32>
      %rev3A_1086 = arith.subi %rev3A_1084, %rev3A_1085 : vector<16xi32>
      %rev3A_1087 = tpu.dynamic_gather %masked_sort3A_1071[%rev3A_1086] in [0] : vector<16xf32>, vector<16xi32> -> vector<16xf32>
      %max3A_1088 = arith.maximumf %masked_sort3A_1019, %rev3A_1087 : vector<16xf32>
      %rev3A_1089 = arith.constant 15 : i32
      %rev3A_1090 = vector.broadcast %rev3A_1089 : i32 to vector<16xi32>
      %rev3A_1091 = tpu.iota {dimensions = array<i32: 0>} : vector<16xi32>
      %rev3A_1092 = arith.subi %rev3A_1090, %rev3A_1091 : vector<16xi32>
      %rev3A_1093 = tpu.dynamic_gather %masked_sort3A_1067[%rev3A_1092] in [0] : vector<16xf32>, vector<16xi32> -> vector<16xf32>
      %max3A_1094 = arith.maximumf %masked_sort3A_1023, %rev3A_1093 : vector<16xf32>
      %rev3A_1095 = arith.constant 15 : i32
      %rev3A_1096 = vector.broadcast %rev3A_1095 : i32 to vector<16xi32>
      %rev3A_1097 = tpu.iota {dimensions = array<i32: 0>} : vector<16xi32>
      %rev3A_1098 = arith.subi %rev3A_1096, %rev3A_1097 : vector<16xi32>
      %rev3A_1099 = tpu.dynamic_gather %masked_sort3A_1063[%rev3A_1098] in [0] : vector<16xf32>, vector<16xi32> -> vector<16xf32>
      %max3A_1100 = arith.maximumf %masked_sort3A_1027, %rev3A_1099 : vector<16xf32>
      %max3A_1101 = arith.maximumf %max3A_1082, %max3A_1094 : vector<16xf32>
      %min3A_1102 = arith.minimumf %max3A_1082, %max3A_1094 : vector<16xf32>
      %max3A_1103 = arith.maximumf %max3A_1088, %max3A_1100 : vector<16xf32>
      %min3A_1104 = arith.minimumf %max3A_1088, %max3A_1100 : vector<16xf32>
      %max3A_1105 = arith.maximumf %max3A_1101, %max3A_1103 : vector<16xf32>
      %min3A_1106 = arith.minimumf %max3A_1101, %max3A_1103 : vector<16xf32>
      %max3A_1107 = arith.maximumf %min3A_1102, %min3A_1104 : vector<16xf32>
      %min3A_1108 = arith.minimumf %min3A_1102, %min3A_1104 : vector<16xf32>
      %masked_sort3A_1109 = arith.constant dense<true> : vector<16xi1>
      %masked_sort3A_1110, %masked_sort3A_1111, %masked_sort3A_1112 = tpu.sort %max3A_1105, %max3A_1105 masked %masked_sort3A_1109 {descending = true} : (vector<16xf32>, vector<16xf32>, vector<16xi1>) -> (vector<16xi1>, vector<16xf32>, vector<16xf32>)
      %masked_sort3A_1113 = arith.constant dense<true> : vector<16xi1>
      %masked_sort3A_1114, %masked_sort3A_1115, %masked_sort3A_1116 = tpu.sort %min3A_1106, %min3A_1106 masked %masked_sort3A_1113 {descending = true} : (vector<16xf32>, vector<16xf32>, vector<16xi1>) -> (vector<16xi1>, vector<16xf32>, vector<16xf32>)
      %masked_sort3A_1117 = arith.constant dense<true> : vector<16xi1>
      %masked_sort3A_1118, %masked_sort3A_1119, %masked_sort3A_1120 = tpu.sort %max3A_1107, %max3A_1107 masked %masked_sort3A_1117 {descending = true} : (vector<16xf32>, vector<16xf32>, vector<16xi1>) -> (vector<16xi1>, vector<16xf32>, vector<16xf32>)
      %masked_sort3A_1121 = arith.constant dense<true> : vector<16xi1>
      %masked_sort3A_1122, %masked_sort3A_1123, %masked_sort3A_1124 = tpu.sort %min3A_1108, %min3A_1108 masked %masked_sort3A_1121 {descending = true} : (vector<16xf32>, vector<16xf32>, vector<16xi1>) -> (vector<16xi1>, vector<16xf32>, vector<16xf32>)
      %swap3A = arith.index_cast %scan3A_88 : i32 to index
      %swap3A_1125 = arith.constant 0 : index
      %swap3A_1126 = tpu.vector_load %arg4[%swap3A, %swap3A_1125] {strides = array<i32>} : memref<4x64xf32, #tpu.memory_space<vmem>>, vector<16xf32>,
      tpu.vector_store %arg4[%swap3A, %swap3A_1125], %masked_sort3A_1111 {strides = array<i32>} : memref<4x64xf32, #tpu.memory_space<vmem>>, vector<16xf32>,
      %swap3A_1127 = arith.index_cast %scan3A_88 : i32 to index
      %swap3A_1128 = arith.constant 16 : index
      %swap3A_1129 = tpu.vector_load %arg4[%swap3A_1127, %swap3A_1128] {strides = array<i32>} : memref<4x64xf32, #tpu.memory_space<vmem>>, vector<16xf32>,
      tpu.vector_store %arg4[%swap3A_1127, %swap3A_1128], %masked_sort3A_1115 {strides = array<i32>} : memref<4x64xf32, #tpu.memory_space<vmem>>, vector<16xf32>,
      %swap3A_1130 = arith.index_cast %scan3A_88 : i32 to index
      %swap3A_1131 = arith.constant 32 : index
      %swap3A_1132 = tpu.vector_load %arg4[%swap3A_1130, %swap3A_1131] {strides = array<i32>} : memref<4x64xf32, #tpu.memory_space<vmem>>, vector<16xf32>,
      tpu.vector_store %arg4[%swap3A_1130, %swap3A_1131], %masked_sort3A_1119 {strides = array<i32>} : memref<4x64xf32, #tpu.memory_space<vmem>>, vector<16xf32>,
      %swap3A_1133 = arith.index_cast %scan3A_88 : i32 to index
      %swap3A_1134 = arith.constant 48 : index
      %swap3A_1135 = tpu.vector_load %arg4[%swap3A_1133, %swap3A_1134] {strides = array<i32>} : memref<4x64xf32, #tpu.memory_space<vmem>>, vector<16xf32>,
      tpu.vector_store %arg4[%swap3A_1133, %swap3A_1134], %masked_sort3A_1123 {strides = array<i32>} : memref<4x64xf32, #tpu.memory_space<vmem>>, vector<16xf32>,
      %scan3A_1136 = arith.constant 0 : i32
      scf.yield %scan3A_1136 : i32
    }
    %scan3A_84 = arith.constant 4 : i32
    %mul3A_85 = arith.constant 4 : i32
    %mul3A_86 = arith.muli %mul3A_85, %arg1 : i32
    %add3A_87 = arith.addi %mul3A_0, %mul3A_86 : i32
    "tpu.region"() ({
      %run_scoped3A_88 = tpu.sem_alloc : memref<!tpu.dma_semaphore, #tpu.memory_space<semaphore_mem>>
      %dma_start3A = arith.constant 0 : i32
      %dma_start3A_89 = tpu.memref_slice %arg3[%add3A_87, %dma_start3A] : memref<128x64xf32, #tpu.memory_space<hbm>> -> memref<4x64xf32, #tpu.memory_space<hbm>>
      %dma_start3A_90 = arith.constant 0 : i32
      %dma_start3A_91 = tpu.memref_slice %arg3[%add3A_87, %dma_start3A_90] : memref<128x64xf32, #tpu.memory_space<hbm>> -> memref<4x64xf32, #tpu.memory_space<hbm>>
      tpu.enqueue_dma source(%arg4 : memref<4x64xf32, #tpu.memory_space<vmem>>) target(%dma_start3A_91 : memref<4x64xf32, #tpu.memory_space<hbm>>) target_semaphore(%run_scoped3A_88 : memref<!tpu.dma_semaphore, #tpu.memory_space<semaphore_mem>>)
      %dma_wait3A = arith.constant 0 : i32
      %dma_wait3A_92 = tpu.memref_slice %arg3[%add3A_87, %dma_wait3A] : memref<128x64xf32, #tpu.memory_space<hbm>> -> memref<4x64xf32, #tpu.memory_space<hbm>>
      %dma_wait3A_93 = arith.constant 0 : i32
      %dma_wait3A_94 = tpu.memref_slice %arg3[%add3A_87, %dma_wait3A_93] : memref<128x64xf32, #tpu.memory_space<hbm>> -> memref<4x64xf32, #tpu.memory_space<hbm>>
      tpu.wait_dma2 semaphore(%run_scoped3A_88 : memref<!tpu.dma_semaphore, #tpu.memory_space<semaphore_mem>>) src(%arg4 : memref<4x64xf32, #tpu.memory_space<vmem>>) dst(%dma_wait3A_94 : memref<4x64xf32, #tpu.memory_space<hbm>>)
      tpu.yield
    }) : () -> ()
    return
  }
}

#map = affine_map<(d0, d1) -> (0, 0)>
#map1 = affine_map<(d0, d1) -> (0, 0, 0)>
module attributes {stable_mosaic.version = 14 : i64} {
  func.func @_collect_body(%arg0: i32, %arg1: i32, %arg2: memref<32768x128xf32, #tpu.memory_space<hbm>>, %arg3: memref<16x128x64xf32, #tpu.memory_space<hbm>>, %arg4: memref<256x128xf32, #tpu.memory_space<vmem>>, %arg5: memref<256x64xi32, #tpu.memory_space<vmem>>, %arg6: memref<64x128xf32, #tpu.memory_space<vmem>>, %arg7: memref<64x64xf32, #tpu.memory_space<vmem>>) attributes {dimension_semantics = [#tpu.dimension_semantics<core_parallel>, #tpu.dimension_semantics<subcore_parallel>], iteration_bounds = array<i64: 2, 16>, scalar_prefetch = 0 : i64, scratch_operands = 4 : i64, tpu.core_type = #tpu.core_type<sc_vector_subcore>, window_params = [{transform_indices = #map}, {transform_indices = #map1}]} {
    %mul3A = arith.constant 64 : i32
    %mul3A_0 = arith.muli %arg0, %mul3A : i32
    %mul3A_1 = arith.constant 64 : i32
    %mul3A_2 = arith.muli %arg0, %mul3A_1 : i32
    %mul3A_3 = arith.constant 2048 : i32
    %mul3A_4 = arith.muli %arg1, %mul3A_3 : i32
    %iota3A = tpu.iota {dimensions = array<i32: 0>} : vector<16xi32>
    %broadcast_in_dim3A = arith.constant 0 : i32
    %broadcast_in_dim3A_5 = vector.broadcast %broadcast_in_dim3A : i32 to vector<16xi32>
    %broadcast_in_dim3A_6 = arith.constant 1 : i32
    %broadcast_in_dim3A_7 = vector.broadcast %broadcast_in_dim3A_6 : i32 to vector<16xi32>
    %add3A = arith.constant 0 : i32
    %add3A_8 = vector.broadcast %add3A : i32 to vector<16xi32>
    %add3A_9 = arith.addi %iota3A, %add3A_8 : vector<16xi32>
    %add3A_10 = arith.constant 16 : i32
    %add3A_11 = vector.broadcast %add3A_10 : i32 to vector<16xi32>
    %add3A_12 = arith.addi %iota3A, %add3A_11 : vector<16xi32>
    %add3A_13 = arith.constant 32 : i32
    %add3A_14 = vector.broadcast %add3A_13 : i32 to vector<16xi32>
    %add3A_15 = arith.addi %iota3A, %add3A_14 : vector<16xi32>
    %add3A_16 = arith.constant 48 : i32
    %add3A_17 = vector.broadcast %add3A_16 : i32 to vector<16xi32>
    %add3A_18 = arith.addi %iota3A, %add3A_17 : vector<16xi32>
    %scan3A = arith.constant 0 : i32
    %scan3A_19 = arith.constant 0 : i32
    %scan3A_20 = arith.constant 256 : i32
    %scan3A_21 = arith.addi %scan3A_19, %scan3A_20 : i32
    %scan3A_22 = arith.constant 1 : i32
    %scan3A_23 = scf.for %scan3A_109 = %scan3A_19 to %scan3A_21 step %scan3A_22 iter_args(%scan3A_110 = %scan3A) -> (i32)  : i32 {
      %swap3A = arith.index_cast %scan3A_109 : i32 to index
      %swap3A_111 = arith.constant 0 : index
      %swap3A_112 = tpu.vector_load %arg5[%swap3A, %swap3A_111] {strides = array<i32>} : memref<256x64xi32, #tpu.memory_space<vmem>>, vector<16xi32>,
      tpu.vector_store %arg5[%swap3A, %swap3A_111], %broadcast_in_dim3A_5 {strides = array<i32>} : memref<256x64xi32, #tpu.memory_space<vmem>>, vector<16xi32>,
      %swap3A_113 = arith.index_cast %scan3A_109 : i32 to index
      %swap3A_114 = arith.constant 16 : index
      %swap3A_115 = tpu.vector_load %arg5[%swap3A_113, %swap3A_114] {strides = array<i32>} : memref<256x64xi32, #tpu.memory_space<vmem>>, vector<16xi32>,
      tpu.vector_store %arg5[%swap3A_113, %swap3A_114], %broadcast_in_dim3A_5 {strides = array<i32>} : memref<256x64xi32, #tpu.memory_space<vmem>>, vector<16xi32>,
      %swap3A_116 = arith.index_cast %scan3A_109 : i32 to index
      %swap3A_117 = arith.constant 32 : index
      %swap3A_118 = tpu.vector_load %arg5[%swap3A_116, %swap3A_117] {strides = array<i32>} : memref<256x64xi32, #tpu.memory_space<vmem>>, vector<16xi32>,
      tpu.vector_store %arg5[%swap3A_116, %swap3A_117], %broadcast_in_dim3A_5 {strides = array<i32>} : memref<256x64xi32, #tpu.memory_space<vmem>>, vector<16xi32>,
      %swap3A_119 = arith.index_cast %scan3A_109 : i32 to index
      %swap3A_120 = arith.constant 48 : index
      %swap3A_121 = tpu.vector_load %arg5[%swap3A_119, %swap3A_120] {strides = array<i32>} : memref<256x64xi32, #tpu.memory_space<vmem>>, vector<16xi32>,
      tpu.vector_store %arg5[%swap3A_119, %swap3A_120], %broadcast_in_dim3A_5 {strides = array<i32>} : memref<256x64xi32, #tpu.memory_space<vmem>>, vector<16xi32>,
      %scan3A_122 = arith.constant 0 : i32
      scf.yield %scan3A_122 : i32
    }
    %scan3A_24 = arith.constant 256 : i32
    %scan3A_25 = arith.constant 0 : i32
    %scan3A_26 = arith.constant 0 : i32
    %scan3A_27 = arith.constant 8 : i32
    %scan3A_28 = arith.addi %scan3A_26, %scan3A_27 : i32
    %scan3A_29 = arith.constant 1 : i32
    %scan3A_30 = scf.for %scan3A_109 = %scan3A_26 to %scan3A_28 step %scan3A_29 iter_args(%scan3A_110 = %scan3A_25) -> (i32)  : i32 {
      %mul3A_111 = arith.constant 256 : i32
      %mul3A_112 = arith.muli %scan3A_109, %mul3A_111 : i32
      %add3A_113 = arith.addi %mul3A_4, %mul3A_112 : i32
      "tpu.region"() ({
        %run_scoped3A = tpu.sem_alloc : memref<!tpu.dma_semaphore, #tpu.memory_space<semaphore_mem>>
        %dma_start3A = arith.constant 0 : i32
        %dma_start3A_122 = tpu.memref_slice %arg2[%add3A_113, %dma_start3A] : memref<32768x128xf32, #tpu.memory_space<hbm>> -> memref<256x128xf32, #tpu.memory_space<hbm>>
        %dma_start3A_123 = arith.constant 0 : i32
        %dma_start3A_124 = tpu.memref_slice %arg2[%add3A_113, %dma_start3A_123] : memref<32768x128xf32, #tpu.memory_space<hbm>> -> memref<256x128xf32, #tpu.memory_space<hbm>>
        tpu.enqueue_dma source(%dma_start3A_124 : memref<256x128xf32, #tpu.memory_space<hbm>>) target(%arg4 : memref<256x128xf32, #tpu.memory_space<vmem>>) target_semaphore(%run_scoped3A : memref<!tpu.dma_semaphore, #tpu.memory_space<semaphore_mem>>)
        %dma_wait3A = arith.constant 0 : i32
        %dma_wait3A_125 = tpu.memref_slice %arg2[%add3A_113, %dma_wait3A] : memref<32768x128xf32, #tpu.memory_space<hbm>> -> memref<256x128xf32, #tpu.memory_space<hbm>>
        %dma_wait3A_126 = arith.constant 0 : i32
        %dma_wait3A_127 = tpu.memref_slice %arg2[%add3A_113, %dma_wait3A_126] : memref<32768x128xf32, #tpu.memory_space<hbm>> -> memref<256x128xf32, #tpu.memory_space<hbm>>
        tpu.wait_dma2 semaphore(%run_scoped3A : memref<!tpu.dma_semaphore, #tpu.memory_space<semaphore_mem>>) src(%dma_wait3A_127 : memref<256x128xf32, #tpu.memory_space<hbm>>) dst(%arg4 : memref<256x128xf32, #tpu.memory_space<vmem>>)
        tpu.yield
      }) : () -> ()
      %scan3A_114 = arith.constant 0 : i32
      %scan3A_115 = arith.constant 0 : i32
      %scan3A_116 = arith.constant 256 : i32
      %scan3A_117 = arith.addi %scan3A_115, %scan3A_116 : i32
      %scan3A_118 = arith.constant 1 : i32
      %scan3A_119 = scf.for %scan3A_122 = %scan3A_115 to %scan3A_117 step %scan3A_118 iter_args(%scan3A_123 = %scan3A_114) -> (i32)  : i32 {
        %add3A_124 = arith.constant 0 : i32
        %add3A_125 = arith.addi %mul3A_2, %add3A_124 : i32
        %get3A = arith.index_cast %scan3A_122 : i32 to index
        %get3A_126 = arith.index_cast %add3A_125 : i32 to index
        %get3A_127 = tpu.vector_load %arg4[%get3A, %get3A_126] {strides = array<i32>} : memref<256x128xf32, #tpu.memory_space<vmem>>, vector<16xf32>,
        %bitcast_convert_type3A_128 = tpu.bitcast %get3A_127 : vector<16xf32> -> vector<16xi32>
        %shift_right_arithmetic3A = arith.constant 31 : i32
        %shift_right_arithmetic3A_129 = vector.broadcast %shift_right_arithmetic3A : i32 to vector<16xi32>
        %shift_right_arithmetic3A_130 = arith.shrsi %bitcast_convert_type3A_128, %shift_right_arithmetic3A_129 : vector<16xi32>
        %or3A_131 = arith.constant -2147483648 : i32
        %or3A_132 = vector.broadcast %or3A_131 : i32 to vector<16xi32>
        %or3A_133 = arith.ori %shift_right_arithmetic3A_130, %or3A_132 : vector<16xi32>
        %xor3A = arith.xori %bitcast_convert_type3A_128, %or3A_133 : vector<16xi32>
        %bitcast_convert_type3A_134 = tpu.bitcast %xor3A : vector<16xi32> -> vector<16xi32>
        %shift_right_logical3A = arith.constant 24 : i32
        %shift_right_logical3A_135 = vector.broadcast %shift_right_logical3A : i32 to vector<16xi32>
        %shift_right_logical3A_136 = arith.shrui %bitcast_convert_type3A_134, %shift_right_logical3A_135 : vector<16xi32>
        %bitcast_convert_type3A_137 = tpu.bitcast %shift_right_logical3A_136 : vector<16xi32> -> vector<16xi32>
        tpu.vector_store_idx %arg5[%bitcast_convert_type3A_137, %add3A_9], %broadcast_in_dim3A_7 {add = true} : memref<256x64xi32, #tpu.memory_space<vmem>>[vector<16xi32>, vector<16xi32>], vector<16xi32>,
        %add3A_138 = arith.constant 16 : i32
        %add3A_139 = arith.addi %mul3A_2, %add3A_138 : i32
        %get3A_140 = arith.index_cast %scan3A_122 : i32 to index
        %get3A_141 = arith.index_cast %add3A_139 : i32 to index
        %get3A_142 = tpu.vector_load %arg4[%get3A_140, %get3A_141] {strides = array<i32>} : memref<256x128xf32, #tpu.memory_space<vmem>>, vector<16xf32>,
        %bitcast_convert_type3A_143 = tpu.bitcast %get3A_142 : vector<16xf32> -> vector<16xi32>
        %shift_right_arithmetic3A_144 = arith.constant 31 : i32
        %shift_right_arithmetic3A_145 = vector.broadcast %shift_right_arithmetic3A_144 : i32 to vector<16xi32>
        %shift_right_arithmetic3A_146 = arith.shrsi %bitcast_convert_type3A_143, %shift_right_arithmetic3A_145 : vector<16xi32>
        %or3A_147 = arith.constant -2147483648 : i32
        %or3A_148 = vector.broadcast %or3A_147 : i32 to vector<16xi32>
        %or3A_149 = arith.ori %shift_right_arithmetic3A_146, %or3A_148 : vector<16xi32>
        %xor3A_150 = arith.xori %bitcast_convert_type3A_143, %or3A_149 : vector<16xi32>
        %bitcast_convert_type3A_151 = tpu.bitcast %xor3A_150 : vector<16xi32> -> vector<16xi32>
        %shift_right_logical3A_152 = arith.constant 24 : i32
        %shift_right_logical3A_153 = vector.broadcast %shift_right_logical3A_152 : i32 to vector<16xi32>
        %shift_right_logical3A_154 = arith.shrui %bitcast_convert_type3A_151, %shift_right_logical3A_153 : vector<16xi32>
        %bitcast_convert_type3A_155 = tpu.bitcast %shift_right_logical3A_154 : vector<16xi32> -> vector<16xi32>
        tpu.vector_store_idx %arg5[%bitcast_convert_type3A_155, %add3A_12], %broadcast_in_dim3A_7 {add = true} : memref<256x64xi32, #tpu.memory_space<vmem>>[vector<16xi32>, vector<16xi32>], vector<16xi32>,
        %add3A_156 = arith.constant 32 : i32
        %add3A_157 = arith.addi %mul3A_2, %add3A_156 : i32
        %get3A_158 = arith.index_cast %scan3A_122 : i32 to index
        %get3A_159 = arith.index_cast %add3A_157 : i32 to index
        %get3A_160 = tpu.vector_load %arg4[%get3A_158, %get3A_159] {strides = array<i32>} : memref<256x128xf32, #tpu.memory_space<vmem>>, vector<16xf32>,
        %bitcast_convert_type3A_161 = tpu.bitcast %get3A_160 : vector<16xf32> -> vector<16xi32>
        %shift_right_arithmetic3A_162 = arith.constant 31 : i32
        %shift_right_arithmetic3A_163 = vector.broadcast %shift_right_arithmetic3A_162 : i32 to vector<16xi32>
        %shift_right_arithmetic3A_164 = arith.shrsi %bitcast_convert_type3A_161, %shift_right_arithmetic3A_163 : vector<16xi32>
        %or3A_165 = arith.constant -2147483648 : i32
        %or3A_166 = vector.broadcast %or3A_165 : i32 to vector<16xi32>
        %or3A_167 = arith.ori %shift_right_arithmetic3A_164, %or3A_166 : vector<16xi32>
        %xor3A_168 = arith.xori %bitcast_convert_type3A_161, %or3A_167 : vector<16xi32>
        %bitcast_convert_type3A_169 = tpu.bitcast %xor3A_168 : vector<16xi32> -> vector<16xi32>
        %shift_right_logical3A_170 = arith.constant 24 : i32
        %shift_right_logical3A_171 = vector.broadcast %shift_right_logical3A_170 : i32 to vector<16xi32>
        %shift_right_logical3A_172 = arith.shrui %bitcast_convert_type3A_169, %shift_right_logical3A_171 : vector<16xi32>
        %bitcast_convert_type3A_173 = tpu.bitcast %shift_right_logical3A_172 : vector<16xi32> -> vector<16xi32>
        tpu.vector_store_idx %arg5[%bitcast_convert_type3A_173, %add3A_15], %broadcast_in_dim3A_7 {add = true} : memref<256x64xi32, #tpu.memory_space<vmem>>[vector<16xi32>, vector<16xi32>], vector<16xi32>,
        %add3A_174 = arith.constant 48 : i32
        %add3A_175 = arith.addi %mul3A_2, %add3A_174 : i32
        %get3A_176 = arith.index_cast %scan3A_122 : i32 to index
        %get3A_177 = arith.index_cast %add3A_175 : i32 to index
        %get3A_178 = tpu.vector_load %arg4[%get3A_176, %get3A_177] {strides = array<i32>} : memref<256x128xf32, #tpu.memory_space<vmem>>, vector<16xf32>,
        %bitcast_convert_type3A_179 = tpu.bitcast %get3A_178 : vector<16xf32> -> vector<16xi32>
        %shift_right_arithmetic3A_180 = arith.constant 31 : i32
        %shift_right_arithmetic3A_181 = vector.broadcast %shift_right_arithmetic3A_180 : i32 to vector<16xi32>
        %shift_right_arithmetic3A_182 = arith.shrsi %bitcast_convert_type3A_179, %shift_right_arithmetic3A_181 : vector<16xi32>
        %or3A_183 = arith.constant -2147483648 : i32
        %or3A_184 = vector.broadcast %or3A_183 : i32 to vector<16xi32>
        %or3A_185 = arith.ori %shift_right_arithmetic3A_182, %or3A_184 : vector<16xi32>
        %xor3A_186 = arith.xori %bitcast_convert_type3A_179, %or3A_185 : vector<16xi32>
        %bitcast_convert_type3A_187 = tpu.bitcast %xor3A_186 : vector<16xi32> -> vector<16xi32>
        %shift_right_logical3A_188 = arith.constant 24 : i32
        %shift_right_logical3A_189 = vector.broadcast %shift_right_logical3A_188 : i32 to vector<16xi32>
        %shift_right_logical3A_190 = arith.shrui %bitcast_convert_type3A_187, %shift_right_logical3A_189 : vector<16xi32>
        %bitcast_convert_type3A_191 = tpu.bitcast %shift_right_logical3A_190 : vector<16xi32> -> vector<16xi32>
        tpu.vector_store_idx %arg5[%bitcast_convert_type3A_191, %add3A_18], %broadcast_in_dim3A_7 {add = true} : memref<256x64xi32, #tpu.memory_space<vmem>>[vector<16xi32>, vector<16xi32>], vector<16xi32>,
        %scan3A_192 = arith.constant 0 : i32
        scf.yield %scan3A_192 : i32
      }
      %scan3A_120 = arith.constant 256 : i32
      %scan3A_121 = arith.constant 0 : i32
      scf.yield %scan3A_121 : i32
    }
    %scan3A_31 = arith.constant 8 : i32
    %scan3A_32 = arith.constant 0 : i32
    %scan3A_33 = arith.constant 256 : i32
    %scan3A_34 = arith.addi %scan3A_32, %scan3A_33 : i32
    %scan3A_35 = arith.constant 1 : i32
    %scan3A_36:12 = scf.for %scan3A_109 = %scan3A_32 to %scan3A_34 step %scan3A_35 iter_args(%scan3A_110 = %broadcast_in_dim3A_5, %scan3A_111 = %broadcast_in_dim3A_5, %scan3A_112 = %broadcast_in_dim3A_5, %scan3A_113 = %broadcast_in_dim3A_5, %scan3A_114 = %broadcast_in_dim3A_5, %scan3A_115 = %broadcast_in_dim3A_5, %scan3A_116 = %broadcast_in_dim3A_5, %scan3A_117 = %broadcast_in_dim3A_5, %scan3A_118 = %broadcast_in_dim3A_5, %scan3A_119 = %broadcast_in_dim3A_5, %scan3A_120 = %broadcast_in_dim3A_5, %scan3A_121 = %broadcast_in_dim3A_5) -> (vector<16xi32>, vector<16xi32>, vector<16xi32>, vector<16xi32>, vector<16xi32>, vector<16xi32>, vector<16xi32>, vector<16xi32>, vector<16xi32>, vector<16xi32>, vector<16xi32>, vector<16xi32>)  : i32 {
      %sub3A = arith.constant 255 : i32
      %sub3A_122 = arith.subi %sub3A, %scan3A_109 : i32
      %get3A = arith.index_cast %sub3A_122 : i32 to index
      %get3A_123 = arith.constant 0 : index
      %get3A_124 = tpu.vector_load %arg5[%get3A, %get3A_123] {strides = array<i32>} : memref<256x64xi32, #tpu.memory_space<vmem>>, vector<16xi32>,
      %add3A_125 = arith.addi %scan3A_110, %get3A_124 : vector<16xi32>
      %lt3A = arith.constant 64 : i32
      %lt3A_126 = vector.broadcast %lt3A : i32 to vector<16xi32>
      %lt3A_127 = arith.cmpi slt, %scan3A_110, %lt3A_126 : vector<16xi32>
      %ge3A = arith.constant 64 : i32
      %ge3A_128 = vector.broadcast %ge3A : i32 to vector<16xi32>
      %ge3A_129 = arith.cmpi sge, %add3A_125, %ge3A_128 : vector<16xi32>
      %and3A = arith.andi %lt3A_127, %ge3A_129 : vector<16xi1>
      %broadcast_in_dim3A_130 = vector.broadcast %sub3A_122 : i32 to vector<16xi32>
      %select_n3A = arith.select %and3A, %broadcast_in_dim3A_130, %scan3A_114 : vector<16xi1>, vector<16xi32>
      %select_n3A_131 = arith.select %and3A, %scan3A_110, %scan3A_118 : vector<16xi1>, vector<16xi32>
      %get3A_132 = arith.index_cast %sub3A_122 : i32 to index
      %get3A_133 = arith.constant 16 : index
      %get3A_134 = tpu.vector_load %arg5[%get3A_132, %get3A_133] {strides = array<i32>} : memref<256x64xi32, #tpu.memory_space<vmem>>, vector<16xi32>,
      %add3A_135 = arith.addi %scan3A_111, %get3A_134 : vector<16xi32>
      %lt3A_136 = arith.constant 64 : i32
      %lt3A_137 = vector.broadcast %lt3A_136 : i32 to vector<16xi32>
      %lt3A_138 = arith.cmpi slt, %scan3A_111, %lt3A_137 : vector<16xi32>
      %ge3A_139 = arith.constant 64 : i32
      %ge3A_140 = vector.broadcast %ge3A_139 : i32 to vector<16xi32>
      %ge3A_141 = arith.cmpi sge, %add3A_135, %ge3A_140 : vector<16xi32>
      %and3A_142 = arith.andi %lt3A_138, %ge3A_141 : vector<16xi1>
      %broadcast_in_dim3A_143 = vector.broadcast %sub3A_122 : i32 to vector<16xi32>
      %select_n3A_144 = arith.select %and3A_142, %broadcast_in_dim3A_143, %scan3A_115 : vector<16xi1>, vector<16xi32>
      %select_n3A_145 = arith.select %and3A_142, %scan3A_111, %scan3A_119 : vector<16xi1>, vector<16xi32>
      %get3A_146 = arith.index_cast %sub3A_122 : i32 to index
      %get3A_147 = arith.constant 32 : index
      %get3A_148 = tpu.vector_load %arg5[%get3A_146, %get3A_147] {strides = array<i32>} : memref<256x64xi32, #tpu.memory_space<vmem>>, vector<16xi32>,
      %add3A_149 = arith.addi %scan3A_112, %get3A_148 : vector<16xi32>
      %lt3A_150 = arith.constant 64 : i32
      %lt3A_151 = vector.broadcast %lt3A_150 : i32 to vector<16xi32>
      %lt3A_152 = arith.cmpi slt, %scan3A_112, %lt3A_151 : vector<16xi32>
      %ge3A_153 = arith.constant 64 : i32
      %ge3A_154 = vector.broadcast %ge3A_153 : i32 to vector<16xi32>
      %ge3A_155 = arith.cmpi sge, %add3A_149, %ge3A_154 : vector<16xi32>
      %and3A_156 = arith.andi %lt3A_152, %ge3A_155 : vector<16xi1>
      %broadcast_in_dim3A_157 = vector.broadcast %sub3A_122 : i32 to vector<16xi32>
      %select_n3A_158 = arith.select %and3A_156, %broadcast_in_dim3A_157, %scan3A_116 : vector<16xi1>, vector<16xi32>
      %select_n3A_159 = arith.select %and3A_156, %scan3A_112, %scan3A_120 : vector<16xi1>, vector<16xi32>
      %get3A_160 = arith.index_cast %sub3A_122 : i32 to index
      %get3A_161 = arith.constant 48 : index
      %get3A_162 = tpu.vector_load %arg5[%get3A_160, %get3A_161] {strides = array<i32>} : memref<256x64xi32, #tpu.memory_space<vmem>>, vector<16xi32>,
      %add3A_163 = arith.addi %scan3A_113, %get3A_162 : vector<16xi32>
      %lt3A_164 = arith.constant 64 : i32
      %lt3A_165 = vector.broadcast %lt3A_164 : i32 to vector<16xi32>
      %lt3A_166 = arith.cmpi slt, %scan3A_113, %lt3A_165 : vector<16xi32>
      %ge3A_167 = arith.constant 64 : i32
      %ge3A_168 = vector.broadcast %ge3A_167 : i32 to vector<16xi32>
      %ge3A_169 = arith.cmpi sge, %add3A_163, %ge3A_168 : vector<16xi32>
      %and3A_170 = arith.andi %lt3A_166, %ge3A_169 : vector<16xi1>
      %broadcast_in_dim3A_171 = vector.broadcast %sub3A_122 : i32 to vector<16xi32>
      %select_n3A_172 = arith.select %and3A_170, %broadcast_in_dim3A_171, %scan3A_117 : vector<16xi1>, vector<16xi32>
      %select_n3A_173 = arith.select %and3A_170, %scan3A_113, %scan3A_121 : vector<16xi1>, vector<16xi32>
      scf.yield %add3A_125, %add3A_135, %add3A_149, %add3A_163, %select_n3A, %select_n3A_144, %select_n3A_158, %select_n3A_172, %select_n3A_131, %select_n3A_145, %select_n3A_159, %select_n3A_173 : vector<16xi32>, vector<16xi32>, vector<16xi32>, vector<16xi32>, vector<16xi32>, vector<16xi32>, vector<16xi32>, vector<16xi32>, vector<16xi32>, vector<16xi32>, vector<16xi32>, vector<16xi32>
    }
    %scan3A_37 = arith.constant 256 : i32
    %scan3A_38 = arith.constant 0 : i32
    %scan3A_39 = arith.constant 0 : i32
    %scan3A_40 = arith.constant 256 : i32
    %scan3A_41 = arith.addi %scan3A_39, %scan3A_40 : i32
    %scan3A_42 = arith.constant 1 : i32
    %scan3A_43 = scf.for %scan3A_109 = %scan3A_39 to %scan3A_41 step %scan3A_42 iter_args(%scan3A_110 = %scan3A_38) -> (i32)  : i32 {
      %swap3A = arith.index_cast %scan3A_109 : i32 to index
      %swap3A_111 = arith.constant 0 : index
      %swap3A_112 = tpu.vector_load %arg5[%swap3A, %swap3A_111] {strides = array<i32>} : memref<256x64xi32, #tpu.memory_space<vmem>>, vector<16xi32>,
      tpu.vector_store %arg5[%swap3A, %swap3A_111], %broadcast_in_dim3A_5 {strides = array<i32>} : memref<256x64xi32, #tpu.memory_space<vmem>>, vector<16xi32>,
      %swap3A_113 = arith.index_cast %scan3A_109 : i32 to index
      %swap3A_114 = arith.constant 16 : index
      %swap3A_115 = tpu.vector_load %arg5[%swap3A_113, %swap3A_114] {strides = array<i32>} : memref<256x64xi32, #tpu.memory_space<vmem>>, vector<16xi32>,
      tpu.vector_store %arg5[%swap3A_113, %swap3A_114], %broadcast_in_dim3A_5 {strides = array<i32>} : memref<256x64xi32, #tpu.memory_space<vmem>>, vector<16xi32>,
      %swap3A_116 = arith.index_cast %scan3A_109 : i32 to index
      %swap3A_117 = arith.constant 32 : index
      %swap3A_118 = tpu.vector_load %arg5[%swap3A_116, %swap3A_117] {strides = array<i32>} : memref<256x64xi32, #tpu.memory_space<vmem>>, vector<16xi32>,
      tpu.vector_store %arg5[%swap3A_116, %swap3A_117], %broadcast_in_dim3A_5 {strides = array<i32>} : memref<256x64xi32, #tpu.memory_space<vmem>>, vector<16xi32>,
      %swap3A_119 = arith.index_cast %scan3A_109 : i32 to index
      %swap3A_120 = arith.constant 48 : index
      %swap3A_121 = tpu.vector_load %arg5[%swap3A_119, %swap3A_120] {strides = array<i32>} : memref<256x64xi32, #tpu.memory_space<vmem>>, vector<16xi32>,
      tpu.vector_store %arg5[%swap3A_119, %swap3A_120], %broadcast_in_dim3A_5 {strides = array<i32>} : memref<256x64xi32, #tpu.memory_space<vmem>>, vector<16xi32>,
      %scan3A_122 = arith.constant 0 : i32
      scf.yield %scan3A_122 : i32
    }
    %scan3A_44 = arith.constant 256 : i32
    %scan3A_45 = arith.constant 0 : i32
    %scan3A_46 = arith.constant 0 : i32
    %scan3A_47 = arith.constant 8 : i32
    %scan3A_48 = arith.addi %scan3A_46, %scan3A_47 : i32
    %scan3A_49 = arith.constant 1 : i32
    %scan3A_50 = scf.for %scan3A_109 = %scan3A_46 to %scan3A_48 step %scan3A_49 iter_args(%scan3A_110 = %scan3A_45) -> (i32)  : i32 {
      %mul3A_111 = arith.constant 256 : i32
      %mul3A_112 = arith.muli %scan3A_109, %mul3A_111 : i32
      %add3A_113 = arith.addi %mul3A_4, %mul3A_112 : i32
      "tpu.region"() ({
        %run_scoped3A = tpu.sem_alloc : memref<!tpu.dma_semaphore, #tpu.memory_space<semaphore_mem>>
        %dma_start3A = arith.constant 0 : i32
        %dma_start3A_122 = tpu.memref_slice %arg2[%add3A_113, %dma_start3A] : memref<32768x128xf32, #tpu.memory_space<hbm>> -> memref<256x128xf32, #tpu.memory_space<hbm>>
        %dma_start3A_123 = arith.constant 0 : i32
        %dma_start3A_124 = tpu.memref_slice %arg2[%add3A_113, %dma_start3A_123] : memref<32768x128xf32, #tpu.memory_space<hbm>> -> memref<256x128xf32, #tpu.memory_space<hbm>>
        tpu.enqueue_dma source(%dma_start3A_124 : memref<256x128xf32, #tpu.memory_space<hbm>>) target(%arg4 : memref<256x128xf32, #tpu.memory_space<vmem>>) target_semaphore(%run_scoped3A : memref<!tpu.dma_semaphore, #tpu.memory_space<semaphore_mem>>)
        %dma_wait3A = arith.constant 0 : i32
        %dma_wait3A_125 = tpu.memref_slice %arg2[%add3A_113, %dma_wait3A] : memref<32768x128xf32, #tpu.memory_space<hbm>> -> memref<256x128xf32, #tpu.memory_space<hbm>>
        %dma_wait3A_126 = arith.constant 0 : i32
        %dma_wait3A_127 = tpu.memref_slice %arg2[%add3A_113, %dma_wait3A_126] : memref<32768x128xf32, #tpu.memory_space<hbm>> -> memref<256x128xf32, #tpu.memory_space<hbm>>
        tpu.wait_dma2 semaphore(%run_scoped3A : memref<!tpu.dma_semaphore, #tpu.memory_space<semaphore_mem>>) src(%dma_wait3A_127 : memref<256x128xf32, #tpu.memory_space<hbm>>) dst(%arg4 : memref<256x128xf32, #tpu.memory_space<vmem>>)
        tpu.yield
      }) : () -> ()
      %scan3A_114 = arith.constant 0 : i32
      %scan3A_115 = arith.constant 0 : i32
      %scan3A_116 = arith.constant 256 : i32
      %scan3A_117 = arith.addi %scan3A_115, %scan3A_116 : i32
      %scan3A_118 = arith.constant 1 : i32
      %scan3A_119 = scf.for %scan3A_122 = %scan3A_115 to %scan3A_117 step %scan3A_118 iter_args(%scan3A_123 = %scan3A_114) -> (i32)  : i32 {
        %add3A_124 = arith.constant 0 : i32
        %add3A_125 = arith.addi %mul3A_2, %add3A_124 : i32
        %get3A = arith.index_cast %scan3A_122 : i32 to index
        %get3A_126 = arith.index_cast %add3A_125 : i32 to index
        %get3A_127 = tpu.vector_load %arg4[%get3A, %get3A_126] {strides = array<i32>} : memref<256x128xf32, #tpu.memory_space<vmem>>, vector<16xf32>,
        %bitcast_convert_type3A_128 = tpu.bitcast %get3A_127 : vector<16xf32> -> vector<16xi32>
        %shift_right_arithmetic3A = arith.constant 31 : i32
        %shift_right_arithmetic3A_129 = vector.broadcast %shift_right_arithmetic3A : i32 to vector<16xi32>
        %shift_right_arithmetic3A_130 = arith.shrsi %bitcast_convert_type3A_128, %shift_right_arithmetic3A_129 : vector<16xi32>
        %or3A_131 = arith.constant -2147483648 : i32
        %or3A_132 = vector.broadcast %or3A_131 : i32 to vector<16xi32>
        %or3A_133 = arith.ori %shift_right_arithmetic3A_130, %or3A_132 : vector<16xi32>
        %xor3A = arith.xori %bitcast_convert_type3A_128, %or3A_133 : vector<16xi32>
        %bitcast_convert_type3A_134 = tpu.bitcast %xor3A : vector<16xi32> -> vector<16xi32>
        %shift_right_logical3A = arith.constant 24 : i32
        %shift_right_logical3A_135 = vector.broadcast %shift_right_logical3A : i32 to vector<16xi32>
        %shift_right_logical3A_136 = arith.shrui %bitcast_convert_type3A_134, %shift_right_logical3A_135 : vector<16xi32>
        %bitcast_convert_type3A_137 = tpu.bitcast %shift_right_logical3A_136 : vector<16xi32> -> vector<16xi32>
        %shift_right_logical3A_138 = arith.constant 16 : i32
        %shift_right_logical3A_139 = vector.broadcast %shift_right_logical3A_138 : i32 to vector<16xi32>
        %shift_right_logical3A_140 = arith.shrui %bitcast_convert_type3A_134, %shift_right_logical3A_139 : vector<16xi32>
        %and3A = arith.constant 255 : i32
        %and3A_141 = vector.broadcast %and3A : i32 to vector<16xi32>
        %and3A_142 = arith.andi %shift_right_logical3A_140, %and3A_141 : vector<16xi32>
        %bitcast_convert_type3A_143 = tpu.bitcast %and3A_142 : vector<16xi32> -> vector<16xi32>
        %eq3A = arith.cmpi eq, %bitcast_convert_type3A_137, %scan3A_36#4 : vector<16xi32>
        tpu.vector_store_idx %arg5[%bitcast_convert_type3A_143, %add3A_9], %broadcast_in_dim3A_7 masked %eq3A {add = true} : memref<256x64xi32, #tpu.memory_space<vmem>>[vector<16xi32>, vector<16xi32>], vector<16xi32>, vector<16xi1>
        %add3A_144 = arith.constant 16 : i32
        %add3A_145 = arith.addi %mul3A_2, %add3A_144 : i32
        %get3A_146 = arith.index_cast %scan3A_122 : i32 to index
        %get3A_147 = arith.index_cast %add3A_145 : i32 to index
        %get3A_148 = tpu.vector_load %arg4[%get3A_146, %get3A_147] {strides = array<i32>} : memref<256x128xf32, #tpu.memory_space<vmem>>, vector<16xf32>,
        %bitcast_convert_type3A_149 = tpu.bitcast %get3A_148 : vector<16xf32> -> vector<16xi32>
        %shift_right_arithmetic3A_150 = arith.constant 31 : i32
        %shift_right_arithmetic3A_151 = vector.broadcast %shift_right_arithmetic3A_150 : i32 to vector<16xi32>
        %shift_right_arithmetic3A_152 = arith.shrsi %bitcast_convert_type3A_149, %shift_right_arithmetic3A_151 : vector<16xi32>
        %or3A_153 = arith.constant -2147483648 : i32
        %or3A_154 = vector.broadcast %or3A_153 : i32 to vector<16xi32>
        %or3A_155 = arith.ori %shift_right_arithmetic3A_152, %or3A_154 : vector<16xi32>
        %xor3A_156 = arith.xori %bitcast_convert_type3A_149, %or3A_155 : vector<16xi32>
        %bitcast_convert_type3A_157 = tpu.bitcast %xor3A_156 : vector<16xi32> -> vector<16xi32>
        %shift_right_logical3A_158 = arith.constant 24 : i32
        %shift_right_logical3A_159 = vector.broadcast %shift_right_logical3A_158 : i32 to vector<16xi32>
        %shift_right_logical3A_160 = arith.shrui %bitcast_convert_type3A_157, %shift_right_logical3A_159 : vector<16xi32>
        %bitcast_convert_type3A_161 = tpu.bitcast %shift_right_logical3A_160 : vector<16xi32> -> vector<16xi32>
        %shift_right_logical3A_162 = arith.constant 16 : i32
        %shift_right_logical3A_163 = vector.broadcast %shift_right_logical3A_162 : i32 to vector<16xi32>
        %shift_right_logical3A_164 = arith.shrui %bitcast_convert_type3A_157, %shift_right_logical3A_163 : vector<16xi32>
        %and3A_165 = arith.constant 255 : i32
        %and3A_166 = vector.broadcast %and3A_165 : i32 to vector<16xi32>
        %and3A_167 = arith.andi %shift_right_logical3A_164, %and3A_166 : vector<16xi32>
        %bitcast_convert_type3A_168 = tpu.bitcast %and3A_167 : vector<16xi32> -> vector<16xi32>
        %eq3A_169 = arith.cmpi eq, %bitcast_convert_type3A_161, %scan3A_36#5 : vector<16xi32>
        tpu.vector_store_idx %arg5[%bitcast_convert_type3A_168, %add3A_12], %broadcast_in_dim3A_7 masked %eq3A_169 {add = true} : memref<256x64xi32, #tpu.memory_space<vmem>>[vector<16xi32>, vector<16xi32>], vector<16xi32>, vector<16xi1>
        %add3A_170 = arith.constant 32 : i32
        %add3A_171 = arith.addi %mul3A_2, %add3A_170 : i32
        %get3A_172 = arith.index_cast %scan3A_122 : i32 to index
        %get3A_173 = arith.index_cast %add3A_171 : i32 to index
        %get3A_174 = tpu.vector_load %arg4[%get3A_172, %get3A_173] {strides = array<i32>} : memref<256x128xf32, #tpu.memory_space<vmem>>, vector<16xf32>,
        %bitcast_convert_type3A_175 = tpu.bitcast %get3A_174 : vector<16xf32> -> vector<16xi32>
        %shift_right_arithmetic3A_176 = arith.constant 31 : i32
        %shift_right_arithmetic3A_177 = vector.broadcast %shift_right_arithmetic3A_176 : i32 to vector<16xi32>
        %shift_right_arithmetic3A_178 = arith.shrsi %bitcast_convert_type3A_175, %shift_right_arithmetic3A_177 : vector<16xi32>
        %or3A_179 = arith.constant -2147483648 : i32
        %or3A_180 = vector.broadcast %or3A_179 : i32 to vector<16xi32>
        %or3A_181 = arith.ori %shift_right_arithmetic3A_178, %or3A_180 : vector<16xi32>
        %xor3A_182 = arith.xori %bitcast_convert_type3A_175, %or3A_181 : vector<16xi32>
        %bitcast_convert_type3A_183 = tpu.bitcast %xor3A_182 : vector<16xi32> -> vector<16xi32>
        %shift_right_logical3A_184 = arith.constant 24 : i32
        %shift_right_logical3A_185 = vector.broadcast %shift_right_logical3A_184 : i32 to vector<16xi32>
        %shift_right_logical3A_186 = arith.shrui %bitcast_convert_type3A_183, %shift_right_logical3A_185 : vector<16xi32>
        %bitcast_convert_type3A_187 = tpu.bitcast %shift_right_logical3A_186 : vector<16xi32> -> vector<16xi32>
        %shift_right_logical3A_188 = arith.constant 16 : i32
        %shift_right_logical3A_189 = vector.broadcast %shift_right_logical3A_188 : i32 to vector<16xi32>
        %shift_right_logical3A_190 = arith.shrui %bitcast_convert_type3A_183, %shift_right_logical3A_189 : vector<16xi32>
        %and3A_191 = arith.constant 255 : i32
        %and3A_192 = vector.broadcast %and3A_191 : i32 to vector<16xi32>
        %and3A_193 = arith.andi %shift_right_logical3A_190, %and3A_192 : vector<16xi32>
        %bitcast_convert_type3A_194 = tpu.bitcast %and3A_193 : vector<16xi32> -> vector<16xi32>
        %eq3A_195 = arith.cmpi eq, %bitcast_convert_type3A_187, %scan3A_36#6 : vector<16xi32>
        tpu.vector_store_idx %arg5[%bitcast_convert_type3A_194, %add3A_15], %broadcast_in_dim3A_7 masked %eq3A_195 {add = true} : memref<256x64xi32, #tpu.memory_space<vmem>>[vector<16xi32>, vector<16xi32>], vector<16xi32>, vector<16xi1>
        %add3A_196 = arith.constant 48 : i32
        %add3A_197 = arith.addi %mul3A_2, %add3A_196 : i32
        %get3A_198 = arith.index_cast %scan3A_122 : i32 to index
        %get3A_199 = arith.index_cast %add3A_197 : i32 to index
        %get3A_200 = tpu.vector_load %arg4[%get3A_198, %get3A_199] {strides = array<i32>} : memref<256x128xf32, #tpu.memory_space<vmem>>, vector<16xf32>,
        %bitcast_convert_type3A_201 = tpu.bitcast %get3A_200 : vector<16xf32> -> vector<16xi32>
        %shift_right_arithmetic3A_202 = arith.constant 31 : i32
        %shift_right_arithmetic3A_203 = vector.broadcast %shift_right_arithmetic3A_202 : i32 to vector<16xi32>
        %shift_right_arithmetic3A_204 = arith.shrsi %bitcast_convert_type3A_201, %shift_right_arithmetic3A_203 : vector<16xi32>
        %or3A_205 = arith.constant -2147483648 : i32
        %or3A_206 = vector.broadcast %or3A_205 : i32 to vector<16xi32>
        %or3A_207 = arith.ori %shift_right_arithmetic3A_204, %or3A_206 : vector<16xi32>
        %xor3A_208 = arith.xori %bitcast_convert_type3A_201, %or3A_207 : vector<16xi32>
        %bitcast_convert_type3A_209 = tpu.bitcast %xor3A_208 : vector<16xi32> -> vector<16xi32>
        %shift_right_logical3A_210 = arith.constant 24 : i32
        %shift_right_logical3A_211 = vector.broadcast %shift_right_logical3A_210 : i32 to vector<16xi32>
        %shift_right_logical3A_212 = arith.shrui %bitcast_convert_type3A_209, %shift_right_logical3A_211 : vector<16xi32>
        %bitcast_convert_type3A_213 = tpu.bitcast %shift_right_logical3A_212 : vector<16xi32> -> vector<16xi32>
        %shift_right_logical3A_214 = arith.constant 16 : i32
        %shift_right_logical3A_215 = vector.broadcast %shift_right_logical3A_214 : i32 to vector<16xi32>
        %shift_right_logical3A_216 = arith.shrui %bitcast_convert_type3A_209, %shift_right_logical3A_215 : vector<16xi32>
        %and3A_217 = arith.constant 255 : i32
        %and3A_218 = vector.broadcast %and3A_217 : i32 to vector<16xi32>
        %and3A_219 = arith.andi %shift_right_logical3A_216, %and3A_218 : vector<16xi32>
        %bitcast_convert_type3A_220 = tpu.bitcast %and3A_219 : vector<16xi32> -> vector<16xi32>
        %eq3A_221 = arith.cmpi eq, %bitcast_convert_type3A_213, %scan3A_36#7 : vector<16xi32>
        tpu.vector_store_idx %arg5[%bitcast_convert_type3A_220, %add3A_18], %broadcast_in_dim3A_7 masked %eq3A_221 {add = true} : memref<256x64xi32, #tpu.memory_space<vmem>>[vector<16xi32>, vector<16xi32>], vector<16xi32>, vector<16xi1>
        %scan3A_222 = arith.constant 0 : i32
        scf.yield %scan3A_222 : i32
      }
      %scan3A_120 = arith.constant 256 : i32
      %scan3A_121 = arith.constant 0 : i32
      scf.yield %scan3A_121 : i32
    }
    %scan3A_51 = arith.constant 8 : i32
    %scan3A_52 = arith.constant 0 : i32
    %scan3A_53 = arith.constant 256 : i32
    %scan3A_54 = arith.addi %scan3A_52, %scan3A_53 : i32
    %scan3A_55 = arith.constant 1 : i32
    %scan3A_56:12 = scf.for %scan3A_109 = %scan3A_52 to %scan3A_54 step %scan3A_55 iter_args(%scan3A_110 = %scan3A_36#8, %scan3A_111 = %scan3A_36#9, %scan3A_112 = %scan3A_36#10, %scan3A_113 = %scan3A_36#11, %scan3A_114 = %broadcast_in_dim3A_5, %scan3A_115 = %broadcast_in_dim3A_5, %scan3A_116 = %broadcast_in_dim3A_5, %scan3A_117 = %broadcast_in_dim3A_5, %scan3A_118 = %broadcast_in_dim3A_5, %scan3A_119 = %broadcast_in_dim3A_5, %scan3A_120 = %broadcast_in_dim3A_5, %scan3A_121 = %broadcast_in_dim3A_5) -> (vector<16xi32>, vector<16xi32>, vector<16xi32>, vector<16xi32>, vector<16xi32>, vector<16xi32>, vector<16xi32>, vector<16xi32>, vector<16xi32>, vector<16xi32>, vector<16xi32>, vector<16xi32>)  : i32 {
      %sub3A = arith.constant 255 : i32
      %sub3A_122 = arith.subi %sub3A, %scan3A_109 : i32
      %get3A = arith.index_cast %sub3A_122 : i32 to index
      %get3A_123 = arith.constant 0 : index
      %get3A_124 = tpu.vector_load %arg5[%get3A, %get3A_123] {strides = array<i32>} : memref<256x64xi32, #tpu.memory_space<vmem>>, vector<16xi32>,
      %add3A_125 = arith.addi %scan3A_110, %get3A_124 : vector<16xi32>
      %lt3A = arith.constant 64 : i32
      %lt3A_126 = vector.broadcast %lt3A : i32 to vector<16xi32>
      %lt3A_127 = arith.cmpi slt, %scan3A_110, %lt3A_126 : vector<16xi32>
      %ge3A = arith.constant 64 : i32
      %ge3A_128 = vector.broadcast %ge3A : i32 to vector<16xi32>
      %ge3A_129 = arith.cmpi sge, %add3A_125, %ge3A_128 : vector<16xi32>
      %and3A = arith.andi %lt3A_127, %ge3A_129 : vector<16xi1>
      %broadcast_in_dim3A_130 = vector.broadcast %sub3A_122 : i32 to vector<16xi32>
      %select_n3A = arith.select %and3A, %broadcast_in_dim3A_130, %scan3A_114 : vector<16xi1>, vector<16xi32>
      %select_n3A_131 = arith.select %and3A, %scan3A_110, %scan3A_118 : vector<16xi1>, vector<16xi32>
      %get3A_132 = arith.index_cast %sub3A_122 : i32 to index
      %get3A_133 = arith.constant 16 : index
      %get3A_134 = tpu.vector_load %arg5[%get3A_132, %get3A_133] {strides = array<i32>} : memref<256x64xi32, #tpu.memory_space<vmem>>, vector<16xi32>,
      %add3A_135 = arith.addi %scan3A_111, %get3A_134 : vector<16xi32>
      %lt3A_136 = arith.constant 64 : i32
      %lt3A_137 = vector.broadcast %lt3A_136 : i32 to vector<16xi32>
      %lt3A_138 = arith.cmpi slt, %scan3A_111, %lt3A_137 : vector<16xi32>
      %ge3A_139 = arith.constant 64 : i32
      %ge3A_140 = vector.broadcast %ge3A_139 : i32 to vector<16xi32>
      %ge3A_141 = arith.cmpi sge, %add3A_135, %ge3A_140 : vector<16xi32>
      %and3A_142 = arith.andi %lt3A_138, %ge3A_141 : vector<16xi1>
      %broadcast_in_dim3A_143 = vector.broadcast %sub3A_122 : i32 to vector<16xi32>
      %select_n3A_144 = arith.select %and3A_142, %broadcast_in_dim3A_143, %scan3A_115 : vector<16xi1>, vector<16xi32>
      %select_n3A_145 = arith.select %and3A_142, %scan3A_111, %scan3A_119 : vector<16xi1>, vector<16xi32>
      %get3A_146 = arith.index_cast %sub3A_122 : i32 to index
      %get3A_147 = arith.constant 32 : index
      %get3A_148 = tpu.vector_load %arg5[%get3A_146, %get3A_147] {strides = array<i32>} : memref<256x64xi32, #tpu.memory_space<vmem>>, vector<16xi32>,
      %add3A_149 = arith.addi %scan3A_112, %get3A_148 : vector<16xi32>
      %lt3A_150 = arith.constant 64 : i32
      %lt3A_151 = vector.broadcast %lt3A_150 : i32 to vector<16xi32>
      %lt3A_152 = arith.cmpi slt, %scan3A_112, %lt3A_151 : vector<16xi32>
      %ge3A_153 = arith.constant 64 : i32
      %ge3A_154 = vector.broadcast %ge3A_153 : i32 to vector<16xi32>
      %ge3A_155 = arith.cmpi sge, %add3A_149, %ge3A_154 : vector<16xi32>
      %and3A_156 = arith.andi %lt3A_152, %ge3A_155 : vector<16xi1>
      %broadcast_in_dim3A_157 = vector.broadcast %sub3A_122 : i32 to vector<16xi32>
      %select_n3A_158 = arith.select %and3A_156, %broadcast_in_dim3A_157, %scan3A_116 : vector<16xi1>, vector<16xi32>
      %select_n3A_159 = arith.select %and3A_156, %scan3A_112, %scan3A_120 : vector<16xi1>, vector<16xi32>
      %get3A_160 = arith.index_cast %sub3A_122 : i32 to index
      %get3A_161 = arith.constant 48 : index
      %get3A_162 = tpu.vector_load %arg5[%get3A_160, %get3A_161] {strides = array<i32>} : memref<256x64xi32, #tpu.memory_space<vmem>>, vector<16xi32>,
      %add3A_163 = arith.addi %scan3A_113, %get3A_162 : vector<16xi32>
      %lt3A_164 = arith.constant 64 : i32
      %lt3A_165 = vector.broadcast %lt3A_164 : i32 to vector<16xi32>
      %lt3A_166 = arith.cmpi slt, %scan3A_113, %lt3A_165 : vector<16xi32>
      %ge3A_167 = arith.constant 64 : i32
      %ge3A_168 = vector.broadcast %ge3A_167 : i32 to vector<16xi32>
      %ge3A_169 = arith.cmpi sge, %add3A_163, %ge3A_168 : vector<16xi32>
      %and3A_170 = arith.andi %lt3A_166, %ge3A_169 : vector<16xi1>
      %broadcast_in_dim3A_171 = vector.broadcast %sub3A_122 : i32 to vector<16xi32>
      %select_n3A_172 = arith.select %and3A_170, %broadcast_in_dim3A_171, %scan3A_117 : vector<16xi1>, vector<16xi32>
      %select_n3A_173 = arith.select %and3A_170, %scan3A_113, %scan3A_121 : vector<16xi1>, vector<16xi32>
      scf.yield %add3A_125, %add3A_135, %add3A_149, %add3A_163, %select_n3A, %select_n3A_144, %select_n3A_158, %select_n3A_172, %select_n3A_131, %select_n3A_145, %select_n3A_159, %select_n3A_173 : vector<16xi32>, vector<16xi32>, vector<16xi32>, vector<16xi32>, vector<16xi32>, vector<16xi32>, vector<16xi32>, vector<16xi32>, vector<16xi32>, vector<16xi32>, vector<16xi32>, vector<16xi32>
    }
    %scan3A_57 = arith.constant 256 : i32
    %shift_left3A = arith.constant 8 : i32
    %shift_left3A_58 = vector.broadcast %shift_left3A : i32 to vector<16xi32>
    %shift_left3A_59 = arith.shli %scan3A_36#4, %shift_left3A_58 : vector<16xi32>
    %or3A = arith.ori %shift_left3A_59, %scan3A_56#4 : vector<16xi32>
    %shift_left3A_60 = arith.constant 16 : i32
    %shift_left3A_61 = vector.broadcast %shift_left3A_60 : i32 to vector<16xi32>
    %shift_left3A_62 = arith.shli %or3A, %shift_left3A_61 : vector<16xi32>
    %bitcast_convert_type3A = tpu.bitcast %shift_left3A_62 : vector<16xi32> -> vector<16xi32>
    %shift_left3A_63 = arith.constant 8 : i32
    %shift_left3A_64 = vector.broadcast %shift_left3A_63 : i32 to vector<16xi32>
    %shift_left3A_65 = arith.shli %scan3A_36#5, %shift_left3A_64 : vector<16xi32>
    %or3A_66 = arith.ori %shift_left3A_65, %scan3A_56#5 : vector<16xi32>
    %shift_left3A_67 = arith.constant 16 : i32
    %shift_left3A_68 = vector.broadcast %shift_left3A_67 : i32 to vector<16xi32>
    %shift_left3A_69 = arith.shli %or3A_66, %shift_left3A_68 : vector<16xi32>
    %bitcast_convert_type3A_70 = tpu.bitcast %shift_left3A_69 : vector<16xi32> -> vector<16xi32>
    %shift_left3A_71 = arith.constant 8 : i32
    %shift_left3A_72 = vector.broadcast %shift_left3A_71 : i32 to vector<16xi32>
    %shift_left3A_73 = arith.shli %scan3A_36#6, %shift_left3A_72 : vector<16xi32>
    %or3A_74 = arith.ori %shift_left3A_73, %scan3A_56#6 : vector<16xi32>
    %shift_left3A_75 = arith.constant 16 : i32
    %shift_left3A_76 = vector.broadcast %shift_left3A_75 : i32 to vector<16xi32>
    %shift_left3A_77 = arith.shli %or3A_74, %shift_left3A_76 : vector<16xi32>
    %bitcast_convert_type3A_78 = tpu.bitcast %shift_left3A_77 : vector<16xi32> -> vector<16xi32>
    %shift_left3A_79 = arith.constant 8 : i32
    %shift_left3A_80 = vector.broadcast %shift_left3A_79 : i32 to vector<16xi32>
    %shift_left3A_81 = arith.shli %scan3A_36#7, %shift_left3A_80 : vector<16xi32>
    %or3A_82 = arith.ori %shift_left3A_81, %scan3A_56#7 : vector<16xi32>
    %shift_left3A_83 = arith.constant 16 : i32
    %shift_left3A_84 = vector.broadcast %shift_left3A_83 : i32 to vector<16xi32>
    %shift_left3A_85 = arith.shli %or3A_82, %shift_left3A_84 : vector<16xi32>
    %bitcast_convert_type3A_86 = tpu.bitcast %shift_left3A_85 : vector<16xi32> -> vector<16xi32>
    %broadcast_in_dim3A_87 = arith.constant 0xFF800000 : f32
    %broadcast_in_dim3A_88 = vector.broadcast %broadcast_in_dim3A_87 : f32 to vector<16xf32>
    %scan3A_89 = arith.constant 0 : i32
    %scan3A_90 = arith.constant 0 : i32
    %scan3A_91 = arith.constant 64 : i32
    %scan3A_92 = arith.addi %scan3A_90, %scan3A_91 : i32
    %scan3A_93 = arith.constant 1 : i32
    %scan3A_94 = scf.for %scan3A_109 = %scan3A_90 to %scan3A_92 step %scan3A_93 iter_args(%scan3A_110 = %scan3A_89) -> (i32)  : i32 {
      %swap3A = arith.index_cast %scan3A_109 : i32 to index
      %swap3A_111 = arith.constant 0 : index
      %swap3A_112 = tpu.vector_load %arg6[%swap3A, %swap3A_111] {strides = array<i32>} : memref<64x128xf32, #tpu.memory_space<vmem>>, vector<16xf32>,
      tpu.vector_store %arg6[%swap3A, %swap3A_111], %broadcast_in_dim3A_88 {strides = array<i32>} : memref<64x128xf32, #tpu.memory_space<vmem>>, vector<16xf32>,
      %swap3A_113 = arith.index_cast %scan3A_109 : i32 to index
      %swap3A_114 = arith.constant 16 : index
      %swap3A_115 = tpu.vector_load %arg6[%swap3A_113, %swap3A_114] {strides = array<i32>} : memref<64x128xf32, #tpu.memory_space<vmem>>, vector<16xf32>,
      tpu.vector_store %arg6[%swap3A_113, %swap3A_114], %broadcast_in_dim3A_88 {strides = array<i32>} : memref<64x128xf32, #tpu.memory_space<vmem>>, vector<16xf32>,
      %swap3A_116 = arith.index_cast %scan3A_109 : i32 to index
      %swap3A_117 = arith.constant 32 : index
      %swap3A_118 = tpu.vector_load %arg6[%swap3A_116, %swap3A_117] {strides = array<i32>} : memref<64x128xf32, #tpu.memory_space<vmem>>, vector<16xf32>,
      tpu.vector_store %arg6[%swap3A_116, %swap3A_117], %broadcast_in_dim3A_88 {strides = array<i32>} : memref<64x128xf32, #tpu.memory_space<vmem>>, vector<16xf32>,
      %swap3A_119 = arith.index_cast %scan3A_109 : i32 to index
      %swap3A_120 = arith.constant 48 : index
      %swap3A_121 = tpu.vector_load %arg6[%swap3A_119, %swap3A_120] {strides = array<i32>} : memref<64x128xf32, #tpu.memory_space<vmem>>, vector<16xf32>,
      tpu.vector_store %arg6[%swap3A_119, %swap3A_120], %broadcast_in_dim3A_88 {strides = array<i32>} : memref<64x128xf32, #tpu.memory_space<vmem>>, vector<16xf32>,
      %swap3A_122 = arith.index_cast %scan3A_109 : i32 to index
      %swap3A_123 = arith.constant 64 : index
      %swap3A_124 = tpu.vector_load %arg6[%swap3A_122, %swap3A_123] {strides = array<i32>} : memref<64x128xf32, #tpu.memory_space<vmem>>, vector<16xf32>,
      tpu.vector_store %arg6[%swap3A_122, %swap3A_123], %broadcast_in_dim3A_88 {strides = array<i32>} : memref<64x128xf32, #tpu.memory_space<vmem>>, vector<16xf32>,
      %swap3A_125 = arith.index_cast %scan3A_109 : i32 to index
      %swap3A_126 = arith.constant 80 : index
      %swap3A_127 = tpu.vector_load %arg6[%swap3A_125, %swap3A_126] {strides = array<i32>} : memref<64x128xf32, #tpu.memory_space<vmem>>, vector<16xf32>,
      tpu.vector_store %arg6[%swap3A_125, %swap3A_126], %broadcast_in_dim3A_88 {strides = array<i32>} : memref<64x128xf32, #tpu.memory_space<vmem>>, vector<16xf32>,
      %swap3A_128 = arith.index_cast %scan3A_109 : i32 to index
      %swap3A_129 = arith.constant 96 : index
      %swap3A_130 = tpu.vector_load %arg6[%swap3A_128, %swap3A_129] {strides = array<i32>} : memref<64x128xf32, #tpu.memory_space<vmem>>, vector<16xf32>,
      tpu.vector_store %arg6[%swap3A_128, %swap3A_129], %broadcast_in_dim3A_88 {strides = array<i32>} : memref<64x128xf32, #tpu.memory_space<vmem>>, vector<16xf32>,
      %swap3A_131 = arith.index_cast %scan3A_109 : i32 to index
      %swap3A_132 = arith.constant 112 : index
      %swap3A_133 = tpu.vector_load %arg6[%swap3A_131, %swap3A_132] {strides = array<i32>} : memref<64x128xf32, #tpu.memory_space<vmem>>, vector<16xf32>,
      tpu.vector_store %arg6[%swap3A_131, %swap3A_132], %broadcast_in_dim3A_88 {strides = array<i32>} : memref<64x128xf32, #tpu.memory_space<vmem>>, vector<16xf32>,
      %scan3A_134 = arith.constant 0 : i32
      scf.yield %scan3A_134 : i32
    }
    %scan3A_95 = arith.constant 64 : i32
    %scan3A_96 = arith.constant 0 : i32
    %scan3A_97 = arith.constant 8 : i32
    %scan3A_98 = arith.addi %scan3A_96, %scan3A_97 : i32
    %scan3A_99 = arith.constant 1 : i32
    %scan3A_100:4 = scf.for %scan3A_109 = %scan3A_96 to %scan3A_98 step %scan3A_99 iter_args(%scan3A_110 = %broadcast_in_dim3A_5, %scan3A_111 = %broadcast_in_dim3A_5, %scan3A_112 = %broadcast_in_dim3A_5, %scan3A_113 = %broadcast_in_dim3A_5) -> (vector<16xi32>, vector<16xi32>, vector<16xi32>, vector<16xi32>)  : i32 {
      %mul3A_114 = arith.constant 256 : i32
      %mul3A_115 = arith.muli %scan3A_109, %mul3A_114 : i32
      %add3A_116 = arith.addi %mul3A_4, %mul3A_115 : i32
      "tpu.region"() ({
        %run_scoped3A = tpu.sem_alloc : memref<!tpu.dma_semaphore, #tpu.memory_space<semaphore_mem>>
        %dma_start3A = arith.constant 0 : i32
        %dma_start3A_123 = tpu.memref_slice %arg2[%add3A_116, %dma_start3A] : memref<32768x128xf32, #tpu.memory_space<hbm>> -> memref<256x128xf32, #tpu.memory_space<hbm>>
        %dma_start3A_124 = arith.constant 0 : i32
        %dma_start3A_125 = tpu.memref_slice %arg2[%add3A_116, %dma_start3A_124] : memref<32768x128xf32, #tpu.memory_space<hbm>> -> memref<256x128xf32, #tpu.memory_space<hbm>>
        tpu.enqueue_dma source(%dma_start3A_125 : memref<256x128xf32, #tpu.memory_space<hbm>>) target(%arg4 : memref<256x128xf32, #tpu.memory_space<vmem>>) target_semaphore(%run_scoped3A : memref<!tpu.dma_semaphore, #tpu.memory_space<semaphore_mem>>)
        %dma_wait3A = arith.constant 0 : i32
        %dma_wait3A_126 = tpu.memref_slice %arg2[%add3A_116, %dma_wait3A] : memref<32768x128xf32, #tpu.memory_space<hbm>> -> memref<256x128xf32, #tpu.memory_space<hbm>>
        %dma_wait3A_127 = arith.constant 0 : i32
        %dma_wait3A_128 = tpu.memref_slice %arg2[%add3A_116, %dma_wait3A_127] : memref<32768x128xf32, #tpu.memory_space<hbm>> -> memref<256x128xf32, #tpu.memory_space<hbm>>
        tpu.wait_dma2 semaphore(%run_scoped3A : memref<!tpu.dma_semaphore, #tpu.memory_space<semaphore_mem>>) src(%dma_wait3A_128 : memref<256x128xf32, #tpu.memory_space<hbm>>) dst(%arg4 : memref<256x128xf32, #tpu.memory_space<vmem>>)
        tpu.yield
      }) : () -> ()
      %scan3A_117 = arith.constant 0 : i32
      %scan3A_118 = arith.constant 256 : i32
      %scan3A_119 = arith.addi %scan3A_117, %scan3A_118 : i32
      %scan3A_120 = arith.constant 1 : i32
      %scan3A_121:4 = scf.for %scan3A_123 = %scan3A_117 to %scan3A_119 step %scan3A_120 iter_args(%scan3A_124 = %scan3A_110, %scan3A_125 = %scan3A_111, %scan3A_126 = %scan3A_112, %scan3A_127 = %scan3A_113) -> (vector<16xi32>, vector<16xi32>, vector<16xi32>, vector<16xi32>)  : i32 {
        %add3A_128 = arith.constant 0 : i32
        %add3A_129 = arith.addi %mul3A_2, %add3A_128 : i32
        %get3A = arith.index_cast %scan3A_123 : i32 to index
        %get3A_130 = arith.index_cast %add3A_129 : i32 to index
        %get3A_131 = tpu.vector_load %arg4[%get3A, %get3A_130] {strides = array<i32>} : memref<256x128xf32, #tpu.memory_space<vmem>>, vector<16xf32>,
        %bitcast_convert_type3A_132 = tpu.bitcast %get3A_131 : vector<16xf32> -> vector<16xi32>
        %shift_right_arithmetic3A = arith.constant 31 : i32
        %shift_right_arithmetic3A_133 = vector.broadcast %shift_right_arithmetic3A : i32 to vector<16xi32>
        %shift_right_arithmetic3A_134 = arith.shrsi %bitcast_convert_type3A_132, %shift_right_arithmetic3A_133 : vector<16xi32>
        %or3A_135 = arith.constant -2147483648 : i32
        %or3A_136 = vector.broadcast %or3A_135 : i32 to vector<16xi32>
        %or3A_137 = arith.ori %shift_right_arithmetic3A_134, %or3A_136 : vector<16xi32>
        %xor3A = arith.xori %bitcast_convert_type3A_132, %or3A_137 : vector<16xi32>
        %bitcast_convert_type3A_138 = tpu.bitcast %xor3A : vector<16xi32> -> vector<16xi32>
        %ge3A = arith.cmpi uge, %bitcast_convert_type3A_138, %bitcast_convert_type3A : vector<16xi32>
        %lt3A = arith.constant 128 : i32
        %lt3A_139 = vector.broadcast %lt3A : i32 to vector<16xi32>
        %lt3A_140 = arith.cmpi slt, %scan3A_124, %lt3A_139 : vector<16xi32>
        %and3A = arith.andi %ge3A, %lt3A_140 : vector<16xi1>
        tpu.vector_store_idx %arg6[%add3A_9, %scan3A_124], %get3A_131 masked %and3A : memref<64x128xf32, #tpu.memory_space<vmem>>[vector<16xi32>, vector<16xi32>], vector<16xf32>, vector<16xi1>
        %select_n3A = arith.select %and3A, %broadcast_in_dim3A_7, %broadcast_in_dim3A_5 : vector<16xi1>, vector<16xi32>
        %add3A_141 = arith.addi %scan3A_124, %select_n3A : vector<16xi32>
        %add3A_142 = arith.constant 16 : i32
        %add3A_143 = arith.addi %mul3A_2, %add3A_142 : i32
        %get3A_144 = arith.index_cast %scan3A_123 : i32 to index
        %get3A_145 = arith.index_cast %add3A_143 : i32 to index
        %get3A_146 = tpu.vector_load %arg4[%get3A_144, %get3A_145] {strides = array<i32>} : memref<256x128xf32, #tpu.memory_space<vmem>>, vector<16xf32>,
        %bitcast_convert_type3A_147 = tpu.bitcast %get3A_146 : vector<16xf32> -> vector<16xi32>
        %shift_right_arithmetic3A_148 = arith.constant 31 : i32
        %shift_right_arithmetic3A_149 = vector.broadcast %shift_right_arithmetic3A_148 : i32 to vector<16xi32>
        %shift_right_arithmetic3A_150 = arith.shrsi %bitcast_convert_type3A_147, %shift_right_arithmetic3A_149 : vector<16xi32>
        %or3A_151 = arith.constant -2147483648 : i32
        %or3A_152 = vector.broadcast %or3A_151 : i32 to vector<16xi32>
        %or3A_153 = arith.ori %shift_right_arithmetic3A_150, %or3A_152 : vector<16xi32>
        %xor3A_154 = arith.xori %bitcast_convert_type3A_147, %or3A_153 : vector<16xi32>
        %bitcast_convert_type3A_155 = tpu.bitcast %xor3A_154 : vector<16xi32> -> vector<16xi32>
        %ge3A_156 = arith.cmpi uge, %bitcast_convert_type3A_155, %bitcast_convert_type3A_70 : vector<16xi32>
        %lt3A_157 = arith.constant 128 : i32
        %lt3A_158 = vector.broadcast %lt3A_157 : i32 to vector<16xi32>
        %lt3A_159 = arith.cmpi slt, %scan3A_125, %lt3A_158 : vector<16xi32>
        %and3A_160 = arith.andi %ge3A_156, %lt3A_159 : vector<16xi1>
        tpu.vector_store_idx %arg6[%add3A_12, %scan3A_125], %get3A_146 masked %and3A_160 : memref<64x128xf32, #tpu.memory_space<vmem>>[vector<16xi32>, vector<16xi32>], vector<16xf32>, vector<16xi1>
        %select_n3A_161 = arith.select %and3A_160, %broadcast_in_dim3A_7, %broadcast_in_dim3A_5 : vector<16xi1>, vector<16xi32>
        %add3A_162 = arith.addi %scan3A_125, %select_n3A_161 : vector<16xi32>
        %add3A_163 = arith.constant 32 : i32
        %add3A_164 = arith.addi %mul3A_2, %add3A_163 : i32
        %get3A_165 = arith.index_cast %scan3A_123 : i32 to index
        %get3A_166 = arith.index_cast %add3A_164 : i32 to index
        %get3A_167 = tpu.vector_load %arg4[%get3A_165, %get3A_166] {strides = array<i32>} : memref<256x128xf32, #tpu.memory_space<vmem>>, vector<16xf32>,
        %bitcast_convert_type3A_168 = tpu.bitcast %get3A_167 : vector<16xf32> -> vector<16xi32>
        %shift_right_arithmetic3A_169 = arith.constant 31 : i32
        %shift_right_arithmetic3A_170 = vector.broadcast %shift_right_arithmetic3A_169 : i32 to vector<16xi32>
        %shift_right_arithmetic3A_171 = arith.shrsi %bitcast_convert_type3A_168, %shift_right_arithmetic3A_170 : vector<16xi32>
        %or3A_172 = arith.constant -2147483648 : i32
        %or3A_173 = vector.broadcast %or3A_172 : i32 to vector<16xi32>
        %or3A_174 = arith.ori %shift_right_arithmetic3A_171, %or3A_173 : vector<16xi32>
        %xor3A_175 = arith.xori %bitcast_convert_type3A_168, %or3A_174 : vector<16xi32>
        %bitcast_convert_type3A_176 = tpu.bitcast %xor3A_175 : vector<16xi32> -> vector<16xi32>
        %ge3A_177 = arith.cmpi uge, %bitcast_convert_type3A_176, %bitcast_convert_type3A_78 : vector<16xi32>
        %lt3A_178 = arith.constant 128 : i32
        %lt3A_179 = vector.broadcast %lt3A_178 : i32 to vector<16xi32>
        %lt3A_180 = arith.cmpi slt, %scan3A_126, %lt3A_179 : vector<16xi32>
        %and3A_181 = arith.andi %ge3A_177, %lt3A_180 : vector<16xi1>
        tpu.vector_store_idx %arg6[%add3A_15, %scan3A_126], %get3A_167 masked %and3A_181 : memref<64x128xf32, #tpu.memory_space<vmem>>[vector<16xi32>, vector<16xi32>], vector<16xf32>, vector<16xi1>
        %select_n3A_182 = arith.select %and3A_181, %broadcast_in_dim3A_7, %broadcast_in_dim3A_5 : vector<16xi1>, vector<16xi32>
        %add3A_183 = arith.addi %scan3A_126, %select_n3A_182 : vector<16xi32>
        %add3A_184 = arith.constant 48 : i32
        %add3A_185 = arith.addi %mul3A_2, %add3A_184 : i32
        %get3A_186 = arith.index_cast %scan3A_123 : i32 to index
        %get3A_187 = arith.index_cast %add3A_185 : i32 to index
        %get3A_188 = tpu.vector_load %arg4[%get3A_186, %get3A_187] {strides = array<i32>} : memref<256x128xf32, #tpu.memory_space<vmem>>, vector<16xf32>,
        %bitcast_convert_type3A_189 = tpu.bitcast %get3A_188 : vector<16xf32> -> vector<16xi32>
        %shift_right_arithmetic3A_190 = arith.constant 31 : i32
        %shift_right_arithmetic3A_191 = vector.broadcast %shift_right_arithmetic3A_190 : i32 to vector<16xi32>
        %shift_right_arithmetic3A_192 = arith.shrsi %bitcast_convert_type3A_189, %shift_right_arithmetic3A_191 : vector<16xi32>
        %or3A_193 = arith.constant -2147483648 : i32
        %or3A_194 = vector.broadcast %or3A_193 : i32 to vector<16xi32>
        %or3A_195 = arith.ori %shift_right_arithmetic3A_192, %or3A_194 : vector<16xi32>
        %xor3A_196 = arith.xori %bitcast_convert_type3A_189, %or3A_195 : vector<16xi32>
        %bitcast_convert_type3A_197 = tpu.bitcast %xor3A_196 : vector<16xi32> -> vector<16xi32>
        %ge3A_198 = arith.cmpi uge, %bitcast_convert_type3A_197, %bitcast_convert_type3A_86 : vector<16xi32>
        %lt3A_199 = arith.constant 128 : i32
        %lt3A_200 = vector.broadcast %lt3A_199 : i32 to vector<16xi32>
        %lt3A_201 = arith.cmpi slt, %scan3A_127, %lt3A_200 : vector<16xi32>
        %and3A_202 = arith.andi %ge3A_198, %lt3A_201 : vector<16xi1>
        tpu.vector_store_idx %arg6[%add3A_18, %scan3A_127], %get3A_188 masked %and3A_202 : memref<64x128xf32, #tpu.memory_space<vmem>>[vector<16xi32>, vector<16xi32>], vector<16xf32>, vector<16xi1>
        %select_n3A_203 = arith.select %and3A_202, %broadcast_in_dim3A_7, %broadcast_in_dim3A_5 : vector<16xi1>, vector<16xi32>
        %add3A_204 = arith.addi %scan3A_127, %select_n3A_203 : vector<16xi32>
        scf.yield %add3A_141, %add3A_162, %add3A_183, %add3A_204 : vector<16xi32>, vector<16xi32>, vector<16xi32>, vector<16xi32>
      }
      %scan3A_122 = arith.constant 256 : i32
      scf.yield %scan3A_121#0, %scan3A_121#1, %scan3A_121#2, %scan3A_121#3 : vector<16xi32>, vector<16xi32>, vector<16xi32>, vector<16xi32>
    }
    %scan3A_101 = arith.constant 8 : i32
    %scan3A_102 = arith.constant 0 : i32
    %scan3A_103 = arith.constant 0 : i32
    %scan3A_104 = arith.constant 64 : i32
    %scan3A_105 = arith.addi %scan3A_103, %scan3A_104 : i32
    %scan3A_106 = arith.constant 1 : i32
    %scan3A_107 = scf.for %scan3A_109 = %scan3A_103 to %scan3A_105 step %scan3A_106 iter_args(%scan3A_110 = %scan3A_102) -> (i32)  : i32 {
      %get3A = arith.index_cast %scan3A_109 : i32 to index
      %get3A_111 = arith.constant 0 : index
      %get3A_112 = tpu.vector_load %arg6[%get3A, %get3A_111] {strides = array<i32>} : memref<64x128xf32, #tpu.memory_space<vmem>>, vector<16xf32>,
      %masked_sort3A = arith.constant dense<true> : vector<16xi1>
      %masked_sort3A_113, %masked_sort3A_114, %masked_sort3A_115 = tpu.sort %get3A_112, %get3A_112 masked %masked_sort3A {descending = true} : (vector<16xf32>, vector<16xf32>, vector<16xi1>) -> (vector<16xi1>, vector<16xf32>, vector<16xf32>)
      %get3A_116 = arith.index_cast %scan3A_109 : i32 to index
      %get3A_117 = arith.constant 16 : index
      %get3A_118 = tpu.vector_load %arg6[%get3A_116, %get3A_117] {strides = array<i32>} : memref<64x128xf32, #tpu.memory_space<vmem>>, vector<16xf32>,
      %masked_sort3A_119 = arith.constant dense<true> : vector<16xi1>
      %masked_sort3A_120, %masked_sort3A_121, %masked_sort3A_122 = tpu.sort %get3A_118, %get3A_118 masked %masked_sort3A_119 {descending = true} : (vector<16xf32>, vector<16xf32>, vector<16xi1>) -> (vector<16xi1>, vector<16xf32>, vector<16xf32>)
      %get3A_123 = arith.index_cast %scan3A_109 : i32 to index
      %get3A_124 = arith.constant 32 : index
      %get3A_125 = tpu.vector_load %arg6[%get3A_123, %get3A_124] {strides = array<i32>} : memref<64x128xf32, #tpu.memory_space<vmem>>, vector<16xf32>,
      %masked_sort3A_126 = arith.constant dense<true> : vector<16xi1>
      %masked_sort3A_127, %masked_sort3A_128, %masked_sort3A_129 = tpu.sort %get3A_125, %get3A_125 masked %masked_sort3A_126 {descending = true} : (vector<16xf32>, vector<16xf32>, vector<16xi1>) -> (vector<16xi1>, vector<16xf32>, vector<16xf32>)
      %get3A_130 = arith.index_cast %scan3A_109 : i32 to index
      %get3A_131 = arith.constant 48 : index
      %get3A_132 = tpu.vector_load %arg6[%get3A_130, %get3A_131] {strides = array<i32>} : memref<64x128xf32, #tpu.memory_space<vmem>>, vector<16xf32>,
      %masked_sort3A_133 = arith.constant dense<true> : vector<16xi1>
      %masked_sort3A_134, %masked_sort3A_135, %masked_sort3A_136 = tpu.sort %get3A_132, %get3A_132 masked %masked_sort3A_133 {descending = true} : (vector<16xf32>, vector<16xf32>, vector<16xi1>) -> (vector<16xi1>, vector<16xf32>, vector<16xf32>)
      %get3A_137 = arith.index_cast %scan3A_109 : i32 to index
      %get3A_138 = arith.constant 64 : index
      %get3A_139 = tpu.vector_load %arg6[%get3A_137, %get3A_138] {strides = array<i32>} : memref<64x128xf32, #tpu.memory_space<vmem>>, vector<16xf32>,
      %masked_sort3A_140 = arith.constant dense<true> : vector<16xi1>
      %masked_sort3A_141, %masked_sort3A_142, %masked_sort3A_143 = tpu.sort %get3A_139, %get3A_139 masked %masked_sort3A_140 {descending = true} : (vector<16xf32>, vector<16xf32>, vector<16xi1>) -> (vector<16xi1>, vector<16xf32>, vector<16xf32>)
      %get3A_144 = arith.index_cast %scan3A_109 : i32 to index
      %get3A_145 = arith.constant 80 : index
      %get3A_146 = tpu.vector_load %arg6[%get3A_144, %get3A_145] {strides = array<i32>} : memref<64x128xf32, #tpu.memory_space<vmem>>, vector<16xf32>,
      %masked_sort3A_147 = arith.constant dense<true> : vector<16xi1>
      %masked_sort3A_148, %masked_sort3A_149, %masked_sort3A_150 = tpu.sort %get3A_146, %get3A_146 masked %masked_sort3A_147 {descending = true} : (vector<16xf32>, vector<16xf32>, vector<16xi1>) -> (vector<16xi1>, vector<16xf32>, vector<16xf32>)
      %get3A_151 = arith.index_cast %scan3A_109 : i32 to index
      %get3A_152 = arith.constant 96 : index
      %get3A_153 = tpu.vector_load %arg6[%get3A_151, %get3A_152] {strides = array<i32>} : memref<64x128xf32, #tpu.memory_space<vmem>>, vector<16xf32>,
      %masked_sort3A_154 = arith.constant dense<true> : vector<16xi1>
      %masked_sort3A_155, %masked_sort3A_156, %masked_sort3A_157 = tpu.sort %get3A_153, %get3A_153 masked %masked_sort3A_154 {descending = true} : (vector<16xf32>, vector<16xf32>, vector<16xi1>) -> (vector<16xi1>, vector<16xf32>, vector<16xf32>)
      %get3A_158 = arith.index_cast %scan3A_109 : i32 to index
      %get3A_159 = arith.constant 112 : index
      %get3A_160 = tpu.vector_load %arg6[%get3A_158, %get3A_159] {strides = array<i32>} : memref<64x128xf32, #tpu.memory_space<vmem>>, vector<16xf32>,
      %masked_sort3A_161 = arith.constant dense<true> : vector<16xi1>
      %masked_sort3A_162, %masked_sort3A_163, %masked_sort3A_164 = tpu.sort %get3A_160, %get3A_160 masked %masked_sort3A_161 {descending = true} : (vector<16xf32>, vector<16xf32>, vector<16xi1>) -> (vector<16xi1>, vector<16xf32>, vector<16xf32>)
      %rev3A = arith.constant 15 : i32
      %rev3A_165 = vector.broadcast %rev3A : i32 to vector<16xi32>
      %rev3A_166 = tpu.iota {dimensions = array<i32: 0>} : vector<16xi32>
      %rev3A_167 = arith.subi %rev3A_165, %rev3A_166 : vector<16xi32>
      %rev3A_168 = tpu.dynamic_gather %masked_sort3A_121[%rev3A_167] in [0] : vector<16xf32>, vector<16xi32> -> vector<16xf32>
      %max3A = arith.maximumf %masked_sort3A_114, %rev3A_168 : vector<16xf32>
      %masked_sort3A_169 = arith.constant dense<true> : vector<16xi1>
      %masked_sort3A_170, %masked_sort3A_171, %masked_sort3A_172 = tpu.sort %max3A, %max3A masked %masked_sort3A_169 {descending = true} : (vector<16xf32>, vector<16xf32>, vector<16xi1>) -> (vector<16xi1>, vector<16xf32>, vector<16xf32>)
      %min3A = arith.minimumf %masked_sort3A_114, %rev3A_168 : vector<16xf32>
      %masked_sort3A_173 = arith.constant dense<true> : vector<16xi1>
      %masked_sort3A_174, %masked_sort3A_175, %masked_sort3A_176 = tpu.sort %min3A, %min3A masked %masked_sort3A_173 {descending = true} : (vector<16xf32>, vector<16xf32>, vector<16xi1>) -> (vector<16xi1>, vector<16xf32>, vector<16xf32>)
      %rev3A_177 = arith.constant 15 : i32
      %rev3A_178 = vector.broadcast %rev3A_177 : i32 to vector<16xi32>
      %rev3A_179 = tpu.iota {dimensions = array<i32: 0>} : vector<16xi32>
      %rev3A_180 = arith.subi %rev3A_178, %rev3A_179 : vector<16xi32>
      %rev3A_181 = tpu.dynamic_gather %masked_sort3A_135[%rev3A_180] in [0] : vector<16xf32>, vector<16xi32> -> vector<16xf32>
      %max3A_182 = arith.maximumf %masked_sort3A_128, %rev3A_181 : vector<16xf32>
      %masked_sort3A_183 = arith.constant dense<true> : vector<16xi1>
      %masked_sort3A_184, %masked_sort3A_185, %masked_sort3A_186 = tpu.sort %max3A_182, %max3A_182 masked %masked_sort3A_183 {descending = true} : (vector<16xf32>, vector<16xf32>, vector<16xi1>) -> (vector<16xi1>, vector<16xf32>, vector<16xf32>)
      %min3A_187 = arith.minimumf %masked_sort3A_128, %rev3A_181 : vector<16xf32>
      %masked_sort3A_188 = arith.constant dense<true> : vector<16xi1>
      %masked_sort3A_189, %masked_sort3A_190, %masked_sort3A_191 = tpu.sort %min3A_187, %min3A_187 masked %masked_sort3A_188 {descending = true} : (vector<16xf32>, vector<16xf32>, vector<16xi1>) -> (vector<16xi1>, vector<16xf32>, vector<16xf32>)
      %rev3A_192 = arith.constant 15 : i32
      %rev3A_193 = vector.broadcast %rev3A_192 : i32 to vector<16xi32>
      %rev3A_194 = tpu.iota {dimensions = array<i32: 0>} : vector<16xi32>
      %rev3A_195 = arith.subi %rev3A_193, %rev3A_194 : vector<16xi32>
      %rev3A_196 = tpu.dynamic_gather %masked_sort3A_190[%rev3A_195] in [0] : vector<16xf32>, vector<16xi32> -> vector<16xf32>
      %max3A_197 = arith.maximumf %masked_sort3A_171, %rev3A_196 : vector<16xf32>
      %rev3A_198 = arith.constant 15 : i32
      %rev3A_199 = vector.broadcast %rev3A_198 : i32 to vector<16xi32>
      %rev3A_200 = tpu.iota {dimensions = array<i32: 0>} : vector<16xi32>
      %rev3A_201 = arith.subi %rev3A_199, %rev3A_200 : vector<16xi32>
      %rev3A_202 = tpu.dynamic_gather %masked_sort3A_185[%rev3A_201] in [0] : vector<16xf32>, vector<16xi32> -> vector<16xf32>
      %max3A_203 = arith.maximumf %masked_sort3A_175, %rev3A_202 : vector<16xf32>
      %rev3A_204 = arith.constant 15 : i32
      %rev3A_205 = vector.broadcast %rev3A_204 : i32 to vector<16xi32>
      %rev3A_206 = tpu.iota {dimensions = array<i32: 0>} : vector<16xi32>
      %rev3A_207 = arith.subi %rev3A_205, %rev3A_206 : vector<16xi32>
      %rev3A_208 = tpu.dynamic_gather %masked_sort3A_190[%rev3A_207] in [0] : vector<16xf32>, vector<16xi32> -> vector<16xf32>
      %min3A_209 = arith.minimumf %masked_sort3A_171, %rev3A_208 : vector<16xf32>
      %rev3A_210 = arith.constant 15 : i32
      %rev3A_211 = vector.broadcast %rev3A_210 : i32 to vector<16xi32>
      %rev3A_212 = tpu.iota {dimensions = array<i32: 0>} : vector<16xi32>
      %rev3A_213 = arith.subi %rev3A_211, %rev3A_212 : vector<16xi32>
      %rev3A_214 = tpu.dynamic_gather %masked_sort3A_185[%rev3A_213] in [0] : vector<16xf32>, vector<16xi32> -> vector<16xf32>
      %min3A_215 = arith.minimumf %masked_sort3A_175, %rev3A_214 : vector<16xf32>
      %max3A_216 = arith.maximumf %max3A_197, %max3A_203 : vector<16xf32>
      %min3A_217 = arith.minimumf %max3A_197, %max3A_203 : vector<16xf32>
      %max3A_218 = arith.maximumf %min3A_209, %min3A_215 : vector<16xf32>
      %min3A_219 = arith.minimumf %min3A_209, %min3A_215 : vector<16xf32>
      %masked_sort3A_220 = arith.constant dense<true> : vector<16xi1>
      %masked_sort3A_221, %masked_sort3A_222, %masked_sort3A_223 = tpu.sort %max3A_216, %max3A_216 masked %masked_sort3A_220 {descending = true} : (vector<16xf32>, vector<16xf32>, vector<16xi1>) -> (vector<16xi1>, vector<16xf32>, vector<16xf32>)
      %masked_sort3A_224 = arith.constant dense<true> : vector<16xi1>
      %masked_sort3A_225, %masked_sort3A_226, %masked_sort3A_227 = tpu.sort %min3A_217, %min3A_217 masked %masked_sort3A_224 {descending = true} : (vector<16xf32>, vector<16xf32>, vector<16xi1>) -> (vector<16xi1>, vector<16xf32>, vector<16xf32>)
      %masked_sort3A_228 = arith.constant dense<true> : vector<16xi1>
      %masked_sort3A_229, %masked_sort3A_230, %masked_sort3A_231 = tpu.sort %max3A_218, %max3A_218 masked %masked_sort3A_228 {descending = true} : (vector<16xf32>, vector<16xf32>, vector<16xi1>) -> (vector<16xi1>, vector<16xf32>, vector<16xf32>)
      %masked_sort3A_232 = arith.constant dense<true> : vector<16xi1>
      %masked_sort3A_233, %masked_sort3A_234, %masked_sort3A_235 = tpu.sort %min3A_219, %min3A_219 masked %masked_sort3A_232 {descending = true} : (vector<16xf32>, vector<16xf32>, vector<16xi1>) -> (vector<16xi1>, vector<16xf32>, vector<16xf32>)
      %rev3A_236 = arith.constant 15 : i32
      %rev3A_237 = vector.broadcast %rev3A_236 : i32 to vector<16xi32>
      %rev3A_238 = tpu.iota {dimensions = array<i32: 0>} : vector<16xi32>
      %rev3A_239 = arith.subi %rev3A_237, %rev3A_238 : vector<16xi32>
      %rev3A_240 = tpu.dynamic_gather %masked_sort3A_149[%rev3A_239] in [0] : vector<16xf32>, vector<16xi32> -> vector<16xf32>
      %max3A_241 = arith.maximumf %masked_sort3A_142, %rev3A_240 : vector<16xf32>
      %masked_sort3A_242 = arith.constant dense<true> : vector<16xi1>
      %masked_sort3A_243, %masked_sort3A_244, %masked_sort3A_245 = tpu.sort %max3A_241, %max3A_241 masked %masked_sort3A_242 {descending = true} : (vector<16xf32>, vector<16xf32>, vector<16xi1>) -> (vector<16xi1>, vector<16xf32>, vector<16xf32>)
      %min3A_246 = arith.minimumf %masked_sort3A_142, %rev3A_240 : vector<16xf32>
      %masked_sort3A_247 = arith.constant dense<true> : vector<16xi1>
      %masked_sort3A_248, %masked_sort3A_249, %masked_sort3A_250 = tpu.sort %min3A_246, %min3A_246 masked %masked_sort3A_247 {descending = true} : (vector<16xf32>, vector<16xf32>, vector<16xi1>) -> (vector<16xi1>, vector<16xf32>, vector<16xf32>)
      %rev3A_251 = arith.constant 15 : i32
      %rev3A_252 = vector.broadcast %rev3A_251 : i32 to vector<16xi32>
      %rev3A_253 = tpu.iota {dimensions = array<i32: 0>} : vector<16xi32>
      %rev3A_254 = arith.subi %rev3A_252, %rev3A_253 : vector<16xi32>
      %rev3A_255 = tpu.dynamic_gather %masked_sort3A_163[%rev3A_254] in [0] : vector<16xf32>, vector<16xi32> -> vector<16xf32>
      %max3A_256 = arith.maximumf %masked_sort3A_156, %rev3A_255 : vector<16xf32>
      %masked_sort3A_257 = arith.constant dense<true> : vector<16xi1>
      %masked_sort3A_258, %masked_sort3A_259, %masked_sort3A_260 = tpu.sort %max3A_256, %max3A_256 masked %masked_sort3A_257 {descending = true} : (vector<16xf32>, vector<16xf32>, vector<16xi1>) -> (vector<16xi1>, vector<16xf32>, vector<16xf32>)
      %min3A_261 = arith.minimumf %masked_sort3A_156, %rev3A_255 : vector<16xf32>
      %masked_sort3A_262 = arith.constant dense<true> : vector<16xi1>
      %masked_sort3A_263, %masked_sort3A_264, %masked_sort3A_265 = tpu.sort %min3A_261, %min3A_261 masked %masked_sort3A_262 {descending = true} : (vector<16xf32>, vector<16xf32>, vector<16xi1>) -> (vector<16xi1>, vector<16xf32>, vector<16xf32>)
      %rev3A_266 = arith.constant 15 : i32
      %rev3A_267 = vector.broadcast %rev3A_266 : i32 to vector<16xi32>
      %rev3A_268 = tpu.iota {dimensions = array<i32: 0>} : vector<16xi32>
      %rev3A_269 = arith.subi %rev3A_267, %rev3A_268 : vector<16xi32>
      %rev3A_270 = tpu.dynamic_gather %masked_sort3A_264[%rev3A_269] in [0] : vector<16xf32>, vector<16xi32> -> vector<16xf32>
      %max3A_271 = arith.maximumf %masked_sort3A_244, %rev3A_270 : vector<16xf32>
      %rev3A_272 = arith.constant 15 : i32
      %rev3A_273 = vector.broadcast %rev3A_272 : i32 to vector<16xi32>
      %rev3A_274 = tpu.iota {dimensions = array<i32: 0>} : vector<16xi32>
      %rev3A_275 = arith.subi %rev3A_273, %rev3A_274 : vector<16xi32>
      %rev3A_276 = tpu.dynamic_gather %masked_sort3A_259[%rev3A_275] in [0] : vector<16xf32>, vector<16xi32> -> vector<16xf32>
      %max3A_277 = arith.maximumf %masked_sort3A_249, %rev3A_276 : vector<16xf32>
      %rev3A_278 = arith.constant 15 : i32
      %rev3A_279 = vector.broadcast %rev3A_278 : i32 to vector<16xi32>
      %rev3A_280 = tpu.iota {dimensions = array<i32: 0>} : vector<16xi32>
      %rev3A_281 = arith.subi %rev3A_279, %rev3A_280 : vector<16xi32>
      %rev3A_282 = tpu.dynamic_gather %masked_sort3A_264[%rev3A_281] in [0] : vector<16xf32>, vector<16xi32> -> vector<16xf32>
      %min3A_283 = arith.minimumf %masked_sort3A_244, %rev3A_282 : vector<16xf32>
      %rev3A_284 = arith.constant 15 : i32
      %rev3A_285 = vector.broadcast %rev3A_284 : i32 to vector<16xi32>
      %rev3A_286 = tpu.iota {dimensions = array<i32: 0>} : vector<16xi32>
      %rev3A_287 = arith.subi %rev3A_285, %rev3A_286 : vector<16xi32>
      %rev3A_288 = tpu.dynamic_gather %masked_sort3A_259[%rev3A_287] in [0] : vector<16xf32>, vector<16xi32> -> vector<16xf32>
      %min3A_289 = arith.minimumf %masked_sort3A_249, %rev3A_288 : vector<16xf32>
      %max3A_290 = arith.maximumf %max3A_271, %max3A_277 : vector<16xf32>
      %min3A_291 = arith.minimumf %max3A_271, %max3A_277 : vector<16xf32>
      %max3A_292 = arith.maximumf %min3A_283, %min3A_289 : vector<16xf32>
      %min3A_293 = arith.minimumf %min3A_283, %min3A_289 : vector<16xf32>
      %masked_sort3A_294 = arith.constant dense<true> : vector<16xi1>
      %masked_sort3A_295, %masked_sort3A_296, %masked_sort3A_297 = tpu.sort %max3A_290, %max3A_290 masked %masked_sort3A_294 {descending = true} : (vector<16xf32>, vector<16xf32>, vector<16xi1>) -> (vector<16xi1>, vector<16xf32>, vector<16xf32>)
      %masked_sort3A_298 = arith.constant dense<true> : vector<16xi1>
      %masked_sort3A_299, %masked_sort3A_300, %masked_sort3A_301 = tpu.sort %min3A_291, %min3A_291 masked %masked_sort3A_298 {descending = true} : (vector<16xf32>, vector<16xf32>, vector<16xi1>) -> (vector<16xi1>, vector<16xf32>, vector<16xf32>)
      %masked_sort3A_302 = arith.constant dense<true> : vector<16xi1>
      %masked_sort3A_303, %masked_sort3A_304, %masked_sort3A_305 = tpu.sort %max3A_292, %max3A_292 masked %masked_sort3A_302 {descending = true} : (vector<16xf32>, vector<16xf32>, vector<16xi1>) -> (vector<16xi1>, vector<16xf32>, vector<16xf32>)
      %masked_sort3A_306 = arith.constant dense<true> : vector<16xi1>
      %masked_sort3A_307, %masked_sort3A_308, %masked_sort3A_309 = tpu.sort %min3A_293, %min3A_293 masked %masked_sort3A_306 {descending = true} : (vector<16xf32>, vector<16xf32>, vector<16xi1>) -> (vector<16xi1>, vector<16xf32>, vector<16xf32>)
      %rev3A_310 = arith.constant 15 : i32
      %rev3A_311 = vector.broadcast %rev3A_310 : i32 to vector<16xi32>
      %rev3A_312 = tpu.iota {dimensions = array<i32: 0>} : vector<16xi32>
      %rev3A_313 = arith.subi %rev3A_311, %rev3A_312 : vector<16xi32>
      %rev3A_314 = tpu.dynamic_gather %masked_sort3A_308[%rev3A_313] in [0] : vector<16xf32>, vector<16xi32> -> vector<16xf32>
      %max3A_315 = arith.maximumf %masked_sort3A_222, %rev3A_314 : vector<16xf32>
      %rev3A_316 = arith.constant 15 : i32
      %rev3A_317 = vector.broadcast %rev3A_316 : i32 to vector<16xi32>
      %rev3A_318 = tpu.iota {dimensions = array<i32: 0>} : vector<16xi32>
      %rev3A_319 = arith.subi %rev3A_317, %rev3A_318 : vector<16xi32>
      %rev3A_320 = tpu.dynamic_gather %masked_sort3A_304[%rev3A_319] in [0] : vector<16xf32>, vector<16xi32> -> vector<16xf32>
      %max3A_321 = arith.maximumf %masked_sort3A_226, %rev3A_320 : vector<16xf32>
      %rev3A_322 = arith.constant 15 : i32
      %rev3A_323 = vector.broadcast %rev3A_322 : i32 to vector<16xi32>
      %rev3A_324 = tpu.iota {dimensions = array<i32: 0>} : vector<16xi32>
      %rev3A_325 = arith.subi %rev3A_323, %rev3A_324 : vector<16xi32>
      %rev3A_326 = tpu.dynamic_gather %masked_sort3A_300[%rev3A_325] in [0] : vector<16xf32>, vector<16xi32> -> vector<16xf32>
      %max3A_327 = arith.maximumf %masked_sort3A_230, %rev3A_326 : vector<16xf32>
      %rev3A_328 = arith.constant 15 : i32
      %rev3A_329 = vector.broadcast %rev3A_328 : i32 to vector<16xi32>
      %rev3A_330 = tpu.iota {dimensions = array<i32: 0>} : vector<16xi32>
      %rev3A_331 = arith.subi %rev3A_329, %rev3A_330 : vector<16xi32>
      %rev3A_332 = tpu.dynamic_gather %masked_sort3A_296[%rev3A_331] in [0] : vector<16xf32>, vector<16xi32> -> vector<16xf32>
      %max3A_333 = arith.maximumf %masked_sort3A_234, %rev3A_332 : vector<16xf32>
      %max3A_334 = arith.maximumf %max3A_315, %max3A_327 : vector<16xf32>
      %min3A_335 = arith.minimumf %max3A_315, %max3A_327 : vector<16xf32>
      %max3A_336 = arith.maximumf %max3A_321, %max3A_333 : vector<16xf32>
      %min3A_337 = arith.minimumf %max3A_321, %max3A_333 : vector<16xf32>
      %max3A_338 = arith.maximumf %max3A_334, %max3A_336 : vector<16xf32>
      %min3A_339 = arith.minimumf %max3A_334, %max3A_336 : vector<16xf32>
      %max3A_340 = arith.maximumf %min3A_335, %min3A_337 : vector<16xf32>
      %min3A_341 = arith.minimumf %min3A_335, %min3A_337 : vector<16xf32>
      %masked_sort3A_342 = arith.constant dense<true> : vector<16xi1>
      %masked_sort3A_343, %masked_sort3A_344, %masked_sort3A_345 = tpu.sort %max3A_338, %max3A_338 masked %masked_sort3A_342 {descending = true} : (vector<16xf32>, vector<16xf32>, vector<16xi1>) -> (vector<16xi1>, vector<16xf32>, vector<16xf32>)
      %masked_sort3A_346 = arith.constant dense<true> : vector<16xi1>
      %masked_sort3A_347, %masked_sort3A_348, %masked_sort3A_349 = tpu.sort %min3A_339, %min3A_339 masked %masked_sort3A_346 {descending = true} : (vector<16xf32>, vector<16xf32>, vector<16xi1>) -> (vector<16xi1>, vector<16xf32>, vector<16xf32>)
      %masked_sort3A_350 = arith.constant dense<true> : vector<16xi1>
      %masked_sort3A_351, %masked_sort3A_352, %masked_sort3A_353 = tpu.sort %max3A_340, %max3A_340 masked %masked_sort3A_350 {descending = true} : (vector<16xf32>, vector<16xf32>, vector<16xi1>) -> (vector<16xi1>, vector<16xf32>, vector<16xf32>)
      %masked_sort3A_354 = arith.constant dense<true> : vector<16xi1>
      %masked_sort3A_355, %masked_sort3A_356, %masked_sort3A_357 = tpu.sort %min3A_341, %min3A_341 masked %masked_sort3A_354 {descending = true} : (vector<16xf32>, vector<16xf32>, vector<16xi1>) -> (vector<16xi1>, vector<16xf32>, vector<16xf32>)
      %swap3A = arith.index_cast %scan3A_109 : i32 to index
      %swap3A_358 = arith.constant 0 : index
      %swap3A_359 = tpu.vector_load %arg7[%swap3A, %swap3A_358] {strides = array<i32>} : memref<64x64xf32, #tpu.memory_space<vmem>>, vector<16xf32>,
      tpu.vector_store %arg7[%swap3A, %swap3A_358], %masked_sort3A_344 {strides = array<i32>} : memref<64x64xf32, #tpu.memory_space<vmem>>, vector<16xf32>,
      %swap3A_360 = arith.index_cast %scan3A_109 : i32 to index
      %swap3A_361 = arith.constant 16 : index
      %swap3A_362 = tpu.vector_load %arg7[%swap3A_360, %swap3A_361] {strides = array<i32>} : memref<64x64xf32, #tpu.memory_space<vmem>>, vector<16xf32>,
      tpu.vector_store %arg7[%swap3A_360, %swap3A_361], %masked_sort3A_348 {strides = array<i32>} : memref<64x64xf32, #tpu.memory_space<vmem>>, vector<16xf32>,
      %swap3A_363 = arith.index_cast %scan3A_109 : i32 to index
      %swap3A_364 = arith.constant 32 : index
      %swap3A_365 = tpu.vector_load %arg7[%swap3A_363, %swap3A_364] {strides = array<i32>} : memref<64x64xf32, #tpu.memory_space<vmem>>, vector<16xf32>,
      tpu.vector_store %arg7[%swap3A_363, %swap3A_364], %masked_sort3A_352 {strides = array<i32>} : memref<64x64xf32, #tpu.memory_space<vmem>>, vector<16xf32>,
      %swap3A_366 = arith.index_cast %scan3A_109 : i32 to index
      %swap3A_367 = arith.constant 48 : index
      %swap3A_368 = tpu.vector_load %arg7[%swap3A_366, %swap3A_367] {strides = array<i32>} : memref<64x64xf32, #tpu.memory_space<vmem>>, vector<16xf32>,
      tpu.vector_store %arg7[%swap3A_366, %swap3A_367], %masked_sort3A_356 {strides = array<i32>} : memref<64x64xf32, #tpu.memory_space<vmem>>, vector<16xf32>,
      %scan3A_369 = arith.constant 0 : i32
      scf.yield %scan3A_369 : i32
    }
    %scan3A_108 = arith.constant 64 : i32
    "tpu.region"() ({
      %run_scoped3A = tpu.sem_alloc : memref<!tpu.dma_semaphore, #tpu.memory_space<semaphore_mem>>
      %dma_start3A = arith.constant 0 : i32
      %dma_start3A_109 = tpu.memref_slice %arg3[%arg1, %mul3A_0, %dma_start3A] : memref<16x128x64xf32, #tpu.memory_space<hbm>> -> memref<1x64x64xf32, #tpu.memory_space<hbm>>
      %dma_start3A_110 = tpu.memref_squeeze %dma_start3A_109 : memref<1x64x64xf32, #tpu.memory_space<hbm>> -> memref<64x64xf32, #tpu.memory_space<hbm>>
      %dma_start3A_111 = arith.constant 0 : i32
      %dma_start3A_112 = tpu.memref_slice %arg3[%arg1, %mul3A_0, %dma_start3A_111] : memref<16x128x64xf32, #tpu.memory_space<hbm>> -> memref<1x64x64xf32, #tpu.memory_space<hbm>>
      %dma_start3A_113 = tpu.memref_squeeze %dma_start3A_112 : memref<1x64x64xf32, #tpu.memory_space<hbm>> -> memref<64x64xf32, #tpu.memory_space<hbm>>
      tpu.enqueue_dma source(%arg7 : memref<64x64xf32, #tpu.memory_space<vmem>>) target(%dma_start3A_113 : memref<64x64xf32, #tpu.memory_space<hbm>>) target_semaphore(%run_scoped3A : memref<!tpu.dma_semaphore, #tpu.memory_space<semaphore_mem>>)
      %dma_wait3A = arith.constant 0 : i32
      %dma_wait3A_114 = tpu.memref_slice %arg3[%arg1, %mul3A_0, %dma_wait3A] : memref<16x128x64xf32, #tpu.memory_space<hbm>> -> memref<1x64x64xf32, #tpu.memory_space<hbm>>
      %dma_wait3A_115 = tpu.memref_squeeze %dma_wait3A_114 : memref<1x64x64xf32, #tpu.memory_space<hbm>> -> memref<64x64xf32, #tpu.memory_space<hbm>>
      %dma_wait3A_116 = arith.constant 0 : i32
      %dma_wait3A_117 = tpu.memref_slice %arg3[%arg1, %mul3A_0, %dma_wait3A_116] : memref<16x128x64xf32, #tpu.memory_space<hbm>> -> memref<1x64x64xf32, #tpu.memory_space<hbm>>
      %dma_wait3A_118 = tpu.memref_squeeze %dma_wait3A_117 : memref<1x64x64xf32, #tpu.memory_space<hbm>> -> memref<64x64xf32, #tpu.memory_space<hbm>>
      tpu.wait_dma2 semaphore(%run_scoped3A : memref<!tpu.dma_semaphore, #tpu.memory_space<semaphore_mem>>) src(%arg7 : memref<64x64xf32, #tpu.memory_space<vmem>>) dst(%dma_wait3A_118 : memref<64x64xf32, #tpu.memory_space<hbm>>)
      tpu.yield
    }) : () -> ()
    return
  }
}

</mosaic_0001>

<sc_bundles>
// kernel: _topk_sc.4.cloned.1.call-start
scs
__scs_entry_jumppad:
0x0: {  	(pc) =	sbr.rel $0x88, $3  }
0x1: {  	(tag) =	ssettag $0x0;
	lr =	simm.s32 $0x1  }
0x2: {  	[smem:$0x3FA0] =	sst lr;
	_ =	strace $0xD0000000  }
0x3: {  	_ = 	snop  }
0x4: {  	_ = 	snop  }
0x5: {  	_ = 	snop  }
0x6: {  	_ = 	snop  }
0x7: {  	_ = 	snop  }
__scs_overlays_trampoline_lowered:
0x8: {  	[smem:$0x3FAF] =	sst s0  }
0x9: {  	[smem:$0x3FB0] =	sst s1  }
0xa: {  	[smem:$0x3FB1] =	sst s2  }
0xb: {  	[smem:$0x3FB2] =	sst s3  }
0xc: {  	[smem:$0x3FB3] =	sst s4  }
0xd: {  	[smem:$0x3FB4] =	sst s5  }
0xe: {  	[smem:$0x3FB5] =	sst s6  }
0xf: {  	[smem:$0x3FB6] =	sst s7  }
0x10: {  	[smem:$0x3FB7] =	sst s8  }
0x11: {  	[smem:$0x3FB8] =	sst s9;
	s0 =	simm.s32 @!p0 $0x0  }
0x12: {  	s1 =	sld [smem:$0x3F9E];
	s0 =	simm.s32 @p0 $0x1  }
0x13: {  	[smem:$0x3FB9] =	sst s0;
	s0 =	simm.s32 @!p1 $0x0  }
0x14: {  	s2 =	sld [smem:$0x3F9D];
	s0 =	simm.s32 @p1 $0x1  }
0x15: {  	[smem:$0x3FBA] =	sst s0;
	s0 =	simm.s32 @!p2 $0x0  }
0x16: {  	s3 =	sld [smem:$0x3FDB];
	s0 =	simm.s32 @p2 $0x1  }
0x17: {  	s4 =	simm.s32 $0x1BF5;
	[smem:$0x3FBC] =	sst s0  }
0x18: {  	s0 =	sld [smem:$0x3F9F];
	_ =	swait.ge [sflag:s4], $0x0  }
0x19: {  	s7 =	sld [smem:$0x3FA0]  }
0x1a: {  	s8 =	sadd.s32 $0xFFFFE003, lr  }
0x1b: {  	s9 =	sadd.s32 $0xFFFFFEF7, lr;
	s5 =	simm.s32 $0xFFFFFFFF;
	p2 =	slt.u32 s8, $0xFFFFF086  }
0x1c: {  	p1 =	slt.u32 s9, $0xF7A;
	s5 =	simm.s32 @!p2 $0x0  }
0x1d: {  	s5 =	simm.s32 @p1 $0x1;
	p0 =	seq.s32 s7, s2  }
0x1e: {  	s7 =	smul.u32 @!p0 $0xF7A, s2;
	p2 =	seq.s32 @!p0 s5, $0x0  }
0x1f: {  	s9 =	smul.u32 $0xF7A, s1;
	s8 =	simm.s32 @!p0 $0x1BF5;
	p2 =	por !p2, p0  }
0x20: {  	[sflag:s8] =	ssyncset.s32 @!p0 $0xFFFFF086;
	s6 =	sadd.s32 @!p0 s3, s7;
	s7 =	simm.s32 @!p0 $0x108  }
0x21: {  	s3 =	sadd.s32 s3, s9;
	s6 =	sadd.s32 @!p0 $0x88, s6;
	s7 =	simm.s32 @p2 $0x1082  }
0x22: {  	[simem:s7], [sflag:s8] =	dma.local @!p0 [hbm:s6], $0xF7A  }
0x23: {  	s9 =	sor.u32 $0xD0000000, s2;
	s6 =	simm.s32 $0x108;
	_ =	swait.ge @!p0 [sflag:s8], $0x0  }
0x24: {  	s3 =	sadd.s32 $0x88, s3;
	s6 =	simm.s32 @!p1 $0x1082;
	[sflag:s4] =	ssyncset.s32 $0xFFFFF086  }
0x25: {  	[simem:s6], [sflag:s4] =	dma.local [hbm:s3], $0xF7A  }
0x26: {  	[smem:$0x3FA0] =	sst s1;
	(tag) =	ssettag s2;
	_ =	strace s9  }
0x27: {  	s1 =	sld [smem:$0x3FB0]  }
0x28: {  	s2 =	sld [smem:$0x3FB1]  }
0x29: {  	s4 =	sld [smem:$0x3FB3]  }
0x2a: {  	p0 =	seq.s32 s5, $0x0;
	s5 =	sld [smem:$0x3FB4]  }
0x2b: {  	s6 =	sld [smem:$0x3FB5]  }
0x2c: {  	s7 =	sld [smem:$0x3FB6]  }
0x2d: {  	s3 =	simm.s32 $0x108;
	s8 =	sld [smem:$0x3FB7]  }
0x2e: {  	s3 =	simm.s32 @!p0 $0x1082;
	s9 =	sld [smem:$0x3FB8]  }
0x2f: {  	lr =	sadd.s32 s0, s3;
	s0 =	sld [smem:$0x3FAF]  }
0x30: {  	s3 =	sld [smem:$0x3FB2]  }
0x31: {  	[smem:$0x3FBB] =	sst s10  }
0x32: {  	s10 =	sld [smem:$0x3FB9];
	_ =	sdelay $0x3  }
0x33: {  	p0 =	seq.s32 s10, $0x1;
	s10 =	sld [smem:$0x3FBB];
	_ =	sdelay $0x3  }
0x34: {  	[smem:$0x3FBB] =	sst s10  }
0x35: {  	s10 =	sld [smem:$0x3FBA];
	_ =	sdelay $0x3  }
0x36: {  	p1 =	seq.s32 s10, $0x1;
	s10 =	sld [smem:$0x3FBB];
	_ =	sdelay $0x3  }
0x37: {  	[smem:$0x3FBB] =	sst s10  }
0x38: {  	s10 =	sld [smem:$0x3FBC]  }
0x39: {  	_ = 	snop;
	(pc) =	sbr.ind lr, $3  }
0x3a: {  	_ = 	snop  }
0x3b: {  	_ = 	snop  }
0x3c: {  	p2 =	seq.s32 s10, $0x1;
	s10 =	sld [smem:$0x3FBB]  }
0x3d: {  	_ =	shalt  }
0x3e: {  	_ =	shalt  }
0x3f: {  	_ =	shalt  }
0x40: {  	_ =	shalt  }
0x41: {  	_ =	shalt  }
0x42: {  	_ =	shalt  }
0x43: {  	_ =	shalt  }
0x44: {  	_ =	shalt  }
0x45: {  	_ =	shalt  }
0x46: {  	_ =	shalt  }
0x47: {  	_ =	shalt  }
0x48: {  	_ =	shalt  }
0x49: {  	_ =	shalt  }
0x4a: {  	_ =	shalt  }
0x4b: {  	_ =	shalt  }
0x4c: {  	_ =	shalt  }
0x4d: {  	_ =	shalt  }
0x4e: {  	_ =	shalt  }
0x4f: {  	_ =	shalt  }
0x50: {  	_ =	shalt  }
0x51: {  	_ =	shalt  }
0x52: {  	_ =	shalt  }
0x53: {  	_ =	shalt  }
0x54: {  	_ =	shalt  }
0x55: {  	_ =	shalt  }
0x56: {  	_ =	shalt  }
0x57: {  	_ =	shalt  }
0x58: {  	_ =	shalt  }
0x59: {  	_ =	shalt  }
0x5a: {  	_ =	shalt  }
0x5b: {  	_ =	shalt  }
0x5c: {  	_ =	shalt  }
0x5d: {  	_ =	shalt  }
0x5e: {  	_ =	shalt  }
0x5f: {  	_ =	shalt  }
0x60: {  	_ =	shalt  }
0x61: {  	_ =	shalt  }
0x62: {  	_ =	shalt  }
0x63: {  	_ =	shalt  }
0x64: {  	_ =	shalt  }
0x65: {  	_ =	shalt  }
0x66: {  	_ =	shalt  }
0x67: {  	_ =	shalt  }
0x68: {  	_ =	shalt  }
0x69: {  	_ =	shalt  }
0x6a: {  	_ =	shalt  }
0x6b: {  	_ =	shalt  }
0x6c: {  	_ =	shalt  }
0x6d: {  	_ =	shalt  }
0x6e: {  	_ =	shalt  }
0x6f: {  	_ =	shalt  }
0x70: {  	_ =	shalt  }
0x71: {  	_ =	shalt  }
0x72: {  	_ =	shalt  }
0x73: {  	_ =	shalt  }
0x74: {  	_ =	shalt  }
0x75: {  	_ =	shalt  }
0x76: {  	_ =	shalt  }
0x77: {  	_ =	shalt  }
0x78: {  	_ =	shalt  }
0x79: {  	_ =	shalt  }
0x7a: {  	_ =	shalt  }
0x7b: {  	_ =	shalt  }
0x7c: {  	_ =	shalt  }
0x7d: {  	_ =	shalt  }
0x7e: {  	_ =	shalt  }
0x7f: {  	_ =	shalt  }
0x80: {  	_ =	shalt  }
0x81: {  	_ =	shalt  }
0x82: {  	_ =	shalt  }
0x83: {  	_ =	shalt  }
0x84: {  	_ =	shalt  }
0x85: {  	_ =	shalt  }
0x86: {  	_ =	shalt  }
0x87: {  	_ =	shalt  }
.Lfunc_end0:
.L_simem_size_0:
called_computation_lowered:
.L_overlay_start_0:
0x88: {  	s2 =	sld [smem:$0x3FD9]  }
0x89: {  	s3 =	sld [smem:$0x3FFE];
	_ =	sdelay $0x1  }
0x8a: {  	s1 =	srdreg.scid  }
0x8b: {  	s0 =	sand.u32 $0x1, s1  }
0x8c: {  	s17 =	sshll.u32 s0, $0xA;
	s2 =	sadd.s32 s3, s2  }
0x8d: {  	s2 =	sadd.s32 s2, s17  }
0x8e: {  	[smem:$0x3FC7] =	sst s2  }
0x8f: {  	_ = 	snop  }
0x90: {  	s2 =	sld [smem:$0x3FC9];
	(tm) =	ssettm $0x1  }
0x91: {  	s18 =	sld [smem:$0x3FFB];
	_ =	sdelay $0x3  }
0x92: {  	_ =	strace s18  }
0x93: {  	s3 =	sld [smem:$0x3FFC];
	_ =	sdelay $0x3  }
0x94: {  	_ =	strace s3  }
0x95: {  	s3 =	sld [smem:$0x3FFD];
	_ =	sdelay $0x3  }
0x96: {  	_ =	strace s3  }
0x97: {  	_ =	strace $0x8FFFFFFF  }
0x98: {  	s19 =	sld [smem:$0x3FDB];
	_ =	sdelay $0x1  }
0x99: {  	s4 =	simm.s32 $_scs_section_size  }
0x9a: {  	s5 =	simm.s32 $_size__tile_overlayer_lowered;
	s6 =	simm.s32 $_tile_overlayer_lowered  }
0x9b: {  	s22 =	simm.s32 $0x1BFF;
	s21 =	sshll.u32 s6, $0x1;
	s3 =	sadd.s32 s4, s19  }
0x9c: {  	s7 =	simm.s32 $0x0;
	s20 =	sshll.u32 s5, $0x1;
	s5 =	sadd.s32 s21, s3  }
0x9d: {  	[timem:s7], [sflag:s22] =	dma.local [hbm:s5], s20  }
0x9e: {  	_ =	swait.ge [sflag:s22], s20  }
0x9f: {  	s4 =	ssub.s32 $0x0, s20;
	[sflag:s22] =	ssyncset.done $0x0  }
0xa0: {  	[sflag:s22] =	ssyncadd.s32 s4;
	_ =	sdelay $0x1  }
0xa1: {  	s23 =	simm.s32 $0x1B8B  }
0xa2: {  	_ =	swait.ge [sflag:s23], $0x1  }
0xa3: {  	[sflag:s23] =	ssyncset.done $0x0  }
0xa4: {  	s25 =	simm.s32 $0x1B8E;
	s24 =	sld [smem:$0x3FFE];
	[sflag:s23] =	ssyncadd.s32 $0xFFFFFFFF  }
0xa5: {  	s26 =	simm.s32 $execute0_lowered;
	[smem:$0x3FD2] =	sst s25  }
0xa6: {  	s5 =	sshll.u32 s26, $0x1;
	_ =	strace $0x80000046;
	[dreg:$0x1] =	wrdreg $0xFFFFFFFF  }
0xa7: {  	s28 =	simm.s32 $_size_execute0_lowered;
	s3 =	sadd.s32 s3, s5;
	[dreg:$0x0] =	wrdreg $0x0  }
0xa8: {  	s5 =	sshll.u32 s28, $0x1;
	[dreg:$0x2] =	wrdreg s3  }
0xa9: {  	[dreg:$0x3] =	wrdreg s5  }
0xaa: {  	[dreg:$0x4] =	wrdreg $0xC0  }
0xab: {  	_ =	task [dreg:s7], $0x5FFFF  }
0xac: {  	[dreg:$0x1] =	wrdreg $0xFFFFFFFF  }
0xad: {  	[dreg:$0x0] =	wrdreg $0x60  }
0xae: {  	[dreg:$0x2] =	wrdreg s2  }
0xaf: {  	[dreg:$0x3] =	wrdreg s24  }
0xb0: {  	[dreg:$0x4] =	wrdreg $0x9  }
0xb1: {  	_ =	task.clear_ibuf [dreg:s7], $0x5FFFF;
	_ =	strace $0x90000046  }
0xb2: {  	s29 =	simm.s32 $0x9;
	_ =	strace $0x80000048  }
0xb3: {  	_ =	swait.ge [sflag:s29], $0x1  }
0xb4: {  	[sflag:s29] =	ssyncadd.s32 $0xFFFFFFFF  }
0xb5: {  	_ =	strace $0x90000048  }
0xb6: {  	_ =	sfence  }
0xb7: {  	s30 =	sld [smem:$0x0];
	_ =	sdelay $0x2  }
0xb8: {  	s31 =	sshll.u32 s1, $0xD;
	s1 =	sshrl.u32 s1, $0x2  }
0xb9: {  	s3 =	sand.u32 $0x4000, s31;
	s1 =	sadd.s32 s1, s30  }
0xba: {  	s0 =	sor.u32 s3, s0;
	s1 =	sshll.u32 s1, $0x11  }
0xbb: {  	s0 =	sor.u32 s1, s0  }
0xbc: {  	s0 =	sadd.s32 $0x8F2B, s0  }
0xbd: {  	[sflag:s0] =	ssyncadd.remote.s32 $0x1  }
0xbe: {  	_ =	sfence.sel $0xFFFF  }
0xbf: {  	[dreg:$0x0] =	wrdreg $0xFFFFFFFF;
	(pc) =	sbr.abs _section_cstart, $3  }
0xc0: {  	[dreg:$0x1] =	wrdreg $0xFFFFFFFF  }
0xc1: {  	_ =	task.clear_ibuf [dreg:s7], $0x2FFFF;
	_ =	strace $0x9FFFFFFF  }
0xc2: {  	(tm) =	ssettm $0x7FFFFFFF  }
0xc3: {  	_ =	shalt  }
tec
execute0_lowered:
.L_overlay_start_1:
0x0: {  	(tag) =	ssettag $0x1  }
0x1: {  	s3 =	rddreg [dreg:$0x0]  }
0x2: {  	s2 =	rddreg [dreg:$0x1];
	s1 =	simm.s32 $0x0;
	s4 =	srdreg.scid  }
0x3: {  	[smem:$0x7FF] =	sst s1;
	s6 =	sand.u32 $0x1, s4  }
0x4: {  	s0 =	rddreg [dreg:$0x2];
	_ =	strace $0x80000047;
	s4 =	sshll.u32 s6, $0xA  }
0x5: {  	s5 =	ssub.s32 $0x2, s6;
	s6 =	sshll.u32 s6, $0x6;
	s4 =	sadd.s32 s4, s2  }
0x6: {  	s2 =	stileid.u32;
	s7 =	sshrl.u32 s5, $0x1;
	s10 =	sor.u32 $0x20, s6  }
0x7: {  	v0 =	vlaneseq.u32;
	v1 =	vimm.s32 $0x0;
	s6 =	simm.s32 $0x1;
	s8 =	sshll.u32 s2, $0xF;
	s9 =	sshll.u32 s2, $0xB;
	v11 =	vmov s10  }
0x8: {  	v3 =	vimm.s32 $0x1;
	v7 =	vimm.f32 $-Inf;
	v2 =	vmul.u32 $0x80, v0;
	s5 =	ssub.s32 s5, s7;
	s7 =	simm.s32 $0x8000;
	s10 =	simm.s32 $0x0  }
0x9: {  	v4 =	vor.u32 $0x10, v0;
	v5 =	vor.u32 $0x20, v0;
	v6 =	vor.u32 $0x30, v0;
	s3 =	sadd.s32 s3, s8;
	s4 =	sadd.s32 s9, s4;
	s5 =	smax.u32 s5, $0x1  }
0xa: {  	v8 =	vor.u32 $0x800, v2;
	v9 =	vor.u32 $0x1000, v2;
	v10 =	vor.u32 $0x1800, v2;
	s8 =	simm.s32 $0x10000;
	s9 =	simm.s32 $0x12000;
	s4 =	sadd.s32 $0x800, s4  }
.LBB2_1:
0xb: {  	s11 =	simm.s32 $0x200;
	s12 =	simm.s32 $0x0  }
.LBB2_2:
0xc: {  	p0 =	sne.s32 s11, $0x1FE00;
	[tilespmem:s12+$0x8030] =	vst v1;
	s13 =	smov.u32 s11;
	s11 =	sadd.s32 $0x200, s11  }
.Ltmp0:
0xd: {  	[tilespmem:s12+$0x8020] =	vst v1;
	(pc) =	sbr.rel @p0 .LBB2_2-.Ltmp0, $3  }
0xe: {  	[tilespmem:s12+$0x8000] =	vst v1  }
0xf: {  	[tilespmem:s12+$0x8010] =	vst v1;
	_ =	sdelay $0x1  }
0x10: {  	s12 =	sshra.s32 s13, $0x2  }
0x11: {  	[tilespmem:s12+$0x8030] =	vst v1  }
0x12: {  	[tilespmem:s12+$0x8020] =	vst v1  }
0x13: {  	[tilespmem:s12+$0x8000] =	vst v1  }
0x14: {  	s11 =	simm.s32 $0x0;
	[tilespmem:s12+$0x8010] =	vst v1;
	s12 =	simm.s32 $0x0  }
.LBB2_4:
0x15: {  	s13 =	sshll.u32 s12, $0xC  }
0x16: {  	s13 =	sadd.s32 s13, s3  }
0x17: {  	[tilespmem:s11], [sflag:$0x1] =	stream.linear.gather [hbm4b:s13+s11], $0x8000, $0x38;
	[tilespmem:$0x14000] =	vst v63  }
0x18: {  	_ =	swait.ge [sflag:s6], $0x8000  }
0x19: {  	[sflag:s6] =	ssyncset.done $0x0  }
0x1a: {  	s13 =	simm.s32 $0x0;
	[sflag:s6] =	ssyncadd.s32 $0xFFFF8000  }
.LBB2_5:
0x1b: {  	s14 =	sshra.s32 s13, $0x2  }
0x1c: {  	v12 =	vld.idx.msk [tilespmem:v11+s14+$0xFFFFFFE0 ss:$0x1], $0xffff;
	_ =	sdelay $0x4  }
0x1d: {  	v13 =	vshra.s32 v12, $0x1F  }
0x1e: {  	v13 =	vor.u32 $0x80000000, v13  }
0x1f: {  	v12 =	vxor.u32 v12, v13  }
0x20: {  	v12 =	vshrl.u32 v12, $0x11  }
0x21: {  	v12 =	vand.u32 $0x7F80, v12  }
0x22: {  	v12 =	vor.u32 v0, v12;
	_ =	sdelay $0x4  }
0x23: {  	[tilespmem:v12+s7+$0x0] =	vst.idx.add.s32.msk $0xffff, v3  }
0x24: {  	v12 =	vld.idx.msk [tilespmem:v11+s14+$0xFFFFFFF0 ss:$0x1], $0xffff;
	_ =	sdelay $0x4  }
0x25: {  	v61 =	vshra.s32 v12, $0x1F  }
0x26: {  	v13 =	vor.u32 $0x80000000, v61  }
0x27: {  	v12 =	vxor.u32 v12, v13  }
0x28: {  	v12 =	vshrl.u32 v12, $0x11  }
0x29: {  	v12 =	vand.u32 $0x7F80, v12  }
0x2a: {  	v12 =	vor.u32 v4, v12;
	_ =	sdelay $0x4  }
0x2b: {  	[tilespmem:v12+s7+$0x0] =	vst.idx.add.s32.msk $0xffff, v3  }
0x2c: {  	v12 =	vld.idx.msk [tilespmem:v11+s14+$0x0 ss:$0x1], $0xffff;
	_ =	sdelay $0x4  }
0x2d: {  	v62 =	vshra.s32 v12, $0x1F  }
0x2e: {  	v13 =	vor.u32 $0x80000000, v62  }
0x2f: {  	v12 =	vxor.u32 v12, v13  }
0x30: {  	v12 =	vshrl.u32 v12, $0x11  }
0x31: {  	v12 =	vand.u32 $0x7F80, v12  }
0x32: {  	v12 =	vor.u32 v5, v12;
	_ =	sdelay $0x4  }
0x33: {  	[tilespmem:v12+s7+$0x0] =	vst.idx.add.s32.msk $0xffff, v3  }
0x34: {  	v12 =	vld.idx.msk [tilespmem:v11+s14+$0x10 ss:$0x1], $0xffff;
	_ =	sdelay $0x4  }
0x35: {  	v63 =	vshra.s32 v12, $0x1F  }
0x36: {  	v13 =	vor.u32 $0x80000000, v63  }
0x37: {  	v12 =	vxor.u32 v12, v13  }
0x38: {  	v12 =	vshrl.u32 v12, $0x11  }
0x39: {  	v12 =	vand.u32 $0x7F80, v12  }
0x3a: {  	p0 =	sne.s32 s13, $0x1FE00;
	v12 =	vor.u32 v6, v12  }
.Ltmp1:
0x3b: {  	_ = 	snop;
	(pc) =	sbr.rel @p0 .LBB2_5-.Ltmp1, $2  }
0x3c: {  	_ =	sdelay $0x2  }
0x3d: {  	s13 =	sadd.s32 $0x200, s13;
	[tilespmem:v12+s7+$0x0] =	vst.idx.add.s32.msk $0xffff, v3  }
0x3e: {  	s12 =	sadd.s32 $0x1, s12  }
0x3f: {  	p0 =	sne.s32 s12, $0x8  }
.Ltmp2:
0x40: {  	_ = 	snop;
	(pc) =	sbr.rel @p0 .LBB2_4-.Ltmp2, $1  }
0x41: {  	_ =	sdelay $0x3  }
0x42: {  	s11 =	simm.s32 $0xFF80  }
0x43: {  	v12 =	vld [tilespmem:s11+$0x30]  }
0x44: {  	v13 =	vld [tilespmem:s11+$0x10]  }
0x45: {  	v17 =	vimm.s32 $0x0;
	v21 =	vimm.s32 $0x0;
	v15 =	vld [tilespmem:s11+$0x20]  }
0x46: {  	v20 =	vimm.s32 $0x0;
	v19 =	vimm.s32 $0x0;
	v24 =	vimm.s32 $0x0;
	v18 =	vld [tilespmem:s11+$0x0]  }
0x47: {  	v22 =	vimm.s32 $0x0;
	v23 =	vimm.s32 $0x0;
	v27 =	vimm.s32 $0x0  }
0x48: {  	v25 =	vimm.s32 $0x0;
	v26 =	vimm.s32 $0x0;
	vm0 =	vlt.s32 v17, $0x40  }
0x49: {  	vm1 =	vlt.s32 v17, $0x40;
	vm2 =	vlt.s32 v17, $0x40;
	v16 =	vadd.s32 v17, v12  }
0x4a: {  	vm3 =	vlt.s32 v17, $0x40;
	v14 =	vadd.s32 v17, v13;
	vm5 =	vgt.s32 v16, $0x3F  }
0x4b: {  	s13 =	simm.s32 $0xFF00;
	v15 =	vadd.s32 v17, v15;
	v13 =	vadd.s32 v17, v18;
	vm3 =	vmand vm3, vm5  }
0x4c: {  	s12 =	simm.s32 $0xFF;
	s14 =	simm.s32 $0xFD;
	s11 =	simm.s32 $0xFE;
	v28 =	vld [tilespmem:s13+$0x30];
	vm4 =	vgt.s32 v14, $0x3F;
	v18 =	vmovc v16;
	vm5 =	vgt.s32 v15, $0x3F;
	v12 =	vsel vm3, v17, v17  }
.LBB2_8:
0x4d: {  	vm6 =	vgt.s32 v13, $0x3F;
	vm7 =	vmmov vm0;
	vm0 =	vlt.s32 v13, $0x40  }
0x4e: {  	p0 =	sne.s32 s14, $0x0;
	v29 =	vld [tilespmem:s13+$0x10];
	vm8 =	vmmov vm1;
	vm1 =	vlt.s32 v14, $0x40;
	vm9 =	vmmov vm2  }
0x4f: {  	vm2 =	vlt.s32 v15, $0x40;
	v30 =	vld [tilespmem:s13+$0x20];
	vm6 =	vmand vm7, vm6;
	vm4 =	vmand vm8, vm4  }
0x50: {  	vm5 =	vmand vm9, vm5;
	v31 =	vld [tilespmem:s13+$0x0];
	v17 =	vsel vm6, s12, v17;
	v20 =	vsel vm6, v21, v20;
	v21 =	vmovc v13  }
.Ltmp3:
0x51: {  	v19 =	vsel vm4, s12, v19;
	v22 =	vsel vm4, v24, v22;
	v23 =	vsel vm5, s12, v23;
	v24 =	vmovc v14;
	(pc) =	sbr.rel @p0 .LBB2_8-.Ltmp3, $4  }
0x52: {  	v26 =	vsel vm3, s12, v26;
	v25 =	vsel vm5, v27, v25;
	v27 =	vmovc v15;
	s12 =	smov.u32 s11;
	s11 =	smov.u32 s14;
	v16 =	vadd.s32 v16, v28  }
0x53: {  	vm3 =	vlt.s32 v18, $0x40;
	v14 =	vadd.s32 v14, v29;
	vm5 =	vgt.s32 v16, $0x3F  }
0x54: {  	s13 =	sadd.s32 $0xFFFFFF80, s13;
	vm4 =	vgt.s32 v14, $0x3F;
	v15 =	vadd.s32 v15, v30;
	vm3 =	vmand vm3, vm5  }
0x55: {  	s14 =	sadd.s32 $0xFFFFFFFF, s14;
	v28 =	vld [tilespmem:s13+$0x30];
	v13 =	vadd.s32 v13, v31;
	vm5 =	vgt.s32 v15, $0x3F;
	v12 =	vsel vm3, v18, v12;
	v18 =	vmovc v16  }
0x56: {  	vm6 =	vlt.s32 v13, $0x40;
	vm7 =	vlt.s32 v14, $0x40  }
0x57: {  	v29 =	vld [tilespmem:s13+$0x10];
	vm8 =	vgt.s32 v13, $0x3F;
	vm0 =	vmmov vm0;
	vm1 =	vmmov vm1  }
0x58: {  	vm2 =	vmmov vm2;
	v30 =	vld [tilespmem:s13+$0x20];
	vm9 =	vlt.s32 v15, $0x40;
	v61 =	vsel vm3, s12, v26  }
0x59: {  	v31 =	vld [tilespmem:s13+$0x0];
	vm0 =	vmand vm0, vm8;
	vm1 =	vmand vm1, vm4;
	vm4 =	vmand vm2, vm5  }
0x5a: {  	vm5 =	vlt.s32 v18, $0x40;
	vm13 =	vmmov vm6;
	vm14 =	vmmov vm7  }
0x5b: {  	vm15 =	vmmov vm9;
	v17 =	vsel vm0, s12, v17;
	v20 =	vsel vm0, v21, v20  }
0x5c: {  	v19 =	vsel vm1, s12, v19;
	v58 =	vsel vm1, v24, v22;
	v59 =	vsel vm4, s12, v23  }
0x5d: {  	v60 =	vsel vm4, v27, v25;
	v16 =	vadd.s32 v16, v28;
	v62 =	vadd.s32 v14, v29  }
0x5e: {  	p0 =	por $0x1, $0x1;
	vm8 =	vgt.s32 v16, $0x3F;
	v16 =	vadd.s32 v15, v30;
	v63 =	vadd.s32 v13, v31  }
.Ltmp4:
0x5f: {  	vm10 =	vgt.s32 v62, $0x3F;
	vm0 =	vmand vm5, vm8;
	vm12 =	vgt.s32 v63, $0x3F;
	(pc) =	sbr.rel @!p0 .LBB2_11-.Ltmp4, $4  }
0x60: {  	vm11 =	vgt.s32 v16, $0x3F;
	v16 =	vsel vm0, v18, v12;
	vm3 =	vmand vm13, vm12  }
0x61: {  	vm2 =	vmand vm14, vm10;
	vm1 =	vmand vm15, vm11;
	v12 =	vsel vm3, s11, v17  }
0x62: {  	v18 =	vsel vm3, v13, v20;
	v13 =	vsel vm2, s11, v19;
	v17 =	vsel vm2, v14, v58  }
0x63: {  	s13 =	simm.s32 $0x200;
	s12 =	simm.s32 $0x0;
	v14 =	vsel vm1, s11, v59;
	v19 =	vsel vm1, v15, v60;
	v15 =	vsel vm0, s11, v61;
	s11 =	simm.s32 $0x0  }
.LBB2_10:
0x64: {  	p0 =	sne.s32 s13, $0x1FE00;
	[tilespmem:s11+$0x8030] =	vst v1;
	s14 =	smov.u32 s13;
	s13 =	sadd.s32 $0x200, s13  }
.Ltmp5:
0x65: {  	[tilespmem:s11+$0x8020] =	vst v1;
	(pc) =	sbr.rel @p0 .LBB2_10-.Ltmp5, $3  }
0x66: {  	[tilespmem:s11+$0x8000] =	vst v1  }
0x67: {  	[tilespmem:s11+$0x8010] =	vst v1;
	_ =	sdelay $0x1  }
0x68: {  	s11 =	sshra.s32 s14, $0x2  }
.LBB2_11:
0x69: {  	[tilespmem:s11+$0x8030] =	vst v1  }
0x6a: {  	[tilespmem:s11+$0x8020] =	vst v1  }
0x6b: {  	[tilespmem:s11+$0x8000] =	vst v1  }
0x6c: {  	[tilespmem:s11+$0x8010] =	vst v1  }
.LBB2_12:
0x6d: {  	s11 =	sshll.u32 s12, $0xC  }
0x6e: {  	s13 =	sadd.s32 s11, s3;
	s11 =	simm.s32 $0x0  }
0x6f: {  	[tilespmem:s11], [sflag:$0x1] =	stream.linear.gather [hbm4b:s13+s11], $0x8000, $0x38;
	[tilespmem:$0x14000] =	vst v63  }
0x70: {  	_ =	swait.ge [sflag:s6], $0x8000  }
0x71: {  	[sflag:s6] =	ssyncset.done $0x0  }
0x72: {  	[sflag:s6] =	ssyncadd.s32 $0xFFFF8000  }
.LBB2_13:
0x73: {  	s13 =	sshra.s32 s11, $0x2  }
0x74: {  	v20 =	vld.idx.msk [tilespmem:v11+s13+$0xFFFFFFE0 ss:$0x1], $0xffff;
	_ =	sdelay $0x4  }
0x75: {  	v21 =	vshra.s32 v20, $0x1F  }
0x76: {  	v21 =	vor.u32 $0x80000000, v21  }
0x77: {  	v20 =	vxor.u32 v20, v21  }
0x78: {  	v21 =	vshrl.u32 v20, $0x18;
	v20 =	vshrl.u32 v20, $0x9  }
0x79: {  	vm0 =	veq.s32 v21, v12;
	v20 =	vand.u32 $0x7F80, v20  }
0x7a: {  	v20 =	vor.u32 v0, v20;
	_ =	sdelay $0x4  }
0x7b: {  	[tilespmem:v20+s7+$0x0] =	vst.idx.add.s32.msk vm0, v3  }
0x7c: {  	v20 =	vld.idx.msk [tilespmem:v11+s13+$0xFFFFFFF0 ss:$0x1], $0xffff;
	_ =	sdelay $0x4  }
0x7d: {  	v61 =	vshra.s32 v20, $0x1F  }
0x7e: {  	v21 =	vor.u32 $0x80000000, v61  }
0x7f: {  	v20 =	vxor.u32 v20, v21  }
0x80: {  	v21 =	vshrl.u32 v20, $0x18;
	v20 =	vshrl.u32 v20, $0x9  }
0x81: {  	vm13 =	veq.s32 v21, v13;
	v20 =	vand.u32 $0x7F80, v20  }
0x82: {  	v20 =	vor.u32 v4, v20;
	_ =	sdelay $0x4  }
0x83: {  	[tilespmem:v20+s7+$0x0] =	vst.idx.add.s32.msk vm13, v3  }
0x84: {  	v20 =	vld.idx.msk [tilespmem:v11+s13+$0x0 ss:$0x1], $0xffff;
	_ =	sdelay $0x4  }
0x85: {  	v62 =	vshra.s32 v20, $0x1F  }
0x86: {  	v21 =	vor.u32 $0x80000000, v62  }
0x87: {  	v20 =	vxor.u32 v20, v21  }
0x88: {  	v21 =	vshrl.u32 v20, $0x18;
	v20 =	vshrl.u32 v20, $0x9  }
0x89: {  	vm14 =	veq.s32 v21, v14;
	v20 =	vand.u32 $0x7F80, v20  }
0x8a: {  	v20 =	vor.u32 v5, v20;
	_ =	sdelay $0x4  }
0x8b: {  	[tilespmem:v20+s7+$0x0] =	vst.idx.add.s32.msk vm14, v3  }
0x8c: {  	v20 =	vld.idx.msk [tilespmem:v11+s13+$0x10 ss:$0x1], $0xffff;
	_ =	sdelay $0x4  }
0x8d: {  	v63 =	vshra.s32 v20, $0x1F  }
0x8e: {  	v21 =	vor.u32 $0x80000000, v63  }
0x8f: {  	v20 =	vxor.u32 v20, v21  }
0x90: {  	v21 =	vshrl.u32 v20, $0x18;
	v20 =	vshrl.u32 v20, $0x9  }
0x91: {  	vm15 =	veq.s32 v21, v15;
	v20 =	vand.u32 $0x7F80, v20  }
0x92: {  	p0 =	sne.s32 s11, $0x1FE00;
	v20 =	vor.u32 v6, v20  }
.Ltmp6:
0x93: {  	_ = 	snop;
	(pc) =	sbr.rel @p0 .LBB2_13-.Ltmp6, $2  }
0x94: {  	_ =	sdelay $0x2  }
0x95: {  	s11 =	sadd.s32 $0x200, s11;
	[tilespmem:v20+s7+$0x0] =	vst.idx.add.s32.msk vm15, v3  }
0x96: {  	s12 =	sadd.s32 $0x1, s12  }
0x97: {  	p0 =	sne.s32 s12, $0x8  }
.Ltmp7:
0x98: {  	_ = 	snop;
	(pc) =	sbr.rel @p0 .LBB2_12-.Ltmp7, $1  }
0x99: {  	_ =	sdelay $0x3  }
0x9a: {  	s13 =	simm.s32 $0xFF80  }
0x9b: {  	v20 =	vld [tilespmem:s13+$0x10]  }
0x9c: {  	p1 =	por $0x0, $0x0  }
.Ltmp8:
0x9d: {  	_ = 	snop;
	(pc) =	sbr.rel @p1 .LBB2_16-.Ltmp8, $4  }
0x9e: {  	_ = 	snop  }
0x9f: {  	v22 =	vld [tilespmem:s13+$0x20]  }
0xa0: {  	s11 =	simm.s32 $0xFF;
	v34 =	vld [tilespmem:s13+$0x30];
	v24 =	vadd.s32 v17, v20  }
0xa1: {  	s12 =	simm.s32 $0xFE;
	s14 =	simm.s32 $0xFF00;
	p0 =	por $0x0, $0x0;
	v25 =	vld [tilespmem:s13+$0x0];
	v20 =	vimm.s32 $0x0;
	vm3 =	vgt.s32 v24, $0x3F  }
0xa2: {  	_ =	sdelay $0x2  }
0xa3: {  	v28 =	vld [tilespmem:s14+$0x10];
	vm0 =	vlt.s32 v19, $0x40;
	vm2 =	vlt.s32 v18, $0x40  }
0xa4: {  	p1 =	por $0x0, $0x0;
	v29 =	vimm.s32 $0x0;
	v27 =	vadd.s32 v19, v22;
	v26 =	vadd.s32 v18, v25  }
.Ltmp9:
0xa5: {  	v22 =	vld [tilespmem:s14+$0x20];
	vm1 =	vgt.s32 v27, $0x3F;
	v30 =	vadd.s32 v16, v34;
	vm4 =	vgt.s32 v26, $0x3F;
	(pc) =	sbr.rel @p1 .LBB2_18-.Ltmp9, $4  }
0xa6: {  	v34 =	vld [tilespmem:s14+$0x30];
	vm0 =	vmand vm0, vm1;
	vm15 =	vgt.s32 v30, $0x3F;
	vm1 =	vmand vm2, vm4  }
0xa7: {  	v25 =	vld [tilespmem:s14+$0x0];
	v23 =	vsel vm0, s11, v20;
	vm2 =	vlt.s32 v16, $0x40;
	v21 =	vsel vm1, s11, v20  }
0xa8: {  	v31 =	vmovc v27;
	vm1 =	vlt.s32 v17, $0x40;
	v17 =	vadd.s32 v24, v28;
	vm2 =	vmand vm2, vm15  }
0xa9: {  	s13 =	simm.s32 $0xFD;
	p0 =	por $0x1, $0x1;
	s14 =	simm.s32 $0xFE80;
	v32 =	vmovc v30;
	v33 =	vmovc v26;
	v28 =	vimm.s32 $0x0;
	vm0 =	vgt.s32 v17, $0x3F;
	vm1 =	vmand vm1, vm3  }
.LBB2_19:
0xaa: {  	p1 =	seq.s32 s13, $0x0  }
0xab: {  	v16 =	vld [tilespmem:s14+$0x10];
	v27 =	vadd.s32 v27, v22;
	v28 =	vsel vm1, s11, v28;
	v29 =	vsel vm2, s11, v29;
	v18 =	vmovc v34;
	s11 =	smov.u32 s12;
	s12 =	smov.u32 s13;
	s13 =	sadd.s32 $0xFFFFFFFF, s13  }
0xac: {  	vm1 =	vlt.s32 v31, $0x40;
	v22 =	vld [tilespmem:s14+$0x20];
	v26 =	vadd.s32 v26, v25;
	vm2 =	vgt.s32 v27, $0x3F;
	v31 =	vmovc v27  }
.Ltmp10:
0xad: {  	vm3 =	vlt.s32 v33, $0x40;
	v34 =	vld [tilespmem:s14+$0x30];
	vm4 =	vgt.s32 v26, $0x3F;
	vm1 =	vmand vm1, vm2;
	v33 =	vmovc v26;
	(pc) =	sbr.rel @!p1 .LBB2_19-.Ltmp10, $4  }
0xae: {  	v25 =	vld [tilespmem:s14+$0x0];
	vm2 =	vmand vm3, vm4;
	v23 =	vsel vm1, s11, v23  }
0xaf: {  	v30 =	vadd.s32 v30, v18;
	vm1 =	vlt.s32 v24, $0x40;
	v24 =	vmovc v17;
	v21 =	vsel vm2, s11, v21  }
0xb0: {  	vm3 =	vgt.s32 v30, $0x3F;
	vm2 =	vlt.s32 v32, $0x40;
	v32 =	vmovc v30;
	v17 =	vadd.s32 v17, v16  }
0xb1: {  	s14 =	sadd.s32 $0xFFFFFF80, s14;
	vm1 =	vmand vm1, vm0;
	vm2 =	vmand vm2, vm3;
	vm0 =	vgt.s32 v17, $0x3F  }
0xb2: {  	s13 =	smov.u32 s11;
	v19 =	vmovc v27;
	s11 =	smov.u32 s12;
	v18 =	vmovc v26;
	v17 =	vmov v24;
	v16 =	vmov v30;
	vm3 =	vmmov vm0  }
.LBB2_21:
0xb3: {  	v19 =	vadd.s32 v19, v22  }
0xb4: {  	v22 =	vsel @p0 vm1, s13, v28;
	v18 =	vadd.s32 v18, v25;
	vm0 =	vlt.s32 v31, $0x40  }
0xb5: {  	vm4 =	vlt.s32 v33, $0x40;
	vm13 =	vlt.s32 v17, $0x40;
	v16 =	vadd.s32 v16, v34  }
0xb6: {  	vm14 =	vlt.s32 v32, $0x40;
	vm11 =	vgt.s32 v19, $0x3F;
	vm5 =	vgt.s32 v18, $0x3F  }
0xb7: {  	v19 =	vsel @p0 vm2, s13, v29;
	vm15 =	vgt.s32 v16, $0x3F;
	v16 =	vpsel p0, v22, v20  }
0xb8: {  	vm0 =	vmand vm0, vm11;
	vm12 =	vmand vm4, vm5;
	vm2 =	vmand vm14, vm15  }
0xb9: {  	v20 =	vpsel p0, v19, v20;
	v18 =	vsel vm0, s11, v23;
	vm0 =	vmand vm13, vm3  }
0xba: {  	s12 =	simm.s32 $0x200;
	v19 =	vsel vm12, s11, v21;
	v17 =	vsel vm0, s11, v16;
	v16 =	vsel vm2, s11, v20;
	s11 =	simm.s32 $0x0  }
.LBB2_22:
0xbb: {  	p0 =	seq.s32 s12, $0x7E00;
	[tilespmem:s11+$0x10070] =	vst v7  }
0xbc: {  	[tilespmem:s11+$0x10000] =	vst v7  }
0xbd: {  	[tilespmem:s11+$0x10010] =	vst v7  }
.Ltmp11:
0xbe: {  	[tilespmem:s11+$0x10020] =	vst v7;
	(pc) =	sbr.rel @!p0 .LBB2_22-.Ltmp11, $4  }
0xbf: {  	[tilespmem:s11+$0x10030] =	vst v7  }
0xc0: {  	[tilespmem:s11+$0x10040] =	vst v7  }
0xc1: {  	[tilespmem:s11+$0x10050] =	vst v7  }
0xc2: {  	[tilespmem:s11+$0x10060] =	vst v7;
	s11 =	sshra.s32 s12, $0x2;
	s12 =	sadd.s32 $0x200, s12  }
0xc3: {  	[tilespmem:s11+$0x10070] =	vst v7  }
0xc4: {  	[tilespmem:s11+$0x10000] =	vst v7  }
0xc5: {  	[tilespmem:s11+$0x10010] =	vst v7;
	v12 =	vshll.u32 v12, $0x18  }
0xc6: {  	[tilespmem:s11+$0x10020] =	vst v7;
	v19 =	vshll.u32 v19, $0x10;
	v13 =	vshll.u32 v13, $0x18;
	v17 =	vshll.u32 v17, $0x10  }
0xc7: {  	[tilespmem:s11+$0x10030] =	vst v7;
	v14 =	vshll.u32 v14, $0x18;
	v15 =	vshll.u32 v15, $0x18;
	v16 =	vshll.u32 v16, $0x10  }
0xc8: {  	[tilespmem:s11+$0x10040] =	vst v7;
	v12 =	vor.u32 v12, v19;
	v13 =	vor.u32 v13, v17;
	v17 =	vshll.u32 v18, $0x10  }
0xc9: {  	[tilespmem:s11+$0x10050] =	vst v7;
	v15 =	vor.u32 v15, v16;
	v16 =	vimm.s32 $0x0;
	v18 =	vimm.s32 $0x0  }
0xca: {  	[tilespmem:s11+$0x10060] =	vst v7;
	s11 =	simm.s32 $0x0;
	s12 =	simm.s32 $0x0;
	v19 =	vimm.s32 $0x0;
	v14 =	vor.u32 v14, v17;
	v17 =	vimm.s32 $0x0  }
.LBB2_24:
0xcb: {  	s13 =	sshll.u32 s12, $0xC  }
0xcc: {  	s13 =	sadd.s32 s13, s3  }
0xcd: {  	[tilespmem:s11], [sflag:$0x1] =	stream.linear.gather [hbm4b:s13+s11], $0x8000, $0x38;
	[tilespmem:$0x14000] =	vst v63  }
0xce: {  	_ =	swait.ge [sflag:s6], $0x8000  }
0xcf: {  	[sflag:s6] =	ssyncset.done $0x0  }
0xd0: {  	s13 =	simm.s32 $0x0;
	[sflag:s6] =	ssyncadd.s32 $0xFFFF8000  }
.LBB2_25:
0xd1: {  	s14 =	sshra.s32 s13, $0x2  }
0xd2: {  	v20 =	vld.idx.msk [tilespmem:v11+s14+$0xFFFFFFE0 ss:$0x1], $0xffff;
	_ =	sdelay $0x4  }
0xd3: {  	v21 =	vshra.s32 v20, $0x1F  }
0xd4: {  	v21 =	vor.u32 $0x80000000, v21  }
0xd5: {  	v21 =	vxor.u32 v20, v21  }
0xd6: {  	vm1 =	vlt.s32 v19, $0x80;
	vm0 =	vge.u32 v21, v12  }
0xd7: {  	vm0 =	vmand vm1, vm0  }
0xd8: {  	v56 =	vadd.s32 v2, v19;
	_ =	sdelay $0x4  }
0xd9: {  	[tilespmem:v56+s8+$0x0] =	vst.idx.msk vm0, v20  }
0xda: {  	v20 =	vld.idx.msk [tilespmem:v11+s14+$0xFFFFFFF0 ss:$0x1], $0xffff;
	_ =	sdelay $0x4  }
0xdb: {  	v57 =	vshra.s32 v20, $0x1F  }
0xdc: {  	v21 =	vor.u32 $0x80000000, v57  }
0xdd: {  	v21 =	vxor.u32 v20, v21  }
0xde: {  	vm2 =	vlt.s32 v18, $0x80;
	vm13 =	vge.u32 v21, v13  }
0xdf: {  	vm1 =	vmand vm2, vm13  }
0xe0: {  	v58 =	vadd.s32 v8, v18;
	_ =	sdelay $0x4  }
0xe1: {  	[tilespmem:v58+s8+$0x0] =	vst.idx.msk vm1, v20  }
0xe2: {  	v20 =	vld.idx.msk [tilespmem:v11+s14+$0x0 ss:$0x1], $0xffff;
	_ =	sdelay $0x4  }
0xe3: {  	v59 =	vshra.s32 v20, $0x1F  }
0xe4: {  	v21 =	vor.u32 $0x80000000, v59  }
0xe5: {  	v21 =	vxor.u32 v20, v21  }
0xe6: {  	vm3 =	vlt.s32 v17, $0x80;
	vm14 =	vge.u32 v21, v14  }
0xe7: {  	vm2 =	vmand vm3, vm14  }
0xe8: {  	v60 =	vadd.s32 v9, v17;
	_ =	sdelay $0x4  }
0xe9: {  	[tilespmem:v60+s8+$0x0] =	vst.idx.msk vm2, v20  }
0xea: {  	v20 =	vld.idx.msk [tilespmem:v11+s14+$0x10 ss:$0x1], $0xffff;
	_ =	sdelay $0x4  }
0xeb: {  	v61 =	vshra.s32 v20, $0x1F  }
0xec: {  	v21 =	vor.u32 $0x80000000, v61  }
0xed: {  	v21 =	vxor.u32 v20, v21  }
0xee: {  	vm4 =	vlt.s32 v16, $0x80;
	vm15 =	vge.u32 v21, v15  }
0xef: {  	vm3 =	vmand vm4, vm15  }
0xf0: {  	v62 =	vadd.s32 v10, v16  }
0xf1: {  	p0 =	sne.s32 s13, $0x1FE00  }
.Ltmp12:
0xf2: {  	_ = 	snop;
	(pc) =	sbr.rel @p0 .LBB2_25-.Ltmp12, $4  }
0xf3: {  	v22 =	vsel vm0, $0x1, v1  }
0xf4: {  	v19 =	vadd.s32 v22, v19  }
0xf5: {  	v23 =	vsel vm1, $0x1, v1;
	v63 =	vsel vm3, $0x1, v1;
	[tilespmem:v62+s8+$0x0] =	vst.idx.msk vm3, v20;
	v20 =	vsel vm2, $0x1, v1  }
0xf6: {  	s13 =	sadd.s32 $0x200, s13;
	v18 =	vadd.s32 v23, v18;
	v16 =	vadd.s32 v63, v16;
	v17 =	vadd.s32 v20, v17  }
0xf7: {  	s12 =	sadd.s32 $0x1, s12  }
0xf8: {  	p0 =	sne.s32 s12, $0x8  }
.Ltmp13:
0xf9: {  	_ = 	snop;
	(pc) =	sbr.rel @p0 .LBB2_24-.Ltmp13, $1  }
0xfa: {  	_ =	sdelay $0x3  }
0xfb: {  	s11 =	simm.s32 $0x0  }
0xfc: {  	v12 =	vld [tilespmem:s11+$0x10000]  }
0xfd: {  	v13 =	vld [tilespmem:s11+$0x10010]  }
0xfe: {  	v14 =	vld [tilespmem:s11+$0x10020]  }
0xff: {  	v15 =	vld [tilespmem:s11+$0x10050];
	_ =	sdelay $0x1  }
0x100: {  	v16 =	vld [tilespmem:s11+$0x10040];
	(xrf1) =	vsort.dscd.msk.f32 $0xffff, v12, v12  }
0x101: {  	v12 =	vld [tilespmem:s11+$0x10030];
	(xrf1) =	vsort.dscd.msk.f32 $0xffff, v13, v13  }
0x102: {  	v13 =	vld [tilespmem:s11+$0x10070];
	(xrf1) =	vsort.dscd.msk.f32 $0xffff, v14, v14  }
0x103: {  	(xrf1) =	vsort.dscd.msk.f32 $0xffff, v15, v15  }
0x104: {  	v14 =	vld [tilespmem:s11+$0x10060]  }
0x105: {  	(xrf1) =	vsort.dscd.msk.f32 $0xffff, v16, v16  }
0x106: {  	(xrf1) =	vsort.dscd.msk.f32 $0xffff, v12, v12  }
0x107: {  	(xrf1) =	vsort.dscd.msk.f32 $0xffff, v13, v13;
	_ =	sdelay $0x1  }
0x108: {  	(xrf1) =	vsort.dscd.msk.f32 $0xffff, v14, v14;
	_ =	sdelay $0x4  }
0x109: {  	s12 =	simm.s32 $0x80;
	v14, _, _ =	vpop (xrf1)  }
0x10a: {  	v16 =	vld [tilespmem:s12+$0x10000];
	v13 =	vmul.u32 $0xFFFFFFFF, v0;
	v15, _, _ =	vpop (xrf1)  }
0x10b: {  	v17, _, _ =	vpop (xrf1)  }
0x10c: {  	v19 =	vld [tilespmem:s12+$0x10010];
	v12 =	vadd.s32 $0xF, v13;
	v18, _, _ =	vpop (xrf1)  }
0x10d: {  	v18 =	vperm.xlane v18, v12  }
0x10e: {  	v20 =	vld [tilespmem:s12+$0x10020];
	v21, _, _ =	vpop (xrf1)  }
0x10f: {  	(xrf1) =	vsort.dscd.msk.f32 $0xffff, v16, v16;
	v23, _, _ =	vpop (xrf1);
	v22 =	vmin.f32 v21, v18  }
0x110: {  	v16, _, _ =	vpop (xrf1);
	(xrf1) =	vsort.dscd.msk.f32 $0xffff, v22, v22  }
0x111: {  	v18 =	vmax.f32 v21, v18;
	v16 =	vperm.xlane v16, v12;
	(xrf1) =	vsort.dscd.msk.f32 $0xffff, v19, v19  }
0x112: {  	v19, _, _ =	vpop (xrf1);
	(xrf1) =	vsort.dscd.msk.f32 $0xffff, v18, v18  }
0x113: {  	v18 =	vld [tilespmem:s12+$0x10050];
	v21 =	vmax.f32 v19, v16;
	(xrf1) =	vsort.dscd.msk.f32 $0xffff, v20, v20  }
0x114: {  	v16 =	vmin.f32 v19, v16;
	(xrf1) =	vsort.dscd.msk.f32 $0xffff, v21, v21  }
0x115: {  	(xrf1) =	vsort.dscd.msk.f32 $0xffff, v16, v16  }
0x116: {  	v16 =	vperm.xlane v23, v12  }
0x117: {  	v15 =	vperm.xlane v15, v12;
	v19 =	vld [tilespmem:s12+$0x10040]  }
0x118: {  	v21 =	vld [tilespmem:s12+$0x10030];
	v20 =	vmax.f32 v17, v16;
	(xrf1) =	vsort.dscd.msk.f32 $0xffff, v18, v18  }
0x119: {  	v22 =	vmax.f32 v14, v15;
	v18 =	vld [tilespmem:s12+$0x10070];
	(xrf1) =	vsort.dscd.msk.f32 $0xffff, v20, v20  }
0x11a: {  	v16 =	vmin.f32 v17, v16;
	(xrf1) =	vsort.dscd.msk.f32 $0xffff, v22, v22  }
0x11b: {  	v17 =	vld [tilespmem:s12+$0x10060];
	(xrf1) =	vsort.dscd.msk.f32 $0xffff, v16, v16  }
0x11c: {  	(xrf1) =	vsort.dscd.msk.f32 $0xffff, v19, v19  }
0x11d: {  	v16, _, _ =	vpop (xrf1);
	(xrf1) =	vsort.dscd.msk.f32 $0xffff, v21, v21  }
0x11e: {  	(xrf1) =	vsort.dscd.msk.f32 $0xffff, v18, v18;
	v18, _, _ =	vpop (xrf1)  }
0x11f: {  	v19, _, _ =	vpop (xrf1)  }
0x120: {  	(xrf1) =	vsort.dscd.msk.f32 $0xffff, v17, v17;
	v17, _, _ =	vpop (xrf1)  }
0x121: {  	v20, _, _ =	vpop (xrf1)  }
0x122: {  	v21, _, _ =	vpop (xrf1)  }
0x123: {  	v22, _, _ =	vpop (xrf1);
	v21 =	vperm.xlane v21, v12  }
0x124: {  	v22 =	vperm.xlane v22, v12  }
0x125: {  	s13 =	simm.s32 $0x100  }
0x126: {  	v14 =	vmin.f32 v14, v15;
	v23 =	vld [tilespmem:s13+$0x10000];
	v15, _, _ =	vpop (xrf1);
	v24 =	vmin.f32 v18, v21;
	v25 =	vmin.f32 v17, v22  }
0x127: {  	(xrf1) =	vsort.dscd.msk.f32 $0xffff, v14, v14;
	v18 =	vmax.f32 v18, v21;
	v21, _, _ =	vpop (xrf1);
	v14 =	vmin.f32 v25, v24  }
0x128: {  	v26 =	vld [tilespmem:s13+$0x10010];
	v17 =	vmax.f32 v17, v22;
	v24 =	vmax.f32 v25, v24;
	v27, _, _ =	vpop (xrf1);
	(xrf1) =	vsort.dscd.msk.f32 $0xffff, v14, v14  }
0x129: {  	v22 =	vmax.f32 v17, v18;
	v14 =	vperm.xlane v15, v12;
	v15, _, _ =	vpop (xrf1);
	(xrf1) =	vsort.dscd.msk.f32 $0xffff, v24, v24  }
0x12a: {  	v24 =	vld [tilespmem:s13+$0x10020];
	v25, _, _ =	vpop (xrf1);
	(xrf1) =	vsort.dscd.msk.f32 $0xffff, v22, v22  }
0x12b: {  	v22 =	vmin.f32 v25, v14;
	v28, _, _ =	vpop (xrf1);
	(xrf1) =	vsort.dscd.msk.f32 $0xffff, v23, v23  }
0x12c: {  	v23, _, _ =	vpop (xrf1);
	(xrf1) =	vsort.dscd.msk.f32 $0xffff, v22, v22  }
0x12d: {  	v14 =	vmax.f32 v25, v14;
	v22 =	vperm.xlane v23, v12;
	(xrf1) =	vsort.dscd.msk.f32 $0xffff, v26, v26;
	v23 =	vld [tilespmem:s13+$0x10050]  }
0x12e: {  	v25, _, _ =	vpop (xrf1);
	(xrf1) =	vsort.dscd.msk.f32 $0xffff, v14, v14  }
0x12f: {  	v14 =	vmax.f32 v25, v22;
	(xrf1) =	vsort.dscd.msk.f32 $0xffff, v24, v24  }
0x130: {  	v22 =	vmin.f32 v25, v22;
	(xrf1) =	vsort.dscd.msk.f32 $0xffff, v14, v14;
	v14 =	vperm.xlane v28, v12  }
0x131: {  	v19 =	vperm.xlane v19, v12;
	(xrf1) =	vsort.dscd.msk.f32 $0xffff, v22, v22;
	v22 =	vld [tilespmem:s13+$0x10040]  }
0x132: {  	v24 =	vmax.f32 v20, v14;
	(xrf1) =	vsort.dscd.msk.f32 $0xffff, v23, v23  }
0x133: {  	v25 =	vmax.f32 v16, v19;
	v23 =	vld [tilespmem:s13+$0x10030];
	v14 =	vmin.f32 v20, v14;
	(xrf1) =	vsort.dscd.msk.f32 $0xffff, v24, v24  }
0x134: {  	v17 =	vmin.f32 v17, v18;
	(xrf1) =	vsort.dscd.msk.f32 $0xffff, v25, v25  }
0x135: {  	v21 =	vperm.xlane v21, v12;
	v15 =	vperm.xlane v15, v12;
	v20, _, _ =	vpop (xrf1);
	v24 =	vld [tilespmem:s13+$0x10070];
	(xrf1) =	vsort.dscd.msk.f32 $0xffff, v14, v14  }
0x136: {  	v14, _, _ =	vpop (xrf1);
	(xrf1) =	vsort.dscd.msk.f32 $0xffff, v22, v22  }
0x137: {  	v18 =	vld [tilespmem:s13+$0x10060];
	v26 =	vmax.f32 v20, v21;
	v25 =	vmax.f32 v27, v15;
	v22, _, _ =	vpop (xrf1);
	(xrf1) =	vsort.dscd.msk.f32 $0xffff, v17, v17  }
0x138: {  	v17, _, _ =	vpop (xrf1);
	(xrf1) =	vsort.dscd.msk.f32 $0xffff, v23, v23;
	v23 =	vmax.f32 v25, v26  }
0x139: {  	v28, _, _ =	vpop (xrf1)  }
0x13a: {  	(xrf1) =	vsort.dscd.msk.f32 $0xffff, v24, v24;
	v24, _, _ =	vpop (xrf1)  }
0x13b: {  	(xrf1) =	vsort.dscd.msk.f32 $0xffff, v23, v23;
	v23, _, _ =	vpop (xrf1)  }
0x13c: {  	(xrf1) =	vsort.dscd.msk.f32 $0xffff, v18, v18;
	v18, _, _ =	vpop (xrf1)  }
0x13d: {  	v29, _, _ =	vpop (xrf1)  }
0x13e: {  	v20 =	vmin.f32 v20, v21;
	v21, _, _ =	vpop (xrf1)  }
0x13f: {  	v15 =	vmin.f32 v27, v15;
	v25 =	vmin.f32 v25, v26;
	v27, _, _ =	vpop (xrf1)  }
0x140: {  	v26 =	vmin.f32 v15, v20;
	(xrf1) =	vsort.dscd.msk.f32 $0xffff, v25, v25;
	v25 =	vperm.xlane v27, v12  }
0x141: {  	v16 =	vmin.f32 v16, v19;
	v21 =	vperm.xlane v21, v12  }
0x142: {  	s14 =	simm.s32 $0x180;
	v15 =	vmax.f32 v15, v20;
	(xrf1) =	vsort.dscd.msk.f32 $0xffff, v26, v26;
	v19, _, _ =	vpop (xrf1);
	v27 =	vmin.f32 v18, v25  }
0x143: {  	(xrf1) =	vsort.dscd.msk.f32 $0xffff, v15, v15;
	v15 =	vld [tilespmem:s14+$0x10000];
	v20 =	vmin.f32 v24, v21;
	v26, _, _ =	vpop (xrf1)  }
0x144: {  	(xrf1) =	vsort.dscd.msk.f32 $0xffff, v16, v16;
	v21 =	vmax.f32 v24, v21;
	v24, _, _ =	vpop (xrf1);
	v16 =	vmin.f32 v27, v20  }
0x145: {  	v30 =	vld [tilespmem:s14+$0x10010];
	v18 =	vmax.f32 v18, v25;
	v20 =	vmax.f32 v27, v20;
	(xrf1) =	vsort.dscd.msk.f32 $0xffff, v16, v16;
	v27, _, _ =	vpop (xrf1)  }
0x146: {  	v25 =	vmax.f32 v18, v21;
	v16 =	vperm.xlane v19, v12;
	(xrf1) =	vsort.dscd.msk.f32 $0xffff, v20, v20;
	v19, _, _ =	vpop (xrf1)  }
0x147: {  	v20 =	vld [tilespmem:s14+$0x10020];
	(xrf1) =	vsort.dscd.msk.f32 $0xffff, v25, v25;
	v31, _, _ =	vpop (xrf1)  }
0x148: {  	v25 =	vmin.f32 v19, v16;
	(xrf1) =	vsort.dscd.msk.f32 $0xffff, v15, v15;
	v32, _, _ =	vpop (xrf1)  }
0x149: {  	v14 =	vperm.xlane v14, v12;
	v22 =	vperm.xlane v22, v12;
	(xrf1) =	vsort.dscd.msk.f32 $0xffff, v25, v25;
	v15, _, _ =	vpop (xrf1)  }
0x14a: {  	v16 =	vmax.f32 v19, v16;
	v25 =	vld [tilespmem:s14+$0x10050];
	(xrf1) =	vsort.dscd.msk.f32 $0xffff, v30, v30;
	v15 =	vperm.xlane v15, v12;
	v19, _, _ =	vpop (xrf1)  }
0x14b: {  	v17 =	vperm.xlane v17, v12;
	v18 =	vmin.f32 v18, v21;
	(xrf1) =	vsort.dscd.msk.f32 $0xffff, v16, v16;
	v21, _, _ =	vpop (xrf1)  }
0x14c: {  	(xrf1) =	vsort.dscd.msk.f32 $0xffff, v20, v20;
	v30 =	vmax.f32 v21, v15;
	v15 =	vmin.f32 v21, v15  }
0x14d: {  	v26 =	vperm.xlane v26, v12;
	v16 =	vperm.xlane v32, v12;
	(xrf1) =	vsort.dscd.msk.f32 $0xffff, v30, v30  }
0x14e: {  	v20 =	vperm.xlane v27, v12;
	v27 =	vperm.xlane v23, v12;
	v21 =	vld [tilespmem:s14+$0x10040];
	(xrf1) =	vsort.dscd.msk.f32 $0xffff, v15, v15  }
0x14f: {  	v14 =	vmax.f32 v19, v14;
	v23 =	vmax.f32 v29, v16;
	v15, _, _ =	vpop (xrf1);
	(xrf1) =	vsort.dscd.msk.f32 $0xffff, v25, v25  }
0x150: {  	v16 =	vmin.f32 v29, v16;
	v30 =	vmax.f32 v28, v27;
	v25 =	vld [tilespmem:s14+$0x10030];
	v29, _, _ =	vpop (xrf1);
	(xrf1) =	vsort.dscd.msk.f32 $0xffff, v23, v23  }
0x151: {  	v23 =	vld [tilespmem:s14+$0x10070];
	v63 =	vmax.f32 v15, v22;
	v22 =	vperm.xlane v31, v12;
	v15, _, _ =	vpop (xrf1);
	(xrf1) =	vsort.dscd.msk.f32 $0xffff, v30, v30  }
0x152: {  	v34 =	vmin.f32 v24, v20;
	v30 =	vmax.f32 v24, v20;
	v31, _, _ =	vpop (xrf1);
	(xrf1) =	vsort.dscd.msk.f32 $0xffff, v16, v16  }
0x153: {  	v33 =	vld [tilespmem:s14+$0x10060];
	v17 =	vmax.f32 v29, v17;
	v35 =	vmax.f32 v15, v22;
	(xrf1) =	vsort.dscd.msk.f32 $0xffff, v21, v21;
	v19, _, _ =	vpop (xrf1)  }
0x154: {  	v21 =	vmin.f32 v31, v26;
	v20 =	vmax.f32 v31, v26;
	(xrf1) =	vsort.dscd.msk.f32 $0xffff, v18, v18;
	v18, _, _ =	vpop (xrf1)  }
0x155: {  	v26 =	vmin.f32 v30, v20;
	v29 =	vmin.f32 v34, v21;
	(xrf1) =	vsort.dscd.msk.f32 $0xffff, v25, v25;
	v16, _, _ =	vpop (xrf1)  }
0x156: {  	v25 =	vmax.f32 v30, v20;
	v30 =	vmin.f32 v63, v17;
	v15, _, _ =	vpop (xrf1);
	(xrf1) =	vsort.dscd.msk.f32 $0xffff, v23, v23  }
0x157: {  	v17 =	vmax.f32 v63, v17;
	v24, _, _ =	vpop (xrf1);
	(xrf1) =	vsort.dscd.msk.f32 $0xffff, v25, v25;
	v25 =	vmax.f32 v14, v35  }
0x158: {  	v14 =	vmin.f32 v14, v35;
	v20, _, _ =	vpop (xrf1);
	(xrf1) =	vsort.dscd.msk.f32 $0xffff, v33, v33;
	v31 =	vmax.f32 v25, v17  }
0x159: {  	v25 =	vmin.f32 v25, v17;
	v17 =	vmin.f32 v14, v30;
	v23, _, _ =	vpop (xrf1);
	(xrf1) =	vsort.dscd.msk.f32 $0xffff, v26, v26  }
0x15a: {  	v22 =	vmax.f32 v34, v21;
	v21, _, _ =	vpop (xrf1);
	(xrf1) =	vsort.dscd.msk.f32 $0xffff, v31, v31  }
0x15b: {  	v26 =	vmin.f32 v28, v27;
	v28 =	vmax.f32 v14, v30;
	v27, _, _ =	vpop (xrf1);
	(xrf1) =	vsort.dscd.msk.f32 $0xffff, v29, v29  }
0x15c: {  	s15 =	simm.s32 $0x800;
	v14 =	vmov v12;
	v27 =	vperm.xlane v27, v12;
	v29, _, _ =	vpop (xrf1);
	(xrf1) =	vsort.dscd.msk.f32 $0xffff, v17, v17;
	v17 =	vmov v12  }
.LBB2_28:
0x15d: {  	s16 =	sshra.s32 s15, $0x2;
	p0 =	sne.s32 s15, $0x7E00;
	s15 =	sadd.s32 $0x200, s15;
	v30, _, _ =	vpop (xrf1);
	v29 =	vperm.xlane v29, v14;
	(xrf1) =	vsort.dscd.msk.f32 $0xffff, v22, v22  }
0x15e: {  	v31 =	vadd.s32 $0xF, v13;
	v22 =	vld [tilespmem:s16+$0x10000];
	v32 =	vmax.f32 v24, v27;
	v24 =	vmin.f32 v24, v27;
	v27, _, _ =	vpop (xrf1);
	(xrf1) =	vsort.dscd.msk.f32 $0xffff, v28, v28  }
0x15f: {  	v30 =	vperm.xlane v30, v31;
	v28 =	vld [tilespmem:s16+$0x10010];
	v35 =	vmin.f32 v23, v29;
	v34, _, _ =	vpop (xrf1);
	(xrf1) =	vsort.dscd.msk.f32 $0xffff, v26, v26  }
0x160: {  	v26 =	vld [tilespmem:s16+$0x10050];
	v38 =	vmax.f32 v35, v24;
	v24 =	vmin.f32 v35, v24;
	v33, _, _ =	vpop (xrf1);
	(xrf1) =	vsort.dscd.msk.f32 $0xffff, v25, v25  }
0x161: {  	v23 =	vmax.f32 v23, v29;
	v25 =	vld [tilespmem:s16+$0x10020];
	v36, _, _ =	vpop (xrf1);
	(xrf1) =	vsort.dscd.msk.f32 $0xffff, v24, v24  }
0x162: {  	v37 =	vmax.f32 v23, v32;
	v24 =	vld [tilespmem:s16+$0x10040];
	v29 =	vmin.f32 v36, v30;
	(xrf1) =	vsort.dscd.msk.f32 $0xffff, v38, v38;
	v35, _, _ =	vpop (xrf1)  }
0x163: {  	v23 =	vmin.f32 v23, v32;
	v38 =	vld [tilespmem:s16+$0x10060];
	v39, _, _ =	vpop (xrf1);
	(xrf1) =	vsort.dscd.msk.f32 $0xffff, v37, v37  }
0x164: {  	v19 =	vperm.xlane v19, v17;
	(xrf1) =	vsort.dscd.msk.f32 $0xffff, v22, v22;
	v22 =	vmax.f32 v36, v30;
	v30, _, _ =	vpop (xrf1)  }
0x165: {  	v36 =	vperm.xlane v39, v31;
	v32 =	vld [tilespmem:s16+$0x10070];
	v39 =	vperm.xlane v30, v31;
	(xrf1) =	vsort.dscd.msk.f32 $0xffff, v29, v29;
	v29, _, _ =	vpop (xrf1)  }
0x166: {  	v18 =	vperm.xlane v18, v17;
	v33 =	vperm.xlane v33, v14;
	(xrf1) =	vsort.dscd.msk.f32 $0xffff, v28, v28;
	v28, _, _ =	vpop (xrf1)  }
0x167: {  	v37 =	vmax.f32 v28, v39;
	v28 =	vmin.f32 v28, v39;
	(xrf1) =	vsort.dscd.msk.f32 $0xffff, v22, v22;
	v22, _, _ =	vpop (xrf1)  }
0x168: {  	v27 =	vperm.xlane v27, v14;
	(xrf1) =	vsort.dscd.msk.f32 $0xffff, v25, v25;
	v25 =	vmax.f32 v21, v36;
	v30, _, _ =	vpop (xrf1)  }
0x169: {  	v40 =	vperm.xlane v20, v31;
	v20 =	vmin.f32 v21, v36;
	v39 =	vld [tilespmem:s16+$0x10030];
	(xrf1) =	vsort.dscd.msk.f32 $0xffff, v37, v37;
	v21, _, _ =	vpop (xrf1);
	[tilespmem:s11+$0x12000] =	vst v30  }
0x16a: {  	(xrf1) =	vsort.dscd.msk.f32 $0xffff, v28, v28;
	v28 =	vmax.f32 v29, v19;
	v29 =	vmax.f32 v22, v18;
	v18, _, _ =	vpop (xrf1)  }
0x16b: {  	v36 =	vmax.f32 v15, v40;
	(xrf1) =	vsort.dscd.msk.f32 $0xffff, v26, v26;
	v26 =	vmax.f32 v34, v33;
	v22, _, _ =	vpop (xrf1);
	[tilespmem:s11+$0x12030] =	vst v18  }
0x16c: {  	v35 =	vperm.xlane v35, v17;
	(xrf1) =	vsort.dscd.msk.f32 $0xffff, v25, v25;
	v25, _, _ =	vpop (xrf1)  }
0x16d: {  	v16 =	vperm.xlane v16, v17;
	v30 =	vmin.f32 v34, v33;
	(xrf1) =	vsort.dscd.msk.f32 $0xffff, v36, v36;
	v19, _, _ =	vpop (xrf1);
	[tilespmem:s11+$0x12020] =	vst v25  }
0x16e: {  	v17 =	vmov v14;
	v25 =	vmax.f32 v22, v35;
	(xrf1) =	vsort.dscd.msk.f32 $0xffff, v20, v20;
	v20 =	vmin.f32 v19, v27;
	v18, _, _ =	vpop (xrf1)  }
0x16f: {  	(xrf1) =	vsort.dscd.msk.f32 $0xffff, v24, v24;
	v24 =	vmax.f32 v19, v27;
	v22 =	vmax.f32 v30, v20;
	v19, _, _ =	vpop (xrf1);
	[tilespmem:s11+$0x12010] =	vst v18;
	s11 =	smov.u32 s12;
	s12 =	smov.u32 s13;
	s13 =	smov.u32 s14  }
0x170: {  	v14 =	vmov v31;
	v21 =	vmax.f32 v21, v16;
	s14 =	smov.u32 s16;
	v27 =	vmin.f32 v26, v24;
	(xrf1) =	vsort.dscd.msk.f32 $0xffff, v23, v23;
	v18, _, _ =	vpop (xrf1)  }
0x171: {  	v31 =	vmin.f32 v29, v21;
	v23 =	vmax.f32 v26, v24;
	(xrf1) =	vsort.dscd.msk.f32 $0xffff, v39, v39;
	v16, _, _ =	vpop (xrf1)  }
0x172: {  	v30 =	vmin.f32 v30, v20;
	v33, _, _ =	vpop (xrf1);
	(xrf1) =	vsort.dscd.msk.f32 $0xffff, v32, v32;
	v32 =	vmax.f32 v28, v25  }
0x173: {  	v21 =	vmax.f32 v29, v21;
	v28 =	vmin.f32 v28, v25;
	v24, _, _ =	vpop (xrf1);
	(xrf1) =	vsort.dscd.msk.f32 $0xffff, v23, v23  }
.Ltmp14:
0x174: {  	v26 =	vmin.f32 v15, v40;
	v29 =	vmax.f32 v32, v21;
	v15 =	vmov v33;
	v20, _, _ =	vpop (xrf1);
	(xrf1) =	vsort.dscd.msk.f32 $0xffff, v38, v38;
	(pc) =	sbr.rel @p0 .LBB2_28-.Ltmp14, $4  }
0x175: {  	v25 =	vmin.f32 v32, v21;
	v32 =	vmin.f32 v28, v31;
	v23, _, _ =	vpop (xrf1);
	(xrf1) =	vsort.dscd.msk.f32 $0xffff, v27, v27  }
0x176: {  	v21, _, _ =	vpop (xrf1);
	(xrf1) =	vsort.dscd.msk.f32 $0xffff, v29, v29  }
0x177: {  	v27, _, _ =	vpop (xrf1);
	(xrf1) =	vsort.dscd.msk.f32 $0xffff, v30, v30  }
0x178: {  	v28 =	vmax.f32 v28, v31;
	v27 =	vperm.xlane v27, v14;
	v29, _, _ =	vpop (xrf1);
	(xrf1) =	vsort.dscd.msk.f32 $0xffff, v32, v32  }
0x179: {  	v13, _, _ =	vpop (xrf1);
	(xrf1) =	vsort.dscd.msk.f32 $0xffff, v22, v22  }
0x17a: {  	v57, _, _ =	vpop (xrf1);
	(xrf1) =	vsort.dscd.msk.f32 $0xffff, v28, v28  }
0x17b: {  	v58 =	vperm.xlane v29, v14;
	v59, _, _ =	vpop (xrf1);
	(xrf1) =	vsort.dscd.msk.f32 $0xffff, v26, v26  }
0x17c: {  	v19 =	vperm.xlane v19, v17;
	v45 =	vperm.xlane v18, v17;
	v60, _, _ =	vpop (xrf1)  }
0x17d: {  	v20 =	vperm.xlane v20, v12;
	v16 =	vperm.xlane v16, v17;
	v30 =	vmax.f32 v24, v27;
	v31, _, _ =	vpop (xrf1)  }
0x17e: {  	v61 =	vmin.f32 v24, v27;
	v13 =	vperm.xlane v13, v12;
	v62 =	vmin.f32 v23, v58;
	v63, _, _ =	vpop (xrf1)  }
0x17f: {  	v36 =	vmax.f32 v23, v58;
	v22 =	vperm.xlane v57, v14;
	v52 =	vmax.f32 v15, v20;
	v37, _, _ =	vpop (xrf1)  }
0x180: {  	v32 =	vmin.f32 v62, v61;
	(xrf1) =	vsort.dscd.msk.f32 $0xffff, v25, v25;
	v24 =	vmax.f32 v62, v61;
	v38, _, _ =	vpop (xrf1)  }
0x181: {  	v28 =	vmax.f32 v36, v30;
	v23 =	vmin.f32 v36, v30;
	(xrf1) =	vsort.dscd.msk.f32 $0xffff, v32, v32;
	v40, _, _ =	vpop (xrf1)  }
0x182: {  	v26 =	vperm.xlane v60, v14;
	(xrf1) =	vsort.dscd.msk.f32 $0xffff, v24, v24;
	v39 =	vmin.f32 v31, v13;
	v43, _, _ =	vpop (xrf1)  }
0x183: {  	v41 =	vmax.f32 v31, v13;
	(xrf1) =	vsort.dscd.msk.f32 $0xffff, v28, v28;
	v42 =	vperm.xlane v38, v12;
	v44, _, _ =	vpop (xrf1)  }
0x184: {  	v53 =	vmax.f32 v59, v26;
	v25 =	vperm.xlane v63, v17;
	(xrf1) =	vsort.dscd.msk.f32 $0xffff, v39, v39;
	v13, _, _ =	vpop (xrf1)  }
0x185: {  	v27 =	vperm.xlane v37, v12;
	v46 =	vmax.f32 v43, v42;
	(xrf1) =	vsort.dscd.msk.f32 $0xffff, v41, v41;
	v33, _, _ =	vpop (xrf1)  }
0x186: {  	v26 =	vmin.f32 v59, v26;
	v24 =	vmin.f32 v43, v42;
	(xrf1) =	vsort.dscd.msk.f32 $0xffff, v46, v46;
	v18, _, _ =	vpop (xrf1)  }
0x187: {  	v47 =	vmax.f32 v21, v27;
	v49 =	vmax.f32 v40, v19;
	(xrf1) =	vsort.dscd.msk.f32 $0xffff, v24, v24;
	v51, _, _ =	vpop (xrf1)  }
0x188: {  	v50 =	vmax.f32 v44, v45;
	v16 =	vmax.f32 v33, v16;
	(xrf1) =	vsort.dscd.msk.f32 $0xffff, v47, v47;
	v19, _, _ =	vpop (xrf1)  }
0x189: {  	v48 =	vmin.f32 v21, v27;
	v60 =	vmax.f32 v50, v16;
	(xrf1) =	vsort.dscd.msk.f32 $0xffff, v52, v52;
	v54, _, _ =	vpop (xrf1)  }
0x18a: {  	v16 =	vmin.f32 v50, v16;
	(xrf1) =	vsort.dscd.msk.f32 $0xffff, v48, v48;
	v55 =	vmax.f32 v54, v22  }
0x18b: {  	v57 =	vmax.f32 v51, v25;
	(xrf1) =	vsort.dscd.msk.f32 $0xffff, v23, v23;
	v17 =	vmax.f32 v53, v55  }
0x18c: {  	v59 =	vmax.f32 v49, v57;
	v58 =	vmin.f32 v53, v55;
	(xrf1) =	vsort.dscd.msk.f32 $0xffff, v17, v17  }
0x18d: {  	v56 =	vmin.f32 v54, v22;
	v61 =	vmax.f32 v59, v60;
	(xrf1) =	vsort.dscd.msk.f32 $0xffff, v58, v58  }
0x18e: {  	v25, _, _ =	vpop (xrf1);
	v22 =	vmin.f32 v49, v57;
	v62 =	vmin.f32 v26, v56;
	(xrf1) =	vsort.dscd.msk.f32 $0xffff, v61, v61  }
0x18f: {  	v63, _, _ =	vpop (xrf1);
	v35 =	vmin.f32 v22, v16;
	(xrf1) =	vsort.dscd.msk.f32 $0xffff, v62, v62  }
0x190: {  	v21 =	vmax.f32 v26, v56;
	v36, _, _ =	vpop (xrf1);
	(xrf1) =	vsort.dscd.msk.f32 $0xffff, v35, v35  }
0x191: {  	v16 =	vmax.f32 v22, v16;
	v37, _, _ =	vpop (xrf1);
	(xrf1) =	vsort.dscd.msk.f32 $0xffff, v21, v21  }
0x192: {  	v39 =	vmin.f32 v15, v20;
	v38, _, _ =	vpop (xrf1);
	(xrf1) =	vsort.dscd.msk.f32 $0xffff, v16, v16  }
0x193: {  	v40, _, _ =	vpop (xrf1);
	(xrf1) =	vsort.dscd.msk.f32 $0xffff, v39, v39  }
0x194: {  	v41, _, _ =	vpop (xrf1)  }
0x195: {  	v42, _, _ =	vpop (xrf1)  }
0x196: {  	v43, _, _ =	vpop (xrf1)  }
0x197: {  	v44, _, _ =	vpop (xrf1)  }
0x198: {  	v45, _, _ =	vpop (xrf1)  }
0x199: {  	v17 =	vmin.f32 v59, v60;
	v54 =	vperm.xlane v63, v14;
	v15 =	vperm.xlane v41, v12;
	v46, _, _ =	vpop (xrf1)  }
0x19a: {  	v26 =	vperm.xlane v36, v14;
	v20 =	vperm.xlane v42, v12;
	v47, _, _ =	vpop (xrf1)  }
0x19b: {  	v62 =	vperm.xlane v37, v14;
	(xrf1) =	vsort.dscd.msk.f32 $0xffff, v17, v17;
	v48 =	vmin.f32 v38, v15;
	v50, _, _ =	vpop (xrf1)  }
0x19c: {  	v15 =	vmax.f32 v38, v15;
	v57 =	vperm.xlane v43, v12;
	v49 =	vmin.f32 v40, v20;
	v17, _, _ =	vpop (xrf1)  }
0x19d: {  	v16 =	vmax.f32 v40, v20;
	v51 =	vmin.f32 v49, v48;
	v23 =	vmax.f32 v49, v48;
	v52, _, _ =	vpop (xrf1)  }
0x19e: {  	v53 =	vmax.f32 v16, v15;
	v55 =	vperm.xlane v45, v12;
	(xrf1) =	vsort.dscd.msk.f32 $0xffff, v51, v51;
	v24, _, _ =	vpop (xrf1)  }
0x19f: {  	v15 =	vmin.f32 v16, v15;
	v30 =	vperm.xlane v46, v14;
	(xrf1) =	vsort.dscd.msk.f32 $0xffff, v23, v23;
	v56, _, _ =	vpop (xrf1)  }
0x1a0: {  	v60 =	vmax.f32 v44, v55;
	v16 =	vmin.f32 v44, v55;
	v58 =	vmax.f32 v47, v54;
	v59, _, _ =	vpop (xrf1)  }
0x1a1: {  	(xrf1) =	vsort.dscd.msk.f32 $0xffff, v53, v53;
	v26 =	vmax.f32 v50, v26;
	v14 =	vmax.f32 v52, v62;
	v61, _, _ =	vpop (xrf1)  }
0x1a2: {  	(xrf1) =	vsort.dscd.msk.f32 $0xffff, v15, v15;
	v37 =	vmax.f32 v26, v14;
	v63 =	vmax.f32 v61, v57  }
0x1a3: {  	v14 =	vmin.f32 v26, v14;
	v33 =	vmax.f32 v56, v30;
	v35 =	vmax.f32 v60, v63  }
0x1a4: {  	v36 =	vmax.f32 v58, v33;
	v34 =	vmin.f32 v60, v63;
	(xrf1) =	vsort.dscd.msk.f32 $0xffff, v35, v35  }
0x1a5: {  	v21 =	vmin.f32 v61, v57;
	v38 =	vmax.f32 v36, v37;
	(xrf1) =	vsort.dscd.msk.f32 $0xffff, v34, v34  }
0x1a6: {  	v22 =	vmin.f32 v58, v33;
	v39 =	vmin.f32 v16, v21;
	(xrf1) =	vsort.dscd.msk.f32 $0xffff, v38, v38  }
0x1a7: {  	v40 =	vmin.f32 v22, v14;
	(xrf1) =	vsort.dscd.msk.f32 $0xffff, v39, v39  }
0x1a8: {  	v16 =	vmax.f32 v16, v21;
	(xrf1) =	vsort.dscd.msk.f32 $0xffff, v40, v40  }
0x1a9: {  	(xrf1) =	vsort.dscd.msk.f32 $0xffff, v16, v16;
	_ =	sdelay $0x3  }
0x1aa: {  	v41, _, _ =	vpop (xrf1)  }
0x1ab: {  	v42, _, _ =	vpop (xrf1)  }
0x1ac: {  	v43, _, _ =	vpop (xrf1)  }
0x1ad: {  	v44, _, _ =	vpop (xrf1)  }
0x1ae: {  	v45, _, _ =	vpop (xrf1)  }
0x1af: {  	v46, _, _ =	vpop (xrf1)  }
0x1b0: {  	v47, _, _ =	vpop (xrf1)  }
0x1b1: {  	v48, _, _ =	vpop (xrf1)  }
0x1b2: {  	v21 =	vperm.xlane v42, v12;
	v26 =	vperm.xlane v43, v12;
	v49, _, _ =	vpop (xrf1)  }
0x1b3: {  	v14 =	vmax.f32 v22, v14;
	v51 =	vperm.xlane v44, v12;
	v28 =	vperm.xlane v45, v12;
	v50, _, _ =	vpop (xrf1)  }
0x1b4: {  	v15 =	vmin.f32 v36, v37;
	(xrf1) =	vsort.dscd.msk.f32 $0xffff, v14, v14;
	v52 =	vmax.f32 v46, v21;
	v53, _, _ =	vpop (xrf1)  }
0x1b5: {  	v54 =	vmax.f32 v47, v26;
	v12 =	vmax.f32 v49, v51;
	v20 =	vmax.f32 v53, v28  }
0x1b6: {  	(xrf1) =	vsort.dscd.msk.f32 $0xffff, v15, v15;
	v26 =	vmax.f32 v54, v12;
	v55 =	vmax.f32 v52, v20  }
0x1b7: {  	v12 =	vmin.f32 v54, v12;
	v14 =	vmin.f32 v52, v20;
	v56 =	vmax.f32 v55, v26  }
0x1b8: {  	v21 =	vmin.f32 v14, v12;
	(xrf1) =	vsort.dscd.msk.f32 $0xffff, v56, v56  }
0x1b9: {  	v12 =	vmax.f32 v14, v12;
	(xrf1) =	vsort.dscd.msk.f32 $0xffff, v21, v21  }
0x1ba: {  	v57 =	vmin.f32 v55, v26;
	(xrf1) =	vsort.dscd.msk.f32 $0xffff, v12, v12  }
0x1bb: {  	[tilespmem:s11+$0x12000] =	vst v13;
	(xrf1) =	vsort.dscd.msk.f32 $0xffff, v57, v57  }
0x1bc: {  	[tilespmem:s11+$0x12030] =	vst v18  }
0x1bd: {  	[tilespmem:s11+$0x12020] =	vst v19  }
0x1be: {  	[tilespmem:s11+$0x12010] =	vst v25  }
0x1bf: {  	[tilespmem:s12+$0x12000] =	vst v17  }
0x1c0: {  	[tilespmem:s12+$0x12030] =	vst v24  }
0x1c1: {  	[tilespmem:s12+$0x12020] =	vst v59  }
0x1c2: {  	[tilespmem:s12+$0x12010] =	vst v41  }
0x1c3: {  	[tilespmem:s13+$0x12000] =	vst v48  }
0x1c4: {  	[tilespmem:s13+$0x12030] =	vst v50;
	v58, _, _ =	vpop (xrf1)  }
0x1c5: {  	[tilespmem:s13+$0x12020] =	vst v58;
	v59, _, _ =	vpop (xrf1)  }
0x1c6: {  	[tilespmem:s13+$0x12010] =	vst v59;
	v60, _, _ =	vpop (xrf1)  }
0x1c7: {  	[tilespmem:s14+$0x12000] =	vst v60;
	v61, _, _ =	vpop (xrf1)  }
0x1c8: {  	[tilespmem:s14+$0x12030] =	vst v61;
	v62, _, _ =	vpop (xrf1)  }
0x1c9: {  	s10 =	sadd.s32 $0x1, s10;
	[tilespmem:s14+$0x12020] =	vst v62;
	v63, _, _ =	vpop (xrf1)  }
0x1ca: {  	p0 =	sne.s32 s10, s5;
	[tilespmem:s14+$0x12010] =	vst v63  }
0x1cb: {  	[hbm4b:s4+s1] =	stream.linear.scatter [tilespmem:s9], [sflag:$0x1], $0x2000, $0x38;
	[tilespmem:$0x14000] =	vst v63  }
.Ltmp15:
0x1cc: {  	_ = 	snop;
	(pc) =	sbr.rel @p0 .LBB2_1-.Ltmp15, $4  }
.Ltmp16:
0x1cd: {  	_ = 	snop;
	(pc) =	sbr.rel @!p0 .LBB2_30-.Ltmp16, $4  }
0x1ce: {  	_ =	swait.ge [sflag:s6], $0x2000  }
0x1cf: {  	[sflag:s6] =	ssyncset.done $0x0  }
0x1d0: {  	[sflag:s6] =	ssyncadd.s32 $0xFFFFE000  }
0x1d1: {  	_ = 	snop  }
.LBB2_16:
.Ltmp17:
0x1d2: {  	(pc) =	sbr.rel .LBB2_21-.Ltmp17, $3  }
0x1d3: {  	_ =	sdelay $0x1  }
0x1d4: {  	v28 =	vimm.s32 $0x0;
	v29 =	vimm.s32 $0x0  }
0x1d5: {  	v31 =	vmovc v19;
	v33 =	vmovc v18;
	v23 =	vimm.s32 $0x0;
	v21 =	vimm.s32 $0x0;
	v32 =	vmov v16  }
.LBB2_18:
.Ltmp18:
0x1d6: {  	(pc) =	sbr.rel .LBB2_21-.Ltmp18, $3  }
0x1d7: {  	_ =	sdelay $0x1  }
0x1d8: {  	v19 =	vmovc v27;
	v28 =	vimm.s32 $0x0;
	v29 =	vimm.s32 $0x0;
	v18 =	vmovc v26;
	v31 =	vmov v27  }
0x1d9: {  	s13 =	simm.s32 $0xFF;
	s11 =	simm.s32 $0xFE;
	v33 =	vmovc v26;
	v17 =	vmovc v24;
	v16 =	vmov v30;
	v32 =	vmov v30;
	vm3 =	vmmov vm0  }
.LBB2_30:
0x1da: {  	_ =	sfence.sel $0x180000  }
0x1db: {  	[bflag:$0x0] =	sbarrier.arrive $0xFFFF  }
0x1dc: {  	p0 =	sne.s32 s2, $0x0;
	_ =	strace $0x90000047  }
0x1dd: {  	s0 =	sadd.s32 @!p0 $0x100000, s0;
	[bflag:$0x2] =	sbarrier.arrive $0xFFFF  }
0x1de: {  	[sflag:s0] =	ssyncadd.tile.s32 @!p0 $0x1;
	_ =	shalt  }
.Lfunc_end2:
_tile_overlayer_lowered:
.L_overlay_start_2:
0x1df: {  	(tag) =	ssettag $0x2  }
0x1e0: {  	s0 =	rddreg [dreg:$0x0];
	s2 =	stileid.u32  }
0x1e1: {  	s1 =	rddreg [dreg:$0x1];
	p0 =	sne.s32 s2, $0x0  }
0x1e2: {  	s3 =	rddreg [dreg:$0x2];
	[bflag:$0x3] =	sbarrier.arrive $0xFFFF;
	s2 =	simm.s32 @!p0 $0x1C01  }
0x1e3: {  	[timem:s3], [sflag:s2] =	dma.local @!p0 [hbm:s0], s1  }
0x1e4: {  	s0 =	simm.s32 @!p0 $0x1  }
0x1e5: {  	_ =	swait.ge @!p0 [sflag:s0], s1  }
0x1e6: {  	s1 =	ssub.s32 @!p0 $0x0, s1;
	[sflag:s0] =	ssyncset.done @!p0 $0x0  }
0x1e7: {  	[sflag:s0] =	ssyncadd.s32 @!p0 s1  }
0x1e8: {  	[bflag:$0x3] =	sbarrier.arrive $0xFFFF  }
0x1e9: {  	_ =	shalt  }

// kernel: _topk_sc.7.cloned.1.call-start
scs
__scs_entry_jumppad:
0x0: {  	(pc) =	sbr.rel $0x88, $3  }
0x1: {  	(tag) =	ssettag $0x0;
	lr =	simm.s32 $0x1  }
0x2: {  	[smem:$0x3FA0] =	sst lr;
	_ =	strace $0xD0000000  }
0x3: {  	_ = 	snop  }
0x4: {  	_ = 	snop  }
0x5: {  	_ = 	snop  }
0x6: {  	_ = 	snop  }
0x7: {  	_ = 	snop  }
__scs_overlays_trampoline_lowered:
0x8: {  	[smem:$0x3FAF] =	sst s0  }
0x9: {  	[smem:$0x3FB0] =	sst s1  }
0xa: {  	[smem:$0x3FB1] =	sst s2  }
0xb: {  	[smem:$0x3FB2] =	sst s3  }
0xc: {  	[smem:$0x3FB3] =	sst s4  }
0xd: {  	[smem:$0x3FB4] =	sst s5  }
0xe: {  	[smem:$0x3FB5] =	sst s6  }
0xf: {  	[smem:$0x3FB6] =	sst s7  }
0x10: {  	[smem:$0x3FB7] =	sst s8  }
0x11: {  	[smem:$0x3FB8] =	sst s9;
	s0 =	simm.s32 @!p0 $0x0  }
0x12: {  	s1 =	sld [smem:$0x3F9E];
	s0 =	simm.s32 @p0 $0x1  }
0x13: {  	[smem:$0x3FB9] =	sst s0;
	s0 =	simm.s32 @!p1 $0x0  }
0x14: {  	s2 =	sld [smem:$0x3F9D];
	s0 =	simm.s32 @p1 $0x1  }
0x15: {  	[smem:$0x3FBA] =	sst s0;
	s0 =	simm.s32 @!p2 $0x0  }
0x16: {  	s3 =	sld [smem:$0x3FDB];
	s0 =	simm.s32 @p2 $0x1  }
0x17: {  	s4 =	simm.s32 $0x1BF5;
	[smem:$0x3FBC] =	sst s0  }
0x18: {  	s0 =	sld [smem:$0x3F9F];
	_ =	swait.ge [sflag:s4], $0x0  }
0x19: {  	s7 =	sld [smem:$0x3FA0]  }
0x1a: {  	s8 =	sadd.s32 $0xFFFFE003, lr  }
0x1b: {  	s9 =	sadd.s32 $0xFFFFFEF7, lr;
	s5 =	simm.s32 $0xFFFFFFFF;
	p2 =	slt.u32 s8, $0xFFFFF086  }
0x1c: {  	p1 =	slt.u32 s9, $0xF7A;
	s5 =	simm.s32 @!p2 $0x0  }
0x1d: {  	s5 =	simm.s32 @p1 $0x1;
	p0 =	seq.s32 s7, s2  }
0x1e: {  	s7 =	smul.u32 @!p0 $0xF7A, s2;
	p2 =	seq.s32 @!p0 s5, $0x0  }
0x1f: {  	s9 =	smul.u32 $0xF7A, s1;
	s8 =	simm.s32 @!p0 $0x1BF5;
	p2 =	por !p2, p0  }
0x20: {  	[sflag:s8] =	ssyncset.s32 @!p0 $0xFFFFF086;
	s6 =	sadd.s32 @!p0 s3, s7;
	s7 =	simm.s32 @!p0 $0x108  }
0x21: {  	s3 =	sadd.s32 s3, s9;
	s6 =	sadd.s32 @!p0 $0x88, s6;
	s7 =	simm.s32 @p2 $0x1082  }
0x22: {  	[simem:s7], [sflag:s8] =	dma.local @!p0 [hbm:s6], $0xF7A  }
0x23: {  	s9 =	sor.u32 $0xD0000000, s2;
	s6 =	simm.s32 $0x108;
	_ =	swait.ge @!p0 [sflag:s8], $0x0  }
0x24: {  	s3 =	sadd.s32 $0x88, s3;
	s6 =	simm.s32 @!p1 $0x1082;
	[sflag:s4] =	ssyncset.s32 $0xFFFFF086  }
0x25: {  	[simem:s6], [sflag:s4] =	dma.local [hbm:s3], $0xF7A  }
0x26: {  	[smem:$0x3FA0] =	sst s1;
	(tag) =	ssettag s2;
	_ =	strace s9  }
0x27: {  	s1 =	sld [smem:$0x3FB0]  }
0x28: {  	s2 =	sld [smem:$0x3FB1]  }
0x29: {  	s4 =	sld [smem:$0x3FB3]  }
0x2a: {  	p0 =	seq.s32 s5, $0x0;
	s5 =	sld [smem:$0x3FB4]  }
0x2b: {  	s6 =	sld [smem:$0x3FB5]  }
0x2c: {  	s7 =	sld [smem:$0x3FB6]  }
0x2d: {  	s3 =	simm.s32 $0x108;
	s8 =	sld [smem:$0x3FB7]  }
0x2e: {  	s3 =	simm.s32 @!p0 $0x1082;
	s9 =	sld [smem:$0x3FB8]  }
0x2f: {  	lr =	sadd.s32 s0, s3;
	s0 =	sld [smem:$0x3FAF]  }
0x30: {  	s3 =	sld [smem:$0x3FB2]  }
0x31: {  	[smem:$0x3FBB] =	sst s10  }
0x32: {  	s10 =	sld [smem:$0x3FB9];
	_ =	sdelay $0x3  }
0x33: {  	p0 =	seq.s32 s10, $0x1;
	s10 =	sld [smem:$0x3FBB];
	_ =	sdelay $0x3  }
0x34: {  	[smem:$0x3FBB] =	sst s10  }
0x35: {  	s10 =	sld [smem:$0x3FBA];
	_ =	sdelay $0x3  }
0x36: {  	p1 =	seq.s32 s10, $0x1;
	s10 =	sld [smem:$0x3FBB];
	_ =	sdelay $0x3  }
0x37: {  	[smem:$0x3FBB] =	sst s10  }
0x38: {  	s10 =	sld [smem:$0x3FBC]  }
0x39: {  	_ = 	snop;
	(pc) =	sbr.ind lr, $3  }
0x3a: {  	_ = 	snop  }
0x3b: {  	_ = 	snop  }
0x3c: {  	p2 =	seq.s32 s10, $0x1;
	s10 =	sld [smem:$0x3FBB]  }
0x3d: {  	_ =	shalt  }
0x3e: {  	_ =	shalt  }
0x3f: {  	_ =	shalt  }
0x40: {  	_ =	shalt  }
0x41: {  	_ =	shalt  }
0x42: {  	_ =	shalt  }
0x43: {  	_ =	shalt  }
0x44: {  	_ =	shalt  }
0x45: {  	_ =	shalt  }
0x46: {  	_ =	shalt  }
0x47: {  	_ =	shalt  }
0x48: {  	_ =	shalt  }
0x49: {  	_ =	shalt  }
0x4a: {  	_ =	shalt  }
0x4b: {  	_ =	shalt  }
0x4c: {  	_ =	shalt  }
0x4d: {  	_ =	shalt  }
0x4e: {  	_ =	shalt  }
0x4f: {  	_ =	shalt  }
0x50: {  	_ =	shalt  }
0x51: {  	_ =	shalt  }
0x52: {  	_ =	shalt  }
0x53: {  	_ =	shalt  }
0x54: {  	_ =	shalt  }
0x55: {  	_ =	shalt  }
0x56: {  	_ =	shalt  }
0x57: {  	_ =	shalt  }
0x58: {  	_ =	shalt  }
0x59: {  	_ =	shalt  }
0x5a: {  	_ =	shalt  }
0x5b: {  	_ =	shalt  }
0x5c: {  	_ =	shalt  }
0x5d: {  	_ =	shalt  }
0x5e: {  	_ =	shalt  }
0x5f: {  	_ =	shalt  }
0x60: {  	_ =	shalt  }
0x61: {  	_ =	shalt  }
0x62: {  	_ =	shalt  }
0x63: {  	_ =	shalt  }
0x64: {  	_ =	shalt  }
0x65: {  	_ =	shalt  }
0x66: {  	_ =	shalt  }
0x67: {  	_ =	shalt  }
0x68: {  	_ =	shalt  }
0x69: {  	_ =	shalt  }
0x6a: {  	_ =	shalt  }
0x6b: {  	_ =	shalt  }
0x6c: {  	_ =	shalt  }
0x6d: {  	_ =	shalt  }
0x6e: {  	_ =	shalt  }
0x6f: {  	_ =	shalt  }
0x70: {  	_ =	shalt  }
0x71: {  	_ =	shalt  }
0x72: {  	_ =	shalt  }
0x73: {  	_ =	shalt  }
0x74: {  	_ =	shalt  }
0x75: {  	_ =	shalt  }
0x76: {  	_ =	shalt  }
0x77: {  	_ =	shalt  }
0x78: {  	_ =	shalt  }
0x79: {  	_ =	shalt  }
0x7a: {  	_ =	shalt  }
0x7b: {  	_ =	shalt  }
0x7c: {  	_ =	shalt  }
0x7d: {  	_ =	shalt  }
0x7e: {  	_ =	shalt  }
0x7f: {  	_ =	shalt  }
0x80: {  	_ =	shalt  }
0x81: {  	_ =	shalt  }
0x82: {  	_ =	shalt  }
0x83: {  	_ =	shalt  }
0x84: {  	_ =	shalt  }
0x85: {  	_ =	shalt  }
0x86: {  	_ =	shalt  }
0x87: {  	_ =	shalt  }
.Lfunc_end0:
.L_simem_size_0:
called_computation.1_lowered:
.L_overlay_start_0:
0x88: {  	s2 =	sld [smem:$0x3FD9]  }
0x89: {  	s3 =	sld [smem:$0x3FFE];
	_ =	sdelay $0x1  }
0x8a: {  	s1 =	srdreg.scid  }
0x8b: {  	s0 =	sand.u32 $0x1, s1  }
0x8c: {  	s16 =	sshll.u32 s0, $0xA;
	s2 =	sadd.s32 s3, s2  }
0x8d: {  	s2 =	sadd.s32 s2, s16  }
0x8e: {  	[smem:$0x3FC7] =	sst s2  }
0x8f: {  	_ = 	snop  }
0x90: {  	(tm) =	ssettm $0x1  }
0x91: {  	s17 =	sld [smem:$0x3FFB];
	_ =	sdelay $0x3  }
0x92: {  	_ =	strace s17  }
0x93: {  	s2 =	sld [smem:$0x3FFC];
	_ =	sdelay $0x3  }
0x94: {  	_ =	strace s2  }
0x95: {  	s2 =	sld [smem:$0x3FFD];
	_ =	sdelay $0x3  }
0x96: {  	_ =	strace s2  }
0x97: {  	_ =	strace $0x8FFFFFFF  }
0x98: {  	s18 =	sld [smem:$0x3FDB];
	_ =	sdelay $0x1  }
0x99: {  	s19 =	simm.s32 $_scs_section_size  }
0x9a: {  	s4 =	simm.s32 $_size__tile_overlayer_lowered;
	s5 =	simm.s32 $_tile_overlayer_lowered  }
0x9b: {  	s22 =	simm.s32 $0x1BFF;
	s21 =	sshll.u32 s5, $0x1;
	s2 =	sadd.s32 s19, s18  }
0x9c: {  	s6 =	simm.s32 $0x0;
	s20 =	sshll.u32 s4, $0x1;
	s4 =	sadd.s32 s21, s2  }
0x9d: {  	[timem:s6], [sflag:s22] =	dma.local [hbm:s4], s20  }
0x9e: {  	_ =	swait.ge [sflag:s22], s20  }
0x9f: {  	s3 =	ssub.s32 $0x0, s20;
	[sflag:s22] =	ssyncset.done $0x0  }
0xa0: {  	[sflag:s22] =	ssyncadd.s32 s3;
	_ =	sdelay $0x1  }
0xa1: {  	s23 =	simm.s32 $0x1B8B  }
0xa2: {  	_ =	swait.ge [sflag:s23], $0x1  }
0xa3: {  	[sflag:s23] =	ssyncset.done $0x0  }
0xa4: {  	s25 =	simm.s32 $0x1B8E;
	s24 =	sld [smem:$0x3FFE];
	[sflag:s23] =	ssyncadd.s32 $0xFFFFFFFF  }
0xa5: {  	s26 =	simm.s32 $execute0_lowered;
	[smem:$0x3FD2] =	sst s25  }
0xa6: {  	s4 =	sshll.u32 s26, $0x1;
	_ =	strace $0x80000049;
	[dreg:$0x1] =	wrdreg $0xFFFFFFFF  }
0xa7: {  	s28 =	simm.s32 $_size_execute0_lowered;
	s2 =	sadd.s32 s2, s4;
	[dreg:$0x0] =	wrdreg $0x0  }
0xa8: {  	s4 =	sshll.u32 s28, $0x1;
	[dreg:$0x2] =	wrdreg s2  }
0xa9: {  	[dreg:$0x3] =	wrdreg s4  }
0xaa: {  	[dreg:$0x4] =	wrdreg $0xC0  }
0xab: {  	_ =	task [dreg:s6], $0x5FFFF  }
0xac: {  	[dreg:$0x1] =	wrdreg $0xFFFFFFFF  }
0xad: {  	[dreg:$0x0] =	wrdreg $0x60  }
0xae: {  	[dreg:$0x2] =	wrdreg s24  }
0xaf: {  	[dreg:$0x3] =	wrdreg $0x9  }
0xb0: {  	_ =	task.clear_ibuf [dreg:s6], $0x4FFFF;
	_ =	strace $0x90000049  }
0xb1: {  	s29 =	simm.s32 $0x9;
	_ =	strace $0x8000004B  }
0xb2: {  	_ =	swait.ge [sflag:s29], $0x1  }
0xb3: {  	[sflag:s29] =	ssyncadd.s32 $0xFFFFFFFF  }
0xb4: {  	_ =	strace $0x9000004B  }
0xb5: {  	_ =	sfence  }
0xb6: {  	s30 =	sld [smem:$0x0];
	_ =	sdelay $0x2  }
0xb7: {  	s31 =	sshll.u32 s1, $0xD;
	s1 =	sshrl.u32 s1, $0x2  }
0xb8: {  	s3 =	sand.u32 $0x4000, s31;
	s1 =	sadd.s32 s1, s30  }
0xb9: {  	s0 =	sor.u32 s3, s0;
	s1 =	sshll.u32 s1, $0x11  }
0xba: {  	s0 =	sor.u32 s1, s0  }
0xbb: {  	s0 =	sadd.s32 $0x8F2B, s0  }
0xbc: {  	[sflag:s0] =	ssyncadd.remote.s32 $0x1  }
0xbd: {  	_ =	sfence.sel $0xFFFF  }
0xbe: {  	[dreg:$0x0] =	wrdreg $0xFFFFFFFF;
	(pc) =	sbr.abs _section_cstart, $3  }
0xbf: {  	[dreg:$0x1] =	wrdreg $0xFFFFFFFF  }
0xc0: {  	_ =	task.clear_ibuf [dreg:s6], $0x2FFFF;
	_ =	strace $0x9FFFFFFF  }
0xc1: {  	(tm) =	ssettm $0x7FFFFFFF  }
tec
execute0_lowered:
.L_overlay_start_1:
0x0: {  	(tag) =	ssettag $0x1  }
0x1: {  	s0 =	rddreg [dreg:$0x0]  }
0x2: {  	s1 =	srdreg.scid;
	s2 =	simm.s32 $0x0;
	s3 =	stileid.u32  }
0x3: {  	s22 =	simm.s32 $0x1;
	s21 =	simm.s32 $0x1800;
	s23 =	simm.s32 $0x1A00  }
0x4: {  	s24 =	simm.s32 $0x1C00;
	s25 =	simm.s32 $0x1E00;
	s1 =	sand.u32 $0x1, s1  }
0x5: {  	s26 =	simm.s32 $0x2000;
	s3 =	sshll.u32 s3, $0x6;
	s4 =	sshll.u32 s1, $0xA  }
0x6: {  	s28 =	simm.s32 $0x0;
	s1 =	ssub.s32 $0x2, s1;
	s3 =	sor.u32 s4, s3  }
0x7: {  	[smem:$0x7FF] =	sst s2;
	s31 =	sshrl.u32 s1, $0x1;
	s0 =	sadd.s32 s3, s0  }
0x8: {  	_ =	strace $0x8000004A;
	s1 =	ssub.s32 s1, s31;
	s3 =	sadd.s32 $0x800, s0  }
0x9: {  	s4 =	sadd.s32 $0x1000, s0;
	s5 =	sadd.s32 $0x1800, s0;
	s6 =	sadd.s32 $0x2000, s0  }
0xa: {  	s7 =	sadd.s32 $0x2800, s0;
	s8 =	sadd.s32 $0x3000, s0;
	s9 =	sadd.s32 $0x3800, s0  }
0xb: {  	v0 =	vlaneseq.u32;
	s10 =	sadd.s32 $0x4000, s0;
	s11 =	sadd.s32 $0x4800, s0;
	s12 =	sadd.s32 $0x5000, s0  }
0xc: {  	v0 =	vmul.u32 $0xFFFFFFFF, v0;
	s13 =	sadd.s32 $0x5800, s0;
	s14 =	sadd.s32 $0x6000, s0;
	s15 =	sadd.s32 $0x6800, s0  }
0xd: {  	s16 =	sadd.s32 $0x7000, s0;
	s17 =	sadd.s32 $0x7800, s0;
	s18 =	sadd.s32 $0x8000, s0  }
0xe: {  	v0 =	vadd.s32 $0xF, v0;
	s19 =	sadd.s32 $0x8800, s0;
	s20 =	smax.u32 s1, $0x1;
	s1 =	simm.s32 $0x1600  }
.LBB2_1:
0xf: {  	s0 =	simm.s32 $0x200  }
0x10: {  	[tilespmem:s0], [sflag:$0x1] =	stream.linear.gather [hbm4b:s3+s2], $0x200, $0x38;
	[tilespmem:$0x2200] =	vst v63  }
0x11: {  	_ =	swait.ge [sflag:s22], $0x200  }
0x12: {  	[sflag:s22] =	ssyncset.done $0x0  }
0x13: {  	s0 =	simm.s32 $0x400;
	[sflag:s22] =	ssyncadd.s32 $0xFFFFFE00  }
0x14: {  	[tilespmem:s0], [sflag:$0x1] =	stream.linear.gather [hbm4b:s4+s2], $0x200, $0x38;
	[tilespmem:$0x2200] =	vst v63  }
0x15: {  	_ =	swait.ge [sflag:s22], $0x200  }
0x16: {  	[sflag:s22] =	ssyncset.done $0x0  }
0x17: {  	s0 =	simm.s32 $0x600;
	[sflag:s22] =	ssyncadd.s32 $0xFFFFFE00  }
0x18: {  	[tilespmem:s0], [sflag:$0x1] =	stream.linear.gather [hbm4b:s5+s2], $0x200, $0x38;
	[tilespmem:$0x2200] =	vst v63  }
0x19: {  	_ =	swait.ge [sflag:s22], $0x200  }
0x1a: {  	[sflag:s22] =	ssyncset.done $0x0  }
0x1b: {  	s0 =	simm.s32 $0x800;
	[sflag:s22] =	ssyncadd.s32 $0xFFFFFE00  }
0x1c: {  	[tilespmem:s0], [sflag:$0x1] =	stream.linear.gather [hbm4b:s6+s2], $0x200, $0x38;
	[tilespmem:$0x2200] =	vst v63  }
0x1d: {  	_ =	swait.ge [sflag:s22], $0x200  }
0x1e: {  	[sflag:s22] =	ssyncset.done $0x0  }
0x1f: {  	s0 =	simm.s32 $0xA00;
	[sflag:s22] =	ssyncadd.s32 $0xFFFFFE00  }
0x20: {  	[tilespmem:s0], [sflag:$0x1] =	stream.linear.gather [hbm4b:s7+s2], $0x200, $0x38;
	[tilespmem:$0x2200] =	vst v63  }
0x21: {  	_ =	swait.ge [sflag:s22], $0x200  }
0x22: {  	[sflag:s22] =	ssyncset.done $0x0  }
0x23: {  	s0 =	simm.s32 $0xC00;
	[sflag:s22] =	ssyncadd.s32 $0xFFFFFE00  }
0x24: {  	[tilespmem:s0], [sflag:$0x1] =	stream.linear.gather [hbm4b:s8+s2], $0x200, $0x38;
	[tilespmem:$0x2200] =	vst v63  }
0x25: {  	_ =	swait.ge [sflag:s22], $0x200  }
0x26: {  	[sflag:s22] =	ssyncset.done $0x0  }
0x27: {  	s0 =	simm.s32 $0xE00;
	[sflag:s22] =	ssyncadd.s32 $0xFFFFFE00  }
0x28: {  	[tilespmem:s0], [sflag:$0x1] =	stream.linear.gather [hbm4b:s9+s2], $0x200, $0x38;
	[tilespmem:$0x2200] =	vst v63  }
0x29: {  	_ =	swait.ge [sflag:s22], $0x200  }
0x2a: {  	[sflag:s22] =	ssyncset.done $0x0  }
0x2b: {  	s0 =	simm.s32 $0x1000;
	[sflag:s22] =	ssyncadd.s32 $0xFFFFFE00  }
0x2c: {  	[tilespmem:s0], [sflag:$0x1] =	stream.linear.gather [hbm4b:s10+s2], $0x200, $0x38;
	[tilespmem:$0x2200] =	vst v63  }
0x2d: {  	_ =	swait.ge [sflag:s22], $0x200  }
0x2e: {  	[sflag:s22] =	ssyncset.done $0x0  }
0x2f: {  	s0 =	simm.s32 $0x1200;
	[sflag:s22] =	ssyncadd.s32 $0xFFFFFE00  }
0x30: {  	[tilespmem:s0], [sflag:$0x1] =	stream.linear.gather [hbm4b:s11+s2], $0x200, $0x38;
	[tilespmem:$0x2200] =	vst v63  }
0x31: {  	_ =	swait.ge [sflag:s22], $0x200  }
0x32: {  	[sflag:s22] =	ssyncset.done $0x0  }
0x33: {  	s0 =	simm.s32 $0x1400;
	[sflag:s22] =	ssyncadd.s32 $0xFFFFFE00  }
0x34: {  	[tilespmem:s0], [sflag:$0x1] =	stream.linear.gather [hbm4b:s12+s2], $0x200, $0x38;
	[tilespmem:$0x2200] =	vst v63  }
0x35: {  	_ =	swait.ge [sflag:s22], $0x200  }
0x36: {  	[sflag:s22] =	ssyncset.done $0x0  }
0x37: {  	[sflag:s22] =	ssyncadd.s32 $0xFFFFFE00  }
0x38: {  	[tilespmem:s1], [sflag:$0x1] =	stream.linear.gather [hbm4b:s13+s2], $0x200, $0x38;
	[tilespmem:$0x2200] =	vst v63  }
0x39: {  	_ =	swait.ge [sflag:s22], $0x200  }
0x3a: {  	[sflag:s22] =	ssyncset.done $0x0  }
0x3b: {  	[sflag:s22] =	ssyncadd.s32 $0xFFFFFE00  }
0x3c: {  	[tilespmem:s21], [sflag:$0x1] =	stream.linear.gather [hbm4b:s14+s2], $0x200, $0x38;
	[tilespmem:$0x2200] =	vst v63  }
0x3d: {  	_ =	swait.ge [sflag:s22], $0x200  }
0x3e: {  	[sflag:s22] =	ssyncset.done $0x0  }
0x3f: {  	[sflag:s22] =	ssyncadd.s32 $0xFFFFFE00  }
0x40: {  	[tilespmem:s23], [sflag:$0x1] =	stream.linear.gather [hbm4b:s15+s2], $0x200, $0x38;
	[tilespmem:$0x2200] =	vst v63  }
0x41: {  	_ =	swait.ge [sflag:s22], $0x200  }
0x42: {  	[sflag:s22] =	ssyncset.done $0x0  }
0x43: {  	[sflag:s22] =	ssyncadd.s32 $0xFFFFFE00  }
0x44: {  	[tilespmem:s24], [sflag:$0x1] =	stream.linear.gather [hbm4b:s16+s2], $0x200, $0x38;
	[tilespmem:$0x2200] =	vst v63  }
0x45: {  	_ =	swait.ge [sflag:s22], $0x200  }
0x46: {  	[sflag:s22] =	ssyncset.done $0x0  }
0x47: {  	[sflag:s22] =	ssyncadd.s32 $0xFFFFFE00  }
0x48: {  	[tilespmem:s25], [sflag:$0x1] =	stream.linear.gather [hbm4b:s17+s2], $0x200, $0x38;
	[tilespmem:$0x2200] =	vst v63  }
0x49: {  	_ =	swait.ge [sflag:s22], $0x200  }
0x4a: {  	[sflag:s22] =	ssyncset.done $0x0  }
0x4b: {  	[sflag:s22] =	ssyncadd.s32 $0xFFFFFE00  }
0x4c: {  	[tilespmem:s26], [sflag:$0x1] =	stream.linear.gather [hbm4b:s18+s2], $0x200, $0x38;
	[tilespmem:$0x2200] =	vst v63  }
0x4d: {  	_ =	swait.ge [sflag:s22], $0x200  }
0x4e: {  	[sflag:s22] =	ssyncset.done $0x0  }
0x4f: {  	s29 =	simm.s32 $0x0;
	[sflag:s22] =	ssyncadd.s32 $0xFFFFFE00  }
0x50: {  	v3 =	vld [tilespmem:s29+$0x200]  }
0x51: {  	v4 =	vld [tilespmem:s29+$0x210]  }
0x52: {  	v5 =	vld [tilespmem:s29+$0x220]  }
0x53: {  	v6 =	vld [tilespmem:s29+$0x230]  }
0x54: {  	v1 =	vld [tilespmem:s29+$0x400]  }
0x55: {  	v2 =	vld [tilespmem:s29+$0x410]  }
0x56: {  	v7 =	vld [tilespmem:s29+$0x420]  }
0x57: {  	v8 =	vld [tilespmem:s29+$0x430]  }
0x58: {  	v9 =	vld [tilespmem:s29+$0x600]  }
0x59: {  	v10 =	vld [tilespmem:s29+$0x610]  }
0x5a: {  	v11 =	vld [tilespmem:s29+$0x620]  }
0x5b: {  	v12 =	vld [tilespmem:s29+$0x630]  }
0x5c: {  	v13 =	vld [tilespmem:s29+$0xA00]  }
0x5d: {  	v14 =	vld [tilespmem:s29+$0x800]  }
0x5e: {  	v15 =	vld [tilespmem:s29+$0x810]  }
0x5f: {  	v16 =	vld [tilespmem:s29+$0x820]  }
0x60: {  	v17 =	vld [tilespmem:s29+$0x830]  }
0x61: {  	v18 =	vld [tilespmem:s29+$0xC00]  }
0x62: {  	v19 =	vld [tilespmem:s29+$0xC10]  }
0x63: {  	v20 =	vld [tilespmem:s29+$0xC20]  }
0x64: {  	v21 =	vld [tilespmem:s29+$0xC30]  }
0x65: {  	v22 =	vld [tilespmem:s29+$0x1400]  }
0x66: {  	v23 =	vld [tilespmem:s29+$0x1410]  }
0x67: {  	v24 =	vld [tilespmem:s29+$0x1420]  }
0x68: {  	v25 =	vld [tilespmem:s29+$0x1430]  }
0x69: {  	v26 =	vld [tilespmem:s29+$0x1000]  }
0x6a: {  	v27 =	vld [tilespmem:s29+$0x1010]  }
0x6b: {  	v28 =	vld [tilespmem:s29+$0x1030]  }
0x6c: {  	v29 =	vld [tilespmem:s29+$0x1020]  }
0x6d: {  	v30 =	vld [tilespmem:s29+$0x1830]  }
0x6e: {  	v31 =	vld [tilespmem:s29+$0xA10]  }
0x6f: {  	v32 =	vld [tilespmem:s29+$0xA20]  }
0x70: {  	v33 =	vld [tilespmem:s29+$0xA30]  }
0x71: {  	v34 =	vld [tilespmem:s29+$0x1200]  }
0x72: {  	v35 =	vld [tilespmem:s29+$0x1210]  }
0x73: {  	v36 =	vld [tilespmem:s29+$0x1220];
	v8 =	vperm.xlane v8, v0  }
0x74: {  	v37 =	vld [tilespmem:s29+$0x1230];
	v7 =	vperm.xlane v7, v0;
	v42 =	vperm.xlane v2, v0  }
0x75: {  	v39 =	vld [tilespmem:s29+$0x1800];
	v43 =	vperm.xlane v1, v0;
	v17 =	vperm.xlane v17, v0  }
0x76: {  	v40 =	vld [tilespmem:s29+$0x1810];
	v16 =	vperm.xlane v16, v0;
	v15 =	vperm.xlane v15, v0  }
0x77: {  	v41 =	vld [tilespmem:s29+$0x1820];
	v14 =	vperm.xlane v14, v0;
	v21 =	vperm.xlane v21, v0  }
0x78: {  	v44 =	vld [tilespmem:s29+$0x1C20];
	v20 =	vperm.xlane v20, v0;
	v19 =	vperm.xlane v19, v0  }
0x79: {  	v45 =	vld [tilespmem:s29+$0x1C30];
	v18 =	vperm.xlane v18, v0;
	v25 =	vperm.xlane v25, v0  }
0x7a: {  	v47 =	vld [tilespmem:s29+$0x2020];
	v24 =	vperm.xlane v24, v0;
	v23 =	vperm.xlane v23, v0  }
0x7b: {  	v48 =	vld [tilespmem:s29+$0x2030];
	v28 =	vperm.xlane v28, v0;
	v22 =	vperm.xlane v22, v0  }
0x7c: {  	v49 =	vld [tilespmem:s29+$0x2010];
	v29 =	vperm.xlane v29, v0;
	v27 =	vperm.xlane v27, v0  }
0x7d: {  	v46 =	vld [tilespmem:s29+$0x2000];
	v26 =	vperm.xlane v26, v0;
	v30 =	vperm.xlane v30, v0  }
0x7e: {  	v38 =	vld [tilespmem:s29+$0xE00];
	v41 =	vperm.xlane v41, v0;
	v40 =	vperm.xlane v40, v0  }
0x7f: {  	v50 =	vld [tilespmem:s29+$0xE10];
	v39 =	vperm.xlane v39, v0;
	v45 =	vperm.xlane v45, v0  }
0x80: {  	v51 =	vld [tilespmem:s29+$0xE20];
	v44 =	vperm.xlane v44, v0;
	v48 =	vperm.xlane v48, v0  }
0x81: {  	v52 =	vld [tilespmem:s29+$0xE30];
	v47 =	vperm.xlane v47, v0;
	v49 =	vperm.xlane v49, v0  }
0x82: {  	v53 =	vld [tilespmem:s29+$0x1600];
	v46 =	vperm.xlane v46, v0;
	v3 =	vmax.f32 v3, v8;
	v4 =	vmax.f32 v4, v7  }
0x83: {  	v54 =	vld [tilespmem:s29+$0x1610];
	v5 =	vmax.f32 v5, v42;
	v6 =	vmax.f32 v6, v43;
	v8 =	vmax.f32 v9, v17  }
0x84: {  	v55 =	vld [tilespmem:s29+$0x1620];
	v9 =	vmax.f32 v10, v16;
	v11 =	vmax.f32 v11, v15;
	v12 =	vmax.f32 v12, v14  }
0x85: {  	v56 =	vld [tilespmem:s29+$0x1630];
	v13 =	vmax.f32 v13, v21;
	v15 =	vmax.f32 v31, v20;
	v16 =	vmax.f32 v32, v19  }
0x86: {  	v1 =	vld [tilespmem:s29+$0x1C00];
	v17 =	vmax.f32 v33, v18;
	v19 =	vmax.f32 v34, v25;
	v20 =	vmax.f32 v35, v24  }
0x87: {  	v2 =	vld [tilespmem:s29+$0x1C10];
	v21 =	vmax.f32 v36, v23;
	v63 =	vmax.f32 v38, v28;
	v36 =	vmax.f32 v50, v29  }
0x88: {  	v7 =	vld [tilespmem:s29+$0x1A00];
	v22 =	vmax.f32 v37, v22;
	v27 =	vmax.f32 v51, v27;
	v26 =	vmax.f32 v52, v26  }
0x89: {  	v10 =	vld [tilespmem:s29+$0x1A10];
	v42 =	vmax.f32 v53, v30;
	v43 =	vmax.f32 v54, v41;
	v50 =	vmax.f32 v55, v40  }
0x8a: {  	v14 =	vld [tilespmem:s29+$0x1E00];
	v51 =	vmax.f32 v56, v39;
	v52 =	vmax.f32 v3, v5;
	v3 =	vmin.f32 v3, v5  }
0x8b: {  	v18 =	vld [tilespmem:s29+$0x1E10];
	v5 =	vmax.f32 v4, v6;
	v4 =	vmin.f32 v4, v6;
	v53 =	vmax.f32 v8, v11  }
0x8c: {  	v23 =	vld [tilespmem:s29+$0x1E20];
	v8 =	vmin.f32 v8, v11;
	v11 =	vmax.f32 v9, v12;
	v6 =	vmax.f32 v52, v5  }
0x8d: {  	v38 =	vld [tilespmem:s29+$0x1E30];
	v5 =	vmin.f32 v52, v5;
	v2 =	vperm.xlane v2, v0;
	v1 =	vperm.xlane v1, v0  }
0x8e: {  	s30 =	simm.s32 $0x80;
	(xrf1) =	vsort.dscd.msk.f32 $0xffff, v6, v6;
	v6 =	vmax.f32 v3, v4;
	v3 =	vmin.f32 v3, v4  }
0x8f: {  	v52 =	vld [tilespmem:s30+$0x1430];
	v4 =	vmin.f32 v9, v12;
	v9 =	vmin.f32 v13, v16;
	(xrf1) =	vsort.dscd.msk.f32 $0xffff, v5, v5  }
0x90: {  	v5 =	vmax.f32 v53, v11;
	v7 =	vmax.f32 v7, v45;
	v10 =	vmax.f32 v10, v44  }
0x91: {  	v14 =	vmax.f32 v14, v48;
	v18 =	vmax.f32 v18, v47;
	v23 =	vmax.f32 v23, v49  }
0x92: {  	v28 =	vmax.f32 v38, v46;
	(xrf1) =	vsort.dscd.msk.f32 $0xffff, v6, v6;
	v6 =	vmax.f32 v13, v16  }
0x93: {  	(xrf1) =	vsort.dscd.msk.f32 $0xffff, v3, v3;
	v3 =	vmin.f32 v53, v11;
	v11 =	vmax.f32 v15, v17  }
0x94: {  	(xrf1) =	vsort.dscd.msk.f32 $0xffff, v5, v5;
	v5 =	vmax.f32 v8, v4;
	v24 =	vperm.xlane v52, v0  }
0x95: {  	(xrf1) =	vsort.dscd.msk.f32 $0xffff, v3, v3;
	v3 =	vmin.f32 v8, v4;
	v4 =	vmin.f32 v15, v17  }
0x96: {  	v8 =	vmax.f32 v19, v21;
	v15 =	vmin.f32 v42, v50;
	(xrf1) =	vsort.dscd.msk.f32 $0xffff, v5, v5  }
0x97: {  	v17 =	vmin.f32 v43, v51;
	v5 =	vmax.f32 v6, v11;
	(xrf1) =	vsort.dscd.msk.f32 $0xffff, v3, v3  }
0x98: {  	v3 =	vmin.f32 v6, v11;
	v6 =	vmin.f32 v19, v21;
	(xrf1) =	vsort.dscd.msk.f32 $0xffff, v5, v5  }
0x99: {  	v11 =	vmax.f32 v20, v22;
	v5 =	vmax.f32 v9, v4;
	(xrf1) =	vsort.dscd.msk.f32 $0xffff, v3, v3  }
0x9a: {  	v3 =	vmin.f32 v9, v4;
	v4 =	vmin.f32 v20, v22;
	(xrf1) =	vsort.dscd.msk.f32 $0xffff, v5, v5  }
0x9b: {  	v9 =	vmax.f32 v8, v11;
	v8 =	vmin.f32 v8, v11;
	(xrf1) =	vsort.dscd.msk.f32 $0xffff, v3, v3  }
0x9c: {  	v5 =	vmax.f32 v63, v27;
	v11 =	vmax.f32 v6, v4;
	(xrf1) =	vsort.dscd.msk.f32 $0xffff, v9, v9  }
0x9d: {  	v3 =	vmin.f32 v63, v27;
	v9 =	vmax.f32 v36, v26;
	(xrf1) =	vsort.dscd.msk.f32 $0xffff, v8, v8  }
0x9e: {  	v8 =	vmin.f32 v36, v26;
	v12 =	vmax.f32 v5, v9;
	v13, _, _ =	vpop (xrf1);
	(xrf1) =	vsort.dscd.msk.f32 $0xffff, v11, v11  }
0x9f: {  	v5 =	vmin.f32 v5, v9;
	v9 =	vmax.f32 v42, v50;
	v11, _, _ =	vpop (xrf1);
	(xrf1) =	vsort.dscd.msk.f32 $0xffff, v12, v12  }
0xa0: {  	v12 =	vmax.f32 v3, v8;
	v16, _, _ =	vpop (xrf1);
	(xrf1) =	vsort.dscd.msk.f32 $0xffff, v5, v5;
	v5 =	vmax.f32 v43, v51  }
0xa1: {  	v3 =	vmin.f32 v3, v8;
	v8, _, _ =	vpop (xrf1);
	(xrf1) =	vsort.dscd.msk.f32 $0xffff, v12, v12;
	v12 =	vld [tilespmem:s29+$0x1A20];
	v19 =	vmax.f32 v9, v5  }
0xa2: {  	v5 =	vmin.f32 v9, v5;
	v9 =	vmax.f32 v14, v23;
	v20, _, _ =	vpop (xrf1);
	(xrf1) =	vsort.dscd.msk.f32 $0xffff, v3, v3;
	v3 =	vld [tilespmem:s29+$0x1A30]  }
0xa3: {  	v14 =	vmin.f32 v14, v23;
	v21, _, _ =	vpop (xrf1);
	(xrf1) =	vsort.dscd.msk.f32 $0xffff, v19, v19;
	v19 =	vmax.f32 v15, v17  }
0xa4: {  	v22, _, _ =	vpop (xrf1);
	(xrf1) =	vsort.dscd.msk.f32 $0xffff, v5, v5;
	v5 =	vmin.f32 v15, v17;
	v15 =	vmax.f32 v18, v28  }
0xa5: {  	v48 =	vld [tilespmem:s30+$0xC30];
	v18 =	vmin.f32 v18, v28;
	v17, _, _ =	vpop (xrf1);
	(xrf1) =	vsort.dscd.msk.f32 $0xffff, v19, v19;
	v19 =	vmax.f32 v9, v15  }
0xa6: {  	v9 =	vmin.f32 v9, v15;
	v23, _, _ =	vpop (xrf1);
	(xrf1) =	vsort.dscd.msk.f32 $0xffff, v5, v5;
	v2 =	vmax.f32 v12, v2  }
0xa7: {  	v5 =	vmax.f32 v14, v18;
	v12, _, _ =	vpop (xrf1);
	(xrf1) =	vsort.dscd.msk.f32 $0xffff, v19, v19;
	v1 =	vmax.f32 v3, v1  }
0xa8: {  	v3 =	vmin.f32 v14, v18;
	v14, _, _ =	vpop (xrf1);
	(xrf1) =	vsort.dscd.msk.f32 $0xffff, v5, v5;
	v5 =	vmax.f32 v7, v2  }
0xa9: {  	v15, _, _ =	vpop (xrf1);
	(xrf1) =	vsort.dscd.msk.f32 $0xffff, v3, v3;
	v3 =	vmin.f32 v6, v4;
	v4 =	vmax.f32 v10, v1  }
0xaa: {  	v32 =	vperm.xlane v48, v0;
	v2 =	vmin.f32 v7, v2;
	v6, _, _ =	vpop (xrf1);
	v7 =	vmax.f32 v5, v4  }
0xab: {  	v20 =	vperm.xlane v20, v0;
	v19 =	vperm.xlane v21, v0;
	(xrf1) =	vsort.dscd.msk.f32 $0xffff, v9, v9;
	v9, _, _ =	vpop (xrf1)  }
0xac: {  	v1 =	vmin.f32 v10, v1;
	(xrf1) =	vsort.dscd.msk.f32 $0xffff, v3, v3;
	v3 =	vmin.f32 v5, v4;
	v5, _, _ =	vpop (xrf1)  }
0xad: {  	v4 =	vmax.f32 v2, v1;
	v1 =	vmin.f32 v2, v1;
	(xrf1) =	vsort.dscd.msk.f32 $0xffff, v7, v7;
	v7, _, _ =	vpop (xrf1)  }
0xae: {  	v8 =	vmax.f32 v8, v20;
	v10 =	vperm.xlane v17, v0;
	(xrf1) =	vsort.dscd.msk.f32 $0xffff, v3, v3;
	v2, _, _ =	vpop (xrf1)  }
0xaf: {  	v17 =	vperm.xlane v22, v0;
	v16 =	vmax.f32 v16, v19;
	(xrf1) =	vsort.dscd.msk.f32 $0xffff, v4, v4;
	v3, _, _ =	vpop (xrf1)  }
0xb0: {  	v7 =	vperm.xlane v7, v0;
	(xrf1) =	vsort.dscd.msk.f32 $0xffff, v1, v1;
	v55 =	vperm.xlane v2, v0;
	v1, _, _ =	vpop (xrf1)  }
0xb1: {  	v10 =	vmax.f32 v13, v10;
	v11 =	vmax.f32 v11, v17;
	v54 =	vperm.xlane v3, v0;
	v4, _, _ =	vpop (xrf1)  }
0xb2: {  	v15 =	vmax.f32 v15, v7;
	v22 =	vperm.xlane v1, v0;
	v14 =	vmax.f32 v14, v55;
	v18, _, _ =	vpop (xrf1)  }
0xb3: {  	v59 =	vperm.xlane v4, v0;
	v12 =	vmax.f32 v12, v54;
	v21, _, _ =	vpop (xrf1);
	v18 =	vperm.xlane v18, v0  }
0xb4: {  	v20 =	vmax.f32 v23, v22;
	v41 =	vmax.f32 v12, v15;
	v3, _, _ =	vpop (xrf1);
	v21 =	vperm.xlane v21, v0  }
0xb5: {  	v40 =	vmax.f32 v20, v14;
	v14 =	vmin.f32 v20, v14;
	v56, _, _ =	vpop (xrf1);
	v57 =	vperm.xlane v3, v0  }
0xb6: {  	v18 =	vmax.f32 v5, v18;
	v26 =	vperm.xlane v56, v0;
	v21 =	vmax.f32 v9, v21  }
0xb7: {  	v37 =	vld [tilespmem:s30+$0x430];
	v58, _, _ =	vpop (xrf1);
	v9 =	vmax.f32 v10, v16;
	v10 =	vmin.f32 v10, v16;
	v16 =	vmax.f32 v11, v8  }
0xb8: {  	v45 =	vld [tilespmem:s30+$0xC00];
	v11 =	vmin.f32 v11, v8;
	v28 =	vperm.xlane v58, v0;
	v36 =	vmax.f32 v6, v57  }
0xb9: {  	v52 =	vld [tilespmem:s30+$0x1800];
	v4, _, _ =	vpop (xrf1);
	v39 =	vmax.f32 v9, v16;
	v16 =	vmin.f32 v9, v16;
	v20 =	vmax.f32 v10, v11  }
0xba: {  	v48 =	vld [tilespmem:s30+$0x1230];
	v10 =	vmin.f32 v10, v11;
	v11 =	vmin.f32 v12, v15;
	v15 =	vmax.f32 v40, v41;
	v61, _, _ =	vpop (xrf1)  }
0xbb: {  	v63 =	vld [tilespmem:s30+$0x400];
	v60 =	vperm.xlane v4, v0;
	(xrf1) =	vsort.dscd.msk.f32 $0xffff, v39, v39;
	v43 =	vmax.f32 v14, v11;
	v62, _, _ =	vpop (xrf1)  }
0xbc: {  	v50 =	vld [tilespmem:s30+$0x1400];
	v11 =	vmin.f32 v14, v11;
	v13 =	vperm.xlane v61, v0;
	(xrf1) =	vsort.dscd.msk.f32 $0xffff, v16, v16;
	v17, _, _ =	vpop (xrf1)  }
0xbd: {  	v19 =	vld [tilespmem:s30+$0x410];
	v38 =	vmax.f32 v62, v59;
	(xrf1) =	vsort.dscd.msk.f32 $0xffff, v20, v20;
	v20 =	vmax.f32 v36, v18;
	v22, _, _ =	vpop (xrf1)  }
0xbe: {  	v2 =	vld [tilespmem:s30+$0x210];
	v17 =	vmax.f32 v17, v60;
	(xrf1) =	vsort.dscd.msk.f32 $0xffff, v10, v10;
	v42 =	vmax.f32 v21, v38;
	v6, _, _ =	vpop (xrf1)  }
0xbf: {  	v1 =	vld [tilespmem:s30+$0x200];
	v22 =	vmax.f32 v22, v28;
	v28 =	vmin.f32 v40, v41;
	(xrf1) =	vsort.dscd.msk.f32 $0xffff, v15, v15;
	v7, _, _ =	vpop (xrf1)  }
0xc0: {  	v55 =	vld [tilespmem:s30+$0x1830];
	v13 =	vmax.f32 v6, v13;
	(xrf1) =	vsort.dscd.msk.f32 $0xffff, v28, v28;
	v26 =	vmax.f32 v7, v26  }
0xc1: {  	v54 =	vld [tilespmem:s30+$0x1010];
	v44 =	vmax.f32 v17, v13;
	v14 =	vmin.f32 v17, v13;
	(xrf1) =	vsort.dscd.msk.f32 $0xffff, v43, v43  }
0xc2: {  	v23 =	vld [tilespmem:s30+$0x420];
	v13 =	vmax.f32 v20, v42;
	v46 =	vmax.f32 v22, v26;
	(xrf1) =	vsort.dscd.msk.f32 $0xffff, v11, v11  }
0xc3: {  	v3 =	vld [tilespmem:s30+$0x220];
	v22 =	vmin.f32 v22, v26;
	v47 =	vmax.f32 v44, v46;
	(xrf1) =	vsort.dscd.msk.f32 $0xffff, v13, v13  }
0xc4: {  	v5 =	vld [tilespmem:s30+$0x600];
	v49 =	vmax.f32 v14, v22;
	(xrf1) =	vsort.dscd.msk.f32 $0xffff, v47, v47  }
0xc5: {  	v8 =	vld [tilespmem:s30+$0x630];
	v14 =	vmin.f32 v14, v22;
	(xrf1) =	vsort.dscd.msk.f32 $0xffff, v49, v49  }
0xc6: {  	v10 =	vld [tilespmem:s30+$0x820];
	v21 =	vmin.f32 v21, v38;
	v51 =	vmin.f32 v44, v46;
	(xrf1) =	vsort.dscd.msk.f32 $0xffff, v14, v14  }
0xc7: {  	v12 =	vld [tilespmem:s30+$0x810];
	v18 =	vmin.f32 v36, v18;
	v20 =	vmin.f32 v20, v42;
	(xrf1) =	vsort.dscd.msk.f32 $0xffff, v51, v51  }
0xc8: {  	v53 =	vmax.f32 v18, v21;
	v11 =	vld [tilespmem:s30+$0xC20];
	(xrf1) =	vsort.dscd.msk.f32 $0xffff, v20, v20  }
0xc9: {  	v9 =	vld [tilespmem:s30+$0xA00];
	v18 =	vmin.f32 v18, v21;
	v21, _, _ =	vpop (xrf1);
	(xrf1) =	vsort.dscd.msk.f32 $0xffff, v53, v53  }
0xca: {  	v14 =	vld [tilespmem:s30+$0x1420];
	v29, _, _ =	vpop (xrf1);
	(xrf1) =	vsort.dscd.msk.f32 $0xffff, v18, v18  }
0xcb: {  	v25 =	vperm.xlane v54, v0;
	v54 =	vld [tilespmem:s30+$0x1C30];
	v30 =	vperm.xlane v10, v0;
	v10, _, _ =	vpop (xrf1)  }
0xcc: {  	v31 =	vperm.xlane v12, v0;
	v12 =	vld [tilespmem:s30+$0x1020];
	v33, _, _ =	vpop (xrf1)  }
0xcd: {  	v4 =	vld [tilespmem:s30+$0x230];
	v35 =	vperm.xlane v11, v0;
	v11, _, _ =	vpop (xrf1)  }
0xce: {  	v23 =	vperm.xlane v23, v0;
	v16 =	vld [tilespmem:s30+$0x800];
	v56, _, _ =	vpop (xrf1)  }
0xcf: {  	v27 =	vperm.xlane v63, v0;
	v36 =	vld [tilespmem:s30+$0xA10];
	v39 =	vperm.xlane v14, v0;
	v14, _, _ =	vpop (xrf1)  }
0xd0: {  	v34 =	vperm.xlane v55, v0;
	v23 =	vmax.f32 v2, v23;
	v2 =	vld [tilespmem:s30+$0x1A00];
	v28 =	vperm.xlane v45, v0;
	v57, _, _ =	vpop (xrf1)  }
0xd1: {  	v38 =	vld [tilespmem:s30+$0xA20];
	v13 =	vperm.xlane v37, v0;
	v43 =	vperm.xlane v12, v0;
	v12, _, _ =	vpop (xrf1)  }
0xd2: {  	v15 =	vld [tilespmem:s30+$0x830];
	v11 =	vperm.xlane v11, v0;
	v37 =	vperm.xlane v56, v0;
	v58, _, _ =	vpop (xrf1)  }
0xd3: {  	v40 =	vld [tilespmem:s30+$0xA30];
	v26 =	vperm.xlane v50, v0;
	v14 =	vperm.xlane v14, v0;
	v59, _, _ =	vpop (xrf1)  }
0xd4: {  	v6 =	vld [tilespmem:s30+$0x610];
	v11 =	vmax.f32 v33, v11;
	v41 =	vperm.xlane v57, v0;
	v10 =	vmax.f32 v10, v37;
	v60, _, _ =	vpop (xrf1)  }
0xd5: {  	v7 =	vld [tilespmem:s30+$0x620];
	v14 =	vmax.f32 v29, v14;
	v45 =	vperm.xlane v58, v0;
	v49 =	vperm.xlane v60, v0;
	v61, _, _ =	vpop (xrf1)  }
0xd6: {  	v17 =	vld [tilespmem:s30+$0xC10];
	v21 =	vmax.f32 v21, v41;
	v47 =	vperm.xlane v59, v0;
	v62 =	vperm.xlane v61, v0;
	v63, _, _ =	vpop (xrf1)  }
0xd7: {  	v42 =	vld [tilespmem:s30+$0x1200];
	v60 =	vmax.f32 v21, v10;
	v61 =	vmax.f32 v14, v11;
	v56, _, _ =	vpop (xrf1);
	v12 =	vmax.f32 v12, v49  }
0xd8: {  	v50 =	vld [tilespmem:s30+$0xE00];
	v58 =	vmax.f32 v63, v47;
	v49 =	vmin.f32 v60, v61;
	v29 =	vmax.f32 v56, v62;
	v59, _, _ =	vpop (xrf1)  }
0xd9: {  	v22 =	vld [tilespmem:s30+$0x1410];
	v62 =	vmax.f32 v60, v61;
	v41 =	vmax.f32 v59, v45;
	v55 =	vmax.f32 v12, v29  }
0xda: {  	v44 =	vld [tilespmem:s30+$0x1210];
	v12 =	vmin.f32 v12, v29;
	(xrf1) =	vsort.dscd.msk.f32 $0xffff, v62, v62;
	v51 =	vmax.f32 v58, v41  }
0xdb: {  	v46 =	vld [tilespmem:s30+$0x1220];
	v37 =	vmin.f32 v58, v41;
	(xrf1) =	vsort.dscd.msk.f32 $0xffff, v49, v49;
	v63 =	vmax.f32 v55, v51  }
0xdc: {  	v13 =	vmax.f32 v1, v13;
	v1 =	vld [tilespmem:s30+$0x1630];
	v61 =	vmax.f32 v12, v37;
	(xrf1) =	vsort.dscd.msk.f32 $0xffff, v63, v63  }
0xdd: {  	v19 =	vperm.xlane v19, v0;
	v57 =	vld [tilespmem:s30+$0x1820];
	v12 =	vmin.f32 v12, v37;
	(xrf1) =	vsort.dscd.msk.f32 $0xffff, v61, v61  }
0xde: {  	v20 =	vld [tilespmem:s30+$0x1000];
	(xrf1) =	vsort.dscd.msk.f32 $0xffff, v12, v12  }
0xdf: {  	v52 =	vperm.xlane v52, v0;
	v19 =	vmax.f32 v3, v19;
	v54 =	vperm.xlane v54, v0;
	v53 =	vld [tilespmem:s30+$0x1810]  }
0xe0: {  	v18 =	vld [tilespmem:s30+$0x1030];
	v10 =	vmin.f32 v21, v10;
	v11 =	vmin.f32 v14, v11;
	v14 =	vmin.f32 v55, v51  }
0xe1: {  	v16 =	vperm.xlane v16, v0;
	v21 =	vld [tilespmem:s30+$0x2030];
	v12 =	vmax.f32 v10, v11;
	(xrf1) =	vsort.dscd.msk.f32 $0xffff, v14, v14  }
0xe2: {  	v33 =	vperm.xlane v57, v0;
	v57 =	vld [tilespmem:s30+$0x1610];
	v10 =	vmin.f32 v10, v11;
	(xrf1) =	vsort.dscd.msk.f32 $0xffff, v12, v12  }
0xe3: {  	v9 =	vmax.f32 v9, v32;
	v15 =	vperm.xlane v15, v0;
	v60 =	vld [tilespmem:s30+$0x2000];
	(xrf1) =	vsort.dscd.msk.f32 $0xffff, v10, v10  }
0xe4: {  	v4 =	vmax.f32 v4, v27;
	v8 =	vmax.f32 v8, v16;
	v26 =	vmax.f32 v48, v26;
	v62 =	vld [tilespmem:s30+$0x2020]  }
0xe5: {  	v6 =	vmax.f32 v6, v30;
	v17 =	vperm.xlane v17, v0;
	v5 =	vmax.f32 v5, v15;
	v56 =	vld [tilespmem:s30+$0xE30]  }
0xe6: {  	v7 =	vmax.f32 v7, v31;
	v24 =	vmax.f32 v42, v24;
	v22 =	vperm.xlane v22, v0;
	v29 =	vld [tilespmem:s30+$0x1C20]  }
0xe7: {  	v16 =	vmax.f32 v38, v17;
	v17 =	vmax.f32 v40, v28;
	v18 =	vperm.xlane v18, v0;
	v58 =	vld [tilespmem:s30+$0x1620]  }
0xe8: {  	v15 =	vmax.f32 v36, v35;
	v22 =	vmax.f32 v46, v22;
	v20 =	vperm.xlane v20, v0;
	v47 =	vld [tilespmem:s30+$0x1C00];
	v59, _, _ =	vpop (xrf1)  }
0xe9: {  	v18 =	vmax.f32 v50, v18;
	v51 =	vperm.xlane v53, v0;
	v53 =	vld [tilespmem:s30+$0xE10];
	v41 =	vperm.xlane v62, v0;
	v62, _, _ =	vpop (xrf1)  }
0xea: {  	v21 =	vperm.xlane v21, v0;
	v55 =	vld [tilespmem:s30+$0xE20];
	v33 =	vmax.f32 v57, v33;
	v61 =	vmax.f32 v44, v39;
	v49, _, _ =	vpop (xrf1)  }
0xeb: {  	v3 =	vld [tilespmem:s30+$0x1A10];
	v20 =	vmax.f32 v56, v20;
	v29 =	vperm.xlane v29, v0;
	v11 =	vperm.xlane v60, v0;
	v50, _, _ =	vpop (xrf1)  }
0xec: {  	v45 =	vld [tilespmem:s30+$0x1C10];
	v37 =	vmax.f32 v58, v51;
	v51 =	vmax.f32 v1, v52;
	v52 =	vmax.f32 v2, v54;
	v1, _, _ =	vpop (xrf1)  }
0xed: {  	v58 =	vmax.f32 v13, v19;
	v13 =	vmin.f32 v13, v19;
	v1 =	vperm.xlane v1, v0  }
0xee: {  	v63 =	vld [tilespmem:s30+$0x2010];
	v19 =	vmax.f32 v23, v4;
	v4 =	vmin.f32 v23, v4;
	v12 =	vperm.xlane v47, v0  }
0xef: {  	v60 =	vld [tilespmem:s30+$0x1E00];
	v46 =	vmax.f32 v53, v43;
	v25 =	vmax.f32 v55, v25;
	v36 =	vperm.xlane v49, v0;
	v53, _, _ =	vpop (xrf1)  }
0xf0: {  	v29 =	vmax.f32 v3, v29;
	v2 =	vperm.xlane v50, v0;
	v38 =	vperm.xlane v53, v0;
	v54, _, _ =	vpop (xrf1)  }
0xf1: {  	v23 =	vmax.f32 v58, v19;
	v10 =	vperm.xlane v45, v0;
	v27 =	vmax.f32 v59, v1;
	v1, _, _ =	vpop (xrf1)  }
0xf2: {  	v45 =	vld [tilespmem:s30+$0x1600];
	v3 =	vmax.f32 v62, v2;
	v56 =	vmax.f32 v54, v38;
	v57 =	vmax.f32 v1, v36  }
0xf3: {  	v14 =	vperm.xlane v63, v0;
	v63 =	vld [tilespmem:s30+$0x1E10];
	v1 =	vmin.f32 v27, v56;
	v2 =	vmin.f32 v3, v57  }
0xf4: {  	v19 =	vmin.f32 v58, v19;
	v21 =	vmax.f32 v60, v21;
	v59 =	vmin.f32 v1, v2  }
0xf5: {  	v60 =	vmax.f32 v5, v7;
	v5 =	vmin.f32 v5, v7;
	(xrf1) =	vsort.dscd.msk.f32 $0xffff, v59, v59  }
0xf6: {  	v7 =	vmax.f32 v13, v4;
	v4 =	vmin.f32 v13, v4;
	(xrf1) =	vsort.dscd.msk.f32 $0xffff, v23, v23  }
0xf7: {  	v13 =	vmin.f32 v24, v22;
	v34 =	vmax.f32 v45, v34;
	(xrf1) =	vsort.dscd.msk.f32 $0xffff, v19, v19  }
0xf8: {  	v55 =	vmax.f32 v63, v41;
	v19 =	vmax.f32 v6, v8;
	(xrf1) =	vsort.dscd.msk.f32 $0xffff, v7, v7  }
0xf9: {  	v6 =	vmin.f32 v6, v8;
	v7 =	vmax.f32 v60, v19;
	(xrf1) =	vsort.dscd.msk.f32 $0xffff, v4, v4  }
0xfa: {  	v8 =	vmin.f32 v60, v19;
	v4 =	vmax.f32 v9, v16;
	(xrf1) =	vsort.dscd.msk.f32 $0xffff, v7, v7  }
0xfb: {  	v7 =	vmin.f32 v9, v16;
	v9 =	vmax.f32 v5, v6;
	(xrf1) =	vsort.dscd.msk.f32 $0xffff, v8, v8  }
0xfc: {  	v5 =	vmin.f32 v5, v6;
	v8 =	vmax.f32 v15, v17;
	(xrf1) =	vsort.dscd.msk.f32 $0xffff, v9, v9  }
0xfd: {  	v19 =	vmax.f32 v34, v37;
	v9 =	vmax.f32 v4, v8;
	(xrf1) =	vsort.dscd.msk.f32 $0xffff, v5, v5  }
0xfe: {  	v6 =	vmin.f32 v15, v17;
	v4 =	vmin.f32 v4, v8;
	(xrf1) =	vsort.dscd.msk.f32 $0xffff, v9, v9  }
0xff: {  	v8 =	vmax.f32 v7, v6;
	v6 =	vmin.f32 v7, v6;
	(xrf1) =	vsort.dscd.msk.f32 $0xffff, v4, v4  }
0x100: {  	v5 =	vmax.f32 v24, v22;
	v4 =	vmax.f32 v61, v26;
	(xrf1) =	vsort.dscd.msk.f32 $0xffff, v8, v8  }
0x101: {  	v15 =	vmin.f32 v61, v26;
	v7 =	vmax.f32 v5, v4;
	(xrf1) =	vsort.dscd.msk.f32 $0xffff, v6, v6  }
0x102: {  	v4 =	vmin.f32 v5, v4;
	v6 =	vmax.f32 v18, v25;
	(xrf1) =	vsort.dscd.msk.f32 $0xffff, v7, v7  }
0x103: {  	v17 =	vld [tilespmem:s30+$0x1E20];
	v8 =	vmax.f32 v13, v15;
	v7 =	vmax.f32 v46, v20;
	v9, _, _ =	vpop (xrf1);
	(xrf1) =	vsort.dscd.msk.f32 $0xffff, v4, v4  }
0x104: {  	v16 =	vmax.f32 v6, v7;
	v5, _, _ =	vpop (xrf1);
	(xrf1) =	vsort.dscd.msk.f32 $0xffff, v8, v8;
	v8 =	vmin.f32 v46, v20  }
0x105: {  	v4 =	vmin.f32 v18, v25;
	v18 =	vmin.f32 v6, v7;
	v6, _, _ =	vpop (xrf1);
	(xrf1) =	vsort.dscd.msk.f32 $0xffff, v16, v16  }
0x106: {  	v22 =	vmin.f32 v33, v51;
	v16 =	vld [tilespmem:s30+$0x1E30];
	v20 =	vmax.f32 v4, v8;
	v7, _, _ =	vpop (xrf1);
	(xrf1) =	vsort.dscd.msk.f32 $0xffff, v18, v18  }
0x107: {  	v4 =	vmin.f32 v4, v8;
	v18 =	vmax.f32 v33, v51;
	v8, _, _ =	vpop (xrf1);
	(xrf1) =	vsort.dscd.msk.f32 $0xffff, v20, v20  }
0x108: {  	v14 =	vmax.f32 v17, v14;
	[tilespmem:s29+$0x30] =	vst v9;
	v20 =	vmax.f32 v19, v18;
	v61, _, _ =	vpop (xrf1);
	(xrf1) =	vsort.dscd.msk.f32 $0xffff, v4, v4  }
0x109: {  	v9 =	vmin.f32 v34, v37;
	v17 =	vld [tilespmem:s30+$0x1A30];
	v18 =	vmin.f32 v19, v18;
	v19, _, _ =	vpop (xrf1);
	(xrf1) =	vsort.dscd.msk.f32 $0xffff, v20, v20  }
0x10a: {  	v13 =	vmin.f32 v13, v15;
	v4 =	vld [tilespmem:s30+$0x1A20];
	v20 =	vmax.f32 v9, v22;
	v62, _, _ =	vpop (xrf1);
	(xrf1) =	vsort.dscd.msk.f32 $0xffff, v18, v18  }
0x10b: {  	v11 =	vmax.f32 v16, v11;
	v16 =	vmax.f32 v21, v14;
	v14 =	vmin.f32 v21, v14  }
0x10c: {  	v18 =	vmin.f32 v9, v22;
	v63, _, _ =	vpop (xrf1);
	(xrf1) =	vsort.dscd.msk.f32 $0xffff, v20, v20;
	v20 =	vmax.f32 v55, v11  }
0x10d: {  	v21 =	vmin.f32 v55, v11;
	v9, _, _ =	vpop (xrf1);
	v22 =	vmax.f32 v16, v20;
	(xrf1) =	vsort.dscd.msk.f32 $0xffff, v18, v18  }
0x10e: {  	v17 =	vmax.f32 v17, v12;
	v18 =	vmax.f32 v14, v21;
	v11, _, _ =	vpop (xrf1);
	(xrf1) =	vsort.dscd.msk.f32 $0xffff, v22, v22  }
0x10f: {  	v14 =	vmin.f32 v14, v21;
	v4 =	vmax.f32 v4, v10;
	v10, _, _ =	vpop (xrf1);
	(xrf1) =	vsort.dscd.msk.f32 $0xffff, v18, v18  }
0x110: {  	v20 =	vmin.f32 v16, v20;
	v21 =	vmax.f32 v29, v17;
	v12, _, _ =	vpop (xrf1);
	(xrf1) =	vsort.dscd.msk.f32 $0xffff, v14, v14  }
0x111: {  	v18 =	vmax.f32 v52, v4;
	v16, _, _ =	vpop (xrf1);
	(xrf1) =	vsort.dscd.msk.f32 $0xffff, v20, v20;
	v20 =	vmin.f32 v52, v4  }
0x112: {  	v4 =	vmax.f32 v18, v21;
	v14, _, _ =	vpop (xrf1);
	(xrf1) =	vsort.dscd.msk.f32 $0xffff, v13, v13;
	v13 =	vmin.f32 v29, v17  }
0x113: {  	v17 =	vmin.f32 v18, v21;
	v15, _, _ =	vpop (xrf1);
	(xrf1) =	vsort.dscd.msk.f32 $0xffff, v4, v4;
	v21 =	vmax.f32 v20, v13  }
0x114: {  	v3 =	vmax.f32 v3, v57;
	v18, _, _ =	vpop (xrf1);
	(xrf1) =	vsort.dscd.msk.f32 $0xffff, v17, v17  }
0x115: {  	v13 =	vmin.f32 v20, v13;
	v17 =	vmax.f32 v27, v56;
	v4, _, _ =	vpop (xrf1);
	(xrf1) =	vsort.dscd.msk.f32 $0xffff, v21, v21  }
0x116: {  	v21, _, _ =	vpop (xrf1);
	(xrf1) =	vsort.dscd.msk.f32 $0xffff, v13, v13;
	v13 =	vmax.f32 v17, v3  }
0x117: {  	v17 =	vmin.f32 v17, v3;
	v23, _, _ =	vpop (xrf1);
	(xrf1) =	vsort.dscd.msk.f32 $0xffff, v13, v13  }
0x118: {  	v1 =	vmax.f32 v1, v2;
	v3, _, _ =	vpop (xrf1);
	(xrf1) =	vsort.dscd.msk.f32 $0xffff, v17, v17  }
0x119: {  	v20 =	vperm.xlane v63, v0;
	v13 =	vperm.xlane v62, v0;
	v22, _, _ =	vpop (xrf1);
	(xrf1) =	vsort.dscd.msk.f32 $0xffff, v1, v1  }
0x11a: {  	s31 =	simm.s32 $0x400;
	v17 =	vperm.xlane v19, v0;
	v19 =	vperm.xlane v61, v0;
	v2, _, _ =	vpop (xrf1)  }
.LBB2_2:
0x11b: {  	p0 =	sne.s32 s31, $0x600;
	v23 =	vperm.xlane v23, v0;
	v21 =	vperm.xlane v21, v0;
	v24, _, _ =	vpop (xrf1)  }
0x11c: {  	s0 =	sshra.s32 s31, $0x2;
	v25 =	vperm.xlane v4, v0;
	v18 =	vperm.xlane v18, v0;
	v26, _, _ =	vpop (xrf1)  }
0x11d: {  	v27 =	vperm.xlane v2, v0;
	v24 =	vperm.xlane v24, v0;
	v1 =	vld [tilespmem:s0+$0x200];
	v4, _, _ =	vpop (xrf1)  }
0x11e: {  	v22 =	vperm.xlane v22, v0;
	v28 =	vperm.xlane v3, v0;
	v2 =	vld [tilespmem:s0+$0x210];
	v29, _, _ =	vpop (xrf1)  }
0x11f: {  	v30 =	vperm.xlane v4, v0;
	v3 =	vld [tilespmem:s0+$0x220];
	v29 =	vperm.xlane v29, v0;
	v31, _, _ =	vpop (xrf1)  }
0x120: {  	v20 =	vmax.f32 v5, v20;
	v26 =	vperm.xlane v26, v0;
	v4 =	vld [tilespmem:s0+$0x230];
	v31 =	vperm.xlane v31, v0;
	v5, _, _ =	vpop (xrf1)  }
0x121: {  	v13 =	vmax.f32 v6, v13;
	v7 =	vmax.f32 v7, v17;
	v8 =	vmax.f32 v8, v19;
	v32 =	vld [tilespmem:s0+$0x400];
	v6, _, _ =	vpop (xrf1)  }
0x122: {  	v9 =	vmax.f32 v9, v23;
	v11 =	vmax.f32 v11, v21;
	v10 =	vmax.f32 v10, v25;
	v17 =	vld [tilespmem:s0+$0x410];
	v19, _, _ =	vpop (xrf1)  }
0x123: {  	v12 =	vmax.f32 v12, v18;
	v14 =	vmax.f32 v14, v27;
	v16 =	vmax.f32 v16, v24;
	v21 =	vld [tilespmem:s0+$0x420];
	v18, _, _ =	vpop (xrf1)  }
0x124: {  	v15 =	vmax.f32 v15, v22;
	v22 =	vmax.f32 v5, v28;
	v24 =	vmax.f32 v6, v29;
	v23 =	vld [tilespmem:s0+$0x430];
	v6, _, _ =	vpop (xrf1)  }
0x125: {  	v19 =	vmax.f32 v19, v30;
	v18 =	vmax.f32 v18, v31;
	v5 =	vld [tilespmem:s0+$0x600];
	v25 =	vmax.f32 v6, v26;
	v26, _, _ =	vpop (xrf1)  }
0x126: {  	v27 =	vmax.f32 v20, v7;
	v20 =	vmin.f32 v20, v7;
	v28 =	vmax.f32 v13, v8;
	v6 =	vld [tilespmem:s0+$0x610];
	[tilespmem:s29+$0x0] =	vst v26;
	v26, _, _ =	vpop (xrf1)  }
0x127: {  	v13 =	vmin.f32 v13, v8;
	v29 =	vmax.f32 v27, v28;
	v30 =	vmax.f32 v9, v10;
	v7 =	vld [tilespmem:s0+$0x620];
	[tilespmem:s29+$0x10] =	vst v26;
	v26, _, _ =	vpop (xrf1)  }
0x128: {  	v27 =	vmin.f32 v27, v28;
	v10 =	vmin.f32 v9, v10;
	v8 =	vld [tilespmem:s0+$0x630];
	(xrf1) =	vsort.dscd.msk.f32 $0xffff, v29, v29;
	[tilespmem:s29+$0x20] =	vst v26;
	s29 =	smov.u32 s30;
	s30 =	smov.u32 s0  }
0x129: {  	v28 =	vmax.f32 v11, v12;
	v26 =	vmax.f32 v20, v13;
	v9 =	vld [tilespmem:s30+$0xA00];
	(xrf1) =	vsort.dscd.msk.f32 $0xffff, v27, v27  }
0x12a: {  	v11 =	vmin.f32 v11, v12;
	v13 =	vmin.f32 v20, v13;
	v27 =	vld [tilespmem:s30+$0x800];
	(xrf1) =	vsort.dscd.msk.f32 $0xffff, v26, v26  }
0x12b: {  	v12 =	vmax.f32 v30, v28;
	v26 =	vmax.f32 v16, v15;
	v20 =	vld [tilespmem:s30+$0x810];
	(xrf1) =	vsort.dscd.msk.f32 $0xffff, v13, v13  }
0x12c: {  	v13 =	vmin.f32 v30, v28;
	v28 =	vmax.f32 v14, v22;
	v29 =	vld [tilespmem:s30+$0x820];
	(xrf1) =	vsort.dscd.msk.f32 $0xffff, v12, v12  }
0x12d: {  	v31 =	vmax.f32 v24, v18;
	v12 =	vmax.f32 v10, v11;
	v30 =	vld [tilespmem:s30+$0x830];
	(xrf1) =	vsort.dscd.msk.f32 $0xffff, v13, v13  }
0x12e: {  	v10 =	vmin.f32 v10, v11;
	v11 =	vmin.f32 v24, v18;
	v33 =	vld [tilespmem:s30+$0xC00];
	(xrf1) =	vsort.dscd.msk.f32 $0xffff, v12, v12  }
0x12f: {  	v13 =	vmax.f32 v19, v25;
	v12 =	vmax.f32 v26, v28;
	v24 =	vld [tilespmem:s30+$0xC10];
	(xrf1) =	vsort.dscd.msk.f32 $0xffff, v10, v10  }
0x130: {  	v18 =	vmin.f32 v19, v25;
	v19 =	vmax.f32 v31, v13;
	v10 =	vld [tilespmem:s30+$0xC20];
	(xrf1) =	vsort.dscd.msk.f32 $0xffff, v12, v12  }
0x131: {  	v34 =	vmax.f32 v11, v18;
	v25 =	vld [tilespmem:s30+$0xC30];
	(xrf1) =	vsort.dscd.msk.f32 $0xffff, v19, v19  }
0x132: {  	v11 =	vmin.f32 v11, v18;
	v12 =	vperm.xlane v23, v0;
	v35 =	vld [tilespmem:s30+$0x1400];
	(xrf1) =	vsort.dscd.msk.f32 $0xffff, v34, v34  }
0x133: {  	v15 =	vmin.f32 v16, v15;
	v13 =	vmin.f32 v31, v13;
	v36 =	vld [tilespmem:s30+$0x1410];
	(xrf1) =	vsort.dscd.msk.f32 $0xffff, v11, v11  }
0x134: {  	v16 =	vmin.f32 v14, v22;
	v14 =	vmin.f32 v26, v28;
	v11 =	vld [tilespmem:s30+$0x1420];
	(xrf1) =	vsort.dscd.msk.f32 $0xffff, v13, v13  }
0x135: {  	v18 =	vmax.f32 v15, v16;
	v13 =	vperm.xlane v21, v0;
	v23 =	vld [tilespmem:s30+$0x1430];
	(xrf1) =	vsort.dscd.msk.f32 $0xffff, v14, v14  }
0x136: {  	v14 =	vperm.xlane v17, v0;
	v17 =	vmin.f32 v15, v16;
	v37 =	vld [tilespmem:s30+$0x1000];
	v38, _, _ =	vpop (xrf1);
	(xrf1) =	vsort.dscd.msk.f32 $0xffff, v18, v18  }
0x137: {  	v15 =	vperm.xlane v32, v0;
	v16 =	vperm.xlane v30, v0;
	v39 =	vld [tilespmem:s30+$0x1010];
	v40, _, _ =	vpop (xrf1);
	(xrf1) =	vsort.dscd.msk.f32 $0xffff, v17, v17  }
0x138: {  	v18 =	vperm.xlane v29, v0;
	v17 =	vperm.xlane v20, v0;
	v26 =	vld [tilespmem:s30+$0x1030];
	v41, _, _ =	vpop (xrf1)  }
0x139: {  	v19 =	vperm.xlane v27, v0;
	v20 =	vperm.xlane v25, v0;
	v30 =	vld [tilespmem:s30+$0x1020];
	v42, _, _ =	vpop (xrf1)  }
0x13a: {  	v22 =	vperm.xlane v24, v0;
	v21 =	vperm.xlane v10, v0;
	v43 =	vld [tilespmem:s30+$0x1830];
	v10, _, _ =	vpop (xrf1)  }
0x13b: {  	v25 =	vperm.xlane v33, v0;
	v23 =	vperm.xlane v23, v0;
	v29 =	vld [tilespmem:s30+$0xA10];
	v44, _, _ =	vpop (xrf1)  }
0x13c: {  	v28 =	vperm.xlane v36, v0;
	v27 =	vperm.xlane v11, v0;
	v34 =	vld [tilespmem:s30+$0xA20];
	v11, _, _ =	vpop (xrf1)  }
0x13d: {  	v24 =	vperm.xlane v35, v0;
	v36 =	vld [tilespmem:s30+$0xA30];
	v26 =	vperm.xlane v26, v0;
	v35, _, _ =	vpop (xrf1)  }
0x13e: {  	v45 =	vld [tilespmem:s30+$0x1200];
	v31 =	vperm.xlane v30, v0;
	v30 =	vperm.xlane v39, v0;
	v39, _, _ =	vpop (xrf1)  }
0x13f: {  	v32 =	vperm.xlane v37, v0;
	v46 =	vld [tilespmem:s30+$0x1210];
	v33 =	vperm.xlane v43, v0;
	v37, _, _ =	vpop (xrf1)  }
0x140: {  	v11 =	vperm.xlane v11, v0;
	v35 =	vperm.xlane v35, v0;
	v43 =	vld [tilespmem:s30+$0x1220];
	v47, _, _ =	vpop (xrf1)  }
0x141: {  	v10 =	vperm.xlane v10, v0;
	v44 =	vperm.xlane v44, v0;
	v48 =	vld [tilespmem:s30+$0x1230];
	v49, _, _ =	vpop (xrf1)  }
0x142: {  	v47 =	vperm.xlane v47, v0;
	v50 =	vld [tilespmem:s30+$0xE00];
	v49 =	vperm.xlane v49, v0;
	v51, _, _ =	vpop (xrf1)  }
0x143: {  	v35 =	vmax.f32 v38, v35;
	v37 =	vperm.xlane v37, v0;
	v52 =	vld [tilespmem:s30+$0x1800];
	v38 =	vperm.xlane v51, v0;
	v51, _, _ =	vpop (xrf1)  }
0x144: {  	v10 =	vmax.f32 v42, v10;
	v11 =	vmax.f32 v40, v11;
	v40 =	vmax.f32 v41, v44;
	v53 =	vld [tilespmem:s30+$0x1810];
	v41, _, _ =	vpop (xrf1)  }
0x145: {  	v39 =	vmax.f32 v39, v49;
	v44 =	vmax.f32 v51, v47;
	v42 =	vld [tilespmem:s30+$0x1820];
	v38 =	vmax.f32 v41, v38;
	v41, _, _ =	vpop (xrf1)  }
0x146: {  	v49 =	vmax.f32 v35, v40;
	v51 =	vmax.f32 v11, v10;
	v47 =	vld [tilespmem:s30+$0x1C00];
	v37 =	vmax.f32 v41, v37  }
0x147: {  	v54 =	vmax.f32 v49, v51;
	v55 =	vmax.f32 v39, v38;
	v38 =	vmin.f32 v39, v38;
	v41 =	vld [tilespmem:s30+$0x1C10]  }
0x148: {  	v49 =	vmin.f32 v49, v51;
	v51 =	vmax.f32 v44, v37;
	v39 =	vld [tilespmem:s30+$0x1C20];
	(xrf1) =	vsort.dscd.msk.f32 $0xffff, v54, v54  }
0x149: {  	v37 =	vmin.f32 v44, v37;
	v44 =	vmax.f32 v55, v51;
	v54 =	vld [tilespmem:s30+$0x1C30];
	(xrf1) =	vsort.dscd.msk.f32 $0xffff, v49, v49  }
0x14a: {  	v56 =	vmax.f32 v38, v37;
	v49 =	vld [tilespmem:s30+$0x2000];
	v42 =	vperm.xlane v42, v0;
	(xrf1) =	vsort.dscd.msk.f32 $0xffff, v44, v44  }
0x14b: {  	v35 =	vmin.f32 v35, v40;
	v37 =	vmin.f32 v38, v37;
	v44 =	vld [tilespmem:s30+$0x2020];
	(xrf1) =	vsort.dscd.msk.f32 $0xffff, v56, v56  }
0x14c: {  	v10 =	vmin.f32 v11, v10;
	v11 =	vmin.f32 v55, v51;
	v38 =	vld [tilespmem:s30+$0x2030];
	(xrf1) =	vsort.dscd.msk.f32 $0xffff, v37, v37  }
0x14d: {  	v51 =	vmax.f32 v35, v10;
	v40 =	vperm.xlane v53, v0;
	v37 =	vld [tilespmem:s30+$0x2010];
	(xrf1) =	vsort.dscd.msk.f32 $0xffff, v11, v11  }
0x14e: {  	v52 =	vperm.xlane v52, v0;
	v10 =	vmin.f32 v35, v10;
	v53 =	vld [tilespmem:s30+$0xE10];
	(xrf1) =	vsort.dscd.msk.f32 $0xffff, v51, v51  }
0x14f: {  	v39 =	vperm.xlane v39, v0;
	v51 =	vperm.xlane v54, v0;
	v35 =	vld [tilespmem:s30+$0xE20];
	(xrf1) =	vsort.dscd.msk.f32 $0xffff, v10, v10  }
0x150: {  	v11 =	vperm.xlane v41, v0;
	v10 =	vperm.xlane v47, v0;
	v54 =	vld [tilespmem:s30+$0xE30]  }
0x151: {  	v44 =	vperm.xlane v44, v0;
	v41 =	vld [tilespmem:s30+$0x1600];
	v38 =	vperm.xlane v38, v0  }
0x152: {  	v49 =	vperm.xlane v49, v0;
	v47 =	vld [tilespmem:s30+$0x1610];
	v37 =	vperm.xlane v37, v0  }
0x153: {  	v12 =	vmax.f32 v1, v12;
	v57 =	vmax.f32 v3, v14;
	v56 =	vmax.f32 v2, v13;
	v55 =	vld [tilespmem:s30+$0x1620]  }
0x154: {  	v58 =	vmax.f32 v4, v15;
	v5 =	vmax.f32 v5, v16;
	v6 =	vmax.f32 v6, v18;
	v1 =	vld [tilespmem:s30+$0x1630]  }
0x155: {  	v8 =	vmax.f32 v8, v19;
	v7 =	vmax.f32 v7, v17;
	v9 =	vmax.f32 v9, v20;
	v2 =	vld [tilespmem:s30+$0x1A00]  }
0x156: {  	v16 =	vmax.f32 v29, v21;
	v18 =	vmax.f32 v34, v22;
	v19 =	vmax.f32 v36, v25;
	v3 =	vld [tilespmem:s30+$0x1A10];
	v4, _, _ =	vpop (xrf1)  }
0x157: {  	v20 =	vmax.f32 v45, v23;
	v21 =	vmax.f32 v46, v27;
	v22 =	vmax.f32 v43, v28;
	v13 =	vld [tilespmem:s30+$0x1E00];
	v17, _, _ =	vpop (xrf1)  }
0x158: {  	v24 =	vmax.f32 v48, v24;
	v25 =	vmax.f32 v50, v26;
	v26 =	vmax.f32 v53, v31;
	v23 =	vld [tilespmem:s30+$0x1E10];
	v27, _, _ =	vpop (xrf1)  }
0x159: {  	v28 =	vmax.f32 v35, v30;
	v29 =	vmax.f32 v54, v32;
	v30 =	vmax.f32 v41, v33;
	v15, _, _ =	vpop (xrf1)  }
0x15a: {  	v32 =	vmax.f32 v47, v42;
	v33 =	vmax.f32 v55, v40;
	v34 =	vmax.f32 v1, v52;
	v31 =	vld [tilespmem:s30+$0x1E20];
	v1, _, _ =	vpop (xrf1)  }
0x15b: {  	v14 =	vmax.f32 v2, v51;
	v2 =	vperm.xlane v15, v0;
	v35 =	vld [tilespmem:s30+$0x1E30];
	v40 =	vperm.xlane v1, v0;
	v36, _, _ =	vpop (xrf1)  }
0x15c: {  	v27 =	vperm.xlane v27, v0;
	v15 =	vmax.f32 v3, v39;
	v36 =	vperm.xlane v36, v0;
	v39, _, _ =	vpop (xrf1)  }
0x15d: {  	v38 =	vmax.f32 v13, v38;
	v23 =	vmax.f32 v23, v44;
	v4 =	vmax.f32 v4, v40;
	v1, _, _ =	vpop (xrf1)  }
0x15e: {  	v3 =	vmax.f32 v17, v2;
	v17 =	vmax.f32 v39, v36;
	v13 =	vmax.f32 v1, v27  }
0x15f: {  	v27 =	vmax.f32 v31, v37;
	v1 =	vmin.f32 v4, v17;
	v2 =	vmin.f32 v3, v13  }
0x160: {  	v31 =	vmax.f32 v12, v57;
	v35 =	vmax.f32 v35, v49;
	v36 =	vmin.f32 v1, v2  }
0x161: {  	v12 =	vmin.f32 v12, v57;
	v37 =	vmax.f32 v56, v58;
	(xrf1) =	vsort.dscd.msk.f32 $0xffff, v36, v36  }
0x162: {  	v40 =	vmax.f32 v5, v7;
	v39 =	vmax.f32 v31, v37;
	v36 =	vmin.f32 v56, v58  }
0x163: {  	v5 =	vmin.f32 v5, v7;
	v31 =	vmin.f32 v31, v37;
	(xrf1) =	vsort.dscd.msk.f32 $0xffff, v39, v39  }
0x164: {  	v37 =	vmax.f32 v6, v8;
	v7 =	vmax.f32 v12, v36;
	(xrf1) =	vsort.dscd.msk.f32 $0xffff, v31, v31  }
0x165: {  	v6 =	vmin.f32 v6, v8;
	v12 =	vmin.f32 v12, v36;
	(xrf1) =	vsort.dscd.msk.f32 $0xffff, v7, v7  }
0x166: {  	v8 =	vmax.f32 v9, v18;
	v7 =	vmax.f32 v40, v37;
	(xrf1) =	vsort.dscd.msk.f32 $0xffff, v12, v12  }
0x167: {  	v9 =	vmin.f32 v9, v18;
	v12 =	vmin.f32 v40, v37;
	(xrf1) =	vsort.dscd.msk.f32 $0xffff, v7, v7  }
0x168: {  	v18 =	vmax.f32 v16, v19;
	v7 =	vmax.f32 v5, v6;
	(xrf1) =	vsort.dscd.msk.f32 $0xffff, v12, v12  }
0x169: {  	v5 =	vmin.f32 v5, v6;
	v6 =	vmin.f32 v16, v19;
	(xrf1) =	vsort.dscd.msk.f32 $0xffff, v7, v7  }
0x16a: {  	v12 =	vmax.f32 v20, v22;
	v7 =	vmax.f32 v8, v18;
	(xrf1) =	vsort.dscd.msk.f32 $0xffff, v5, v5  }
0x16b: {  	v16 =	vmin.f32 v20, v22;
	v5 =	vmin.f32 v8, v18;
	(xrf1) =	vsort.dscd.msk.f32 $0xffff, v7, v7  }
0x16c: {  	v8 =	vmax.f32 v21, v24;
	v7 =	vmax.f32 v9, v6;
	(xrf1) =	vsort.dscd.msk.f32 $0xffff, v5, v5  }
0x16d: {  	v18 =	vmin.f32 v21, v24;
	v5 =	vmin.f32 v9, v6;
	(xrf1) =	vsort.dscd.msk.f32 $0xffff, v7, v7  }
0x16e: {  	v19 =	vmax.f32 v12, v8;
	v6 =	vmax.f32 v25, v28;
	(xrf1) =	vsort.dscd.msk.f32 $0xffff, v5, v5  }
0x16f: {  	v20 =	vmin.f32 v12, v8;
	v9 =	vmin.f32 v25, v28;
	(xrf1) =	vsort.dscd.msk.f32 $0xffff, v19, v19;
	v7, _, _ =	vpop (xrf1)  }
0x170: {  	v8 =	vmax.f32 v26, v29;
	v12 =	vmax.f32 v16, v18;
	(xrf1) =	vsort.dscd.msk.f32 $0xffff, v20, v20;
	[tilespmem:s29+$0x30] =	vst v7  }
0x171: {  	v22 =	vmax.f32 v6, v8;
	v19 =	vmin.f32 v26, v29;
	v5, _, _ =	vpop (xrf1);
	(xrf1) =	vsort.dscd.msk.f32 $0xffff, v12, v12  }
0x172: {  	v24 =	vmin.f32 v6, v8;
	v12 =	vmax.f32 v30, v33;
	v6, _, _ =	vpop (xrf1);
	(xrf1) =	vsort.dscd.msk.f32 $0xffff, v22, v22  }
0x173: {  	v21 =	vmin.f32 v30, v33;
	v20 =	vmax.f32 v9, v19;
	v7, _, _ =	vpop (xrf1);
	(xrf1) =	vsort.dscd.msk.f32 $0xffff, v24, v24  }
0x174: {  	v28 =	vmax.f32 v32, v34;
	v9 =	vmin.f32 v9, v19;
	v8, _, _ =	vpop (xrf1);
	(xrf1) =	vsort.dscd.msk.f32 $0xffff, v20, v20  }
0x175: {  	v22 =	vmin.f32 v32, v34;
	v24 =	vmax.f32 v12, v28;
	v20 =	vld [tilespmem:s30+$0x1A20];
	v25, _, _ =	vpop (xrf1);
	(xrf1) =	vsort.dscd.msk.f32 $0xffff, v9, v9  }
0x176: {  	v9 =	vmin.f32 v12, v28;
	v12 =	vmax.f32 v38, v27;
	v26 =	vld [tilespmem:s30+$0x1A30];
	v19, _, _ =	vpop (xrf1);
	(xrf1) =	vsort.dscd.msk.f32 $0xffff, v24, v24  }
0x177: {  	v27 =	vmin.f32 v38, v27;
	v24 =	vmax.f32 v21, v22;
	v28, _, _ =	vpop (xrf1);
	(xrf1) =	vsort.dscd.msk.f32 $0xffff, v9, v9  }
0x178: {  	v21 =	vmin.f32 v21, v22;
	v22 =	vmax.f32 v23, v35;
	v29, _, _ =	vpop (xrf1);
	(xrf1) =	vsort.dscd.msk.f32 $0xffff, v24, v24  }
0x179: {  	v23 =	vmin.f32 v23, v35;
	v24 =	vmax.f32 v12, v22;
	v9, _, _ =	vpop (xrf1);
	(xrf1) =	vsort.dscd.msk.f32 $0xffff, v21, v21  }
0x17a: {  	v21 =	vmax.f32 v27, v23;
	v20 =	vmax.f32 v20, v11;
	v11, _, _ =	vpop (xrf1);
	(xrf1) =	vsort.dscd.msk.f32 $0xffff, v24, v24  }
0x17b: {  	v23 =	vmin.f32 v27, v23;
	v24 =	vmax.f32 v26, v10;
	v10, _, _ =	vpop (xrf1);
	(xrf1) =	vsort.dscd.msk.f32 $0xffff, v21, v21  }
0x17c: {  	v22 =	vmin.f32 v12, v22;
	v21 =	vmax.f32 v14, v20;
	v12, _, _ =	vpop (xrf1);
	(xrf1) =	vsort.dscd.msk.f32 $0xffff, v23, v23  }
0x17d: {  	v18 =	vmin.f32 v16, v18;
	v23 =	vmax.f32 v15, v24;
	v16, _, _ =	vpop (xrf1);
	(xrf1) =	vsort.dscd.msk.f32 $0xffff, v22, v22  }
0x17e: {  	v20 =	vmin.f32 v14, v20;
	v22 =	vmax.f32 v21, v23;
	v14, _, _ =	vpop (xrf1);
	(xrf1) =	vsort.dscd.msk.f32 $0xffff, v18, v18  }
0x17f: {  	v24 =	vmin.f32 v15, v24;
	v21 =	vmin.f32 v21, v23;
	v15, _, _ =	vpop (xrf1);
	(xrf1) =	vsort.dscd.msk.f32 $0xffff, v22, v22  }
0x180: {  	v17 =	vmax.f32 v4, v17;
	v22 =	vmax.f32 v20, v24;
	v18, _, _ =	vpop (xrf1);
	(xrf1) =	vsort.dscd.msk.f32 $0xffff, v21, v21  }
0x181: {  	v3 =	vmax.f32 v3, v13;
	v20 =	vmin.f32 v20, v24;
	v4, _, _ =	vpop (xrf1);
	(xrf1) =	vsort.dscd.msk.f32 $0xffff, v22, v22  }
.Ltmp0:
0x182: {  	v13 =	vmax.f32 v17, v3;
	v17 =	vmin.f32 v17, v3;
	v21, _, _ =	vpop (xrf1);
	(xrf1) =	vsort.dscd.msk.f32 $0xffff, v20, v20;
	(pc) =	sbr.rel @p0 .LBB2_2-.Ltmp0, $4  }
0x183: {  	v1 =	vmax.f32 v1, v2;
	v23, _, _ =	vpop (xrf1);
	(xrf1) =	vsort.dscd.msk.f32 $0xffff, v13, v13  }
0x184: {  	v3, _, _ =	vpop (xrf1);
	(xrf1) =	vsort.dscd.msk.f32 $0xffff, v17, v17  }
0x185: {  	v20 =	vperm.xlane v29, v0;
	v13 =	vperm.xlane v28, v0;
	v22, _, _ =	vpop (xrf1);
	(xrf1) =	vsort.dscd.msk.f32 $0xffff, v1, v1  }
0x186: {  	s31 =	sadd.s32 $0x200, s31;
	v17 =	vperm.xlane v19, v0;
	v19 =	vperm.xlane v25, v0;
	v2, _, _ =	vpop (xrf1)  }
0x187: {  	v1 =	vperm.xlane v23, v0  }
0x188: {  	v21 =	vperm.xlane v21, v0;
	v4 =	vperm.xlane v4, v0  }
0x189: {  	v18 =	vperm.xlane v18, v0;
	v2 =	vperm.xlane v2, v0  }
0x18a: {  	v45, _, _ =	vpop (xrf1);
	v22 =	vperm.xlane v22, v0;
	v3 =	vperm.xlane v3, v0  }
0x18b: {  	v5 =	vmax.f32 v5, v20;
	v6 =	vmax.f32 v6, v13;
	v24, _, _ =	vpop (xrf1);
	v23 =	vperm.xlane v45, v0  }
0x18c: {  	v7 =	vmax.f32 v7, v17;
	v8 =	vmax.f32 v8, v19;
	v24 =	vperm.xlane v24, v0  }
0x18d: {  	v25, _, _ =	vpop (xrf1);
	v1 =	vmax.f32 v9, v1;
	v49 =	vmax.f32 v11, v21;
	v4 =	vmax.f32 v10, v4  }
0x18e: {  	v51 =	vmax.f32 v12, v18;
	v2 =	vmax.f32 v14, v2;
	v15 =	vmax.f32 v15, v22;
	v26, _, _ =	vpop (xrf1)  }
0x18f: {  	v17 =	vmax.f32 v5, v7;
	v5 =	vmin.f32 v5, v7;
	v55 =	vmax.f32 v6, v8;
	v27, _, _ =	vpop (xrf1)  }
0x190: {  	v6 =	vmin.f32 v6, v8;
	v25 =	vperm.xlane v25, v0;
	v52 =	vmax.f32 v16, v23;
	v47, _, _ =	vpop (xrf1)  }
0x191: {  	v56 =	vmax.f32 v17, v55;
	v57 =	vmax.f32 v1, v4;
	v7 =	vmin.f32 v17, v55;
	v48, _, _ =	vpop (xrf1)  }
0x192: {  	v1 =	vmin.f32 v1, v4;
	v58 =	vmax.f32 v5, v6;
	v59 =	vmax.f32 v49, v51;
	v50, _, _ =	vpop (xrf1)  }
0x193: {  	v5 =	vmin.f32 v5, v6;
	v60 =	vmin.f32 v49, v51;
	v26 =	vperm.xlane v26, v0;
	v53, _, _ =	vpop (xrf1)  }
0x194: {  	v61 =	vmax.f32 v57, v59;
	v62 =	vmax.f32 v52, v15;
	v54, _, _ =	vpop (xrf1);
	(xrf1) =	vsort.dscd.msk.f32 $0xffff, v56, v56  }
0x195: {  	v63 =	vmin.f32 v57, v59;
	v18 =	vmax.f32 v1, v60;
	(xrf1) =	vsort.dscd.msk.f32 $0xffff, v7, v7  }
0x196: {  	v1 =	vmin.f32 v1, v60;
	v46 =	vperm.xlane v27, v0;
	(xrf1) =	vsort.dscd.msk.f32 $0xffff, v58, v58  }
0x197: {  	v3 =	vmax.f32 v47, v3;
	v13 =	vmax.f32 v48, v26;
	(xrf1) =	vsort.dscd.msk.f32 $0xffff, v5, v5  }
0x198: {  	v17 =	vmax.f32 v2, v3;
	v10 =	vmax.f32 v50, v25;
	(xrf1) =	vsort.dscd.msk.f32 $0xffff, v61, v61  }
0x199: {  	v21 =	vmax.f32 v62, v17;
	v14 =	vmax.f32 v53, v46;
	(xrf1) =	vsort.dscd.msk.f32 $0xffff, v63, v63  }
0x19a: {  	v16 =	vmax.f32 v54, v24;
	v19 =	vmax.f32 v13, v14;
	(xrf1) =	vsort.dscd.msk.f32 $0xffff, v18, v18  }
0x19b: {  	v20 =	vmin.f32 v13, v14;
	v22 =	vmax.f32 v10, v16;
	(xrf1) =	vsort.dscd.msk.f32 $0xffff, v1, v1  }
0x19c: {  	v23 =	vmax.f32 v19, v22;
	v1 =	vmin.f32 v10, v16;
	(xrf1) =	vsort.dscd.msk.f32 $0xffff, v21, v21  }
0x19d: {  	v24 =	vmax.f32 v20, v1;
	v1 =	vmin.f32 v20, v1;
	(xrf1) =	vsort.dscd.msk.f32 $0xffff, v23, v23  }
0x19e: {  	v2 =	vmin.f32 v2, v3;
	(xrf1) =	vsort.dscd.msk.f32 $0xffff, v24, v24  }
0x19f: {  	v3 =	vmin.f32 v62, v17;
	v25, _, _ =	vpop (xrf1);
	v6 =	vmin.f32 v19, v22;
	(xrf1) =	vsort.dscd.msk.f32 $0xffff, v1, v1  }
0x1a0: {  	v26 =	vmin.f32 v52, v15;
	v1, _, _ =	vpop (xrf1);
	(xrf1) =	vsort.dscd.msk.f32 $0xffff, v6, v6  }
0x1a1: {  	v28 =	vmax.f32 v26, v2;
	v2 =	vmin.f32 v26, v2;
	v27, _, _ =	vpop (xrf1);
	(xrf1) =	vsort.dscd.msk.f32 $0xffff, v3, v3  }
0x1a2: {  	v3, _, _ =	vpop (xrf1);
	(xrf1) =	vsort.dscd.msk.f32 $0xffff, v28, v28  }
0x1a3: {  	v29, _, _ =	vpop (xrf1);
	(xrf1) =	vsort.dscd.msk.f32 $0xffff, v2, v2  }
0x1a4: {  	v2, _, _ =	vpop (xrf1)  }
0x1a5: {  	v30, _, _ =	vpop (xrf1)  }
0x1a6: {  	v31, _, _ =	vpop (xrf1)  }
0x1a7: {  	v32, _, _ =	vpop (xrf1)  }
0x1a8: {  	v33, _, _ =	vpop (xrf1)  }
0x1a9: {  	v34, _, _ =	vpop (xrf1)  }
0x1aa: {  	v35, _, _ =	vpop (xrf1)  }
0x1ab: {  	v8 =	vperm.xlane v31, v0;
	v9 =	vperm.xlane v32, v0;
	v36, _, _ =	vpop (xrf1)  }
0x1ac: {  	v10 =	vperm.xlane v33, v0;
	v11 =	vperm.xlane v34, v0;
	v37, _, _ =	vpop (xrf1)  }
0x1ad: {  	v7 =	vmax.f32 v30, v8;
	v2 =	vmax.f32 v2, v9;
	v38, _, _ =	vpop (xrf1)  }
0x1ae: {  	v5 =	vmax.f32 v29, v10;
	v3 =	vmax.f32 v3, v11;
	v13 =	vperm.xlane v36, v0;
	v39, _, _ =	vpop (xrf1)  }
0x1af: {  	v47 =	vmax.f32 v5, v7;
	v46 =	vmax.f32 v3, v2;
	v15 =	vperm.xlane v38, v0;
	v41, _, _ =	vpop (xrf1)  }
0x1b0: {  	v14 =	vperm.xlane v37, v0;
	v48 =	vmax.f32 v46, v47;
	v40 =	vperm.xlane v39, v0;
	v42, _, _ =	vpop (xrf1)  }
0x1b1: {  	v49 =	vmin.f32 v46, v47;
	(xrf1) =	vsort.dscd.msk.f32 $0xffff, v48, v48;
	v43 =	vmax.f32 v35, v15;
	v45, _, _ =	vpop (xrf1)  }
0x1b2: {  	v44 =	vmax.f32 v41, v14;
	v8 =	vmax.f32 v42, v40;
	v11 =	vmax.f32 v45, v13  }
0x1b3: {  	(xrf1) =	vsort.dscd.msk.f32 $0xffff, v49, v49;
	v15 =	vmax.f32 v43, v8;
	v50 =	vmax.f32 v44, v11  }
0x1b4: {  	v8 =	vmin.f32 v43, v8;
	v10 =	vmin.f32 v44, v11;
	v51 =	vmax.f32 v15, v50  }
0x1b5: {  	v52 =	vmax.f32 v8, v10;
	(xrf1) =	vsort.dscd.msk.f32 $0xffff, v51, v51  }
0x1b6: {  	v2 =	vmin.f32 v3, v2;
	v3 =	vmin.f32 v8, v10;
	(xrf1) =	vsort.dscd.msk.f32 $0xffff, v52, v52  }
0x1b7: {  	v5 =	vmin.f32 v5, v7;
	v53 =	vmin.f32 v15, v50;
	(xrf1) =	vsort.dscd.msk.f32 $0xffff, v3, v3  }
0x1b8: {  	v3 =	vmax.f32 v2, v5;
	(xrf1) =	vsort.dscd.msk.f32 $0xffff, v53, v53  }
0x1b9: {  	v2 =	vmin.f32 v2, v5;
	(xrf1) =	vsort.dscd.msk.f32 $0xffff, v3, v3  }
0x1ba: {  	(xrf1) =	vsort.dscd.msk.f32 $0xffff, v2, v2;
	_ =	sdelay $0x6  }
0x1bb: {  	v2, _, _ =	vpop (xrf1)  }
0x1bc: {  	v3, _, _ =	vpop (xrf1)  }
0x1bd: {  	v54, _, _ =	vpop (xrf1)  }
0x1be: {  	v55, _, _ =	vpop (xrf1)  }
0x1bf: {  	v56, _, _ =	vpop (xrf1)  }
0x1c0: {  	v5 =	vperm.xlane v54, v0;
	v7 =	vperm.xlane v55, v0;
	v57, _, _ =	vpop (xrf1)  }
0x1c1: {  	v8 =	vperm.xlane v56, v0;
	v9 =	vperm.xlane v57, v0;
	v58, _, _ =	vpop (xrf1)  }
0x1c2: {  	v3 =	vmax.f32 v3, v7;
	v59, _, _ =	vpop (xrf1)  }
0x1c3: {  	v2 =	vmax.f32 v2, v8;
	v60 =	vmax.f32 v58, v9;
	v5 =	vmax.f32 v59, v5  }
0x1c4: {  	v61 =	vmin.f32 v2, v60;
	v62 =	vmin.f32 v3, v5  }
0x1c5: {  	v2 =	vmax.f32 v2, v60;
	v3 =	vmax.f32 v3, v5;
	v63 =	vmin.f32 v61, v62  }
0x1c6: {  	v5 =	vmax.f32 v2, v3;
	(xrf1) =	vsort.dscd.msk.f32 $0xffff, v63, v63  }
0x1c7: {  	v2 =	vmin.f32 v2, v3;
	(xrf1) =	vsort.dscd.msk.f32 $0xffff, v5, v5  }
0x1c8: {  	v3 =	vmax.f32 v61, v62;
	(xrf1) =	vsort.dscd.msk.f32 $0xffff, v2, v2  }
0x1c9: {  	(xrf1) =	vsort.dscd.msk.f32 $0xffff, v3, v3;
	_ =	sdelay $0x8  }
0x1ca: {  	[tilespmem:s29+$0x0] =	vst v25  }
0x1cb: {  	[tilespmem:s29+$0x10] =	vst v1  }
0x1cc: {  	[tilespmem:s29+$0x20] =	vst v27;
	v1, _, _ =	vpop (xrf1)  }
0x1cd: {  	[tilespmem:s30+$0x30] =	vst v1;
	v1, _, _ =	vpop (xrf1)  }
0x1ce: {  	s28 =	sadd.s32 $0x1, s28;
	[tilespmem:s30+$0x0] =	vst v1;
	v1, _, _ =	vpop (xrf1)  }
0x1cf: {  	p0 =	sne.s32 s28, s20;
	[tilespmem:s30+$0x10] =	vst v1;
	v1, _, _ =	vpop (xrf1)  }
.Ltmp1:
0x1d0: {  	[tilespmem:s30+$0x20] =	vst v1;
	(pc) =	sbr.rel @p0 .LBB2_1-.Ltmp1, $4  }
0x1d1: {  	[hbm4b:s19+s2] =	stream.linear.scatter [tilespmem:s2], [sflag:$0x1], $0x200, $0x38;
	[tilespmem:$0x2200] =	vst v63  }
0x1d2: {  	_ =	swait.ge [sflag:s22], $0x200  }
0x1d3: {  	[sflag:s22] =	ssyncset.done $0x0  }
0x1d4: {  	[sflag:s22] =	ssyncadd.s32 $0xFFFFFE00  }
0x1d5: {  	_ =	sfence.sel $0x180000  }
0x1d6: {  	[bflag:$0x0] =	sbarrier.arrive $0xFFFF  }
0x1d7: {  	_ =	strace $0x9000004A  }
0x1d8: {  	s0 =	stileid.u32;
	[bflag:$0x2] =	sbarrier.arrive $0xFFFF  }
0x1d9: {  	p0 =	sne.s32 s0, $0x0;
	s0 =	rddreg [dreg:$0x1]  }
0x1da: {  	s0 =	sadd.s32 @!p0 $0x100000, s0  }
0x1db: {  	[sflag:s0] =	ssyncadd.tile.s32 @!p0 $0x1;
	_ =	shalt  }
.Lfunc_end2:
_tile_overlayer_lowered:
.L_overlay_start_2:
0x1dc: {  	(tag) =	ssettag $0x2  }
0x1dd: {  	s0 =	rddreg [dreg:$0x0];
	s2 =	stileid.u32  }
0x1de: {  	s1 =	rddreg [dreg:$0x1];
	p0 =	sne.s32 s2, $0x0  }
0x1df: {  	s3 =	rddreg [dreg:$0x2];
	[bflag:$0x3] =	sbarrier.arrive $0xFFFF;
	s2 =	simm.s32 @!p0 $0x1C01  }
0x1e0: {  	[timem:s3], [sflag:s2] =	dma.local @!p0 [hbm:s0], s1  }
0x1e1: {  	s0 =	simm.s32 @!p0 $0x1  }
0x1e2: {  	_ =	swait.ge @!p0 [sflag:s0], s1  }
0x1e3: {  	s1 =	ssub.s32 @!p0 $0x0, s1;
	[sflag:s0] =	ssyncset.done @!p0 $0x0  }
0x1e4: {  	[sflag:s0] =	ssyncadd.s32 @!p0 s1  }
0x1e5: {  	[bflag:$0x3] =	sbarrier.arrive $0xFFFF  }
0x1e6: {  	_ =	shalt  }

</sc_bundles>
